<compile_context>
chip_gen: v7x
topology: tpu7x:2x2x1
jax: 0.10.2.dev20260603
libtpu: 0.0.44.dev20260713+nightly
codegen_flags: <defaults>
</compile_context>

<pallas_src>
import jax
import jax.numpy as jnp
from jax import lax
from jax.experimental import pallas as pl
from jax.experimental.pallas import tpu as pltpu
from jax.experimental.pallas import tpu_sc as plsc

BATCH = 16384
D = 32
NC = 2
NS = 16
NW = NC * NS
BPW = BATCH // NW
L = 16
CHUNK = 128
NCHUNK = BPW // CHUNK


def _mf_body(user_hbm, item_hbm, mu_hbm, ub_hbm, ib_hbm, ufac_hbm, ifac_hbm,
             out_hbm, uidx, iidx, umac, imac, uf, itf, ub, ib, outv, muv,
             sem0, sem1):
    wid = lax.axis_index("s") * NC + lax.axis_index("c")
    base_row = wid * NCHUNK
    sems = (sem0, sem1)

    pltpu.sync_copy(user_hbm.at[pl.ds(base_row, NCHUNK)], uidx)
    pltpu.sync_copy(item_hbm.at[pl.ds(base_row, NCHUNK)], iidx)
    pltpu.sync_copy(mu_hbm, muv)

    for j in range(NCHUNK):
        for g in range(CHUNK // L):
            s = pl.ds(g * L, L)
            umac[j, s] = jnp.bitwise_and(uidx[j, s], (1 << USHIFT) - 1)
            imac[j, s] = jnp.bitwise_and(iidx[j, s], (1 << ISHIFT) - 1)

    def start(j):
        slot = j % 2
        cu = pltpu.async_copy(ufac_hbm.at[umac.at[j]],
                              uf.at[pl.ds(slot * CHUNK, CHUNK)], sems[slot])
        ci = pltpu.async_copy(ifac_hbm.at[imac.at[j]],
                              itf.at[pl.ds(slot * CHUNK, CHUNK)], sems[slot])
        cb = pltpu.async_copy(ub_hbm.at[uidx.at[j]],
                              ub.at[pl.ds(j * CHUNK, CHUNK)], sems[slot])
        db = pltpu.async_copy(ib_hbm.at[iidx.at[j]],
                              ib.at[pl.ds(j * CHUNK, CHUNK)], sems[slot])
        return (cu, ci, cb, db)

    mu_v = muv[...]
    inflight = start(0)
    for j in range(NCHUNK):
        for c in inflight:
            c.wait()
        if j + 1 < NCHUNK:
            nxt = start(j + 1)
        slot = j % 2

        def gbody(g, carry):
            rv = slot * CHUNK + g * L + lax.iota(jnp.int32, L)
            s = pl.ds(g * L, L)
            cu = jnp.left_shift(jnp.right_shift(uidx[j, s], USHIFT), 5)
            ci = jnp.left_shift(jnp.right_shift(iidx[j, s], ISHIFT), 5)
            ju = jnp.bitwise_and(cu, 127)
            ji = jnp.bitwise_and(ci, 127)
            shu = jnp.left_shift(jnp.right_shift(cu, 7), 4)
            shi = jnp.left_shift(jnp.right_shift(ci, 7), 4)
            o = pl.ds(j * CHUNK + g * L, L)
            acc = ub[o] + ib[o] + mu_v
            for f in range(D):
                wu = plsc.load_gather(uf, [rv, ju + f])
                wi = plsc.load_gather(itf, [rv, ji + f])
                vu = plsc.bitcast(
                    jnp.left_shift(jnp.right_shift(wu, shu), 16), jnp.float32)
                vi = plsc.bitcast(
                    jnp.left_shift(jnp.right_shift(wi, shi), 16), jnp.float32)
                acc = acc + vu * vi
            outv[o] = acc
            return carry

        lax.fori_loop(0, CHUNK // L, gbody, 0)
        if j + 1 < NCHUNK:
            inflight = nxt

    pltpu.sync_copy(outv, out_hbm.at[pl.ds(wid * BPW, BPW)])


@jax.jit
def _mf(user2, item2, mu, ub_t, ib_t, ufac4, ifac4):
    mesh = plsc.VectorSubcoreMesh(core_axis_name="c", subcore_axis_name="s")
    f = pl.kernel(
        _mf_body,
        out_type=jax.ShapeDtypeStruct((BATCH,), jnp.float32),
        mesh=mesh,
        compiler_params=pltpu.CompilerParams(
            needs_layout_passes=False, use_tc_tiling_on_sc=False),
        scratch_types=[
            pltpu.VMEM((NCHUNK, CHUNK), jnp.int32),
            pltpu.VMEM((NCHUNK, CHUNK), jnp.int32),
            pltpu.VMEM((NCHUNK, CHUNK), jnp.int32),
            pltpu.VMEM((NCHUNK, CHUNK), jnp.int32),
            pltpu.VMEM((2 * CHUNK, 4 * D), jnp.int32),
            pltpu.VMEM((2 * CHUNK, 4 * D), jnp.int32),
            pltpu.VMEM((BPW,), jnp.float32),
            pltpu.VMEM((BPW,), jnp.float32),
            pltpu.VMEM((BPW,), jnp.float32),
            pltpu.VMEM((L,), jnp.float32),
            pltpu.SemaphoreType.DMA,
            pltpu.SemaphoreType.DMA,
        ],
    )
    return f(user2, item2, mu, ub_t, ib_t, ufac4, ifac4)


BLK_W = 8192
NBAND = 8
USHIFT = 17
ISHIFT = 14


def _retile_body(*refs):
    srcs, dst_ref = refs[:-1], refs[-1]
    x = jnp.concatenate([s[...] for s in srcs], axis=0)
    y = jnp.transpose(x, (1, 0)).astype(jnp.bfloat16)
    lo = jax.lax.bitcast_convert_type(y[:, :NBAND * D // 2],
                                      jnp.uint16).astype(jnp.uint32)
    hi = jax.lax.bitcast_convert_type(y[:, NBAND * D // 2:],
                                      jnp.uint16).astype(jnp.uint32)
    dst_ref[...] = jax.lax.bitcast_convert_type(lo | (hi << 16), jnp.int32)


def _retile(tableT, shift):
    n4 = 1 << shift
    last = (tableT.shape[1] + BLK_W - 1) // BLK_W - 1
    specs = []
    for k in range(NBAND):
        specs.append(pl.BlockSpec(
            (D, BLK_W),
            lambda i, k=k: (0, jnp.minimum((k << shift) // BLK_W + i, last))))
    return pl.pallas_call(
        _retile_body,
        grid=(n4 // BLK_W,),
        in_specs=specs,
        out_specs=pl.BlockSpec((BLK_W, NBAND * D // 2), lambda i: (i, 0)),
        out_shape=jax.ShapeDtypeStruct((n4, NBAND * D // 2), jnp.int32),
    )(*([tableT] * NBAND))


def kernel(user, item, mu, user_bias, item_bias, user_factors, item_factors):
    user2 = user.reshape(NW * NCHUNK, CHUNK)
    item2 = item.reshape(NW * NCHUNK, CHUNK)
    ufac4 = _retile(user_factors.T, USHIFT)
    ifac4 = _retile(item_factors.T, ISHIFT)
    mu16 = jnp.broadcast_to(mu, (L,))
    return _mf(user2, item2, mu16, user_bias, item_bias, ufac4, ifac4)

# --- scband reference (transcript-rebuilt; emitter-appended) ---
"""Pipeline reference for scband-matrix-factorization-23888608100592 (READ-ONLY COPY).

The authoritative reference and input builder live on the scoring server;
editing this copy changes nothing except your own understanding.
"""

import jax, jax.numpy as jnp
import numpy as np

N_USERS = 1000000
N_ITEMS = 100000
N_FACTORS = 32
BATCH = 16384


def setup_inputs(seed: int = 0) -> dict:
    key = jax.random.key(seed)
    k1, k2, k3, k4 = jax.random.split(key, 4)
    user = jax.random.randint(k1, (BATCH,), 0, N_USERS, dtype=jnp.int64 if jax.config.jax_enable_x64 else jnp.int32).astype(jnp.int32)
    item = jax.random.randint(k2, (BATCH,), 0, N_ITEMS, dtype=jnp.int32)
    mu = jnp.zeros((1,), dtype=jnp.float32)
    user_bias = jnp.zeros((N_USERS,), dtype=jnp.float32)
    item_bias = jnp.zeros((N_ITEMS,), dtype=jnp.float32)
    user_factors = jax.random.normal(k3, (N_USERS, N_FACTORS), dtype=jnp.float32) * 0.01
    item_factors = jax.random.normal(k4, (N_ITEMS, N_FACTORS), dtype=jnp.float32) * 0.01
    return {
        "user": user,
        "item": item,
        "mu": mu,
        "user_bias": user_bias,
        "item_bias": item_bias,
        "user_factors": user_factors,
        "item_factors": item_factors,
    }


def reference(user, item, mu, user_bias, item_bias, user_factors, item_factors):
    pred = mu + jnp.take(user_bias, user, axis=0) + jnp.take(item_bias, item, axis=0)
    uf = jnp.take(user_factors, user, axis=0)
    itf = jnp.take(item_factors, item, axis=0)
    pred = pred + jnp.sum(uf * itf, axis=1)
    return pred

if __name__ == "__main__":
    import jax
    _d = setup_inputs()
    print(jax.jit(kernel)(*tuple(_d.values())))

</pallas_src>

<mosaic_0001>
#map = affine_map<(d0, d1) -> (0, 0)>
#map1 = affine_map<(d0, d1) -> (0)>
module attributes {stable_mosaic.version = 14 : i64} {
  func.func @_mf_body(%arg0: i32, %arg1: i32, %arg2: memref<128x128xi32, #tpu.memory_space<hbm>>, %arg3: memref<128x128xi32, #tpu.memory_space<hbm>>, %arg4: memref<16xf32, #tpu.memory_space<hbm>>, %arg5: memref<1000000xf32, #tpu.memory_space<hbm>>, %arg6: memref<100000xf32, #tpu.memory_space<hbm>>, %arg7: memref<131072x128xi32, #tpu.memory_space<hbm>>, %arg8: memref<16384x128xi32, #tpu.memory_space<hbm>>, %arg9: memref<16384xf32, #tpu.memory_space<hbm>>, %arg10: memref<4x128xi32, #tpu.memory_space<vmem>>, %arg11: memref<4x128xi32, #tpu.memory_space<vmem>>, %arg12: memref<4x128xi32, #tpu.memory_space<vmem>>, %arg13: memref<4x128xi32, #tpu.memory_space<vmem>>, %arg14: memref<256x128xi32, #tpu.memory_space<vmem>>, %arg15: memref<256x128xi32, #tpu.memory_space<vmem>>, %arg16: memref<512xf32, #tpu.memory_space<vmem>>, %arg17: memref<512xf32, #tpu.memory_space<vmem>>, %arg18: memref<512xf32, #tpu.memory_space<vmem>>, %arg19: memref<16xf32, #tpu.memory_space<vmem>>, %arg20: memref<!tpu.dma_semaphore, #tpu.memory_space<semaphore_mem>>, %arg21: memref<!tpu.dma_semaphore, #tpu.memory_space<semaphore_mem>>) attributes {dimension_semantics = [#tpu.dimension_semantics<core_parallel>, #tpu.dimension_semantics<subcore_parallel>], iteration_bounds = array<i64: 2, 16>, scalar_prefetch = 0 : i64, scratch_operands = 12 : i64, tpu.core_type = #tpu.core_type<sc_vector_subcore>, window_params = [{transform_indices = #map}, {transform_indices = #map}, {transform_indices = #map1}, {transform_indices = #map1}, {transform_indices = #map1}, {transform_indices = #map}, {transform_indices = #map}, {transform_indices = #map1}]} {
    %mul3A = arith.constant 2 : i32
    %mul3A_0 = arith.muli %arg1, %mul3A : i32
    %add3A = arith.addi %mul3A_0, %arg0 : i32
    %mul3A_1 = arith.constant 4 : i32
    %mul3A_2 = arith.muli %add3A, %mul3A_1 : i32
    "tpu.region"() ({
      %run_scoped3A = tpu.sem_alloc : memref<!tpu.dma_semaphore, #tpu.memory_space<semaphore_mem>>
      %dma_start3A_1017 = arith.constant 0 : i32
      %dma_start3A_1018 = tpu.memref_slice %arg2[%mul3A_2, %dma_start3A_1017] : memref<128x128xi32, #tpu.memory_space<hbm>> -> memref<4x128xi32, #tpu.memory_space<hbm>>
      %dma_start3A_1019 = arith.constant 0 : i32
      %dma_start3A_1020 = tpu.memref_slice %arg2[%mul3A_2, %dma_start3A_1019] : memref<128x128xi32, #tpu.memory_space<hbm>> -> memref<4x128xi32, #tpu.memory_space<hbm>>
      tpu.enqueue_dma source(%dma_start3A_1020 : memref<4x128xi32, #tpu.memory_space<hbm>>) target(%arg10 : memref<4x128xi32, #tpu.memory_space<vmem>>) target_semaphore(%run_scoped3A : memref<!tpu.dma_semaphore, #tpu.memory_space<semaphore_mem>>)
      %dma_wait3A_1021 = arith.constant 0 : i32
      %dma_wait3A_1022 = tpu.memref_slice %arg2[%mul3A_2, %dma_wait3A_1021] : memref<128x128xi32, #tpu.memory_space<hbm>> -> memref<4x128xi32, #tpu.memory_space<hbm>>
      %dma_wait3A_1023 = arith.constant 0 : i32
      %dma_wait3A_1024 = tpu.memref_slice %arg2[%mul3A_2, %dma_wait3A_1023] : memref<128x128xi32, #tpu.memory_space<hbm>> -> memref<4x128xi32, #tpu.memory_space<hbm>>
      tpu.wait_dma2 semaphore(%run_scoped3A : memref<!tpu.dma_semaphore, #tpu.memory_space<semaphore_mem>>) src(%dma_wait3A_1024 : memref<4x128xi32, #tpu.memory_space<hbm>>) dst(%arg10 : memref<4x128xi32, #tpu.memory_space<vmem>>)
      tpu.yield
    }) : () -> ()
    "tpu.region"() ({
      %run_scoped3A = tpu.sem_alloc : memref<!tpu.dma_semaphore, #tpu.memory_space<semaphore_mem>>
      %dma_start3A_1017 = arith.constant 0 : i32
      %dma_start3A_1018 = tpu.memref_slice %arg3[%mul3A_2, %dma_start3A_1017] : memref<128x128xi32, #tpu.memory_space<hbm>> -> memref<4x128xi32, #tpu.memory_space<hbm>>
      %dma_start3A_1019 = arith.constant 0 : i32
      %dma_start3A_1020 = tpu.memref_slice %arg3[%mul3A_2, %dma_start3A_1019] : memref<128x128xi32, #tpu.memory_space<hbm>> -> memref<4x128xi32, #tpu.memory_space<hbm>>
      tpu.enqueue_dma source(%dma_start3A_1020 : memref<4x128xi32, #tpu.memory_space<hbm>>) target(%arg11 : memref<4x128xi32, #tpu.memory_space<vmem>>) target_semaphore(%run_scoped3A : memref<!tpu.dma_semaphore, #tpu.memory_space<semaphore_mem>>)
      %dma_wait3A_1021 = arith.constant 0 : i32
      %dma_wait3A_1022 = tpu.memref_slice %arg3[%mul3A_2, %dma_wait3A_1021] : memref<128x128xi32, #tpu.memory_space<hbm>> -> memref<4x128xi32, #tpu.memory_space<hbm>>
      %dma_wait3A_1023 = arith.constant 0 : i32
      %dma_wait3A_1024 = tpu.memref_slice %arg3[%mul3A_2, %dma_wait3A_1023] : memref<128x128xi32, #tpu.memory_space<hbm>> -> memref<4x128xi32, #tpu.memory_space<hbm>>
      tpu.wait_dma2 semaphore(%run_scoped3A : memref<!tpu.dma_semaphore, #tpu.memory_space<semaphore_mem>>) src(%dma_wait3A_1024 : memref<4x128xi32, #tpu.memory_space<hbm>>) dst(%arg11 : memref<4x128xi32, #tpu.memory_space<vmem>>)
      tpu.yield
    }) : () -> ()
    "tpu.region"() ({
      %run_scoped3A = tpu.sem_alloc : memref<!tpu.dma_semaphore, #tpu.memory_space<semaphore_mem>>
      tpu.enqueue_dma source(%arg4 : memref<16xf32, #tpu.memory_space<hbm>>) target(%arg19 : memref<16xf32, #tpu.memory_space<vmem>>) target_semaphore(%run_scoped3A : memref<!tpu.dma_semaphore, #tpu.memory_space<semaphore_mem>>)
      tpu.wait_dma2 semaphore(%run_scoped3A : memref<!tpu.dma_semaphore, #tpu.memory_space<semaphore_mem>>) src(%arg4 : memref<16xf32, #tpu.memory_space<hbm>>) dst(%arg19 : memref<16xf32, #tpu.memory_space<vmem>>)
      tpu.yield
    }) : () -> ()
    %get3A = arith.constant 0 : i32
    %get3A_3 = arith.index_cast %get3A : i32 to index
    %get3A_4 = arith.constant 0 : index
    %get3A_5 = tpu.vector_load %arg10[%get3A_3, %get3A_4] {strides = array<i32>} : memref<4x128xi32, #tpu.memory_space<vmem>>, vector<16xi32>,
    %and3A = arith.constant 131071 : i32
    %and3A_6 = vector.broadcast %and3A : i32 to vector<16xi32>
    %and3A_7 = arith.andi %get3A_5, %and3A_6 : vector<16xi32>
    %swap3A = arith.constant 0 : i32
    %swap3A_8 = arith.index_cast %swap3A : i32 to index
    %swap3A_9 = arith.constant 0 : index
    %swap3A_10 = tpu.vector_load %arg12[%swap3A_8, %swap3A_9] {strides = array<i32>} : memref<4x128xi32, #tpu.memory_space<vmem>>, vector<16xi32>,
    tpu.vector_store %arg12[%swap3A_8, %swap3A_9], %and3A_7 {strides = array<i32>} : memref<4x128xi32, #tpu.memory_space<vmem>>, vector<16xi32>,
    %get3A_11 = arith.constant 0 : i32
    %get3A_12 = arith.index_cast %get3A_11 : i32 to index
    %get3A_13 = arith.constant 0 : index
    %get3A_14 = tpu.vector_load %arg11[%get3A_12, %get3A_13] {strides = array<i32>} : memref<4x128xi32, #tpu.memory_space<vmem>>, vector<16xi32>,
    %and3A_15 = arith.constant 16383 : i32
    %and3A_16 = vector.broadcast %and3A_15 : i32 to vector<16xi32>
    %and3A_17 = arith.andi %get3A_14, %and3A_16 : vector<16xi32>
    %swap3A_18 = arith.constant 0 : i32
    %swap3A_19 = arith.index_cast %swap3A_18 : i32 to index
    %swap3A_20 = arith.constant 0 : index
    %swap3A_21 = tpu.vector_load %arg13[%swap3A_19, %swap3A_20] {strides = array<i32>} : memref<4x128xi32, #tpu.memory_space<vmem>>, vector<16xi32>,
    tpu.vector_store %arg13[%swap3A_19, %swap3A_20], %and3A_17 {strides = array<i32>} : memref<4x128xi32, #tpu.memory_space<vmem>>, vector<16xi32>,
    %get3A_22 = arith.constant 0 : i32
    %get3A_23 = arith.index_cast %get3A_22 : i32 to index
    %get3A_24 = arith.constant 16 : index
    %get3A_25 = tpu.vector_load %arg10[%get3A_23, %get3A_24] {strides = array<i32>} : memref<4x128xi32, #tpu.memory_space<vmem>>, vector<16xi32>,
    %and3A_26 = arith.constant 131071 : i32
    %and3A_27 = vector.broadcast %and3A_26 : i32 to vector<16xi32>
    %and3A_28 = arith.andi %get3A_25, %and3A_27 : vector<16xi32>
    %swap3A_29 = arith.constant 0 : i32
    %swap3A_30 = arith.index_cast %swap3A_29 : i32 to index
    %swap3A_31 = arith.constant 16 : index
    %swap3A_32 = tpu.vector_load %arg12[%swap3A_30, %swap3A_31] {strides = array<i32>} : memref<4x128xi32, #tpu.memory_space<vmem>>, vector<16xi32>,
    tpu.vector_store %arg12[%swap3A_30, %swap3A_31], %and3A_28 {strides = array<i32>} : memref<4x128xi32, #tpu.memory_space<vmem>>, vector<16xi32>,
    %get3A_33 = arith.constant 0 : i32
    %get3A_34 = arith.index_cast %get3A_33 : i32 to index
    %get3A_35 = arith.constant 16 : index
    %get3A_36 = tpu.vector_load %arg11[%get3A_34, %get3A_35] {strides = array<i32>} : memref<4x128xi32, #tpu.memory_space<vmem>>, vector<16xi32>,
    %and3A_37 = arith.constant 16383 : i32
    %and3A_38 = vector.broadcast %and3A_37 : i32 to vector<16xi32>
    %and3A_39 = arith.andi %get3A_36, %and3A_38 : vector<16xi32>
    %swap3A_40 = arith.constant 0 : i32
    %swap3A_41 = arith.index_cast %swap3A_40 : i32 to index
    %swap3A_42 = arith.constant 16 : index
    %swap3A_43 = tpu.vector_load %arg13[%swap3A_41, %swap3A_42] {strides = array<i32>} : memref<4x128xi32, #tpu.memory_space<vmem>>, vector<16xi32>,
    tpu.vector_store %arg13[%swap3A_41, %swap3A_42], %and3A_39 {strides = array<i32>} : memref<4x128xi32, #tpu.memory_space<vmem>>, vector<16xi32>,
    %get3A_44 = arith.constant 0 : i32
    %get3A_45 = arith.index_cast %get3A_44 : i32 to index
    %get3A_46 = arith.constant 32 : index
    %get3A_47 = tpu.vector_load %arg10[%get3A_45, %get3A_46] {strides = array<i32>} : memref<4x128xi32, #tpu.memory_space<vmem>>, vector<16xi32>,
    %and3A_48 = arith.constant 131071 : i32
    %and3A_49 = vector.broadcast %and3A_48 : i32 to vector<16xi32>
    %and3A_50 = arith.andi %get3A_47, %and3A_49 : vector<16xi32>
    %swap3A_51 = arith.constant 0 : i32
    %swap3A_52 = arith.index_cast %swap3A_51 : i32 to index
    %swap3A_53 = arith.constant 32 : index
    %swap3A_54 = tpu.vector_load %arg12[%swap3A_52, %swap3A_53] {strides = array<i32>} : memref<4x128xi32, #tpu.memory_space<vmem>>, vector<16xi32>,
    tpu.vector_store %arg12[%swap3A_52, %swap3A_53], %and3A_50 {strides = array<i32>} : memref<4x128xi32, #tpu.memory_space<vmem>>, vector<16xi32>,
    %get3A_55 = arith.constant 0 : i32
    %get3A_56 = arith.index_cast %get3A_55 : i32 to index
    %get3A_57 = arith.constant 32 : index
    %get3A_58 = tpu.vector_load %arg11[%get3A_56, %get3A_57] {strides = array<i32>} : memref<4x128xi32, #tpu.memory_space<vmem>>, vector<16xi32>,
    %and3A_59 = arith.constant 16383 : i32
    %and3A_60 = vector.broadcast %and3A_59 : i32 to vector<16xi32>
    %and3A_61 = arith.andi %get3A_58, %and3A_60 : vector<16xi32>
    %swap3A_62 = arith.constant 0 : i32
    %swap3A_63 = arith.index_cast %swap3A_62 : i32 to index
    %swap3A_64 = arith.constant 32 : index
    %swap3A_65 = tpu.vector_load %arg13[%swap3A_63, %swap3A_64] {strides = array<i32>} : memref<4x128xi32, #tpu.memory_space<vmem>>, vector<16xi32>,
    tpu.vector_store %arg13[%swap3A_63, %swap3A_64], %and3A_61 {strides = array<i32>} : memref<4x128xi32, #tpu.memory_space<vmem>>, vector<16xi32>,
    %get3A_66 = arith.constant 0 : i32
    %get3A_67 = arith.index_cast %get3A_66 : i32 to index
    %get3A_68 = arith.constant 48 : index
    %get3A_69 = tpu.vector_load %arg10[%get3A_67, %get3A_68] {strides = array<i32>} : memref<4x128xi32, #tpu.memory_space<vmem>>, vector<16xi32>,
    %and3A_70 = arith.constant 131071 : i32
    %and3A_71 = vector.broadcast %and3A_70 : i32 to vector<16xi32>
    %and3A_72 = arith.andi %get3A_69, %and3A_71 : vector<16xi32>
    %swap3A_73 = arith.constant 0 : i32
    %swap3A_74 = arith.index_cast %swap3A_73 : i32 to index
    %swap3A_75 = arith.constant 48 : index
    %swap3A_76 = tpu.vector_load %arg12[%swap3A_74, %swap3A_75] {strides = array<i32>} : memref<4x128xi32, #tpu.memory_space<vmem>>, vector<16xi32>,
    tpu.vector_store %arg12[%swap3A_74, %swap3A_75], %and3A_72 {strides = array<i32>} : memref<4x128xi32, #tpu.memory_space<vmem>>, vector<16xi32>,
    %get3A_77 = arith.constant 0 : i32
    %get3A_78 = arith.index_cast %get3A_77 : i32 to index
    %get3A_79 = arith.constant 48 : index
    %get3A_80 = tpu.vector_load %arg11[%get3A_78, %get3A_79] {strides = array<i32>} : memref<4x128xi32, #tpu.memory_space<vmem>>, vector<16xi32>,
    %and3A_81 = arith.constant 16383 : i32
    %and3A_82 = vector.broadcast %and3A_81 : i32 to vector<16xi32>
    %and3A_83 = arith.andi %get3A_80, %and3A_82 : vector<16xi32>
    %swap3A_84 = arith.constant 0 : i32
    %swap3A_85 = arith.index_cast %swap3A_84 : i32 to index
    %swap3A_86 = arith.constant 48 : index
    %swap3A_87 = tpu.vector_load %arg13[%swap3A_85, %swap3A_86] {strides = array<i32>} : memref<4x128xi32, #tpu.memory_space<vmem>>, vector<16xi32>,
    tpu.vector_store %arg13[%swap3A_85, %swap3A_86], %and3A_83 {strides = array<i32>} : memref<4x128xi32, #tpu.memory_space<vmem>>, vector<16xi32>,
    %get3A_88 = arith.constant 0 : i32
    %get3A_89 = arith.index_cast %get3A_88 : i32 to index
    %get3A_90 = arith.constant 64 : index
    %get3A_91 = tpu.vector_load %arg10[%get3A_89, %get3A_90] {strides = array<i32>} : memref<4x128xi32, #tpu.memory_space<vmem>>, vector<16xi32>,
    %and3A_92 = arith.constant 131071 : i32
    %and3A_93 = vector.broadcast %and3A_92 : i32 to vector<16xi32>
    %and3A_94 = arith.andi %get3A_91, %and3A_93 : vector<16xi32>
    %swap3A_95 = arith.constant 0 : i32
    %swap3A_96 = arith.index_cast %swap3A_95 : i32 to index
    %swap3A_97 = arith.constant 64 : index
    %swap3A_98 = tpu.vector_load %arg12[%swap3A_96, %swap3A_97] {strides = array<i32>} : memref<4x128xi32, #tpu.memory_space<vmem>>, vector<16xi32>,
    tpu.vector_store %arg12[%swap3A_96, %swap3A_97], %and3A_94 {strides = array<i32>} : memref<4x128xi32, #tpu.memory_space<vmem>>, vector<16xi32>,
    %get3A_99 = arith.constant 0 : i32
    %get3A_100 = arith.index_cast %get3A_99 : i32 to index
    %get3A_101 = arith.constant 64 : index
    %get3A_102 = tpu.vector_load %arg11[%get3A_100, %get3A_101] {strides = array<i32>} : memref<4x128xi32, #tpu.memory_space<vmem>>, vector<16xi32>,
    %and3A_103 = arith.constant 16383 : i32
    %and3A_104 = vector.broadcast %and3A_103 : i32 to vector<16xi32>
    %and3A_105 = arith.andi %get3A_102, %and3A_104 : vector<16xi32>
    %swap3A_106 = arith.constant 0 : i32
    %swap3A_107 = arith.index_cast %swap3A_106 : i32 to index
    %swap3A_108 = arith.constant 64 : index
    %swap3A_109 = tpu.vector_load %arg13[%swap3A_107, %swap3A_108] {strides = array<i32>} : memref<4x128xi32, #tpu.memory_space<vmem>>, vector<16xi32>,
    tpu.vector_store %arg13[%swap3A_107, %swap3A_108], %and3A_105 {strides = array<i32>} : memref<4x128xi32, #tpu.memory_space<vmem>>, vector<16xi32>,
    %get3A_110 = arith.constant 0 : i32
    %get3A_111 = arith.index_cast %get3A_110 : i32 to index
    %get3A_112 = arith.constant 80 : index
    %get3A_113 = tpu.vector_load %arg10[%get3A_111, %get3A_112] {strides = array<i32>} : memref<4x128xi32, #tpu.memory_space<vmem>>, vector<16xi32>,
    %and3A_114 = arith.constant 131071 : i32
    %and3A_115 = vector.broadcast %and3A_114 : i32 to vector<16xi32>
    %and3A_116 = arith.andi %get3A_113, %and3A_115 : vector<16xi32>
    %swap3A_117 = arith.constant 0 : i32
    %swap3A_118 = arith.index_cast %swap3A_117 : i32 to index
    %swap3A_119 = arith.constant 80 : index
    %swap3A_120 = tpu.vector_load %arg12[%swap3A_118, %swap3A_119] {strides = array<i32>} : memref<4x128xi32, #tpu.memory_space<vmem>>, vector<16xi32>,
    tpu.vector_store %arg12[%swap3A_118, %swap3A_119], %and3A_116 {strides = array<i32>} : memref<4x128xi32, #tpu.memory_space<vmem>>, vector<16xi32>,
    %get3A_121 = arith.constant 0 : i32
    %get3A_122 = arith.index_cast %get3A_121 : i32 to index
    %get3A_123 = arith.constant 80 : index
    %get3A_124 = tpu.vector_load %arg11[%get3A_122, %get3A_123] {strides = array<i32>} : memref<4x128xi32, #tpu.memory_space<vmem>>, vector<16xi32>,
    %and3A_125 = arith.constant 16383 : i32
    %and3A_126 = vector.broadcast %and3A_125 : i32 to vector<16xi32>
    %and3A_127 = arith.andi %get3A_124, %and3A_126 : vector<16xi32>
    %swap3A_128 = arith.constant 0 : i32
    %swap3A_129 = arith.index_cast %swap3A_128 : i32 to index
    %swap3A_130 = arith.constant 80 : index
    %swap3A_131 = tpu.vector_load %arg13[%swap3A_129, %swap3A_130] {strides = array<i32>} : memref<4x128xi32, #tpu.memory_space<vmem>>, vector<16xi32>,
    tpu.vector_store %arg13[%swap3A_129, %swap3A_130], %and3A_127 {strides = array<i32>} : memref<4x128xi32, #tpu.memory_space<vmem>>, vector<16xi32>,
    %get3A_132 = arith.constant 0 : i32
    %get3A_133 = arith.index_cast %get3A_132 : i32 to index
    %get3A_134 = arith.constant 96 : index
    %get3A_135 = tpu.vector_load %arg10[%get3A_133, %get3A_134] {strides = array<i32>} : memref<4x128xi32, #tpu.memory_space<vmem>>, vector<16xi32>,
    %and3A_136 = arith.constant 131071 : i32
    %and3A_137 = vector.broadcast %and3A_136 : i32 to vector<16xi32>
    %and3A_138 = arith.andi %get3A_135, %and3A_137 : vector<16xi32>
    %swap3A_139 = arith.constant 0 : i32
    %swap3A_140 = arith.index_cast %swap3A_139 : i32 to index
    %swap3A_141 = arith.constant 96 : index
    %swap3A_142 = tpu.vector_load %arg12[%swap3A_140, %swap3A_141] {strides = array<i32>} : memref<4x128xi32, #tpu.memory_space<vmem>>, vector<16xi32>,
    tpu.vector_store %arg12[%swap3A_140, %swap3A_141], %and3A_138 {strides = array<i32>} : memref<4x128xi32, #tpu.memory_space<vmem>>, vector<16xi32>,
    %get3A_143 = arith.constant 0 : i32
    %get3A_144 = arith.index_cast %get3A_143 : i32 to index
    %get3A_145 = arith.constant 96 : index
    %get3A_146 = tpu.vector_load %arg11[%get3A_144, %get3A_145] {strides = array<i32>} : memref<4x128xi32, #tpu.memory_space<vmem>>, vector<16xi32>,
    %and3A_147 = arith.constant 16383 : i32
    %and3A_148 = vector.broadcast %and3A_147 : i32 to vector<16xi32>
    %and3A_149 = arith.andi %get3A_146, %and3A_148 : vector<16xi32>
    %swap3A_150 = arith.constant 0 : i32
    %swap3A_151 = arith.index_cast %swap3A_150 : i32 to index
    %swap3A_152 = arith.constant 96 : index
    %swap3A_153 = tpu.vector_load %arg13[%swap3A_151, %swap3A_152] {strides = array<i32>} : memref<4x128xi32, #tpu.memory_space<vmem>>, vector<16xi32>,
    tpu.vector_store %arg13[%swap3A_151, %swap3A_152], %and3A_149 {strides = array<i32>} : memref<4x128xi32, #tpu.memory_space<vmem>>, vector<16xi32>,
    %get3A_154 = arith.constant 0 : i32
    %get3A_155 = arith.index_cast %get3A_154 : i32 to index
    %get3A_156 = arith.constant 112 : index
    %get3A_157 = tpu.vector_load %arg10[%get3A_155, %get3A_156] {strides = array<i32>} : memref<4x128xi32, #tpu.memory_space<vmem>>, vector<16xi32>,
    %and3A_158 = arith.constant 131071 : i32
    %and3A_159 = vector.broadcast %and3A_158 : i32 to vector<16xi32>
    %and3A_160 = arith.andi %get3A_157, %and3A_159 : vector<16xi32>
    %swap3A_161 = arith.constant 0 : i32
    %swap3A_162 = arith.index_cast %swap3A_161 : i32 to index
    %swap3A_163 = arith.constant 112 : index
    %swap3A_164 = tpu.vector_load %arg12[%swap3A_162, %swap3A_163] {strides = array<i32>} : memref<4x128xi32, #tpu.memory_space<vmem>>, vector<16xi32>,
    tpu.vector_store %arg12[%swap3A_162, %swap3A_163], %and3A_160 {strides = array<i32>} : memref<4x128xi32, #tpu.memory_space<vmem>>, vector<16xi32>,
    %get3A_165 = arith.constant 0 : i32
    %get3A_166 = arith.index_cast %get3A_165 : i32 to index
    %get3A_167 = arith.constant 112 : index
    %get3A_168 = tpu.vector_load %arg11[%get3A_166, %get3A_167] {strides = array<i32>} : memref<4x128xi32, #tpu.memory_space<vmem>>, vector<16xi32>,
    %and3A_169 = arith.constant 16383 : i32
    %and3A_170 = vector.broadcast %and3A_169 : i32 to vector<16xi32>
    %and3A_171 = arith.andi %get3A_168, %and3A_170 : vector<16xi32>
    %swap3A_172 = arith.constant 0 : i32
    %swap3A_173 = arith.index_cast %swap3A_172 : i32 to index
    %swap3A_174 = arith.constant 112 : index
    %swap3A_175 = tpu.vector_load %arg13[%swap3A_173, %swap3A_174] {strides = array<i32>} : memref<4x128xi32, #tpu.memory_space<vmem>>, vector<16xi32>,
    tpu.vector_store %arg13[%swap3A_173, %swap3A_174], %and3A_171 {strides = array<i32>} : memref<4x128xi32, #tpu.memory_space<vmem>>, vector<16xi32>,
    %get3A_176 = arith.constant 1 : i32
    %get3A_177 = arith.index_cast %get3A_176 : i32 to index
    %get3A_178 = arith.constant 0 : index
    %get3A_179 = tpu.vector_load %arg10[%get3A_177, %get3A_178] {strides = array<i32>} : memref<4x128xi32, #tpu.memory_space<vmem>>, vector<16xi32>,
    %and3A_180 = arith.constant 131071 : i32
    %and3A_181 = vector.broadcast %and3A_180 : i32 to vector<16xi32>
    %and3A_182 = arith.andi %get3A_179, %and3A_181 : vector<16xi32>
    %swap3A_183 = arith.constant 1 : i32
    %swap3A_184 = arith.index_cast %swap3A_183 : i32 to index
    %swap3A_185 = arith.constant 0 : index
    %swap3A_186 = tpu.vector_load %arg12[%swap3A_184, %swap3A_185] {strides = array<i32>} : memref<4x128xi32, #tpu.memory_space<vmem>>, vector<16xi32>,
    tpu.vector_store %arg12[%swap3A_184, %swap3A_185], %and3A_182 {strides = array<i32>} : memref<4x128xi32, #tpu.memory_space<vmem>>, vector<16xi32>,
    %get3A_187 = arith.constant 1 : i32
    %get3A_188 = arith.index_cast %get3A_187 : i32 to index
    %get3A_189 = arith.constant 0 : index
    %get3A_190 = tpu.vector_load %arg11[%get3A_188, %get3A_189] {strides = array<i32>} : memref<4x128xi32, #tpu.memory_space<vmem>>, vector<16xi32>,
    %and3A_191 = arith.constant 16383 : i32
    %and3A_192 = vector.broadcast %and3A_191 : i32 to vector<16xi32>
    %and3A_193 = arith.andi %get3A_190, %and3A_192 : vector<16xi32>
    %swap3A_194 = arith.constant 1 : i32
    %swap3A_195 = arith.index_cast %swap3A_194 : i32 to index
    %swap3A_196 = arith.constant 0 : index
    %swap3A_197 = tpu.vector_load %arg13[%swap3A_195, %swap3A_196] {strides = array<i32>} : memref<4x128xi32, #tpu.memory_space<vmem>>, vector<16xi32>,
    tpu.vector_store %arg13[%swap3A_195, %swap3A_196], %and3A_193 {strides = array<i32>} : memref<4x128xi32, #tpu.memory_space<vmem>>, vector<16xi32>,
    %get3A_198 = arith.constant 1 : i32
    %get3A_199 = arith.index_cast %get3A_198 : i32 to index
    %get3A_200 = arith.constant 16 : index
    %get3A_201 = tpu.vector_load %arg10[%get3A_199, %get3A_200] {strides = array<i32>} : memref<4x128xi32, #tpu.memory_space<vmem>>, vector<16xi32>,
    %and3A_202 = arith.constant 131071 : i32
    %and3A_203 = vector.broadcast %and3A_202 : i32 to vector<16xi32>
    %and3A_204 = arith.andi %get3A_201, %and3A_203 : vector<16xi32>
    %swap3A_205 = arith.constant 1 : i32
    %swap3A_206 = arith.index_cast %swap3A_205 : i32 to index
    %swap3A_207 = arith.constant 16 : index
    %swap3A_208 = tpu.vector_load %arg12[%swap3A_206, %swap3A_207] {strides = array<i32>} : memref<4x128xi32, #tpu.memory_space<vmem>>, vector<16xi32>,
    tpu.vector_store %arg12[%swap3A_206, %swap3A_207], %and3A_204 {strides = array<i32>} : memref<4x128xi32, #tpu.memory_space<vmem>>, vector<16xi32>,
    %get3A_209 = arith.constant 1 : i32
    %get3A_210 = arith.index_cast %get3A_209 : i32 to index
    %get3A_211 = arith.constant 16 : index
    %get3A_212 = tpu.vector_load %arg11[%get3A_210, %get3A_211] {strides = array<i32>} : memref<4x128xi32, #tpu.memory_space<vmem>>, vector<16xi32>,
    %and3A_213 = arith.constant 16383 : i32
    %and3A_214 = vector.broadcast %and3A_213 : i32 to vector<16xi32>
    %and3A_215 = arith.andi %get3A_212, %and3A_214 : vector<16xi32>
    %swap3A_216 = arith.constant 1 : i32
    %swap3A_217 = arith.index_cast %swap3A_216 : i32 to index
    %swap3A_218 = arith.constant 16 : index
    %swap3A_219 = tpu.vector_load %arg13[%swap3A_217, %swap3A_218] {strides = array<i32>} : memref<4x128xi32, #tpu.memory_space<vmem>>, vector<16xi32>,
    tpu.vector_store %arg13[%swap3A_217, %swap3A_218], %and3A_215 {strides = array<i32>} : memref<4x128xi32, #tpu.memory_space<vmem>>, vector<16xi32>,
    %get3A_220 = arith.constant 1 : i32
    %get3A_221 = arith.index_cast %get3A_220 : i32 to index
    %get3A_222 = arith.constant 32 : index
    %get3A_223 = tpu.vector_load %arg10[%get3A_221, %get3A_222] {strides = array<i32>} : memref<4x128xi32, #tpu.memory_space<vmem>>, vector<16xi32>,
    %and3A_224 = arith.constant 131071 : i32
    %and3A_225 = vector.broadcast %and3A_224 : i32 to vector<16xi32>
    %and3A_226 = arith.andi %get3A_223, %and3A_225 : vector<16xi32>
    %swap3A_227 = arith.constant 1 : i32
    %swap3A_228 = arith.index_cast %swap3A_227 : i32 to index
    %swap3A_229 = arith.constant 32 : index
    %swap3A_230 = tpu.vector_load %arg12[%swap3A_228, %swap3A_229] {strides = array<i32>} : memref<4x128xi32, #tpu.memory_space<vmem>>, vector<16xi32>,
    tpu.vector_store %arg12[%swap3A_228, %swap3A_229], %and3A_226 {strides = array<i32>} : memref<4x128xi32, #tpu.memory_space<vmem>>, vector<16xi32>,
    %get3A_231 = arith.constant 1 : i32
    %get3A_232 = arith.index_cast %get3A_231 : i32 to index
    %get3A_233 = arith.constant 32 : index
    %get3A_234 = tpu.vector_load %arg11[%get3A_232, %get3A_233] {strides = array<i32>} : memref<4x128xi32, #tpu.memory_space<vmem>>, vector<16xi32>,
    %and3A_235 = arith.constant 16383 : i32
    %and3A_236 = vector.broadcast %and3A_235 : i32 to vector<16xi32>
    %and3A_237 = arith.andi %get3A_234, %and3A_236 : vector<16xi32>
    %swap3A_238 = arith.constant 1 : i32
    %swap3A_239 = arith.index_cast %swap3A_238 : i32 to index
    %swap3A_240 = arith.constant 32 : index
    %swap3A_241 = tpu.vector_load %arg13[%swap3A_239, %swap3A_240] {strides = array<i32>} : memref<4x128xi32, #tpu.memory_space<vmem>>, vector<16xi32>,
    tpu.vector_store %arg13[%swap3A_239, %swap3A_240], %and3A_237 {strides = array<i32>} : memref<4x128xi32, #tpu.memory_space<vmem>>, vector<16xi32>,
    %get3A_242 = arith.constant 1 : i32
    %get3A_243 = arith.index_cast %get3A_242 : i32 to index
    %get3A_244 = arith.constant 48 : index
    %get3A_245 = tpu.vector_load %arg10[%get3A_243, %get3A_244] {strides = array<i32>} : memref<4x128xi32, #tpu.memory_space<vmem>>, vector<16xi32>,
    %and3A_246 = arith.constant 131071 : i32
    %and3A_247 = vector.broadcast %and3A_246 : i32 to vector<16xi32>
    %and3A_248 = arith.andi %get3A_245, %and3A_247 : vector<16xi32>
    %swap3A_249 = arith.constant 1 : i32
    %swap3A_250 = arith.index_cast %swap3A_249 : i32 to index
    %swap3A_251 = arith.constant 48 : index
    %swap3A_252 = tpu.vector_load %arg12[%swap3A_250, %swap3A_251] {strides = array<i32>} : memref<4x128xi32, #tpu.memory_space<vmem>>, vector<16xi32>,
    tpu.vector_store %arg12[%swap3A_250, %swap3A_251], %and3A_248 {strides = array<i32>} : memref<4x128xi32, #tpu.memory_space<vmem>>, vector<16xi32>,
    %get3A_253 = arith.constant 1 : i32
    %get3A_254 = arith.index_cast %get3A_253 : i32 to index
    %get3A_255 = arith.constant 48 : index
    %get3A_256 = tpu.vector_load %arg11[%get3A_254, %get3A_255] {strides = array<i32>} : memref<4x128xi32, #tpu.memory_space<vmem>>, vector<16xi32>,
    %and3A_257 = arith.constant 16383 : i32
    %and3A_258 = vector.broadcast %and3A_257 : i32 to vector<16xi32>
    %and3A_259 = arith.andi %get3A_256, %and3A_258 : vector<16xi32>
    %swap3A_260 = arith.constant 1 : i32
    %swap3A_261 = arith.index_cast %swap3A_260 : i32 to index
    %swap3A_262 = arith.constant 48 : index
    %swap3A_263 = tpu.vector_load %arg13[%swap3A_261, %swap3A_262] {strides = array<i32>} : memref<4x128xi32, #tpu.memory_space<vmem>>, vector<16xi32>,
    tpu.vector_store %arg13[%swap3A_261, %swap3A_262], %and3A_259 {strides = array<i32>} : memref<4x128xi32, #tpu.memory_space<vmem>>, vector<16xi32>,
    %get3A_264 = arith.constant 1 : i32
    %get3A_265 = arith.index_cast %get3A_264 : i32 to index
    %get3A_266 = arith.constant 64 : index
    %get3A_267 = tpu.vector_load %arg10[%get3A_265, %get3A_266] {strides = array<i32>} : memref<4x128xi32, #tpu.memory_space<vmem>>, vector<16xi32>,
    %and3A_268 = arith.constant 131071 : i32
    %and3A_269 = vector.broadcast %and3A_268 : i32 to vector<16xi32>
    %and3A_270 = arith.andi %get3A_267, %and3A_269 : vector<16xi32>
    %swap3A_271 = arith.constant 1 : i32
    %swap3A_272 = arith.index_cast %swap3A_271 : i32 to index
    %swap3A_273 = arith.constant 64 : index
    %swap3A_274 = tpu.vector_load %arg12[%swap3A_272, %swap3A_273] {strides = array<i32>} : memref<4x128xi32, #tpu.memory_space<vmem>>, vector<16xi32>,
    tpu.vector_store %arg12[%swap3A_272, %swap3A_273], %and3A_270 {strides = array<i32>} : memref<4x128xi32, #tpu.memory_space<vmem>>, vector<16xi32>,
    %get3A_275 = arith.constant 1 : i32
    %get3A_276 = arith.index_cast %get3A_275 : i32 to index
    %get3A_277 = arith.constant 64 : index
    %get3A_278 = tpu.vector_load %arg11[%get3A_276, %get3A_277] {strides = array<i32>} : memref<4x128xi32, #tpu.memory_space<vmem>>, vector<16xi32>,
    %and3A_279 = arith.constant 16383 : i32
    %and3A_280 = vector.broadcast %and3A_279 : i32 to vector<16xi32>
    %and3A_281 = arith.andi %get3A_278, %and3A_280 : vector<16xi32>
    %swap3A_282 = arith.constant 1 : i32
    %swap3A_283 = arith.index_cast %swap3A_282 : i32 to index
    %swap3A_284 = arith.constant 64 : index
    %swap3A_285 = tpu.vector_load %arg13[%swap3A_283, %swap3A_284] {strides = array<i32>} : memref<4x128xi32, #tpu.memory_space<vmem>>, vector<16xi32>,
    tpu.vector_store %arg13[%swap3A_283, %swap3A_284], %and3A_281 {strides = array<i32>} : memref<4x128xi32, #tpu.memory_space<vmem>>, vector<16xi32>,
    %get3A_286 = arith.constant 1 : i32
    %get3A_287 = arith.index_cast %get3A_286 : i32 to index
    %get3A_288 = arith.constant 80 : index
    %get3A_289 = tpu.vector_load %arg10[%get3A_287, %get3A_288] {strides = array<i32>} : memref<4x128xi32, #tpu.memory_space<vmem>>, vector<16xi32>,
    %and3A_290 = arith.constant 131071 : i32
    %and3A_291 = vector.broadcast %and3A_290 : i32 to vector<16xi32>
    %and3A_292 = arith.andi %get3A_289, %and3A_291 : vector<16xi32>
    %swap3A_293 = arith.constant 1 : i32
    %swap3A_294 = arith.index_cast %swap3A_293 : i32 to index
    %swap3A_295 = arith.constant 80 : index
    %swap3A_296 = tpu.vector_load %arg12[%swap3A_294, %swap3A_295] {strides = array<i32>} : memref<4x128xi32, #tpu.memory_space<vmem>>, vector<16xi32>,
    tpu.vector_store %arg12[%swap3A_294, %swap3A_295], %and3A_292 {strides = array<i32>} : memref<4x128xi32, #tpu.memory_space<vmem>>, vector<16xi32>,
    %get3A_297 = arith.constant 1 : i32
    %get3A_298 = arith.index_cast %get3A_297 : i32 to index
    %get3A_299 = arith.constant 80 : index
    %get3A_300 = tpu.vector_load %arg11[%get3A_298, %get3A_299] {strides = array<i32>} : memref<4x128xi32, #tpu.memory_space<vmem>>, vector<16xi32>,
    %and3A_301 = arith.constant 16383 : i32
    %and3A_302 = vector.broadcast %and3A_301 : i32 to vector<16xi32>
    %and3A_303 = arith.andi %get3A_300, %and3A_302 : vector<16xi32>
    %swap3A_304 = arith.constant 1 : i32
    %swap3A_305 = arith.index_cast %swap3A_304 : i32 to index
    %swap3A_306 = arith.constant 80 : index
    %swap3A_307 = tpu.vector_load %arg13[%swap3A_305, %swap3A_306] {strides = array<i32>} : memref<4x128xi32, #tpu.memory_space<vmem>>, vector<16xi32>,
    tpu.vector_store %arg13[%swap3A_305, %swap3A_306], %and3A_303 {strides = array<i32>} : memref<4x128xi32, #tpu.memory_space<vmem>>, vector<16xi32>,
    %get3A_308 = arith.constant 1 : i32
    %get3A_309 = arith.index_cast %get3A_308 : i32 to index
    %get3A_310 = arith.constant 96 : index
    %get3A_311 = tpu.vector_load %arg10[%get3A_309, %get3A_310] {strides = array<i32>} : memref<4x128xi32, #tpu.memory_space<vmem>>, vector<16xi32>,
    %and3A_312 = arith.constant 131071 : i32
    %and3A_313 = vector.broadcast %and3A_312 : i32 to vector<16xi32>
    %and3A_314 = arith.andi %get3A_311, %and3A_313 : vector<16xi32>
    %swap3A_315 = arith.constant 1 : i32
    %swap3A_316 = arith.index_cast %swap3A_315 : i32 to index
    %swap3A_317 = arith.constant 96 : index
    %swap3A_318 = tpu.vector_load %arg12[%swap3A_316, %swap3A_317] {strides = array<i32>} : memref<4x128xi32, #tpu.memory_space<vmem>>, vector<16xi32>,
    tpu.vector_store %arg12[%swap3A_316, %swap3A_317], %and3A_314 {strides = array<i32>} : memref<4x128xi32, #tpu.memory_space<vmem>>, vector<16xi32>,
    %get3A_319 = arith.constant 1 : i32
    %get3A_320 = arith.index_cast %get3A_319 : i32 to index
    %get3A_321 = arith.constant 96 : index
    %get3A_322 = tpu.vector_load %arg11[%get3A_320, %get3A_321] {strides = array<i32>} : memref<4x128xi32, #tpu.memory_space<vmem>>, vector<16xi32>,
    %and3A_323 = arith.constant 16383 : i32
    %and3A_324 = vector.broadcast %and3A_323 : i32 to vector<16xi32>
    %and3A_325 = arith.andi %get3A_322, %and3A_324 : vector<16xi32>
    %swap3A_326 = arith.constant 1 : i32
    %swap3A_327 = arith.index_cast %swap3A_326 : i32 to index
    %swap3A_328 = arith.constant 96 : index
    %swap3A_329 = tpu.vector_load %arg13[%swap3A_327, %swap3A_328] {strides = array<i32>} : memref<4x128xi32, #tpu.memory_space<vmem>>, vector<16xi32>,
    tpu.vector_store %arg13[%swap3A_327, %swap3A_328], %and3A_325 {strides = array<i32>} : memref<4x128xi32, #tpu.memory_space<vmem>>, vector<16xi32>,
    %get3A_330 = arith.constant 1 : i32
    %get3A_331 = arith.index_cast %get3A_330 : i32 to index
    %get3A_332 = arith.constant 112 : index
    %get3A_333 = tpu.vector_load %arg10[%get3A_331, %get3A_332] {strides = array<i32>} : memref<4x128xi32, #tpu.memory_space<vmem>>, vector<16xi32>,
    %and3A_334 = arith.constant 131071 : i32
    %and3A_335 = vector.broadcast %and3A_334 : i32 to vector<16xi32>
    %and3A_336 = arith.andi %get3A_333, %and3A_335 : vector<16xi32>
    %swap3A_337 = arith.constant 1 : i32
    %swap3A_338 = arith.index_cast %swap3A_337 : i32 to index
    %swap3A_339 = arith.constant 112 : index
    %swap3A_340 = tpu.vector_load %arg12[%swap3A_338, %swap3A_339] {strides = array<i32>} : memref<4x128xi32, #tpu.memory_space<vmem>>, vector<16xi32>,
    tpu.vector_store %arg12[%swap3A_338, %swap3A_339], %and3A_336 {strides = array<i32>} : memref<4x128xi32, #tpu.memory_space<vmem>>, vector<16xi32>,
    %get3A_341 = arith.constant 1 : i32
    %get3A_342 = arith.index_cast %get3A_341 : i32 to index
    %get3A_343 = arith.constant 112 : index
    %get3A_344 = tpu.vector_load %arg11[%get3A_342, %get3A_343] {strides = array<i32>} : memref<4x128xi32, #tpu.memory_space<vmem>>, vector<16xi32>,
    %and3A_345 = arith.constant 16383 : i32
    %and3A_346 = vector.broadcast %and3A_345 : i32 to vector<16xi32>
    %and3A_347 = arith.andi %get3A_344, %and3A_346 : vector<16xi32>
    %swap3A_348 = arith.constant 1 : i32
    %swap3A_349 = arith.index_cast %swap3A_348 : i32 to index
    %swap3A_350 = arith.constant 112 : index
    %swap3A_351 = tpu.vector_load %arg13[%swap3A_349, %swap3A_350] {strides = array<i32>} : memref<4x128xi32, #tpu.memory_space<vmem>>, vector<16xi32>,
    tpu.vector_store %arg13[%swap3A_349, %swap3A_350], %and3A_347 {strides = array<i32>} : memref<4x128xi32, #tpu.memory_space<vmem>>, vector<16xi32>,
    %get3A_352 = arith.constant 2 : i32
    %get3A_353 = arith.index_cast %get3A_352 : i32 to index
    %get3A_354 = arith.constant 0 : index
    %get3A_355 = tpu.vector_load %arg10[%get3A_353, %get3A_354] {strides = array<i32>} : memref<4x128xi32, #tpu.memory_space<vmem>>, vector<16xi32>,
    %and3A_356 = arith.constant 131071 : i32
    %and3A_357 = vector.broadcast %and3A_356 : i32 to vector<16xi32>
    %and3A_358 = arith.andi %get3A_355, %and3A_357 : vector<16xi32>
    %swap3A_359 = arith.constant 2 : i32
    %swap3A_360 = arith.index_cast %swap3A_359 : i32 to index
    %swap3A_361 = arith.constant 0 : index
    %swap3A_362 = tpu.vector_load %arg12[%swap3A_360, %swap3A_361] {strides = array<i32>} : memref<4x128xi32, #tpu.memory_space<vmem>>, vector<16xi32>,
    tpu.vector_store %arg12[%swap3A_360, %swap3A_361], %and3A_358 {strides = array<i32>} : memref<4x128xi32, #tpu.memory_space<vmem>>, vector<16xi32>,
    %get3A_363 = arith.constant 2 : i32
    %get3A_364 = arith.index_cast %get3A_363 : i32 to index
    %get3A_365 = arith.constant 0 : index
    %get3A_366 = tpu.vector_load %arg11[%get3A_364, %get3A_365] {strides = array<i32>} : memref<4x128xi32, #tpu.memory_space<vmem>>, vector<16xi32>,
    %and3A_367 = arith.constant 16383 : i32
    %and3A_368 = vector.broadcast %and3A_367 : i32 to vector<16xi32>
    %and3A_369 = arith.andi %get3A_366, %and3A_368 : vector<16xi32>
    %swap3A_370 = arith.constant 2 : i32
    %swap3A_371 = arith.index_cast %swap3A_370 : i32 to index
    %swap3A_372 = arith.constant 0 : index
    %swap3A_373 = tpu.vector_load %arg13[%swap3A_371, %swap3A_372] {strides = array<i32>} : memref<4x128xi32, #tpu.memory_space<vmem>>, vector<16xi32>,
    tpu.vector_store %arg13[%swap3A_371, %swap3A_372], %and3A_369 {strides = array<i32>} : memref<4x128xi32, #tpu.memory_space<vmem>>, vector<16xi32>,
    %get3A_374 = arith.constant 2 : i32
    %get3A_375 = arith.index_cast %get3A_374 : i32 to index
    %get3A_376 = arith.constant 16 : index
    %get3A_377 = tpu.vector_load %arg10[%get3A_375, %get3A_376] {strides = array<i32>} : memref<4x128xi32, #tpu.memory_space<vmem>>, vector<16xi32>,
    %and3A_378 = arith.constant 131071 : i32
    %and3A_379 = vector.broadcast %and3A_378 : i32 to vector<16xi32>
    %and3A_380 = arith.andi %get3A_377, %and3A_379 : vector<16xi32>
    %swap3A_381 = arith.constant 2 : i32
    %swap3A_382 = arith.index_cast %swap3A_381 : i32 to index
    %swap3A_383 = arith.constant 16 : index
    %swap3A_384 = tpu.vector_load %arg12[%swap3A_382, %swap3A_383] {strides = array<i32>} : memref<4x128xi32, #tpu.memory_space<vmem>>, vector<16xi32>,
    tpu.vector_store %arg12[%swap3A_382, %swap3A_383], %and3A_380 {strides = array<i32>} : memref<4x128xi32, #tpu.memory_space<vmem>>, vector<16xi32>,
    %get3A_385 = arith.constant 2 : i32
    %get3A_386 = arith.index_cast %get3A_385 : i32 to index
    %get3A_387 = arith.constant 16 : index
    %get3A_388 = tpu.vector_load %arg11[%get3A_386, %get3A_387] {strides = array<i32>} : memref<4x128xi32, #tpu.memory_space<vmem>>, vector<16xi32>,
    %and3A_389 = arith.constant 16383 : i32
    %and3A_390 = vector.broadcast %and3A_389 : i32 to vector<16xi32>
    %and3A_391 = arith.andi %get3A_388, %and3A_390 : vector<16xi32>
    %swap3A_392 = arith.constant 2 : i32
    %swap3A_393 = arith.index_cast %swap3A_392 : i32 to index
    %swap3A_394 = arith.constant 16 : index
    %swap3A_395 = tpu.vector_load %arg13[%swap3A_393, %swap3A_394] {strides = array<i32>} : memref<4x128xi32, #tpu.memory_space<vmem>>, vector<16xi32>,
    tpu.vector_store %arg13[%swap3A_393, %swap3A_394], %and3A_391 {strides = array<i32>} : memref<4x128xi32, #tpu.memory_space<vmem>>, vector<16xi32>,
    %get3A_396 = arith.constant 2 : i32
    %get3A_397 = arith.index_cast %get3A_396 : i32 to index
    %get3A_398 = arith.constant 32 : index
    %get3A_399 = tpu.vector_load %arg10[%get3A_397, %get3A_398] {strides = array<i32>} : memref<4x128xi32, #tpu.memory_space<vmem>>, vector<16xi32>,
    %and3A_400 = arith.constant 131071 : i32
    %and3A_401 = vector.broadcast %and3A_400 : i32 to vector<16xi32>
    %and3A_402 = arith.andi %get3A_399, %and3A_401 : vector<16xi32>
    %swap3A_403 = arith.constant 2 : i32
    %swap3A_404 = arith.index_cast %swap3A_403 : i32 to index
    %swap3A_405 = arith.constant 32 : index
    %swap3A_406 = tpu.vector_load %arg12[%swap3A_404, %swap3A_405] {strides = array<i32>} : memref<4x128xi32, #tpu.memory_space<vmem>>, vector<16xi32>,
    tpu.vector_store %arg12[%swap3A_404, %swap3A_405], %and3A_402 {strides = array<i32>} : memref<4x128xi32, #tpu.memory_space<vmem>>, vector<16xi32>,
    %get3A_407 = arith.constant 2 : i32
    %get3A_408 = arith.index_cast %get3A_407 : i32 to index
    %get3A_409 = arith.constant 32 : index
    %get3A_410 = tpu.vector_load %arg11[%get3A_408, %get3A_409] {strides = array<i32>} : memref<4x128xi32, #tpu.memory_space<vmem>>, vector<16xi32>,
    %and3A_411 = arith.constant 16383 : i32
    %and3A_412 = vector.broadcast %and3A_411 : i32 to vector<16xi32>
    %and3A_413 = arith.andi %get3A_410, %and3A_412 : vector<16xi32>
    %swap3A_414 = arith.constant 2 : i32
    %swap3A_415 = arith.index_cast %swap3A_414 : i32 to index
    %swap3A_416 = arith.constant 32 : index
    %swap3A_417 = tpu.vector_load %arg13[%swap3A_415, %swap3A_416] {strides = array<i32>} : memref<4x128xi32, #tpu.memory_space<vmem>>, vector<16xi32>,
    tpu.vector_store %arg13[%swap3A_415, %swap3A_416], %and3A_413 {strides = array<i32>} : memref<4x128xi32, #tpu.memory_space<vmem>>, vector<16xi32>,
    %get3A_418 = arith.constant 2 : i32
    %get3A_419 = arith.index_cast %get3A_418 : i32 to index
    %get3A_420 = arith.constant 48 : index
    %get3A_421 = tpu.vector_load %arg10[%get3A_419, %get3A_420] {strides = array<i32>} : memref<4x128xi32, #tpu.memory_space<vmem>>, vector<16xi32>,
    %and3A_422 = arith.constant 131071 : i32
    %and3A_423 = vector.broadcast %and3A_422 : i32 to vector<16xi32>
    %and3A_424 = arith.andi %get3A_421, %and3A_423 : vector<16xi32>
    %swap3A_425 = arith.constant 2 : i32
    %swap3A_426 = arith.index_cast %swap3A_425 : i32 to index
    %swap3A_427 = arith.constant 48 : index
    %swap3A_428 = tpu.vector_load %arg12[%swap3A_426, %swap3A_427] {strides = array<i32>} : memref<4x128xi32, #tpu.memory_space<vmem>>, vector<16xi32>,
    tpu.vector_store %arg12[%swap3A_426, %swap3A_427], %and3A_424 {strides = array<i32>} : memref<4x128xi32, #tpu.memory_space<vmem>>, vector<16xi32>,
    %get3A_429 = arith.constant 2 : i32
    %get3A_430 = arith.index_cast %get3A_429 : i32 to index
    %get3A_431 = arith.constant 48 : index
    %get3A_432 = tpu.vector_load %arg11[%get3A_430, %get3A_431] {strides = array<i32>} : memref<4x128xi32, #tpu.memory_space<vmem>>, vector<16xi32>,
    %and3A_433 = arith.constant 16383 : i32
    %and3A_434 = vector.broadcast %and3A_433 : i32 to vector<16xi32>
    %and3A_435 = arith.andi %get3A_432, %and3A_434 : vector<16xi32>
    %swap3A_436 = arith.constant 2 : i32
    %swap3A_437 = arith.index_cast %swap3A_436 : i32 to index
    %swap3A_438 = arith.constant 48 : index
    %swap3A_439 = tpu.vector_load %arg13[%swap3A_437, %swap3A_438] {strides = array<i32>} : memref<4x128xi32, #tpu.memory_space<vmem>>, vector<16xi32>,
    tpu.vector_store %arg13[%swap3A_437, %swap3A_438], %and3A_435 {strides = array<i32>} : memref<4x128xi32, #tpu.memory_space<vmem>>, vector<16xi32>,
    %get3A_440 = arith.constant 2 : i32
    %get3A_441 = arith.index_cast %get3A_440 : i32 to index
    %get3A_442 = arith.constant 64 : index
    %get3A_443 = tpu.vector_load %arg10[%get3A_441, %get3A_442] {strides = array<i32>} : memref<4x128xi32, #tpu.memory_space<vmem>>, vector<16xi32>,
    %and3A_444 = arith.constant 131071 : i32
    %and3A_445 = vector.broadcast %and3A_444 : i32 to vector<16xi32>
    %and3A_446 = arith.andi %get3A_443, %and3A_445 : vector<16xi32>
    %swap3A_447 = arith.constant 2 : i32
    %swap3A_448 = arith.index_cast %swap3A_447 : i32 to index
    %swap3A_449 = arith.constant 64 : index
    %swap3A_450 = tpu.vector_load %arg12[%swap3A_448, %swap3A_449] {strides = array<i32>} : memref<4x128xi32, #tpu.memory_space<vmem>>, vector<16xi32>,
    tpu.vector_store %arg12[%swap3A_448, %swap3A_449], %and3A_446 {strides = array<i32>} : memref<4x128xi32, #tpu.memory_space<vmem>>, vector<16xi32>,
    %get3A_451 = arith.constant 2 : i32
    %get3A_452 = arith.index_cast %get3A_451 : i32 to index
    %get3A_453 = arith.constant 64 : index
    %get3A_454 = tpu.vector_load %arg11[%get3A_452, %get3A_453] {strides = array<i32>} : memref<4x128xi32, #tpu.memory_space<vmem>>, vector<16xi32>,
    %and3A_455 = arith.constant 16383 : i32
    %and3A_456 = vector.broadcast %and3A_455 : i32 to vector<16xi32>
    %and3A_457 = arith.andi %get3A_454, %and3A_456 : vector<16xi32>
    %swap3A_458 = arith.constant 2 : i32
    %swap3A_459 = arith.index_cast %swap3A_458 : i32 to index
    %swap3A_460 = arith.constant 64 : index
    %swap3A_461 = tpu.vector_load %arg13[%swap3A_459, %swap3A_460] {strides = array<i32>} : memref<4x128xi32, #tpu.memory_space<vmem>>, vector<16xi32>,
    tpu.vector_store %arg13[%swap3A_459, %swap3A_460], %and3A_457 {strides = array<i32>} : memref<4x128xi32, #tpu.memory_space<vmem>>, vector<16xi32>,
    %get3A_462 = arith.constant 2 : i32
    %get3A_463 = arith.index_cast %get3A_462 : i32 to index
    %get3A_464 = arith.constant 80 : index
    %get3A_465 = tpu.vector_load %arg10[%get3A_463, %get3A_464] {strides = array<i32>} : memref<4x128xi32, #tpu.memory_space<vmem>>, vector<16xi32>,
    %and3A_466 = arith.constant 131071 : i32
    %and3A_467 = vector.broadcast %and3A_466 : i32 to vector<16xi32>
    %and3A_468 = arith.andi %get3A_465, %and3A_467 : vector<16xi32>
    %swap3A_469 = arith.constant 2 : i32
    %swap3A_470 = arith.index_cast %swap3A_469 : i32 to index
    %swap3A_471 = arith.constant 80 : index
    %swap3A_472 = tpu.vector_load %arg12[%swap3A_470, %swap3A_471] {strides = array<i32>} : memref<4x128xi32, #tpu.memory_space<vmem>>, vector<16xi32>,
    tpu.vector_store %arg12[%swap3A_470, %swap3A_471], %and3A_468 {strides = array<i32>} : memref<4x128xi32, #tpu.memory_space<vmem>>, vector<16xi32>,
    %get3A_473 = arith.constant 2 : i32
    %get3A_474 = arith.index_cast %get3A_473 : i32 to index
    %get3A_475 = arith.constant 80 : index
    %get3A_476 = tpu.vector_load %arg11[%get3A_474, %get3A_475] {strides = array<i32>} : memref<4x128xi32, #tpu.memory_space<vmem>>, vector<16xi32>,
    %and3A_477 = arith.constant 16383 : i32
    %and3A_478 = vector.broadcast %and3A_477 : i32 to vector<16xi32>
    %and3A_479 = arith.andi %get3A_476, %and3A_478 : vector<16xi32>
    %swap3A_480 = arith.constant 2 : i32
    %swap3A_481 = arith.index_cast %swap3A_480 : i32 to index
    %swap3A_482 = arith.constant 80 : index
    %swap3A_483 = tpu.vector_load %arg13[%swap3A_481, %swap3A_482] {strides = array<i32>} : memref<4x128xi32, #tpu.memory_space<vmem>>, vector<16xi32>,
    tpu.vector_store %arg13[%swap3A_481, %swap3A_482], %and3A_479 {strides = array<i32>} : memref<4x128xi32, #tpu.memory_space<vmem>>, vector<16xi32>,
    %get3A_484 = arith.constant 2 : i32
    %get3A_485 = arith.index_cast %get3A_484 : i32 to index
    %get3A_486 = arith.constant 96 : index
    %get3A_487 = tpu.vector_load %arg10[%get3A_485, %get3A_486] {strides = array<i32>} : memref<4x128xi32, #tpu.memory_space<vmem>>, vector<16xi32>,
    %and3A_488 = arith.constant 131071 : i32
    %and3A_489 = vector.broadcast %and3A_488 : i32 to vector<16xi32>
    %and3A_490 = arith.andi %get3A_487, %and3A_489 : vector<16xi32>
    %swap3A_491 = arith.constant 2 : i32
    %swap3A_492 = arith.index_cast %swap3A_491 : i32 to index
    %swap3A_493 = arith.constant 96 : index
    %swap3A_494 = tpu.vector_load %arg12[%swap3A_492, %swap3A_493] {strides = array<i32>} : memref<4x128xi32, #tpu.memory_space<vmem>>, vector<16xi32>,
    tpu.vector_store %arg12[%swap3A_492, %swap3A_493], %and3A_490 {strides = array<i32>} : memref<4x128xi32, #tpu.memory_space<vmem>>, vector<16xi32>,
    %get3A_495 = arith.constant 2 : i32
    %get3A_496 = arith.index_cast %get3A_495 : i32 to index
    %get3A_497 = arith.constant 96 : index
    %get3A_498 = tpu.vector_load %arg11[%get3A_496, %get3A_497] {strides = array<i32>} : memref<4x128xi32, #tpu.memory_space<vmem>>, vector<16xi32>,
    %and3A_499 = arith.constant 16383 : i32
    %and3A_500 = vector.broadcast %and3A_499 : i32 to vector<16xi32>
    %and3A_501 = arith.andi %get3A_498, %and3A_500 : vector<16xi32>
    %swap3A_502 = arith.constant 2 : i32
    %swap3A_503 = arith.index_cast %swap3A_502 : i32 to index
    %swap3A_504 = arith.constant 96 : index
    %swap3A_505 = tpu.vector_load %arg13[%swap3A_503, %swap3A_504] {strides = array<i32>} : memref<4x128xi32, #tpu.memory_space<vmem>>, vector<16xi32>,
    tpu.vector_store %arg13[%swap3A_503, %swap3A_504], %and3A_501 {strides = array<i32>} : memref<4x128xi32, #tpu.memory_space<vmem>>, vector<16xi32>,
    %get3A_506 = arith.constant 2 : i32
    %get3A_507 = arith.index_cast %get3A_506 : i32 to index
    %get3A_508 = arith.constant 112 : index
    %get3A_509 = tpu.vector_load %arg10[%get3A_507, %get3A_508] {strides = array<i32>} : memref<4x128xi32, #tpu.memory_space<vmem>>, vector<16xi32>,
    %and3A_510 = arith.constant 131071 : i32
    %and3A_511 = vector.broadcast %and3A_510 : i32 to vector<16xi32>
    %and3A_512 = arith.andi %get3A_509, %and3A_511 : vector<16xi32>
    %swap3A_513 = arith.constant 2 : i32
    %swap3A_514 = arith.index_cast %swap3A_513 : i32 to index
    %swap3A_515 = arith.constant 112 : index
    %swap3A_516 = tpu.vector_load %arg12[%swap3A_514, %swap3A_515] {strides = array<i32>} : memref<4x128xi32, #tpu.memory_space<vmem>>, vector<16xi32>,
    tpu.vector_store %arg12[%swap3A_514, %swap3A_515], %and3A_512 {strides = array<i32>} : memref<4x128xi32, #tpu.memory_space<vmem>>, vector<16xi32>,
    %get3A_517 = arith.constant 2 : i32
    %get3A_518 = arith.index_cast %get3A_517 : i32 to index
    %get3A_519 = arith.constant 112 : index
    %get3A_520 = tpu.vector_load %arg11[%get3A_518, %get3A_519] {strides = array<i32>} : memref<4x128xi32, #tpu.memory_space<vmem>>, vector<16xi32>,
    %and3A_521 = arith.constant 16383 : i32
    %and3A_522 = vector.broadcast %and3A_521 : i32 to vector<16xi32>
    %and3A_523 = arith.andi %get3A_520, %and3A_522 : vector<16xi32>
    %swap3A_524 = arith.constant 2 : i32
    %swap3A_525 = arith.index_cast %swap3A_524 : i32 to index
    %swap3A_526 = arith.constant 112 : index
    %swap3A_527 = tpu.vector_load %arg13[%swap3A_525, %swap3A_526] {strides = array<i32>} : memref<4x128xi32, #tpu.memory_space<vmem>>, vector<16xi32>,
    tpu.vector_store %arg13[%swap3A_525, %swap3A_526], %and3A_523 {strides = array<i32>} : memref<4x128xi32, #tpu.memory_space<vmem>>, vector<16xi32>,
    %get3A_528 = arith.constant 3 : i32
    %get3A_529 = arith.index_cast %get3A_528 : i32 to index
    %get3A_530 = arith.constant 0 : index
    %get3A_531 = tpu.vector_load %arg10[%get3A_529, %get3A_530] {strides = array<i32>} : memref<4x128xi32, #tpu.memory_space<vmem>>, vector<16xi32>,
    %and3A_532 = arith.constant 131071 : i32
    %and3A_533 = vector.broadcast %and3A_532 : i32 to vector<16xi32>
    %and3A_534 = arith.andi %get3A_531, %and3A_533 : vector<16xi32>
    %swap3A_535 = arith.constant 3 : i32
    %swap3A_536 = arith.index_cast %swap3A_535 : i32 to index
    %swap3A_537 = arith.constant 0 : index
    %swap3A_538 = tpu.vector_load %arg12[%swap3A_536, %swap3A_537] {strides = array<i32>} : memref<4x128xi32, #tpu.memory_space<vmem>>, vector<16xi32>,
    tpu.vector_store %arg12[%swap3A_536, %swap3A_537], %and3A_534 {strides = array<i32>} : memref<4x128xi32, #tpu.memory_space<vmem>>, vector<16xi32>,
    %get3A_539 = arith.constant 3 : i32
    %get3A_540 = arith.index_cast %get3A_539 : i32 to index
    %get3A_541 = arith.constant 0 : index
    %get3A_542 = tpu.vector_load %arg11[%get3A_540, %get3A_541] {strides = array<i32>} : memref<4x128xi32, #tpu.memory_space<vmem>>, vector<16xi32>,
    %and3A_543 = arith.constant 16383 : i32
    %and3A_544 = vector.broadcast %and3A_543 : i32 to vector<16xi32>
    %and3A_545 = arith.andi %get3A_542, %and3A_544 : vector<16xi32>
    %swap3A_546 = arith.constant 3 : i32
    %swap3A_547 = arith.index_cast %swap3A_546 : i32 to index
    %swap3A_548 = arith.constant 0 : index
    %swap3A_549 = tpu.vector_load %arg13[%swap3A_547, %swap3A_548] {strides = array<i32>} : memref<4x128xi32, #tpu.memory_space<vmem>>, vector<16xi32>,
    tpu.vector_store %arg13[%swap3A_547, %swap3A_548], %and3A_545 {strides = array<i32>} : memref<4x128xi32, #tpu.memory_space<vmem>>, vector<16xi32>,
    %get3A_550 = arith.constant 3 : i32
    %get3A_551 = arith.index_cast %get3A_550 : i32 to index
    %get3A_552 = arith.constant 16 : index
    %get3A_553 = tpu.vector_load %arg10[%get3A_551, %get3A_552] {strides = array<i32>} : memref<4x128xi32, #tpu.memory_space<vmem>>, vector<16xi32>,
    %and3A_554 = arith.constant 131071 : i32
    %and3A_555 = vector.broadcast %and3A_554 : i32 to vector<16xi32>
    %and3A_556 = arith.andi %get3A_553, %and3A_555 : vector<16xi32>
    %swap3A_557 = arith.constant 3 : i32
    %swap3A_558 = arith.index_cast %swap3A_557 : i32 to index
    %swap3A_559 = arith.constant 16 : index
    %swap3A_560 = tpu.vector_load %arg12[%swap3A_558, %swap3A_559] {strides = array<i32>} : memref<4x128xi32, #tpu.memory_space<vmem>>, vector<16xi32>,
    tpu.vector_store %arg12[%swap3A_558, %swap3A_559], %and3A_556 {strides = array<i32>} : memref<4x128xi32, #tpu.memory_space<vmem>>, vector<16xi32>,
    %get3A_561 = arith.constant 3 : i32
    %get3A_562 = arith.index_cast %get3A_561 : i32 to index
    %get3A_563 = arith.constant 16 : index
    %get3A_564 = tpu.vector_load %arg11[%get3A_562, %get3A_563] {strides = array<i32>} : memref<4x128xi32, #tpu.memory_space<vmem>>, vector<16xi32>,
    %and3A_565 = arith.constant 16383 : i32
    %and3A_566 = vector.broadcast %and3A_565 : i32 to vector<16xi32>
    %and3A_567 = arith.andi %get3A_564, %and3A_566 : vector<16xi32>
    %swap3A_568 = arith.constant 3 : i32
    %swap3A_569 = arith.index_cast %swap3A_568 : i32 to index
    %swap3A_570 = arith.constant 16 : index
    %swap3A_571 = tpu.vector_load %arg13[%swap3A_569, %swap3A_570] {strides = array<i32>} : memref<4x128xi32, #tpu.memory_space<vmem>>, vector<16xi32>,
    tpu.vector_store %arg13[%swap3A_569, %swap3A_570], %and3A_567 {strides = array<i32>} : memref<4x128xi32, #tpu.memory_space<vmem>>, vector<16xi32>,
    %get3A_572 = arith.constant 3 : i32
    %get3A_573 = arith.index_cast %get3A_572 : i32 to index
    %get3A_574 = arith.constant 32 : index
    %get3A_575 = tpu.vector_load %arg10[%get3A_573, %get3A_574] {strides = array<i32>} : memref<4x128xi32, #tpu.memory_space<vmem>>, vector<16xi32>,
    %and3A_576 = arith.constant 131071 : i32
    %and3A_577 = vector.broadcast %and3A_576 : i32 to vector<16xi32>
    %and3A_578 = arith.andi %get3A_575, %and3A_577 : vector<16xi32>
    %swap3A_579 = arith.constant 3 : i32
    %swap3A_580 = arith.index_cast %swap3A_579 : i32 to index
    %swap3A_581 = arith.constant 32 : index
    %swap3A_582 = tpu.vector_load %arg12[%swap3A_580, %swap3A_581] {strides = array<i32>} : memref<4x128xi32, #tpu.memory_space<vmem>>, vector<16xi32>,
    tpu.vector_store %arg12[%swap3A_580, %swap3A_581], %and3A_578 {strides = array<i32>} : memref<4x128xi32, #tpu.memory_space<vmem>>, vector<16xi32>,
    %get3A_583 = arith.constant 3 : i32
    %get3A_584 = arith.index_cast %get3A_583 : i32 to index
    %get3A_585 = arith.constant 32 : index
    %get3A_586 = tpu.vector_load %arg11[%get3A_584, %get3A_585] {strides = array<i32>} : memref<4x128xi32, #tpu.memory_space<vmem>>, vector<16xi32>,
    %and3A_587 = arith.constant 16383 : i32
    %and3A_588 = vector.broadcast %and3A_587 : i32 to vector<16xi32>
    %and3A_589 = arith.andi %get3A_586, %and3A_588 : vector<16xi32>
    %swap3A_590 = arith.constant 3 : i32
    %swap3A_591 = arith.index_cast %swap3A_590 : i32 to index
    %swap3A_592 = arith.constant 32 : index
    %swap3A_593 = tpu.vector_load %arg13[%swap3A_591, %swap3A_592] {strides = array<i32>} : memref<4x128xi32, #tpu.memory_space<vmem>>, vector<16xi32>,
    tpu.vector_store %arg13[%swap3A_591, %swap3A_592], %and3A_589 {strides = array<i32>} : memref<4x128xi32, #tpu.memory_space<vmem>>, vector<16xi32>,
    %get3A_594 = arith.constant 3 : i32
    %get3A_595 = arith.index_cast %get3A_594 : i32 to index
    %get3A_596 = arith.constant 48 : index
    %get3A_597 = tpu.vector_load %arg10[%get3A_595, %get3A_596] {strides = array<i32>} : memref<4x128xi32, #tpu.memory_space<vmem>>, vector<16xi32>,
    %and3A_598 = arith.constant 131071 : i32
    %and3A_599 = vector.broadcast %and3A_598 : i32 to vector<16xi32>
    %and3A_600 = arith.andi %get3A_597, %and3A_599 : vector<16xi32>
    %swap3A_601 = arith.constant 3 : i32
    %swap3A_602 = arith.index_cast %swap3A_601 : i32 to index
    %swap3A_603 = arith.constant 48 : index
    %swap3A_604 = tpu.vector_load %arg12[%swap3A_602, %swap3A_603] {strides = array<i32>} : memref<4x128xi32, #tpu.memory_space<vmem>>, vector<16xi32>,
    tpu.vector_store %arg12[%swap3A_602, %swap3A_603], %and3A_600 {strides = array<i32>} : memref<4x128xi32, #tpu.memory_space<vmem>>, vector<16xi32>,
    %get3A_605 = arith.constant 3 : i32
    %get3A_606 = arith.index_cast %get3A_605 : i32 to index
    %get3A_607 = arith.constant 48 : index
    %get3A_608 = tpu.vector_load %arg11[%get3A_606, %get3A_607] {strides = array<i32>} : memref<4x128xi32, #tpu.memory_space<vmem>>, vector<16xi32>,
    %and3A_609 = arith.constant 16383 : i32
    %and3A_610 = vector.broadcast %and3A_609 : i32 to vector<16xi32>
    %and3A_611 = arith.andi %get3A_608, %and3A_610 : vector<16xi32>
    %swap3A_612 = arith.constant 3 : i32
    %swap3A_613 = arith.index_cast %swap3A_612 : i32 to index
    %swap3A_614 = arith.constant 48 : index
    %swap3A_615 = tpu.vector_load %arg13[%swap3A_613, %swap3A_614] {strides = array<i32>} : memref<4x128xi32, #tpu.memory_space<vmem>>, vector<16xi32>,
    tpu.vector_store %arg13[%swap3A_613, %swap3A_614], %and3A_611 {strides = array<i32>} : memref<4x128xi32, #tpu.memory_space<vmem>>, vector<16xi32>,
    %get3A_616 = arith.constant 3 : i32
    %get3A_617 = arith.index_cast %get3A_616 : i32 to index
    %get3A_618 = arith.constant 64 : index
    %get3A_619 = tpu.vector_load %arg10[%get3A_617, %get3A_618] {strides = array<i32>} : memref<4x128xi32, #tpu.memory_space<vmem>>, vector<16xi32>,
    %and3A_620 = arith.constant 131071 : i32
    %and3A_621 = vector.broadcast %and3A_620 : i32 to vector<16xi32>
    %and3A_622 = arith.andi %get3A_619, %and3A_621 : vector<16xi32>
    %swap3A_623 = arith.constant 3 : i32
    %swap3A_624 = arith.index_cast %swap3A_623 : i32 to index
    %swap3A_625 = arith.constant 64 : index
    %swap3A_626 = tpu.vector_load %arg12[%swap3A_624, %swap3A_625] {strides = array<i32>} : memref<4x128xi32, #tpu.memory_space<vmem>>, vector<16xi32>,
    tpu.vector_store %arg12[%swap3A_624, %swap3A_625], %and3A_622 {strides = array<i32>} : memref<4x128xi32, #tpu.memory_space<vmem>>, vector<16xi32>,
    %get3A_627 = arith.constant 3 : i32
    %get3A_628 = arith.index_cast %get3A_627 : i32 to index
    %get3A_629 = arith.constant 64 : index
    %get3A_630 = tpu.vector_load %arg11[%get3A_628, %get3A_629] {strides = array<i32>} : memref<4x128xi32, #tpu.memory_space<vmem>>, vector<16xi32>,
    %and3A_631 = arith.constant 16383 : i32
    %and3A_632 = vector.broadcast %and3A_631 : i32 to vector<16xi32>
    %and3A_633 = arith.andi %get3A_630, %and3A_632 : vector<16xi32>
    %swap3A_634 = arith.constant 3 : i32
    %swap3A_635 = arith.index_cast %swap3A_634 : i32 to index
    %swap3A_636 = arith.constant 64 : index
    %swap3A_637 = tpu.vector_load %arg13[%swap3A_635, %swap3A_636] {strides = array<i32>} : memref<4x128xi32, #tpu.memory_space<vmem>>, vector<16xi32>,
    tpu.vector_store %arg13[%swap3A_635, %swap3A_636], %and3A_633 {strides = array<i32>} : memref<4x128xi32, #tpu.memory_space<vmem>>, vector<16xi32>,
    %get3A_638 = arith.constant 3 : i32
    %get3A_639 = arith.index_cast %get3A_638 : i32 to index
    %get3A_640 = arith.constant 80 : index
    %get3A_641 = tpu.vector_load %arg10[%get3A_639, %get3A_640] {strides = array<i32>} : memref<4x128xi32, #tpu.memory_space<vmem>>, vector<16xi32>,
    %and3A_642 = arith.constant 131071 : i32
    %and3A_643 = vector.broadcast %and3A_642 : i32 to vector<16xi32>
    %and3A_644 = arith.andi %get3A_641, %and3A_643 : vector<16xi32>
    %swap3A_645 = arith.constant 3 : i32
    %swap3A_646 = arith.index_cast %swap3A_645 : i32 to index
    %swap3A_647 = arith.constant 80 : index
    %swap3A_648 = tpu.vector_load %arg12[%swap3A_646, %swap3A_647] {strides = array<i32>} : memref<4x128xi32, #tpu.memory_space<vmem>>, vector<16xi32>,
    tpu.vector_store %arg12[%swap3A_646, %swap3A_647], %and3A_644 {strides = array<i32>} : memref<4x128xi32, #tpu.memory_space<vmem>>, vector<16xi32>,
    %get3A_649 = arith.constant 3 : i32
    %get3A_650 = arith.index_cast %get3A_649 : i32 to index
    %get3A_651 = arith.constant 80 : index
    %get3A_652 = tpu.vector_load %arg11[%get3A_650, %get3A_651] {strides = array<i32>} : memref<4x128xi32, #tpu.memory_space<vmem>>, vector<16xi32>,
    %and3A_653 = arith.constant 16383 : i32
    %and3A_654 = vector.broadcast %and3A_653 : i32 to vector<16xi32>
    %and3A_655 = arith.andi %get3A_652, %and3A_654 : vector<16xi32>
    %swap3A_656 = arith.constant 3 : i32
    %swap3A_657 = arith.index_cast %swap3A_656 : i32 to index
    %swap3A_658 = arith.constant 80 : index
    %swap3A_659 = tpu.vector_load %arg13[%swap3A_657, %swap3A_658] {strides = array<i32>} : memref<4x128xi32, #tpu.memory_space<vmem>>, vector<16xi32>,
    tpu.vector_store %arg13[%swap3A_657, %swap3A_658], %and3A_655 {strides = array<i32>} : memref<4x128xi32, #tpu.memory_space<vmem>>, vector<16xi32>,
    %get3A_660 = arith.constant 3 : i32
    %get3A_661 = arith.index_cast %get3A_660 : i32 to index
    %get3A_662 = arith.constant 96 : index
    %get3A_663 = tpu.vector_load %arg10[%get3A_661, %get3A_662] {strides = array<i32>} : memref<4x128xi32, #tpu.memory_space<vmem>>, vector<16xi32>,
    %and3A_664 = arith.constant 131071 : i32
    %and3A_665 = vector.broadcast %and3A_664 : i32 to vector<16xi32>
    %and3A_666 = arith.andi %get3A_663, %and3A_665 : vector<16xi32>
    %swap3A_667 = arith.constant 3 : i32
    %swap3A_668 = arith.index_cast %swap3A_667 : i32 to index
    %swap3A_669 = arith.constant 96 : index
    %swap3A_670 = tpu.vector_load %arg12[%swap3A_668, %swap3A_669] {strides = array<i32>} : memref<4x128xi32, #tpu.memory_space<vmem>>, vector<16xi32>,
    tpu.vector_store %arg12[%swap3A_668, %swap3A_669], %and3A_666 {strides = array<i32>} : memref<4x128xi32, #tpu.memory_space<vmem>>, vector<16xi32>,
    %get3A_671 = arith.constant 3 : i32
    %get3A_672 = arith.index_cast %get3A_671 : i32 to index
    %get3A_673 = arith.constant 96 : index
    %get3A_674 = tpu.vector_load %arg11[%get3A_672, %get3A_673] {strides = array<i32>} : memref<4x128xi32, #tpu.memory_space<vmem>>, vector<16xi32>,
    %and3A_675 = arith.constant 16383 : i32
    %and3A_676 = vector.broadcast %and3A_675 : i32 to vector<16xi32>
    %and3A_677 = arith.andi %get3A_674, %and3A_676 : vector<16xi32>
    %swap3A_678 = arith.constant 3 : i32
    %swap3A_679 = arith.index_cast %swap3A_678 : i32 to index
    %swap3A_680 = arith.constant 96 : index
    %swap3A_681 = tpu.vector_load %arg13[%swap3A_679, %swap3A_680] {strides = array<i32>} : memref<4x128xi32, #tpu.memory_space<vmem>>, vector<16xi32>,
    tpu.vector_store %arg13[%swap3A_679, %swap3A_680], %and3A_677 {strides = array<i32>} : memref<4x128xi32, #tpu.memory_space<vmem>>, vector<16xi32>,
    %get3A_682 = arith.constant 3 : i32
    %get3A_683 = arith.index_cast %get3A_682 : i32 to index
    %get3A_684 = arith.constant 112 : index
    %get3A_685 = tpu.vector_load %arg10[%get3A_683, %get3A_684] {strides = array<i32>} : memref<4x128xi32, #tpu.memory_space<vmem>>, vector<16xi32>,
    %and3A_686 = arith.constant 131071 : i32
    %and3A_687 = vector.broadcast %and3A_686 : i32 to vector<16xi32>
    %and3A_688 = arith.andi %get3A_685, %and3A_687 : vector<16xi32>
    %swap3A_689 = arith.constant 3 : i32
    %swap3A_690 = arith.index_cast %swap3A_689 : i32 to index
    %swap3A_691 = arith.constant 112 : index
    %swap3A_692 = tpu.vector_load %arg12[%swap3A_690, %swap3A_691] {strides = array<i32>} : memref<4x128xi32, #tpu.memory_space<vmem>>, vector<16xi32>,
    tpu.vector_store %arg12[%swap3A_690, %swap3A_691], %and3A_688 {strides = array<i32>} : memref<4x128xi32, #tpu.memory_space<vmem>>, vector<16xi32>,
    %get3A_693 = arith.constant 3 : i32
    %get3A_694 = arith.index_cast %get3A_693 : i32 to index
    %get3A_695 = arith.constant 112 : index
    %get3A_696 = tpu.vector_load %arg11[%get3A_694, %get3A_695] {strides = array<i32>} : memref<4x128xi32, #tpu.memory_space<vmem>>, vector<16xi32>,
    %and3A_697 = arith.constant 16383 : i32
    %and3A_698 = vector.broadcast %and3A_697 : i32 to vector<16xi32>
    %and3A_699 = arith.andi %get3A_696, %and3A_698 : vector<16xi32>
    %swap3A_700 = arith.constant 3 : i32
    %swap3A_701 = arith.index_cast %swap3A_700 : i32 to index
    %swap3A_702 = arith.constant 112 : index
    %swap3A_703 = tpu.vector_load %arg13[%swap3A_701, %swap3A_702] {strides = array<i32>} : memref<4x128xi32, #tpu.memory_space<vmem>>, vector<16xi32>,
    tpu.vector_store %arg13[%swap3A_701, %swap3A_702], %and3A_699 {strides = array<i32>} : memref<4x128xi32, #tpu.memory_space<vmem>>, vector<16xi32>,
    %get3A_704 = arith.constant 0 : index
    %get3A_705 = tpu.vector_load %arg19[%get3A_704] {strides = array<i32>} : memref<16xf32, #tpu.memory_space<vmem>>, vector<16xf32>,
    %dma_start3A = arith.constant 0 : i32
    %dma_start3A_706 = arith.constant 0 : i32
    %dma_start3A_707 = arith.constant 0 : i32
    %dma_start3A_708 = tpu.memref_slice %arg14[%dma_start3A_706, %dma_start3A_707] : memref<256x128xi32, #tpu.memory_space<vmem>> -> memref<128x128xi32, #tpu.memory_space<vmem>>
    %dma_start3A_709 = arith.constant 0 : i32
    %dma_start3A_710 = tpu.memref_slice %arg12[%dma_start3A, %dma_start3A_709] : memref<4x128xi32, #tpu.memory_space<vmem>> -> memref<1x128xi32, #tpu.memory_space<vmem>>
    %dma_start3A_711 = tpu.memref_squeeze %dma_start3A_710 : memref<1x128xi32, #tpu.memory_space<vmem>> -> memref<128xi32, #tpu.memory_space<vmem>>
    %dma_start3A_712 = arith.constant 0 : i32
    %dma_start3A_713 = arith.constant 0 : i32
    %dma_start3A_714 = tpu.memref_slice %arg7[%dma_start3A_712, %dma_start3A_713] : memref<131072x128xi32, #tpu.memory_space<hbm>> -> memref<131072x128xi32, #tpu.memory_space<hbm>>
    tpu.enqueue_indirect_dma source(%dma_start3A_714 : memref<131072x128xi32, #tpu.memory_space<hbm>>) target(%dma_start3A_708 : memref<128x128xi32, #tpu.memory_space<vmem>>) offsets(%dma_start3A_711 : memref<128xi32, #tpu.memory_space<vmem>>) semaphore(%arg20 : memref<!tpu.dma_semaphore, #tpu.memory_space<semaphore_mem>>)
    %dma_start3A_715 = arith.constant 0 : i32
    %dma_start3A_716 = arith.constant 0 : i32
    %dma_start3A_717 = arith.constant 0 : i32
    %dma_start3A_718 = tpu.memref_slice %arg15[%dma_start3A_716, %dma_start3A_717] : memref<256x128xi32, #tpu.memory_space<vmem>> -> memref<128x128xi32, #tpu.memory_space<vmem>>
    %dma_start3A_719 = arith.constant 0 : i32
    %dma_start3A_720 = tpu.memref_slice %arg13[%dma_start3A_715, %dma_start3A_719] : memref<4x128xi32, #tpu.memory_space<vmem>> -> memref<1x128xi32, #tpu.memory_space<vmem>>
    %dma_start3A_721 = tpu.memref_squeeze %dma_start3A_720 : memref<1x128xi32, #tpu.memory_space<vmem>> -> memref<128xi32, #tpu.memory_space<vmem>>
    %dma_start3A_722 = arith.constant 0 : i32
    %dma_start3A_723 = arith.constant 0 : i32
    %dma_start3A_724 = tpu.memref_slice %arg8[%dma_start3A_722, %dma_start3A_723] : memref<16384x128xi32, #tpu.memory_space<hbm>> -> memref<16384x128xi32, #tpu.memory_space<hbm>>
    tpu.enqueue_indirect_dma source(%dma_start3A_724 : memref<16384x128xi32, #tpu.memory_space<hbm>>) target(%dma_start3A_718 : memref<128x128xi32, #tpu.memory_space<vmem>>) offsets(%dma_start3A_721 : memref<128xi32, #tpu.memory_space<vmem>>) semaphore(%arg20 : memref<!tpu.dma_semaphore, #tpu.memory_space<semaphore_mem>>)
    %dma_start3A_725 = arith.constant 0 : i32
    %dma_start3A_726 = arith.constant 0 : i32
    %dma_start3A_727 = tpu.memref_slice %arg16[%dma_start3A_726] : memref<512xf32, #tpu.memory_space<vmem>> -> memref<128xf32, #tpu.memory_space<vmem>>
    %dma_start3A_728 = arith.constant 0 : i32
    %dma_start3A_729 = tpu.memref_slice %arg10[%dma_start3A_725, %dma_start3A_728] : memref<4x128xi32, #tpu.memory_space<vmem>> -> memref<1x128xi32, #tpu.memory_space<vmem>>
    %dma_start3A_730 = tpu.memref_squeeze %dma_start3A_729 : memref<1x128xi32, #tpu.memory_space<vmem>> -> memref<128xi32, #tpu.memory_space<vmem>>
    %dma_start3A_731 = arith.constant 0 : i32
    %dma_start3A_732 = tpu.memref_slice %arg5[%dma_start3A_731] : memref<1000000xf32, #tpu.memory_space<hbm>> -> memref<1000000xf32, #tpu.memory_space<hbm>>
    tpu.enqueue_indirect_dma source(%dma_start3A_732 : memref<1000000xf32, #tpu.memory_space<hbm>>) target(%dma_start3A_727 : memref<128xf32, #tpu.memory_space<vmem>>) offsets(%dma_start3A_730 : memref<128xi32, #tpu.memory_space<vmem>>) semaphore(%arg20 : memref<!tpu.dma_semaphore, #tpu.memory_space<semaphore_mem>>)
    %dma_start3A_733 = arith.constant 0 : i32
    %dma_start3A_734 = arith.constant 0 : i32
    %dma_start3A_735 = tpu.memref_slice %arg17[%dma_start3A_734] : memref<512xf32, #tpu.memory_space<vmem>> -> memref<128xf32, #tpu.memory_space<vmem>>
    %dma_start3A_736 = arith.constant 0 : i32
    %dma_start3A_737 = tpu.memref_slice %arg11[%dma_start3A_733, %dma_start3A_736] : memref<4x128xi32, #tpu.memory_space<vmem>> -> memref<1x128xi32, #tpu.memory_space<vmem>>
    %dma_start3A_738 = tpu.memref_squeeze %dma_start3A_737 : memref<1x128xi32, #tpu.memory_space<vmem>> -> memref<128xi32, #tpu.memory_space<vmem>>
    %dma_start3A_739 = arith.constant 0 : i32
    %dma_start3A_740 = tpu.memref_slice %arg6[%dma_start3A_739] : memref<100000xf32, #tpu.memory_space<hbm>> -> memref<100000xf32, #tpu.memory_space<hbm>>
    tpu.enqueue_indirect_dma source(%dma_start3A_740 : memref<100000xf32, #tpu.memory_space<hbm>>) target(%dma_start3A_735 : memref<128xf32, #tpu.memory_space<vmem>>) offsets(%dma_start3A_738 : memref<128xi32, #tpu.memory_space<vmem>>) semaphore(%arg20 : memref<!tpu.dma_semaphore, #tpu.memory_space<semaphore_mem>>)
    %dma_wait3A = arith.constant 0 : i32
    %dma_wait3A_741 = arith.constant 0 : i32
    %dma_wait3A_742 = arith.constant 0 : i32
    %dma_wait3A_743 = tpu.memref_slice %arg14[%dma_wait3A_741, %dma_wait3A_742] : memref<256x128xi32, #tpu.memory_space<vmem>> -> memref<128x128xi32, #tpu.memory_space<vmem>>
    %dma_wait3A_744 = arith.constant 0 : i32
    %dma_wait3A_745 = tpu.memref_slice %arg12[%dma_wait3A, %dma_wait3A_744] : memref<4x128xi32, #tpu.memory_space<vmem>> -> memref<1x128xi32, #tpu.memory_space<vmem>>
    %dma_wait3A_746 = tpu.memref_squeeze %dma_wait3A_745 : memref<1x128xi32, #tpu.memory_space<vmem>> -> memref<128xi32, #tpu.memory_space<vmem>>
    %dma_wait3A_747 = arith.constant 0 : i32
    %dma_wait3A_748 = arith.constant 0 : i32
    %dma_wait3A_749 = tpu.memref_slice %arg7[%dma_wait3A_747, %dma_wait3A_748] : memref<131072x128xi32, #tpu.memory_space<hbm>> -> memref<131072x128xi32, #tpu.memory_space<hbm>>
    tpu.wait_indirect_dma semaphore(%arg20 : memref<!tpu.dma_semaphore, #tpu.memory_space<semaphore_mem>>) src(%dma_wait3A_749 : memref<131072x128xi32, #tpu.memory_space<hbm>>) dst(%dma_wait3A_743 : memref<128x128xi32, #tpu.memory_space<vmem>>)
    %dma_wait3A_750 = arith.constant 0 : i32
    %dma_wait3A_751 = arith.constant 0 : i32
    %dma_wait3A_752 = arith.constant 0 : i32
    %dma_wait3A_753 = tpu.memref_slice %arg15[%dma_wait3A_751, %dma_wait3A_752] : memref<256x128xi32, #tpu.memory_space<vmem>> -> memref<128x128xi32, #tpu.memory_space<vmem>>
    %dma_wait3A_754 = arith.constant 0 : i32
    %dma_wait3A_755 = tpu.memref_slice %arg13[%dma_wait3A_750, %dma_wait3A_754] : memref<4x128xi32, #tpu.memory_space<vmem>> -> memref<1x128xi32, #tpu.memory_space<vmem>>
    %dma_wait3A_756 = tpu.memref_squeeze %dma_wait3A_755 : memref<1x128xi32, #tpu.memory_space<vmem>> -> memref<128xi32, #tpu.memory_space<vmem>>
    %dma_wait3A_757 = arith.constant 0 : i32
    %dma_wait3A_758 = arith.constant 0 : i32
    %dma_wait3A_759 = tpu.memref_slice %arg8[%dma_wait3A_757, %dma_wait3A_758] : memref<16384x128xi32, #tpu.memory_space<hbm>> -> memref<16384x128xi32, #tpu.memory_space<hbm>>
    tpu.wait_indirect_dma semaphore(%arg20 : memref<!tpu.dma_semaphore, #tpu.memory_space<semaphore_mem>>) src(%dma_wait3A_759 : memref<16384x128xi32, #tpu.memory_space<hbm>>) dst(%dma_wait3A_753 : memref<128x128xi32, #tpu.memory_space<vmem>>)
    %dma_wait3A_760 = arith.constant 0 : i32
    %dma_wait3A_761 = arith.constant 0 : i32
    %dma_wait3A_762 = tpu.memref_slice %arg16[%dma_wait3A_761] : memref<512xf32, #tpu.memory_space<vmem>> -> memref<128xf32, #tpu.memory_space<vmem>>
    %dma_wait3A_763 = arith.constant 0 : i32
    %dma_wait3A_764 = tpu.memref_slice %arg10[%dma_wait3A_760, %dma_wait3A_763] : memref<4x128xi32, #tpu.memory_space<vmem>> -> memref<1x128xi32, #tpu.memory_space<vmem>>
    %dma_wait3A_765 = tpu.memref_squeeze %dma_wait3A_764 : memref<1x128xi32, #tpu.memory_space<vmem>> -> memref<128xi32, #tpu.memory_space<vmem>>
    %dma_wait3A_766 = arith.constant 0 : i32
    %dma_wait3A_767 = tpu.memref_slice %arg5[%dma_wait3A_766] : memref<1000000xf32, #tpu.memory_space<hbm>> -> memref<1000000xf32, #tpu.memory_space<hbm>>
    tpu.wait_indirect_dma semaphore(%arg20 : memref<!tpu.dma_semaphore, #tpu.memory_space<semaphore_mem>>) src(%dma_wait3A_767 : memref<1000000xf32, #tpu.memory_space<hbm>>) dst(%dma_wait3A_762 : memref<128xf32, #tpu.memory_space<vmem>>)
    %dma_wait3A_768 = arith.constant 0 : i32
    %dma_wait3A_769 = arith.constant 0 : i32
    %dma_wait3A_770 = tpu.memref_slice %arg17[%dma_wait3A_769] : memref<512xf32, #tpu.memory_space<vmem>> -> memref<128xf32, #tpu.memory_space<vmem>>
    %dma_wait3A_771 = arith.constant 0 : i32
    %dma_wait3A_772 = tpu.memref_slice %arg11[%dma_wait3A_768, %dma_wait3A_771] : memref<4x128xi32, #tpu.memory_space<vmem>> -> memref<1x128xi32, #tpu.memory_space<vmem>>
    %dma_wait3A_773 = tpu.memref_squeeze %dma_wait3A_772 : memref<1x128xi32, #tpu.memory_space<vmem>> -> memref<128xi32, #tpu.memory_space<vmem>>
    %dma_wait3A_774 = arith.constant 0 : i32
    %dma_wait3A_775 = tpu.memref_slice %arg6[%dma_wait3A_774] : memref<100000xf32, #tpu.memory_space<hbm>> -> memref<100000xf32, #tpu.memory_space<hbm>>
    tpu.wait_indirect_dma semaphore(%arg20 : memref<!tpu.dma_semaphore, #tpu.memory_space<semaphore_mem>>) src(%dma_wait3A_775 : memref<100000xf32, #tpu.memory_space<hbm>>) dst(%dma_wait3A_770 : memref<128xf32, #tpu.memory_space<vmem>>)
    %dma_start3A_776 = arith.constant 1 : i32
    %dma_start3A_777 = arith.constant 128 : i32
    %dma_start3A_778 = arith.constant 0 : i32
    %dma_start3A_779 = tpu.memref_slice %arg14[%dma_start3A_777, %dma_start3A_778] : memref<256x128xi32, #tpu.memory_space<vmem>> -> memref<128x128xi32, #tpu.memory_space<vmem>>
    %dma_start3A_780 = arith.constant 0 : i32
    %dma_start3A_781 = tpu.memref_slice %arg12[%dma_start3A_776, %dma_start3A_780] : memref<4x128xi32, #tpu.memory_space<vmem>> -> memref<1x128xi32, #tpu.memory_space<vmem>>
    %dma_start3A_782 = tpu.memref_squeeze %dma_start3A_781 : memref<1x128xi32, #tpu.memory_space<vmem>> -> memref<128xi32, #tpu.memory_space<vmem>>
    %dma_start3A_783 = arith.constant 0 : i32
    %dma_start3A_784 = arith.constant 0 : i32
    %dma_start3A_785 = tpu.memref_slice %arg7[%dma_start3A_783, %dma_start3A_784] : memref<131072x128xi32, #tpu.memory_space<hbm>> -> memref<131072x128xi32, #tpu.memory_space<hbm>>
    tpu.enqueue_indirect_dma source(%dma_start3A_785 : memref<131072x128xi32, #tpu.memory_space<hbm>>) target(%dma_start3A_779 : memref<128x128xi32, #tpu.memory_space<vmem>>) offsets(%dma_start3A_782 : memref<128xi32, #tpu.memory_space<vmem>>) semaphore(%arg21 : memref<!tpu.dma_semaphore, #tpu.memory_space<semaphore_mem>>)
    %dma_start3A_786 = arith.constant 1 : i32
    %dma_start3A_787 = arith.constant 128 : i32
    %dma_start3A_788 = arith.constant 0 : i32
    %dma_start3A_789 = tpu.memref_slice %arg15[%dma_start3A_787, %dma_start3A_788] : memref<256x128xi32, #tpu.memory_space<vmem>> -> memref<128x128xi32, #tpu.memory_space<vmem>>
    %dma_start3A_790 = arith.constant 0 : i32
    %dma_start3A_791 = tpu.memref_slice %arg13[%dma_start3A_786, %dma_start3A_790] : memref<4x128xi32, #tpu.memory_space<vmem>> -> memref<1x128xi32, #tpu.memory_space<vmem>>
    %dma_start3A_792 = tpu.memref_squeeze %dma_start3A_791 : memref<1x128xi32, #tpu.memory_space<vmem>> -> memref<128xi32, #tpu.memory_space<vmem>>
    %dma_start3A_793 = arith.constant 0 : i32
    %dma_start3A_794 = arith.constant 0 : i32
    %dma_start3A_795 = tpu.memref_slice %arg8[%dma_start3A_793, %dma_start3A_794] : memref<16384x128xi32, #tpu.memory_space<hbm>> -> memref<16384x128xi32, #tpu.memory_space<hbm>>
    tpu.enqueue_indirect_dma source(%dma_start3A_795 : memref<16384x128xi32, #tpu.memory_space<hbm>>) target(%dma_start3A_789 : memref<128x128xi32, #tpu.memory_space<vmem>>) offsets(%dma_start3A_792 : memref<128xi32, #tpu.memory_space<vmem>>) semaphore(%arg21 : memref<!tpu.dma_semaphore, #tpu.memory_space<semaphore_mem>>)
    %dma_start3A_796 = arith.constant 1 : i32
    %dma_start3A_797 = arith.constant 128 : i32
    %dma_start3A_798 = tpu.memref_slice %arg16[%dma_start3A_797] : memref<512xf32, #tpu.memory_space<vmem>> -> memref<128xf32, #tpu.memory_space<vmem>>
    %dma_start3A_799 = arith.constant 0 : i32
    %dma_start3A_800 = tpu.memref_slice %arg10[%dma_start3A_796, %dma_start3A_799] : memref<4x128xi32, #tpu.memory_space<vmem>> -> memref<1x128xi32, #tpu.memory_space<vmem>>
    %dma_start3A_801 = tpu.memref_squeeze %dma_start3A_800 : memref<1x128xi32, #tpu.memory_space<vmem>> -> memref<128xi32, #tpu.memory_space<vmem>>
    %dma_start3A_802 = arith.constant 0 : i32
    %dma_start3A_803 = tpu.memref_slice %arg5[%dma_start3A_802] : memref<1000000xf32, #tpu.memory_space<hbm>> -> memref<1000000xf32, #tpu.memory_space<hbm>>
    tpu.enqueue_indirect_dma source(%dma_start3A_803 : memref<1000000xf32, #tpu.memory_space<hbm>>) target(%dma_start3A_798 : memref<128xf32, #tpu.memory_space<vmem>>) offsets(%dma_start3A_801 : memref<128xi32, #tpu.memory_space<vmem>>) semaphore(%arg21 : memref<!tpu.dma_semaphore, #tpu.memory_space<semaphore_mem>>)
    %dma_start3A_804 = arith.constant 1 : i32
    %dma_start3A_805 = arith.constant 128 : i32
    %dma_start3A_806 = tpu.memref_slice %arg17[%dma_start3A_805] : memref<512xf32, #tpu.memory_space<vmem>> -> memref<128xf32, #tpu.memory_space<vmem>>
    %dma_start3A_807 = arith.constant 0 : i32
    %dma_start3A_808 = tpu.memref_slice %arg11[%dma_start3A_804, %dma_start3A_807] : memref<4x128xi32, #tpu.memory_space<vmem>> -> memref<1x128xi32, #tpu.memory_space<vmem>>
    %dma_start3A_809 = tpu.memref_squeeze %dma_start3A_808 : memref<1x128xi32, #tpu.memory_space<vmem>> -> memref<128xi32, #tpu.memory_space<vmem>>
    %dma_start3A_810 = arith.constant 0 : i32
    %dma_start3A_811 = tpu.memref_slice %arg6[%dma_start3A_810] : memref<100000xf32, #tpu.memory_space<hbm>> -> memref<100000xf32, #tpu.memory_space<hbm>>
    tpu.enqueue_indirect_dma source(%dma_start3A_811 : memref<100000xf32, #tpu.memory_space<hbm>>) target(%dma_start3A_806 : memref<128xf32, #tpu.memory_space<vmem>>) offsets(%dma_start3A_809 : memref<128xi32, #tpu.memory_space<vmem>>) semaphore(%arg21 : memref<!tpu.dma_semaphore, #tpu.memory_space<semaphore_mem>>)
    %scan3A = arith.constant 0 : i32
    %scan3A_812 = arith.constant 0 : i32
    %scan3A_813 = arith.constant 8 : i32
    %scan3A_814 = arith.addi %scan3A_812, %scan3A_813 : i32
    %scan3A_815 = arith.constant 1 : i32
    scf.for %scan3A_1017 = %scan3A_812 to %scan3A_814 step %scan3A_815  : i32 {
      %mul3A_1018 = arith.constant 16 : i32
      %mul3A_1019 = arith.muli %scan3A_1017, %mul3A_1018 : i32
      %add3A_1020 = arith.constant 0 : i32
      %add3A_1021 = arith.addi %add3A_1020, %mul3A_1019 : i32
      %iota3A = tpu.iota {dimensions = array<i32: 0>} : vector<16xi32>
      %add3A_1022 = vector.broadcast %add3A_1021 : i32 to vector<16xi32>
      %add3A_1023 = arith.addi %add3A_1022, %iota3A : vector<16xi32>
      %mul3A_1024 = arith.constant 16 : i32
      %mul3A_1025 = arith.muli %scan3A_1017, %mul3A_1024 : i32
      %get3A_1026 = arith.constant 0 : i32
      %get3A_1027 = arith.index_cast %get3A_1026 : i32 to index
      %get3A_1028 = arith.index_cast %mul3A_1025 : i32 to index
      %get3A_1029 = tpu.vector_load %arg10[%get3A_1027, %get3A_1028] {strides = array<i32>} : memref<4x128xi32, #tpu.memory_space<vmem>>, vector<16xi32>,
      %shift_right_arithmetic3A = arith.constant 17 : i32
      %shift_right_arithmetic3A_1030 = vector.broadcast %shift_right_arithmetic3A : i32 to vector<16xi32>
      %shift_right_arithmetic3A_1031 = arith.shrsi %get3A_1029, %shift_right_arithmetic3A_1030 : vector<16xi32>
      %shift_left3A = arith.constant 5 : i32
      %shift_left3A_1032 = vector.broadcast %shift_left3A : i32 to vector<16xi32>
      %shift_left3A_1033 = arith.shli %shift_right_arithmetic3A_1031, %shift_left3A_1032 : vector<16xi32>
      %get3A_1034 = arith.constant 0 : i32
      %get3A_1035 = arith.index_cast %get3A_1034 : i32 to index
      %get3A_1036 = arith.index_cast %mul3A_1025 : i32 to index
      %get3A_1037 = tpu.vector_load %arg11[%get3A_1035, %get3A_1036] {strides = array<i32>} : memref<4x128xi32, #tpu.memory_space<vmem>>, vector<16xi32>,
      %shift_right_arithmetic3A_1038 = arith.constant 14 : i32
      %shift_right_arithmetic3A_1039 = vector.broadcast %shift_right_arithmetic3A_1038 : i32 to vector<16xi32>
      %shift_right_arithmetic3A_1040 = arith.shrsi %get3A_1037, %shift_right_arithmetic3A_1039 : vector<16xi32>
      %shift_left3A_1041 = arith.constant 5 : i32
      %shift_left3A_1042 = vector.broadcast %shift_left3A_1041 : i32 to vector<16xi32>
      %shift_left3A_1043 = arith.shli %shift_right_arithmetic3A_1040, %shift_left3A_1042 : vector<16xi32>
      %and3A_1044 = arith.constant 127 : i32
      %and3A_1045 = vector.broadcast %and3A_1044 : i32 to vector<16xi32>
      %and3A_1046 = arith.andi %shift_left3A_1033, %and3A_1045 : vector<16xi32>
      %and3A_1047 = arith.constant 127 : i32
      %and3A_1048 = vector.broadcast %and3A_1047 : i32 to vector<16xi32>
      %and3A_1049 = arith.andi %shift_left3A_1043, %and3A_1048 : vector<16xi32>
      %shift_right_arithmetic3A_1050 = arith.constant 7 : i32
      %shift_right_arithmetic3A_1051 = vector.broadcast %shift_right_arithmetic3A_1050 : i32 to vector<16xi32>
      %shift_right_arithmetic3A_1052 = arith.shrsi %shift_left3A_1033, %shift_right_arithmetic3A_1051 : vector<16xi32>
      %shift_left3A_1053 = arith.constant 4 : i32
      %shift_left3A_1054 = vector.broadcast %shift_left3A_1053 : i32 to vector<16xi32>
      %shift_left3A_1055 = arith.shli %shift_right_arithmetic3A_1052, %shift_left3A_1054 : vector<16xi32>
      %shift_right_arithmetic3A_1056 = arith.constant 7 : i32
      %shift_right_arithmetic3A_1057 = vector.broadcast %shift_right_arithmetic3A_1056 : i32 to vector<16xi32>
      %shift_right_arithmetic3A_1058 = arith.shrsi %shift_left3A_1043, %shift_right_arithmetic3A_1057 : vector<16xi32>
      %shift_left3A_1059 = arith.constant 4 : i32
      %shift_left3A_1060 = vector.broadcast %shift_left3A_1059 : i32 to vector<16xi32>
      %shift_left3A_1061 = arith.shli %shift_right_arithmetic3A_1058, %shift_left3A_1060 : vector<16xi32>
      %mul3A_1062 = arith.constant 16 : i32
      %mul3A_1063 = arith.muli %scan3A_1017, %mul3A_1062 : i32
      %add3A_1064 = arith.constant 0 : i32
      %add3A_1065 = arith.addi %add3A_1064, %mul3A_1063 : i32
      %get3A_1066 = arith.index_cast %add3A_1065 : i32 to index
      %get3A_1067 = tpu.vector_load %arg16[%get3A_1066] {strides = array<i32>} : memref<512xf32, #tpu.memory_space<vmem>>, vector<16xf32>,
      %get3A_1068 = arith.index_cast %add3A_1065 : i32 to index
      %get3A_1069 = tpu.vector_load %arg17[%get3A_1068] {strides = array<i32>} : memref<512xf32, #tpu.memory_space<vmem>>, vector<16xf32>,
      %add3A_1070 = arith.addf %get3A_1067, %get3A_1069 : vector<16xf32>
      %add3A_1071 = arith.addf %add3A_1070, %get3A_705 : vector<16xf32>
      %add3A_1072 = arith.constant 0 : i32
      %add3A_1073 = vector.broadcast %add3A_1072 : i32 to vector<16xi32>
      %add3A_1074 = arith.addi %and3A_1046, %add3A_1073 : vector<16xi32>
      %gather3A = tpu.vector_load_idx %arg14[%add3A_1023, %add3A_1074] : memref<256x128xi32, #tpu.memory_space<vmem>>[vector<16xi32>, vector<16xi32>], vector<16xi32>,
      %add3A_1075 = arith.constant 0 : i32
      %add3A_1076 = vector.broadcast %add3A_1075 : i32 to vector<16xi32>
      %add3A_1077 = arith.addi %and3A_1049, %add3A_1076 : vector<16xi32>
      %gather3A_1078 = tpu.vector_load_idx %arg15[%add3A_1023, %add3A_1077] : memref<256x128xi32, #tpu.memory_space<vmem>>[vector<16xi32>, vector<16xi32>], vector<16xi32>,
      %shift_right_arithmetic3A_1079 = arith.shrsi %gather3A, %shift_left3A_1055 : vector<16xi32>
      %shift_left3A_1080 = arith.constant 16 : i32
      %shift_left3A_1081 = vector.broadcast %shift_left3A_1080 : i32 to vector<16xi32>
      %shift_left3A_1082 = arith.shli %shift_right_arithmetic3A_1079, %shift_left3A_1081 : vector<16xi32>
      %bitcast3A = vector.bitcast %shift_left3A_1082 : vector<16xi32> to vector<16xf32>
      %shift_right_arithmetic3A_1083 = arith.shrsi %gather3A_1078, %shift_left3A_1061 : vector<16xi32>
      %shift_left3A_1084 = arith.constant 16 : i32
      %shift_left3A_1085 = vector.broadcast %shift_left3A_1084 : i32 to vector<16xi32>
      %shift_left3A_1086 = arith.shli %shift_right_arithmetic3A_1083, %shift_left3A_1085 : vector<16xi32>
      %bitcast3A_1087 = vector.bitcast %shift_left3A_1086 : vector<16xi32> to vector<16xf32>
      %mul3A_1088 = arith.mulf %bitcast3A, %bitcast3A_1087 : vector<16xf32>
      %add3A_1089 = arith.addf %add3A_1071, %mul3A_1088 : vector<16xf32>
      %add3A_1090 = arith.constant 1 : i32
      %add3A_1091 = vector.broadcast %add3A_1090 : i32 to vector<16xi32>
      %add3A_1092 = arith.addi %and3A_1046, %add3A_1091 : vector<16xi32>
      %gather3A_1093 = tpu.vector_load_idx %arg14[%add3A_1023, %add3A_1092] : memref<256x128xi32, #tpu.memory_space<vmem>>[vector<16xi32>, vector<16xi32>], vector<16xi32>,
      %add3A_1094 = arith.constant 1 : i32
      %add3A_1095 = vector.broadcast %add3A_1094 : i32 to vector<16xi32>
      %add3A_1096 = arith.addi %and3A_1049, %add3A_1095 : vector<16xi32>
      %gather3A_1097 = tpu.vector_load_idx %arg15[%add3A_1023, %add3A_1096] : memref<256x128xi32, #tpu.memory_space<vmem>>[vector<16xi32>, vector<16xi32>], vector<16xi32>,
      %shift_right_arithmetic3A_1098 = arith.shrsi %gather3A_1093, %shift_left3A_1055 : vector<16xi32>
      %shift_left3A_1099 = arith.constant 16 : i32
      %shift_left3A_1100 = vector.broadcast %shift_left3A_1099 : i32 to vector<16xi32>
      %shift_left3A_1101 = arith.shli %shift_right_arithmetic3A_1098, %shift_left3A_1100 : vector<16xi32>
      %bitcast3A_1102 = vector.bitcast %shift_left3A_1101 : vector<16xi32> to vector<16xf32>
      %shift_right_arithmetic3A_1103 = arith.shrsi %gather3A_1097, %shift_left3A_1061 : vector<16xi32>
      %shift_left3A_1104 = arith.constant 16 : i32
      %shift_left3A_1105 = vector.broadcast %shift_left3A_1104 : i32 to vector<16xi32>
      %shift_left3A_1106 = arith.shli %shift_right_arithmetic3A_1103, %shift_left3A_1105 : vector<16xi32>
      %bitcast3A_1107 = vector.bitcast %shift_left3A_1106 : vector<16xi32> to vector<16xf32>
      %mul3A_1108 = arith.mulf %bitcast3A_1102, %bitcast3A_1107 : vector<16xf32>
      %add3A_1109 = arith.addf %add3A_1089, %mul3A_1108 : vector<16xf32>
      %add3A_1110 = arith.constant 2 : i32
      %add3A_1111 = vector.broadcast %add3A_1110 : i32 to vector<16xi32>
      %add3A_1112 = arith.addi %and3A_1046, %add3A_1111 : vector<16xi32>
      %gather3A_1113 = tpu.vector_load_idx %arg14[%add3A_1023, %add3A_1112] : memref<256x128xi32, #tpu.memory_space<vmem>>[vector<16xi32>, vector<16xi32>], vector<16xi32>,
      %add3A_1114 = arith.constant 2 : i32
      %add3A_1115 = vector.broadcast %add3A_1114 : i32 to vector<16xi32>
      %add3A_1116 = arith.addi %and3A_1049, %add3A_1115 : vector<16xi32>
      %gather3A_1117 = tpu.vector_load_idx %arg15[%add3A_1023, %add3A_1116] : memref<256x128xi32, #tpu.memory_space<vmem>>[vector<16xi32>, vector<16xi32>], vector<16xi32>,
      %shift_right_arithmetic3A_1118 = arith.shrsi %gather3A_1113, %shift_left3A_1055 : vector<16xi32>
      %shift_left3A_1119 = arith.constant 16 : i32
      %shift_left3A_1120 = vector.broadcast %shift_left3A_1119 : i32 to vector<16xi32>
      %shift_left3A_1121 = arith.shli %shift_right_arithmetic3A_1118, %shift_left3A_1120 : vector<16xi32>
      %bitcast3A_1122 = vector.bitcast %shift_left3A_1121 : vector<16xi32> to vector<16xf32>
      %shift_right_arithmetic3A_1123 = arith.shrsi %gather3A_1117, %shift_left3A_1061 : vector<16xi32>
      %shift_left3A_1124 = arith.constant 16 : i32
      %shift_left3A_1125 = vector.broadcast %shift_left3A_1124 : i32 to vector<16xi32>
      %shift_left3A_1126 = arith.shli %shift_right_arithmetic3A_1123, %shift_left3A_1125 : vector<16xi32>
      %bitcast3A_1127 = vector.bitcast %shift_left3A_1126 : vector<16xi32> to vector<16xf32>
      %mul3A_1128 = arith.mulf %bitcast3A_1122, %bitcast3A_1127 : vector<16xf32>
      %add3A_1129 = arith.addf %add3A_1109, %mul3A_1128 : vector<16xf32>
      %add3A_1130 = arith.constant 3 : i32
      %add3A_1131 = vector.broadcast %add3A_1130 : i32 to vector<16xi32>
      %add3A_1132 = arith.addi %and3A_1046, %add3A_1131 : vector<16xi32>
      %gather3A_1133 = tpu.vector_load_idx %arg14[%add3A_1023, %add3A_1132] : memref<256x128xi32, #tpu.memory_space<vmem>>[vector<16xi32>, vector<16xi32>], vector<16xi32>,
      %add3A_1134 = arith.constant 3 : i32
      %add3A_1135 = vector.broadcast %add3A_1134 : i32 to vector<16xi32>
      %add3A_1136 = arith.addi %and3A_1049, %add3A_1135 : vector<16xi32>
      %gather3A_1137 = tpu.vector_load_idx %arg15[%add3A_1023, %add3A_1136] : memref<256x128xi32, #tpu.memory_space<vmem>>[vector<16xi32>, vector<16xi32>], vector<16xi32>,
      %shift_right_arithmetic3A_1138 = arith.shrsi %gather3A_1133, %shift_left3A_1055 : vector<16xi32>
      %shift_left3A_1139 = arith.constant 16 : i32
      %shift_left3A_1140 = vector.broadcast %shift_left3A_1139 : i32 to vector<16xi32>
      %shift_left3A_1141 = arith.shli %shift_right_arithmetic3A_1138, %shift_left3A_1140 : vector<16xi32>
      %bitcast3A_1142 = vector.bitcast %shift_left3A_1141 : vector<16xi32> to vector<16xf32>
      %shift_right_arithmetic3A_1143 = arith.shrsi %gather3A_1137, %shift_left3A_1061 : vector<16xi32>
      %shift_left3A_1144 = arith.constant 16 : i32
      %shift_left3A_1145 = vector.broadcast %shift_left3A_1144 : i32 to vector<16xi32>
      %shift_left3A_1146 = arith.shli %shift_right_arithmetic3A_1143, %shift_left3A_1145 : vector<16xi32>
      %bitcast3A_1147 = vector.bitcast %shift_left3A_1146 : vector<16xi32> to vector<16xf32>
      %mul3A_1148 = arith.mulf %bitcast3A_1142, %bitcast3A_1147 : vector<16xf32>
      %add3A_1149 = arith.addf %add3A_1129, %mul3A_1148 : vector<16xf32>
      %add3A_1150 = arith.constant 4 : i32
      %add3A_1151 = vector.broadcast %add3A_1150 : i32 to vector<16xi32>
      %add3A_1152 = arith.addi %and3A_1046, %add3A_1151 : vector<16xi32>
      %gather3A_1153 = tpu.vector_load_idx %arg14[%add3A_1023, %add3A_1152] : memref<256x128xi32, #tpu.memory_space<vmem>>[vector<16xi32>, vector<16xi32>], vector<16xi32>,
      %add3A_1154 = arith.constant 4 : i32
      %add3A_1155 = vector.broadcast %add3A_1154 : i32 to vector<16xi32>
      %add3A_1156 = arith.addi %and3A_1049, %add3A_1155 : vector<16xi32>
      %gather3A_1157 = tpu.vector_load_idx %arg15[%add3A_1023, %add3A_1156] : memref<256x128xi32, #tpu.memory_space<vmem>>[vector<16xi32>, vector<16xi32>], vector<16xi32>,
      %shift_right_arithmetic3A_1158 = arith.shrsi %gather3A_1153, %shift_left3A_1055 : vector<16xi32>
      %shift_left3A_1159 = arith.constant 16 : i32
      %shift_left3A_1160 = vector.broadcast %shift_left3A_1159 : i32 to vector<16xi32>
      %shift_left3A_1161 = arith.shli %shift_right_arithmetic3A_1158, %shift_left3A_1160 : vector<16xi32>
      %bitcast3A_1162 = vector.bitcast %shift_left3A_1161 : vector<16xi32> to vector<16xf32>
      %shift_right_arithmetic3A_1163 = arith.shrsi %gather3A_1157, %shift_left3A_1061 : vector<16xi32>
      %shift_left3A_1164 = arith.constant 16 : i32
      %shift_left3A_1165 = vector.broadcast %shift_left3A_1164 : i32 to vector<16xi32>
      %shift_left3A_1166 = arith.shli %shift_right_arithmetic3A_1163, %shift_left3A_1165 : vector<16xi32>
      %bitcast3A_1167 = vector.bitcast %shift_left3A_1166 : vector<16xi32> to vector<16xf32>
      %mul3A_1168 = arith.mulf %bitcast3A_1162, %bitcast3A_1167 : vector<16xf32>
      %add3A_1169 = arith.addf %add3A_1149, %mul3A_1168 : vector<16xf32>
      %add3A_1170 = arith.constant 5 : i32
      %add3A_1171 = vector.broadcast %add3A_1170 : i32 to vector<16xi32>
      %add3A_1172 = arith.addi %and3A_1046, %add3A_1171 : vector<16xi32>
      %gather3A_1173 = tpu.vector_load_idx %arg14[%add3A_1023, %add3A_1172] : memref<256x128xi32, #tpu.memory_space<vmem>>[vector<16xi32>, vector<16xi32>], vector<16xi32>,
      %add3A_1174 = arith.constant 5 : i32
      %add3A_1175 = vector.broadcast %add3A_1174 : i32 to vector<16xi32>
      %add3A_1176 = arith.addi %and3A_1049, %add3A_1175 : vector<16xi32>
      %gather3A_1177 = tpu.vector_load_idx %arg15[%add3A_1023, %add3A_1176] : memref<256x128xi32, #tpu.memory_space<vmem>>[vector<16xi32>, vector<16xi32>], vector<16xi32>,
      %shift_right_arithmetic3A_1178 = arith.shrsi %gather3A_1173, %shift_left3A_1055 : vector<16xi32>
      %shift_left3A_1179 = arith.constant 16 : i32
      %shift_left3A_1180 = vector.broadcast %shift_left3A_1179 : i32 to vector<16xi32>
      %shift_left3A_1181 = arith.shli %shift_right_arithmetic3A_1178, %shift_left3A_1180 : vector<16xi32>
      %bitcast3A_1182 = vector.bitcast %shift_left3A_1181 : vector<16xi32> to vector<16xf32>
      %shift_right_arithmetic3A_1183 = arith.shrsi %gather3A_1177, %shift_left3A_1061 : vector<16xi32>
      %shift_left3A_1184 = arith.constant 16 : i32
      %shift_left3A_1185 = vector.broadcast %shift_left3A_1184 : i32 to vector<16xi32>
      %shift_left3A_1186 = arith.shli %shift_right_arithmetic3A_1183, %shift_left3A_1185 : vector<16xi32>
      %bitcast3A_1187 = vector.bitcast %shift_left3A_1186 : vector<16xi32> to vector<16xf32>
      %mul3A_1188 = arith.mulf %bitcast3A_1182, %bitcast3A_1187 : vector<16xf32>
      %add3A_1189 = arith.addf %add3A_1169, %mul3A_1188 : vector<16xf32>
      %add3A_1190 = arith.constant 6 : i32
      %add3A_1191 = vector.broadcast %add3A_1190 : i32 to vector<16xi32>
      %add3A_1192 = arith.addi %and3A_1046, %add3A_1191 : vector<16xi32>
      %gather3A_1193 = tpu.vector_load_idx %arg14[%add3A_1023, %add3A_1192] : memref<256x128xi32, #tpu.memory_space<vmem>>[vector<16xi32>, vector<16xi32>], vector<16xi32>,
      %add3A_1194 = arith.constant 6 : i32
      %add3A_1195 = vector.broadcast %add3A_1194 : i32 to vector<16xi32>
      %add3A_1196 = arith.addi %and3A_1049, %add3A_1195 : vector<16xi32>
      %gather3A_1197 = tpu.vector_load_idx %arg15[%add3A_1023, %add3A_1196] : memref<256x128xi32, #tpu.memory_space<vmem>>[vector<16xi32>, vector<16xi32>], vector<16xi32>,
      %shift_right_arithmetic3A_1198 = arith.shrsi %gather3A_1193, %shift_left3A_1055 : vector<16xi32>
      %shift_left3A_1199 = arith.constant 16 : i32
      %shift_left3A_1200 = vector.broadcast %shift_left3A_1199 : i32 to vector<16xi32>
      %shift_left3A_1201 = arith.shli %shift_right_arithmetic3A_1198, %shift_left3A_1200 : vector<16xi32>
      %bitcast3A_1202 = vector.bitcast %shift_left3A_1201 : vector<16xi32> to vector<16xf32>
      %shift_right_arithmetic3A_1203 = arith.shrsi %gather3A_1197, %shift_left3A_1061 : vector<16xi32>
      %shift_left3A_1204 = arith.constant 16 : i32
      %shift_left3A_1205 = vector.broadcast %shift_left3A_1204 : i32 to vector<16xi32>
      %shift_left3A_1206 = arith.shli %shift_right_arithmetic3A_1203, %shift_left3A_1205 : vector<16xi32>
      %bitcast3A_1207 = vector.bitcast %shift_left3A_1206 : vector<16xi32> to vector<16xf32>
      %mul3A_1208 = arith.mulf %bitcast3A_1202, %bitcast3A_1207 : vector<16xf32>
      %add3A_1209 = arith.addf %add3A_1189, %mul3A_1208 : vector<16xf32>
      %add3A_1210 = arith.constant 7 : i32
      %add3A_1211 = vector.broadcast %add3A_1210 : i32 to vector<16xi32>
      %add3A_1212 = arith.addi %and3A_1046, %add3A_1211 : vector<16xi32>
      %gather3A_1213 = tpu.vector_load_idx %arg14[%add3A_1023, %add3A_1212] : memref<256x128xi32, #tpu.memory_space<vmem>>[vector<16xi32>, vector<16xi32>], vector<16xi32>,
      %add3A_1214 = arith.constant 7 : i32
      %add3A_1215 = vector.broadcast %add3A_1214 : i32 to vector<16xi32>
      %add3A_1216 = arith.addi %and3A_1049, %add3A_1215 : vector<16xi32>
      %gather3A_1217 = tpu.vector_load_idx %arg15[%add3A_1023, %add3A_1216] : memref<256x128xi32, #tpu.memory_space<vmem>>[vector<16xi32>, vector<16xi32>], vector<16xi32>,
      %shift_right_arithmetic3A_1218 = arith.shrsi %gather3A_1213, %shift_left3A_1055 : vector<16xi32>
      %shift_left3A_1219 = arith.constant 16 : i32
      %shift_left3A_1220 = vector.broadcast %shift_left3A_1219 : i32 to vector<16xi32>
      %shift_left3A_1221 = arith.shli %shift_right_arithmetic3A_1218, %shift_left3A_1220 : vector<16xi32>
      %bitcast3A_1222 = vector.bitcast %shift_left3A_1221 : vector<16xi32> to vector<16xf32>
      %shift_right_arithmetic3A_1223 = arith.shrsi %gather3A_1217, %shift_left3A_1061 : vector<16xi32>
      %shift_left3A_1224 = arith.constant 16 : i32
      %shift_left3A_1225 = vector.broadcast %shift_left3A_1224 : i32 to vector<16xi32>
      %shift_left3A_1226 = arith.shli %shift_right_arithmetic3A_1223, %shift_left3A_1225 : vector<16xi32>
      %bitcast3A_1227 = vector.bitcast %shift_left3A_1226 : vector<16xi32> to vector<16xf32>
      %mul3A_1228 = arith.mulf %bitcast3A_1222, %bitcast3A_1227 : vector<16xf32>
      %add3A_1229 = arith.addf %add3A_1209, %mul3A_1228 : vector<16xf32>
      %add3A_1230 = arith.constant 8 : i32
      %add3A_1231 = vector.broadcast %add3A_1230 : i32 to vector<16xi32>
      %add3A_1232 = arith.addi %and3A_1046, %add3A_1231 : vector<16xi32>
      %gather3A_1233 = tpu.vector_load_idx %arg14[%add3A_1023, %add3A_1232] : memref<256x128xi32, #tpu.memory_space<vmem>>[vector<16xi32>, vector<16xi32>], vector<16xi32>,
      %add3A_1234 = arith.constant 8 : i32
      %add3A_1235 = vector.broadcast %add3A_1234 : i32 to vector<16xi32>
      %add3A_1236 = arith.addi %and3A_1049, %add3A_1235 : vector<16xi32>
      %gather3A_1237 = tpu.vector_load_idx %arg15[%add3A_1023, %add3A_1236] : memref<256x128xi32, #tpu.memory_space<vmem>>[vector<16xi32>, vector<16xi32>], vector<16xi32>,
      %shift_right_arithmetic3A_1238 = arith.shrsi %gather3A_1233, %shift_left3A_1055 : vector<16xi32>
      %shift_left3A_1239 = arith.constant 16 : i32
      %shift_left3A_1240 = vector.broadcast %shift_left3A_1239 : i32 to vector<16xi32>
      %shift_left3A_1241 = arith.shli %shift_right_arithmetic3A_1238, %shift_left3A_1240 : vector<16xi32>
      %bitcast3A_1242 = vector.bitcast %shift_left3A_1241 : vector<16xi32> to vector<16xf32>
      %shift_right_arithmetic3A_1243 = arith.shrsi %gather3A_1237, %shift_left3A_1061 : vector<16xi32>
      %shift_left3A_1244 = arith.constant 16 : i32
      %shift_left3A_1245 = vector.broadcast %shift_left3A_1244 : i32 to vector<16xi32>
      %shift_left3A_1246 = arith.shli %shift_right_arithmetic3A_1243, %shift_left3A_1245 : vector<16xi32>
      %bitcast3A_1247 = vector.bitcast %shift_left3A_1246 : vector<16xi32> to vector<16xf32>
      %mul3A_1248 = arith.mulf %bitcast3A_1242, %bitcast3A_1247 : vector<16xf32>
      %add3A_1249 = arith.addf %add3A_1229, %mul3A_1248 : vector<16xf32>
      %add3A_1250 = arith.constant 9 : i32
      %add3A_1251 = vector.broadcast %add3A_1250 : i32 to vector<16xi32>
      %add3A_1252 = arith.addi %and3A_1046, %add3A_1251 : vector<16xi32>
      %gather3A_1253 = tpu.vector_load_idx %arg14[%add3A_1023, %add3A_1252] : memref<256x128xi32, #tpu.memory_space<vmem>>[vector<16xi32>, vector<16xi32>], vector<16xi32>,
      %add3A_1254 = arith.constant 9 : i32
      %add3A_1255 = vector.broadcast %add3A_1254 : i32 to vector<16xi32>
      %add3A_1256 = arith.addi %and3A_1049, %add3A_1255 : vector<16xi32>
      %gather3A_1257 = tpu.vector_load_idx %arg15[%add3A_1023, %add3A_1256] : memref<256x128xi32, #tpu.memory_space<vmem>>[vector<16xi32>, vector<16xi32>], vector<16xi32>,
      %shift_right_arithmetic3A_1258 = arith.shrsi %gather3A_1253, %shift_left3A_1055 : vector<16xi32>
      %shift_left3A_1259 = arith.constant 16 : i32
      %shift_left3A_1260 = vector.broadcast %shift_left3A_1259 : i32 to vector<16xi32>
      %shift_left3A_1261 = arith.shli %shift_right_arithmetic3A_1258, %shift_left3A_1260 : vector<16xi32>
      %bitcast3A_1262 = vector.bitcast %shift_left3A_1261 : vector<16xi32> to vector<16xf32>
      %shift_right_arithmetic3A_1263 = arith.shrsi %gather3A_1257, %shift_left3A_1061 : vector<16xi32>
      %shift_left3A_1264 = arith.constant 16 : i32
      %shift_left3A_1265 = vector.broadcast %shift_left3A_1264 : i32 to vector<16xi32>
      %shift_left3A_1266 = arith.shli %shift_right_arithmetic3A_1263, %shift_left3A_1265 : vector<16xi32>
      %bitcast3A_1267 = vector.bitcast %shift_left3A_1266 : vector<16xi32> to vector<16xf32>
      %mul3A_1268 = arith.mulf %bitcast3A_1262, %bitcast3A_1267 : vector<16xf32>
      %add3A_1269 = arith.addf %add3A_1249, %mul3A_1268 : vector<16xf32>
      %add3A_1270 = arith.constant 10 : i32
      %add3A_1271 = vector.broadcast %add3A_1270 : i32 to vector<16xi32>
      %add3A_1272 = arith.addi %and3A_1046, %add3A_1271 : vector<16xi32>
      %gather3A_1273 = tpu.vector_load_idx %arg14[%add3A_1023, %add3A_1272] : memref<256x128xi32, #tpu.memory_space<vmem>>[vector<16xi32>, vector<16xi32>], vector<16xi32>,
      %add3A_1274 = arith.constant 10 : i32
      %add3A_1275 = vector.broadcast %add3A_1274 : i32 to vector<16xi32>
      %add3A_1276 = arith.addi %and3A_1049, %add3A_1275 : vector<16xi32>
      %gather3A_1277 = tpu.vector_load_idx %arg15[%add3A_1023, %add3A_1276] : memref<256x128xi32, #tpu.memory_space<vmem>>[vector<16xi32>, vector<16xi32>], vector<16xi32>,
      %shift_right_arithmetic3A_1278 = arith.shrsi %gather3A_1273, %shift_left3A_1055 : vector<16xi32>
      %shift_left3A_1279 = arith.constant 16 : i32
      %shift_left3A_1280 = vector.broadcast %shift_left3A_1279 : i32 to vector<16xi32>
      %shift_left3A_1281 = arith.shli %shift_right_arithmetic3A_1278, %shift_left3A_1280 : vector<16xi32>
      %bitcast3A_1282 = vector.bitcast %shift_left3A_1281 : vector<16xi32> to vector<16xf32>
      %shift_right_arithmetic3A_1283 = arith.shrsi %gather3A_1277, %shift_left3A_1061 : vector<16xi32>
      %shift_left3A_1284 = arith.constant 16 : i32
      %shift_left3A_1285 = vector.broadcast %shift_left3A_1284 : i32 to vector<16xi32>
      %shift_left3A_1286 = arith.shli %shift_right_arithmetic3A_1283, %shift_left3A_1285 : vector<16xi32>
      %bitcast3A_1287 = vector.bitcast %shift_left3A_1286 : vector<16xi32> to vector<16xf32>
      %mul3A_1288 = arith.mulf %bitcast3A_1282, %bitcast3A_1287 : vector<16xf32>
      %add3A_1289 = arith.addf %add3A_1269, %mul3A_1288 : vector<16xf32>
      %add3A_1290 = arith.constant 11 : i32
      %add3A_1291 = vector.broadcast %add3A_1290 : i32 to vector<16xi32>
      %add3A_1292 = arith.addi %and3A_1046, %add3A_1291 : vector<16xi32>
      %gather3A_1293 = tpu.vector_load_idx %arg14[%add3A_1023, %add3A_1292] : memref<256x128xi32, #tpu.memory_space<vmem>>[vector<16xi32>, vector<16xi32>], vector<16xi32>,
      %add3A_1294 = arith.constant 11 : i32
      %add3A_1295 = vector.broadcast %add3A_1294 : i32 to vector<16xi32>
      %add3A_1296 = arith.addi %and3A_1049, %add3A_1295 : vector<16xi32>
      %gather3A_1297 = tpu.vector_load_idx %arg15[%add3A_1023, %add3A_1296] : memref<256x128xi32, #tpu.memory_space<vmem>>[vector<16xi32>, vector<16xi32>], vector<16xi32>,
      %shift_right_arithmetic3A_1298 = arith.shrsi %gather3A_1293, %shift_left3A_1055 : vector<16xi32>
      %shift_left3A_1299 = arith.constant 16 : i32
      %shift_left3A_1300 = vector.broadcast %shift_left3A_1299 : i32 to vector<16xi32>
      %shift_left3A_1301 = arith.shli %shift_right_arithmetic3A_1298, %shift_left3A_1300 : vector<16xi32>
      %bitcast3A_1302 = vector.bitcast %shift_left3A_1301 : vector<16xi32> to vector<16xf32>
      %shift_right_arithmetic3A_1303 = arith.shrsi %gather3A_1297, %shift_left3A_1061 : vector<16xi32>
      %shift_left3A_1304 = arith.constant 16 : i32
      %shift_left3A_1305 = vector.broadcast %shift_left3A_1304 : i32 to vector<16xi32>
      %shift_left3A_1306 = arith.shli %shift_right_arithmetic3A_1303, %shift_left3A_1305 : vector<16xi32>
      %bitcast3A_1307 = vector.bitcast %shift_left3A_1306 : vector<16xi32> to vector<16xf32>
      %mul3A_1308 = arith.mulf %bitcast3A_1302, %bitcast3A_1307 : vector<16xf32>
      %add3A_1309 = arith.addf %add3A_1289, %mul3A_1308 : vector<16xf32>
      %add3A_1310 = arith.constant 12 : i32
      %add3A_1311 = vector.broadcast %add3A_1310 : i32 to vector<16xi32>
      %add3A_1312 = arith.addi %and3A_1046, %add3A_1311 : vector<16xi32>
      %gather3A_1313 = tpu.vector_load_idx %arg14[%add3A_1023, %add3A_1312] : memref<256x128xi32, #tpu.memory_space<vmem>>[vector<16xi32>, vector<16xi32>], vector<16xi32>,
      %add3A_1314 = arith.constant 12 : i32
      %add3A_1315 = vector.broadcast %add3A_1314 : i32 to vector<16xi32>
      %add3A_1316 = arith.addi %and3A_1049, %add3A_1315 : vector<16xi32>
      %gather3A_1317 = tpu.vector_load_idx %arg15[%add3A_1023, %add3A_1316] : memref<256x128xi32, #tpu.memory_space<vmem>>[vector<16xi32>, vector<16xi32>], vector<16xi32>,
      %shift_right_arithmetic3A_1318 = arith.shrsi %gather3A_1313, %shift_left3A_1055 : vector<16xi32>
      %shift_left3A_1319 = arith.constant 16 : i32
      %shift_left3A_1320 = vector.broadcast %shift_left3A_1319 : i32 to vector<16xi32>
      %shift_left3A_1321 = arith.shli %shift_right_arithmetic3A_1318, %shift_left3A_1320 : vector<16xi32>
      %bitcast3A_1322 = vector.bitcast %shift_left3A_1321 : vector<16xi32> to vector<16xf32>
      %shift_right_arithmetic3A_1323 = arith.shrsi %gather3A_1317, %shift_left3A_1061 : vector<16xi32>
      %shift_left3A_1324 = arith.constant 16 : i32
      %shift_left3A_1325 = vector.broadcast %shift_left3A_1324 : i32 to vector<16xi32>
      %shift_left3A_1326 = arith.shli %shift_right_arithmetic3A_1323, %shift_left3A_1325 : vector<16xi32>
      %bitcast3A_1327 = vector.bitcast %shift_left3A_1326 : vector<16xi32> to vector<16xf32>
      %mul3A_1328 = arith.mulf %bitcast3A_1322, %bitcast3A_1327 : vector<16xf32>
      %add3A_1329 = arith.addf %add3A_1309, %mul3A_1328 : vector<16xf32>
      %add3A_1330 = arith.constant 13 : i32
      %add3A_1331 = vector.broadcast %add3A_1330 : i32 to vector<16xi32>
      %add3A_1332 = arith.addi %and3A_1046, %add3A_1331 : vector<16xi32>
      %gather3A_1333 = tpu.vector_load_idx %arg14[%add3A_1023, %add3A_1332] : memref<256x128xi32, #tpu.memory_space<vmem>>[vector<16xi32>, vector<16xi32>], vector<16xi32>,
      %add3A_1334 = arith.constant 13 : i32
      %add3A_1335 = vector.broadcast %add3A_1334 : i32 to vector<16xi32>
      %add3A_1336 = arith.addi %and3A_1049, %add3A_1335 : vector<16xi32>
      %gather3A_1337 = tpu.vector_load_idx %arg15[%add3A_1023, %add3A_1336] : memref<256x128xi32, #tpu.memory_space<vmem>>[vector<16xi32>, vector<16xi32>], vector<16xi32>,
      %shift_right_arithmetic3A_1338 = arith.shrsi %gather3A_1333, %shift_left3A_1055 : vector<16xi32>
      %shift_left3A_1339 = arith.constant 16 : i32
      %shift_left3A_1340 = vector.broadcast %shift_left3A_1339 : i32 to vector<16xi32>
      %shift_left3A_1341 = arith.shli %shift_right_arithmetic3A_1338, %shift_left3A_1340 : vector<16xi32>
      %bitcast3A_1342 = vector.bitcast %shift_left3A_1341 : vector<16xi32> to vector<16xf32>
      %shift_right_arithmetic3A_1343 = arith.shrsi %gather3A_1337, %shift_left3A_1061 : vector<16xi32>
      %shift_left3A_1344 = arith.constant 16 : i32
      %shift_left3A_1345 = vector.broadcast %shift_left3A_1344 : i32 to vector<16xi32>
      %shift_left3A_1346 = arith.shli %shift_right_arithmetic3A_1343, %shift_left3A_1345 : vector<16xi32>
      %bitcast3A_1347 = vector.bitcast %shift_left3A_1346 : vector<16xi32> to vector<16xf32>
      %mul3A_1348 = arith.mulf %bitcast3A_1342, %bitcast3A_1347 : vector<16xf32>
      %add3A_1349 = arith.addf %add3A_1329, %mul3A_1348 : vector<16xf32>
      %add3A_1350 = arith.constant 14 : i32
      %add3A_1351 = vector.broadcast %add3A_1350 : i32 to vector<16xi32>
      %add3A_1352 = arith.addi %and3A_1046, %add3A_1351 : vector<16xi32>
      %gather3A_1353 = tpu.vector_load_idx %arg14[%add3A_1023, %add3A_1352] : memref<256x128xi32, #tpu.memory_space<vmem>>[vector<16xi32>, vector<16xi32>], vector<16xi32>,
      %add3A_1354 = arith.constant 14 : i32
      %add3A_1355 = vector.broadcast %add3A_1354 : i32 to vector<16xi32>
      %add3A_1356 = arith.addi %and3A_1049, %add3A_1355 : vector<16xi32>
      %gather3A_1357 = tpu.vector_load_idx %arg15[%add3A_1023, %add3A_1356] : memref<256x128xi32, #tpu.memory_space<vmem>>[vector<16xi32>, vector<16xi32>], vector<16xi32>,
      %shift_right_arithmetic3A_1358 = arith.shrsi %gather3A_1353, %shift_left3A_1055 : vector<16xi32>
      %shift_left3A_1359 = arith.constant 16 : i32
      %shift_left3A_1360 = vector.broadcast %shift_left3A_1359 : i32 to vector<16xi32>
      %shift_left3A_1361 = arith.shli %shift_right_arithmetic3A_1358, %shift_left3A_1360 : vector<16xi32>
      %bitcast3A_1362 = vector.bitcast %shift_left3A_1361 : vector<16xi32> to vector<16xf32>
      %shift_right_arithmetic3A_1363 = arith.shrsi %gather3A_1357, %shift_left3A_1061 : vector<16xi32>
      %shift_left3A_1364 = arith.constant 16 : i32
      %shift_left3A_1365 = vector.broadcast %shift_left3A_1364 : i32 to vector<16xi32>
      %shift_left3A_1366 = arith.shli %shift_right_arithmetic3A_1363, %shift_left3A_1365 : vector<16xi32>
      %bitcast3A_1367 = vector.bitcast %shift_left3A_1366 : vector<16xi32> to vector<16xf32>
      %mul3A_1368 = arith.mulf %bitcast3A_1362, %bitcast3A_1367 : vector<16xf32>
      %add3A_1369 = arith.addf %add3A_1349, %mul3A_1368 : vector<16xf32>
      %add3A_1370 = arith.constant 15 : i32
      %add3A_1371 = vector.broadcast %add3A_1370 : i32 to vector<16xi32>
      %add3A_1372 = arith.addi %and3A_1046, %add3A_1371 : vector<16xi32>
      %gather3A_1373 = tpu.vector_load_idx %arg14[%add3A_1023, %add3A_1372] : memref<256x128xi32, #tpu.memory_space<vmem>>[vector<16xi32>, vector<16xi32>], vector<16xi32>,
      %add3A_1374 = arith.constant 15 : i32
      %add3A_1375 = vector.broadcast %add3A_1374 : i32 to vector<16xi32>
      %add3A_1376 = arith.addi %and3A_1049, %add3A_1375 : vector<16xi32>
      %gather3A_1377 = tpu.vector_load_idx %arg15[%add3A_1023, %add3A_1376] : memref<256x128xi32, #tpu.memory_space<vmem>>[vector<16xi32>, vector<16xi32>], vector<16xi32>,
      %shift_right_arithmetic3A_1378 = arith.shrsi %gather3A_1373, %shift_left3A_1055 : vector<16xi32>
      %shift_left3A_1379 = arith.constant 16 : i32
      %shift_left3A_1380 = vector.broadcast %shift_left3A_1379 : i32 to vector<16xi32>
      %shift_left3A_1381 = arith.shli %shift_right_arithmetic3A_1378, %shift_left3A_1380 : vector<16xi32>
      %bitcast3A_1382 = vector.bitcast %shift_left3A_1381 : vector<16xi32> to vector<16xf32>
      %shift_right_arithmetic3A_1383 = arith.shrsi %gather3A_1377, %shift_left3A_1061 : vector<16xi32>
      %shift_left3A_1384 = arith.constant 16 : i32
      %shift_left3A_1385 = vector.broadcast %shift_left3A_1384 : i32 to vector<16xi32>
      %shift_left3A_1386 = arith.shli %shift_right_arithmetic3A_1383, %shift_left3A_1385 : vector<16xi32>
      %bitcast3A_1387 = vector.bitcast %shift_left3A_1386 : vector<16xi32> to vector<16xf32>
      %mul3A_1388 = arith.mulf %bitcast3A_1382, %bitcast3A_1387 : vector<16xf32>
      %add3A_1389 = arith.addf %add3A_1369, %mul3A_1388 : vector<16xf32>
      %add3A_1390 = arith.constant 16 : i32
      %add3A_1391 = vector.broadcast %add3A_1390 : i32 to vector<16xi32>
      %add3A_1392 = arith.addi %and3A_1046, %add3A_1391 : vector<16xi32>
      %gather3A_1393 = tpu.vector_load_idx %arg14[%add3A_1023, %add3A_1392] : memref<256x128xi32, #tpu.memory_space<vmem>>[vector<16xi32>, vector<16xi32>], vector<16xi32>,
      %add3A_1394 = arith.constant 16 : i32
      %add3A_1395 = vector.broadcast %add3A_1394 : i32 to vector<16xi32>
      %add3A_1396 = arith.addi %and3A_1049, %add3A_1395 : vector<16xi32>
      %gather3A_1397 = tpu.vector_load_idx %arg15[%add3A_1023, %add3A_1396] : memref<256x128xi32, #tpu.memory_space<vmem>>[vector<16xi32>, vector<16xi32>], vector<16xi32>,
      %shift_right_arithmetic3A_1398 = arith.shrsi %gather3A_1393, %shift_left3A_1055 : vector<16xi32>
      %shift_left3A_1399 = arith.constant 16 : i32
      %shift_left3A_1400 = vector.broadcast %shift_left3A_1399 : i32 to vector<16xi32>
      %shift_left3A_1401 = arith.shli %shift_right_arithmetic3A_1398, %shift_left3A_1400 : vector<16xi32>
      %bitcast3A_1402 = vector.bitcast %shift_left3A_1401 : vector<16xi32> to vector<16xf32>
      %shift_right_arithmetic3A_1403 = arith.shrsi %gather3A_1397, %shift_left3A_1061 : vector<16xi32>
      %shift_left3A_1404 = arith.constant 16 : i32
      %shift_left3A_1405 = vector.broadcast %shift_left3A_1404 : i32 to vector<16xi32>
      %shift_left3A_1406 = arith.shli %shift_right_arithmetic3A_1403, %shift_left3A_1405 : vector<16xi32>
      %bitcast3A_1407 = vector.bitcast %shift_left3A_1406 : vector<16xi32> to vector<16xf32>
      %mul3A_1408 = arith.mulf %bitcast3A_1402, %bitcast3A_1407 : vector<16xf32>
      %add3A_1409 = arith.addf %add3A_1389, %mul3A_1408 : vector<16xf32>
      %add3A_1410 = arith.constant 17 : i32
      %add3A_1411 = vector.broadcast %add3A_1410 : i32 to vector<16xi32>
      %add3A_1412 = arith.addi %and3A_1046, %add3A_1411 : vector<16xi32>
      %gather3A_1413 = tpu.vector_load_idx %arg14[%add3A_1023, %add3A_1412] : memref<256x128xi32, #tpu.memory_space<vmem>>[vector<16xi32>, vector<16xi32>], vector<16xi32>,
      %add3A_1414 = arith.constant 17 : i32
      %add3A_1415 = vector.broadcast %add3A_1414 : i32 to vector<16xi32>
      %add3A_1416 = arith.addi %and3A_1049, %add3A_1415 : vector<16xi32>
      %gather3A_1417 = tpu.vector_load_idx %arg15[%add3A_1023, %add3A_1416] : memref<256x128xi32, #tpu.memory_space<vmem>>[vector<16xi32>, vector<16xi32>], vector<16xi32>,
      %shift_right_arithmetic3A_1418 = arith.shrsi %gather3A_1413, %shift_left3A_1055 : vector<16xi32>
      %shift_left3A_1419 = arith.constant 16 : i32
      %shift_left3A_1420 = vector.broadcast %shift_left3A_1419 : i32 to vector<16xi32>
      %shift_left3A_1421 = arith.shli %shift_right_arithmetic3A_1418, %shift_left3A_1420 : vector<16xi32>
      %bitcast3A_1422 = vector.bitcast %shift_left3A_1421 : vector<16xi32> to vector<16xf32>
      %shift_right_arithmetic3A_1423 = arith.shrsi %gather3A_1417, %shift_left3A_1061 : vector<16xi32>
      %shift_left3A_1424 = arith.constant 16 : i32
      %shift_left3A_1425 = vector.broadcast %shift_left3A_1424 : i32 to vector<16xi32>
      %shift_left3A_1426 = arith.shli %shift_right_arithmetic3A_1423, %shift_left3A_1425 : vector<16xi32>
      %bitcast3A_1427 = vector.bitcast %shift_left3A_1426 : vector<16xi32> to vector<16xf32>
      %mul3A_1428 = arith.mulf %bitcast3A_1422, %bitcast3A_1427 : vector<16xf32>
      %add3A_1429 = arith.addf %add3A_1409, %mul3A_1428 : vector<16xf32>
      %add3A_1430 = arith.constant 18 : i32
      %add3A_1431 = vector.broadcast %add3A_1430 : i32 to vector<16xi32>
      %add3A_1432 = arith.addi %and3A_1046, %add3A_1431 : vector<16xi32>
      %gather3A_1433 = tpu.vector_load_idx %arg14[%add3A_1023, %add3A_1432] : memref<256x128xi32, #tpu.memory_space<vmem>>[vector<16xi32>, vector<16xi32>], vector<16xi32>,
      %add3A_1434 = arith.constant 18 : i32
      %add3A_1435 = vector.broadcast %add3A_1434 : i32 to vector<16xi32>
      %add3A_1436 = arith.addi %and3A_1049, %add3A_1435 : vector<16xi32>
      %gather3A_1437 = tpu.vector_load_idx %arg15[%add3A_1023, %add3A_1436] : memref<256x128xi32, #tpu.memory_space<vmem>>[vector<16xi32>, vector<16xi32>], vector<16xi32>,
      %shift_right_arithmetic3A_1438 = arith.shrsi %gather3A_1433, %shift_left3A_1055 : vector<16xi32>
      %shift_left3A_1439 = arith.constant 16 : i32
      %shift_left3A_1440 = vector.broadcast %shift_left3A_1439 : i32 to vector<16xi32>
      %shift_left3A_1441 = arith.shli %shift_right_arithmetic3A_1438, %shift_left3A_1440 : vector<16xi32>
      %bitcast3A_1442 = vector.bitcast %shift_left3A_1441 : vector<16xi32> to vector<16xf32>
      %shift_right_arithmetic3A_1443 = arith.shrsi %gather3A_1437, %shift_left3A_1061 : vector<16xi32>
      %shift_left3A_1444 = arith.constant 16 : i32
      %shift_left3A_1445 = vector.broadcast %shift_left3A_1444 : i32 to vector<16xi32>
      %shift_left3A_1446 = arith.shli %shift_right_arithmetic3A_1443, %shift_left3A_1445 : vector<16xi32>
      %bitcast3A_1447 = vector.bitcast %shift_left3A_1446 : vector<16xi32> to vector<16xf32>
      %mul3A_1448 = arith.mulf %bitcast3A_1442, %bitcast3A_1447 : vector<16xf32>
      %add3A_1449 = arith.addf %add3A_1429, %mul3A_1448 : vector<16xf32>
      %add3A_1450 = arith.constant 19 : i32
      %add3A_1451 = vector.broadcast %add3A_1450 : i32 to vector<16xi32>
      %add3A_1452 = arith.addi %and3A_1046, %add3A_1451 : vector<16xi32>
      %gather3A_1453 = tpu.vector_load_idx %arg14[%add3A_1023, %add3A_1452] : memref<256x128xi32, #tpu.memory_space<vmem>>[vector<16xi32>, vector<16xi32>], vector<16xi32>,
      %add3A_1454 = arith.constant 19 : i32
      %add3A_1455 = vector.broadcast %add3A_1454 : i32 to vector<16xi32>
      %add3A_1456 = arith.addi %and3A_1049, %add3A_1455 : vector<16xi32>
      %gather3A_1457 = tpu.vector_load_idx %arg15[%add3A_1023, %add3A_1456] : memref<256x128xi32, #tpu.memory_space<vmem>>[vector<16xi32>, vector<16xi32>], vector<16xi32>,
      %shift_right_arithmetic3A_1458 = arith.shrsi %gather3A_1453, %shift_left3A_1055 : vector<16xi32>
      %shift_left3A_1459 = arith.constant 16 : i32
      %shift_left3A_1460 = vector.broadcast %shift_left3A_1459 : i32 to vector<16xi32>
      %shift_left3A_1461 = arith.shli %shift_right_arithmetic3A_1458, %shift_left3A_1460 : vector<16xi32>
      %bitcast3A_1462 = vector.bitcast %shift_left3A_1461 : vector<16xi32> to vector<16xf32>
      %shift_right_arithmetic3A_1463 = arith.shrsi %gather3A_1457, %shift_left3A_1061 : vector<16xi32>
      %shift_left3A_1464 = arith.constant 16 : i32
      %shift_left3A_1465 = vector.broadcast %shift_left3A_1464 : i32 to vector<16xi32>
      %shift_left3A_1466 = arith.shli %shift_right_arithmetic3A_1463, %shift_left3A_1465 : vector<16xi32>
      %bitcast3A_1467 = vector.bitcast %shift_left3A_1466 : vector<16xi32> to vector<16xf32>
      %mul3A_1468 = arith.mulf %bitcast3A_1462, %bitcast3A_1467 : vector<16xf32>
      %add3A_1469 = arith.addf %add3A_1449, %mul3A_1468 : vector<16xf32>
      %add3A_1470 = arith.constant 20 : i32
      %add3A_1471 = vector.broadcast %add3A_1470 : i32 to vector<16xi32>
      %add3A_1472 = arith.addi %and3A_1046, %add3A_1471 : vector<16xi32>
      %gather3A_1473 = tpu.vector_load_idx %arg14[%add3A_1023, %add3A_1472] : memref<256x128xi32, #tpu.memory_space<vmem>>[vector<16xi32>, vector<16xi32>], vector<16xi32>,
      %add3A_1474 = arith.constant 20 : i32
      %add3A_1475 = vector.broadcast %add3A_1474 : i32 to vector<16xi32>
      %add3A_1476 = arith.addi %and3A_1049, %add3A_1475 : vector<16xi32>
      %gather3A_1477 = tpu.vector_load_idx %arg15[%add3A_1023, %add3A_1476] : memref<256x128xi32, #tpu.memory_space<vmem>>[vector<16xi32>, vector<16xi32>], vector<16xi32>,
      %shift_right_arithmetic3A_1478 = arith.shrsi %gather3A_1473, %shift_left3A_1055 : vector<16xi32>
      %shift_left3A_1479 = arith.constant 16 : i32
      %shift_left3A_1480 = vector.broadcast %shift_left3A_1479 : i32 to vector<16xi32>
      %shift_left3A_1481 = arith.shli %shift_right_arithmetic3A_1478, %shift_left3A_1480 : vector<16xi32>
      %bitcast3A_1482 = vector.bitcast %shift_left3A_1481 : vector<16xi32> to vector<16xf32>
      %shift_right_arithmetic3A_1483 = arith.shrsi %gather3A_1477, %shift_left3A_1061 : vector<16xi32>
      %shift_left3A_1484 = arith.constant 16 : i32
      %shift_left3A_1485 = vector.broadcast %shift_left3A_1484 : i32 to vector<16xi32>
      %shift_left3A_1486 = arith.shli %shift_right_arithmetic3A_1483, %shift_left3A_1485 : vector<16xi32>
      %bitcast3A_1487 = vector.bitcast %shift_left3A_1486 : vector<16xi32> to vector<16xf32>
      %mul3A_1488 = arith.mulf %bitcast3A_1482, %bitcast3A_1487 : vector<16xf32>
      %add3A_1489 = arith.addf %add3A_1469, %mul3A_1488 : vector<16xf32>
      %add3A_1490 = arith.constant 21 : i32
      %add3A_1491 = vector.broadcast %add3A_1490 : i32 to vector<16xi32>
      %add3A_1492 = arith.addi %and3A_1046, %add3A_1491 : vector<16xi32>
      %gather3A_1493 = tpu.vector_load_idx %arg14[%add3A_1023, %add3A_1492] : memref<256x128xi32, #tpu.memory_space<vmem>>[vector<16xi32>, vector<16xi32>], vector<16xi32>,
      %add3A_1494 = arith.constant 21 : i32
      %add3A_1495 = vector.broadcast %add3A_1494 : i32 to vector<16xi32>
      %add3A_1496 = arith.addi %and3A_1049, %add3A_1495 : vector<16xi32>
      %gather3A_1497 = tpu.vector_load_idx %arg15[%add3A_1023, %add3A_1496] : memref<256x128xi32, #tpu.memory_space<vmem>>[vector<16xi32>, vector<16xi32>], vector<16xi32>,
      %shift_right_arithmetic3A_1498 = arith.shrsi %gather3A_1493, %shift_left3A_1055 : vector<16xi32>
      %shift_left3A_1499 = arith.constant 16 : i32
      %shift_left3A_1500 = vector.broadcast %shift_left3A_1499 : i32 to vector<16xi32>
      %shift_left3A_1501 = arith.shli %shift_right_arithmetic3A_1498, %shift_left3A_1500 : vector<16xi32>
      %bitcast3A_1502 = vector.bitcast %shift_left3A_1501 : vector<16xi32> to vector<16xf32>
      %shift_right_arithmetic3A_1503 = arith.shrsi %gather3A_1497, %shift_left3A_1061 : vector<16xi32>
      %shift_left3A_1504 = arith.constant 16 : i32
      %shift_left3A_1505 = vector.broadcast %shift_left3A_1504 : i32 to vector<16xi32>
      %shift_left3A_1506 = arith.shli %shift_right_arithmetic3A_1503, %shift_left3A_1505 : vector<16xi32>
      %bitcast3A_1507 = vector.bitcast %shift_left3A_1506 : vector<16xi32> to vector<16xf32>
      %mul3A_1508 = arith.mulf %bitcast3A_1502, %bitcast3A_1507 : vector<16xf32>
      %add3A_1509 = arith.addf %add3A_1489, %mul3A_1508 : vector<16xf32>
      %add3A_1510 = arith.constant 22 : i32
      %add3A_1511 = vector.broadcast %add3A_1510 : i32 to vector<16xi32>
      %add3A_1512 = arith.addi %and3A_1046, %add3A_1511 : vector<16xi32>
      %gather3A_1513 = tpu.vector_load_idx %arg14[%add3A_1023, %add3A_1512] : memref<256x128xi32, #tpu.memory_space<vmem>>[vector<16xi32>, vector<16xi32>], vector<16xi32>,
      %add3A_1514 = arith.constant 22 : i32
      %add3A_1515 = vector.broadcast %add3A_1514 : i32 to vector<16xi32>
      %add3A_1516 = arith.addi %and3A_1049, %add3A_1515 : vector<16xi32>
      %gather3A_1517 = tpu.vector_load_idx %arg15[%add3A_1023, %add3A_1516] : memref<256x128xi32, #tpu.memory_space<vmem>>[vector<16xi32>, vector<16xi32>], vector<16xi32>,
      %shift_right_arithmetic3A_1518 = arith.shrsi %gather3A_1513, %shift_left3A_1055 : vector<16xi32>
      %shift_left3A_1519 = arith.constant 16 : i32
      %shift_left3A_1520 = vector.broadcast %shift_left3A_1519 : i32 to vector<16xi32>
      %shift_left3A_1521 = arith.shli %shift_right_arithmetic3A_1518, %shift_left3A_1520 : vector<16xi32>
      %bitcast3A_1522 = vector.bitcast %shift_left3A_1521 : vector<16xi32> to vector<16xf32>
      %shift_right_arithmetic3A_1523 = arith.shrsi %gather3A_1517, %shift_left3A_1061 : vector<16xi32>
      %shift_left3A_1524 = arith.constant 16 : i32
      %shift_left3A_1525 = vector.broadcast %shift_left3A_1524 : i32 to vector<16xi32>
      %shift_left3A_1526 = arith.shli %shift_right_arithmetic3A_1523, %shift_left3A_1525 : vector<16xi32>
      %bitcast3A_1527 = vector.bitcast %shift_left3A_1526 : vector<16xi32> to vector<16xf32>
      %mul3A_1528 = arith.mulf %bitcast3A_1522, %bitcast3A_1527 : vector<16xf32>
      %add3A_1529 = arith.addf %add3A_1509, %mul3A_1528 : vector<16xf32>
      %add3A_1530 = arith.constant 23 : i32
      %add3A_1531 = vector.broadcast %add3A_1530 : i32 to vector<16xi32>
      %add3A_1532 = arith.addi %and3A_1046, %add3A_1531 : vector<16xi32>
      %gather3A_1533 = tpu.vector_load_idx %arg14[%add3A_1023, %add3A_1532] : memref<256x128xi32, #tpu.memory_space<vmem>>[vector<16xi32>, vector<16xi32>], vector<16xi32>,
      %add3A_1534 = arith.constant 23 : i32
      %add3A_1535 = vector.broadcast %add3A_1534 : i32 to vector<16xi32>
      %add3A_1536 = arith.addi %and3A_1049, %add3A_1535 : vector<16xi32>
      %gather3A_1537 = tpu.vector_load_idx %arg15[%add3A_1023, %add3A_1536] : memref<256x128xi32, #tpu.memory_space<vmem>>[vector<16xi32>, vector<16xi32>], vector<16xi32>,
      %shift_right_arithmetic3A_1538 = arith.shrsi %gather3A_1533, %shift_left3A_1055 : vector<16xi32>
      %shift_left3A_1539 = arith.constant 16 : i32
      %shift_left3A_1540 = vector.broadcast %shift_left3A_1539 : i32 to vector<16xi32>
      %shift_left3A_1541 = arith.shli %shift_right_arithmetic3A_1538, %shift_left3A_1540 : vector<16xi32>
      %bitcast3A_1542 = vector.bitcast %shift_left3A_1541 : vector<16xi32> to vector<16xf32>
      %shift_right_arithmetic3A_1543 = arith.shrsi %gather3A_1537, %shift_left3A_1061 : vector<16xi32>
      %shift_left3A_1544 = arith.constant 16 : i32
      %shift_left3A_1545 = vector.broadcast %shift_left3A_1544 : i32 to vector<16xi32>
      %shift_left3A_1546 = arith.shli %shift_right_arithmetic3A_1543, %shift_left3A_1545 : vector<16xi32>
      %bitcast3A_1547 = vector.bitcast %shift_left3A_1546 : vector<16xi32> to vector<16xf32>
      %mul3A_1548 = arith.mulf %bitcast3A_1542, %bitcast3A_1547 : vector<16xf32>
      %add3A_1549 = arith.addf %add3A_1529, %mul3A_1548 : vector<16xf32>
      %add3A_1550 = arith.constant 24 : i32
      %add3A_1551 = vector.broadcast %add3A_1550 : i32 to vector<16xi32>
      %add3A_1552 = arith.addi %and3A_1046, %add3A_1551 : vector<16xi32>
      %gather3A_1553 = tpu.vector_load_idx %arg14[%add3A_1023, %add3A_1552] : memref<256x128xi32, #tpu.memory_space<vmem>>[vector<16xi32>, vector<16xi32>], vector<16xi32>,
      %add3A_1554 = arith.constant 24 : i32
      %add3A_1555 = vector.broadcast %add3A_1554 : i32 to vector<16xi32>
      %add3A_1556 = arith.addi %and3A_1049, %add3A_1555 : vector<16xi32>
      %gather3A_1557 = tpu.vector_load_idx %arg15[%add3A_1023, %add3A_1556] : memref<256x128xi32, #tpu.memory_space<vmem>>[vector<16xi32>, vector<16xi32>], vector<16xi32>,
      %shift_right_arithmetic3A_1558 = arith.shrsi %gather3A_1553, %shift_left3A_1055 : vector<16xi32>
      %shift_left3A_1559 = arith.constant 16 : i32
      %shift_left3A_1560 = vector.broadcast %shift_left3A_1559 : i32 to vector<16xi32>
      %shift_left3A_1561 = arith.shli %shift_right_arithmetic3A_1558, %shift_left3A_1560 : vector<16xi32>
      %bitcast3A_1562 = vector.bitcast %shift_left3A_1561 : vector<16xi32> to vector<16xf32>
      %shift_right_arithmetic3A_1563 = arith.shrsi %gather3A_1557, %shift_left3A_1061 : vector<16xi32>
      %shift_left3A_1564 = arith.constant 16 : i32
      %shift_left3A_1565 = vector.broadcast %shift_left3A_1564 : i32 to vector<16xi32>
      %shift_left3A_1566 = arith.shli %shift_right_arithmetic3A_1563, %shift_left3A_1565 : vector<16xi32>
      %bitcast3A_1567 = vector.bitcast %shift_left3A_1566 : vector<16xi32> to vector<16xf32>
      %mul3A_1568 = arith.mulf %bitcast3A_1562, %bitcast3A_1567 : vector<16xf32>
      %add3A_1569 = arith.addf %add3A_1549, %mul3A_1568 : vector<16xf32>
      %add3A_1570 = arith.constant 25 : i32
      %add3A_1571 = vector.broadcast %add3A_1570 : i32 to vector<16xi32>
      %add3A_1572 = arith.addi %and3A_1046, %add3A_1571 : vector<16xi32>
      %gather3A_1573 = tpu.vector_load_idx %arg14[%add3A_1023, %add3A_1572] : memref<256x128xi32, #tpu.memory_space<vmem>>[vector<16xi32>, vector<16xi32>], vector<16xi32>,
      %add3A_1574 = arith.constant 25 : i32
      %add3A_1575 = vector.broadcast %add3A_1574 : i32 to vector<16xi32>
      %add3A_1576 = arith.addi %and3A_1049, %add3A_1575 : vector<16xi32>
      %gather3A_1577 = tpu.vector_load_idx %arg15[%add3A_1023, %add3A_1576] : memref<256x128xi32, #tpu.memory_space<vmem>>[vector<16xi32>, vector<16xi32>], vector<16xi32>,
      %shift_right_arithmetic3A_1578 = arith.shrsi %gather3A_1573, %shift_left3A_1055 : vector<16xi32>
      %shift_left3A_1579 = arith.constant 16 : i32
      %shift_left3A_1580 = vector.broadcast %shift_left3A_1579 : i32 to vector<16xi32>
      %shift_left3A_1581 = arith.shli %shift_right_arithmetic3A_1578, %shift_left3A_1580 : vector<16xi32>
      %bitcast3A_1582 = vector.bitcast %shift_left3A_1581 : vector<16xi32> to vector<16xf32>
      %shift_right_arithmetic3A_1583 = arith.shrsi %gather3A_1577, %shift_left3A_1061 : vector<16xi32>
      %shift_left3A_1584 = arith.constant 16 : i32
      %shift_left3A_1585 = vector.broadcast %shift_left3A_1584 : i32 to vector<16xi32>
      %shift_left3A_1586 = arith.shli %shift_right_arithmetic3A_1583, %shift_left3A_1585 : vector<16xi32>
      %bitcast3A_1587 = vector.bitcast %shift_left3A_1586 : vector<16xi32> to vector<16xf32>
      %mul3A_1588 = arith.mulf %bitcast3A_1582, %bitcast3A_1587 : vector<16xf32>
      %add3A_1589 = arith.addf %add3A_1569, %mul3A_1588 : vector<16xf32>
      %add3A_1590 = arith.constant 26 : i32
      %add3A_1591 = vector.broadcast %add3A_1590 : i32 to vector<16xi32>
      %add3A_1592 = arith.addi %and3A_1046, %add3A_1591 : vector<16xi32>
      %gather3A_1593 = tpu.vector_load_idx %arg14[%add3A_1023, %add3A_1592] : memref<256x128xi32, #tpu.memory_space<vmem>>[vector<16xi32>, vector<16xi32>], vector<16xi32>,
      %add3A_1594 = arith.constant 26 : i32
      %add3A_1595 = vector.broadcast %add3A_1594 : i32 to vector<16xi32>
      %add3A_1596 = arith.addi %and3A_1049, %add3A_1595 : vector<16xi32>
      %gather3A_1597 = tpu.vector_load_idx %arg15[%add3A_1023, %add3A_1596] : memref<256x128xi32, #tpu.memory_space<vmem>>[vector<16xi32>, vector<16xi32>], vector<16xi32>,
      %shift_right_arithmetic3A_1598 = arith.shrsi %gather3A_1593, %shift_left3A_1055 : vector<16xi32>
      %shift_left3A_1599 = arith.constant 16 : i32
      %shift_left3A_1600 = vector.broadcast %shift_left3A_1599 : i32 to vector<16xi32>
      %shift_left3A_1601 = arith.shli %shift_right_arithmetic3A_1598, %shift_left3A_1600 : vector<16xi32>
      %bitcast3A_1602 = vector.bitcast %shift_left3A_1601 : vector<16xi32> to vector<16xf32>
      %shift_right_arithmetic3A_1603 = arith.shrsi %gather3A_1597, %shift_left3A_1061 : vector<16xi32>
      %shift_left3A_1604 = arith.constant 16 : i32
      %shift_left3A_1605 = vector.broadcast %shift_left3A_1604 : i32 to vector<16xi32>
      %shift_left3A_1606 = arith.shli %shift_right_arithmetic3A_1603, %shift_left3A_1605 : vector<16xi32>
      %bitcast3A_1607 = vector.bitcast %shift_left3A_1606 : vector<16xi32> to vector<16xf32>
      %mul3A_1608 = arith.mulf %bitcast3A_1602, %bitcast3A_1607 : vector<16xf32>
      %add3A_1609 = arith.addf %add3A_1589, %mul3A_1608 : vector<16xf32>
      %add3A_1610 = arith.constant 27 : i32
      %add3A_1611 = vector.broadcast %add3A_1610 : i32 to vector<16xi32>
      %add3A_1612 = arith.addi %and3A_1046, %add3A_1611 : vector<16xi32>
      %gather3A_1613 = tpu.vector_load_idx %arg14[%add3A_1023, %add3A_1612] : memref<256x128xi32, #tpu.memory_space<vmem>>[vector<16xi32>, vector<16xi32>], vector<16xi32>,
      %add3A_1614 = arith.constant 27 : i32
      %add3A_1615 = vector.broadcast %add3A_1614 : i32 to vector<16xi32>
      %add3A_1616 = arith.addi %and3A_1049, %add3A_1615 : vector<16xi32>
      %gather3A_1617 = tpu.vector_load_idx %arg15[%add3A_1023, %add3A_1616] : memref<256x128xi32, #tpu.memory_space<vmem>>[vector<16xi32>, vector<16xi32>], vector<16xi32>,
      %shift_right_arithmetic3A_1618 = arith.shrsi %gather3A_1613, %shift_left3A_1055 : vector<16xi32>
      %shift_left3A_1619 = arith.constant 16 : i32
      %shift_left3A_1620 = vector.broadcast %shift_left3A_1619 : i32 to vector<16xi32>
      %shift_left3A_1621 = arith.shli %shift_right_arithmetic3A_1618, %shift_left3A_1620 : vector<16xi32>
      %bitcast3A_1622 = vector.bitcast %shift_left3A_1621 : vector<16xi32> to vector<16xf32>
      %shift_right_arithmetic3A_1623 = arith.shrsi %gather3A_1617, %shift_left3A_1061 : vector<16xi32>
      %shift_left3A_1624 = arith.constant 16 : i32
      %shift_left3A_1625 = vector.broadcast %shift_left3A_1624 : i32 to vector<16xi32>
      %shift_left3A_1626 = arith.shli %shift_right_arithmetic3A_1623, %shift_left3A_1625 : vector<16xi32>
      %bitcast3A_1627 = vector.bitcast %shift_left3A_1626 : vector<16xi32> to vector<16xf32>
      %mul3A_1628 = arith.mulf %bitcast3A_1622, %bitcast3A_1627 : vector<16xf32>
      %add3A_1629 = arith.addf %add3A_1609, %mul3A_1628 : vector<16xf32>
      %add3A_1630 = arith.constant 28 : i32
      %add3A_1631 = vector.broadcast %add3A_1630 : i32 to vector<16xi32>
      %add3A_1632 = arith.addi %and3A_1046, %add3A_1631 : vector<16xi32>
      %gather3A_1633 = tpu.vector_load_idx %arg14[%add3A_1023, %add3A_1632] : memref<256x128xi32, #tpu.memory_space<vmem>>[vector<16xi32>, vector<16xi32>], vector<16xi32>,
      %add3A_1634 = arith.constant 28 : i32
      %add3A_1635 = vector.broadcast %add3A_1634 : i32 to vector<16xi32>
      %add3A_1636 = arith.addi %and3A_1049, %add3A_1635 : vector<16xi32>
      %gather3A_1637 = tpu.vector_load_idx %arg15[%add3A_1023, %add3A_1636] : memref<256x128xi32, #tpu.memory_space<vmem>>[vector<16xi32>, vector<16xi32>], vector<16xi32>,
      %shift_right_arithmetic3A_1638 = arith.shrsi %gather3A_1633, %shift_left3A_1055 : vector<16xi32>
      %shift_left3A_1639 = arith.constant 16 : i32
      %shift_left3A_1640 = vector.broadcast %shift_left3A_1639 : i32 to vector<16xi32>
      %shift_left3A_1641 = arith.shli %shift_right_arithmetic3A_1638, %shift_left3A_1640 : vector<16xi32>
      %bitcast3A_1642 = vector.bitcast %shift_left3A_1641 : vector<16xi32> to vector<16xf32>
      %shift_right_arithmetic3A_1643 = arith.shrsi %gather3A_1637, %shift_left3A_1061 : vector<16xi32>
      %shift_left3A_1644 = arith.constant 16 : i32
      %shift_left3A_1645 = vector.broadcast %shift_left3A_1644 : i32 to vector<16xi32>
      %shift_left3A_1646 = arith.shli %shift_right_arithmetic3A_1643, %shift_left3A_1645 : vector<16xi32>
      %bitcast3A_1647 = vector.bitcast %shift_left3A_1646 : vector<16xi32> to vector<16xf32>
      %mul3A_1648 = arith.mulf %bitcast3A_1642, %bitcast3A_1647 : vector<16xf32>
      %add3A_1649 = arith.addf %add3A_1629, %mul3A_1648 : vector<16xf32>
      %add3A_1650 = arith.constant 29 : i32
      %add3A_1651 = vector.broadcast %add3A_1650 : i32 to vector<16xi32>
      %add3A_1652 = arith.addi %and3A_1046, %add3A_1651 : vector<16xi32>
      %gather3A_1653 = tpu.vector_load_idx %arg14[%add3A_1023, %add3A_1652] : memref<256x128xi32, #tpu.memory_space<vmem>>[vector<16xi32>, vector<16xi32>], vector<16xi32>,
      %add3A_1654 = arith.constant 29 : i32
      %add3A_1655 = vector.broadcast %add3A_1654 : i32 to vector<16xi32>
      %add3A_1656 = arith.addi %and3A_1049, %add3A_1655 : vector<16xi32>
      %gather3A_1657 = tpu.vector_load_idx %arg15[%add3A_1023, %add3A_1656] : memref<256x128xi32, #tpu.memory_space<vmem>>[vector<16xi32>, vector<16xi32>], vector<16xi32>,
      %shift_right_arithmetic3A_1658 = arith.shrsi %gather3A_1653, %shift_left3A_1055 : vector<16xi32>
      %shift_left3A_1659 = arith.constant 16 : i32
      %shift_left3A_1660 = vector.broadcast %shift_left3A_1659 : i32 to vector<16xi32>
      %shift_left3A_1661 = arith.shli %shift_right_arithmetic3A_1658, %shift_left3A_1660 : vector<16xi32>
      %bitcast3A_1662 = vector.bitcast %shift_left3A_1661 : vector<16xi32> to vector<16xf32>
      %shift_right_arithmetic3A_1663 = arith.shrsi %gather3A_1657, %shift_left3A_1061 : vector<16xi32>
      %shift_left3A_1664 = arith.constant 16 : i32
      %shift_left3A_1665 = vector.broadcast %shift_left3A_1664 : i32 to vector<16xi32>
      %shift_left3A_1666 = arith.shli %shift_right_arithmetic3A_1663, %shift_left3A_1665 : vector<16xi32>
      %bitcast3A_1667 = vector.bitcast %shift_left3A_1666 : vector<16xi32> to vector<16xf32>
      %mul3A_1668 = arith.mulf %bitcast3A_1662, %bitcast3A_1667 : vector<16xf32>
      %add3A_1669 = arith.addf %add3A_1649, %mul3A_1668 : vector<16xf32>
      %add3A_1670 = arith.constant 30 : i32
      %add3A_1671 = vector.broadcast %add3A_1670 : i32 to vector<16xi32>
      %add3A_1672 = arith.addi %and3A_1046, %add3A_1671 : vector<16xi32>
      %gather3A_1673 = tpu.vector_load_idx %arg14[%add3A_1023, %add3A_1672] : memref<256x128xi32, #tpu.memory_space<vmem>>[vector<16xi32>, vector<16xi32>], vector<16xi32>,
      %add3A_1674 = arith.constant 30 : i32
      %add3A_1675 = vector.broadcast %add3A_1674 : i32 to vector<16xi32>
      %add3A_1676 = arith.addi %and3A_1049, %add3A_1675 : vector<16xi32>
      %gather3A_1677 = tpu.vector_load_idx %arg15[%add3A_1023, %add3A_1676] : memref<256x128xi32, #tpu.memory_space<vmem>>[vector<16xi32>, vector<16xi32>], vector<16xi32>,
      %shift_right_arithmetic3A_1678 = arith.shrsi %gather3A_1673, %shift_left3A_1055 : vector<16xi32>
      %shift_left3A_1679 = arith.constant 16 : i32
      %shift_left3A_1680 = vector.broadcast %shift_left3A_1679 : i32 to vector<16xi32>
      %shift_left3A_1681 = arith.shli %shift_right_arithmetic3A_1678, %shift_left3A_1680 : vector<16xi32>
      %bitcast3A_1682 = vector.bitcast %shift_left3A_1681 : vector<16xi32> to vector<16xf32>
      %shift_right_arithmetic3A_1683 = arith.shrsi %gather3A_1677, %shift_left3A_1061 : vector<16xi32>
      %shift_left3A_1684 = arith.constant 16 : i32
      %shift_left3A_1685 = vector.broadcast %shift_left3A_1684 : i32 to vector<16xi32>
      %shift_left3A_1686 = arith.shli %shift_right_arithmetic3A_1683, %shift_left3A_1685 : vector<16xi32>
      %bitcast3A_1687 = vector.bitcast %shift_left3A_1686 : vector<16xi32> to vector<16xf32>
      %mul3A_1688 = arith.mulf %bitcast3A_1682, %bitcast3A_1687 : vector<16xf32>
      %add3A_1689 = arith.addf %add3A_1669, %mul3A_1688 : vector<16xf32>
      %add3A_1690 = arith.constant 31 : i32
      %add3A_1691 = vector.broadcast %add3A_1690 : i32 to vector<16xi32>
      %add3A_1692 = arith.addi %and3A_1046, %add3A_1691 : vector<16xi32>
      %gather3A_1693 = tpu.vector_load_idx %arg14[%add3A_1023, %add3A_1692] : memref<256x128xi32, #tpu.memory_space<vmem>>[vector<16xi32>, vector<16xi32>], vector<16xi32>,
      %add3A_1694 = arith.constant 31 : i32
      %add3A_1695 = vector.broadcast %add3A_1694 : i32 to vector<16xi32>
      %add3A_1696 = arith.addi %and3A_1049, %add3A_1695 : vector<16xi32>
      %gather3A_1697 = tpu.vector_load_idx %arg15[%add3A_1023, %add3A_1696] : memref<256x128xi32, #tpu.memory_space<vmem>>[vector<16xi32>, vector<16xi32>], vector<16xi32>,
      %shift_right_arithmetic3A_1698 = arith.shrsi %gather3A_1693, %shift_left3A_1055 : vector<16xi32>
      %shift_left3A_1699 = arith.constant 16 : i32
      %shift_left3A_1700 = vector.broadcast %shift_left3A_1699 : i32 to vector<16xi32>
      %shift_left3A_1701 = arith.shli %shift_right_arithmetic3A_1698, %shift_left3A_1700 : vector<16xi32>
      %bitcast3A_1702 = vector.bitcast %shift_left3A_1701 : vector<16xi32> to vector<16xf32>
      %shift_right_arithmetic3A_1703 = arith.shrsi %gather3A_1697, %shift_left3A_1061 : vector<16xi32>
      %shift_left3A_1704 = arith.constant 16 : i32
      %shift_left3A_1705 = vector.broadcast %shift_left3A_1704 : i32 to vector<16xi32>
      %shift_left3A_1706 = arith.shli %shift_right_arithmetic3A_1703, %shift_left3A_1705 : vector<16xi32>
      %bitcast3A_1707 = vector.bitcast %shift_left3A_1706 : vector<16xi32> to vector<16xf32>
      %mul3A_1708 = arith.mulf %bitcast3A_1702, %bitcast3A_1707 : vector<16xf32>
      %add3A_1709 = arith.addf %add3A_1689, %mul3A_1708 : vector<16xf32>
      %swap3A_1710 = arith.index_cast %add3A_1065 : i32 to index
      %swap3A_1711 = tpu.vector_load %arg18[%swap3A_1710] {strides = array<i32>} : memref<512xf32, #tpu.memory_space<vmem>>, vector<16xf32>,
      tpu.vector_store %arg18[%swap3A_1710], %add3A_1709 {strides = array<i32>} : memref<512xf32, #tpu.memory_space<vmem>>, vector<16xf32>,
    }
    %scan3A_816 = arith.constant 8 : i32
    %dma_wait3A_817 = arith.constant 1 : i32
    %dma_wait3A_818 = arith.constant 128 : i32
    %dma_wait3A_819 = arith.constant 0 : i32
    %dma_wait3A_820 = tpu.memref_slice %arg14[%dma_wait3A_818, %dma_wait3A_819] : memref<256x128xi32, #tpu.memory_space<vmem>> -> memref<128x128xi32, #tpu.memory_space<vmem>>
    %dma_wait3A_821 = arith.constant 0 : i32
    %dma_wait3A_822 = tpu.memref_slice %arg12[%dma_wait3A_817, %dma_wait3A_821] : memref<4x128xi32, #tpu.memory_space<vmem>> -> memref<1x128xi32, #tpu.memory_space<vmem>>
    %dma_wait3A_823 = tpu.memref_squeeze %dma_wait3A_822 : memref<1x128xi32, #tpu.memory_space<vmem>> -> memref<128xi32, #tpu.memory_space<vmem>>
    %dma_wait3A_824 = arith.constant 0 : i32
    %dma_wait3A_825 = arith.constant 0 : i32
    %dma_wait3A_826 = tpu.memref_slice %arg7[%dma_wait3A_824, %dma_wait3A_825] : memref<131072x128xi32, #tpu.memory_space<hbm>> -> memref<131072x128xi32, #tpu.memory_space<hbm>>
    tpu.wait_indirect_dma semaphore(%arg21 : memref<!tpu.dma_semaphore, #tpu.memory_space<semaphore_mem>>) src(%dma_wait3A_826 : memref<131072x128xi32, #tpu.memory_space<hbm>>) dst(%dma_wait3A_820 : memref<128x128xi32, #tpu.memory_space<vmem>>)
    %dma_wait3A_827 = arith.constant 1 : i32
    %dma_wait3A_828 = arith.constant 128 : i32
    %dma_wait3A_829 = arith.constant 0 : i32
    %dma_wait3A_830 = tpu.memref_slice %arg15[%dma_wait3A_828, %dma_wait3A_829] : memref<256x128xi32, #tpu.memory_space<vmem>> -> memref<128x128xi32, #tpu.memory_space<vmem>>
    %dma_wait3A_831 = arith.constant 0 : i32
    %dma_wait3A_832 = tpu.memref_slice %arg13[%dma_wait3A_827, %dma_wait3A_831] : memref<4x128xi32, #tpu.memory_space<vmem>> -> memref<1x128xi32, #tpu.memory_space<vmem>>
    %dma_wait3A_833 = tpu.memref_squeeze %dma_wait3A_832 : memref<1x128xi32, #tpu.memory_space<vmem>> -> memref<128xi32, #tpu.memory_space<vmem>>
    %dma_wait3A_834 = arith.constant 0 : i32
    %dma_wait3A_835 = arith.constant 0 : i32
    %dma_wait3A_836 = tpu.memref_slice %arg8[%dma_wait3A_834, %dma_wait3A_835] : memref<16384x128xi32, #tpu.memory_space<hbm>> -> memref<16384x128xi32, #tpu.memory_space<hbm>>
    tpu.wait_indirect_dma semaphore(%arg21 : memref<!tpu.dma_semaphore, #tpu.memory_space<semaphore_mem>>) src(%dma_wait3A_836 : memref<16384x128xi32, #tpu.memory_space<hbm>>) dst(%dma_wait3A_830 : memref<128x128xi32, #tpu.memory_space<vmem>>)
    %dma_wait3A_837 = arith.constant 1 : i32
    %dma_wait3A_838 = arith.constant 128 : i32
    %dma_wait3A_839 = tpu.memref_slice %arg16[%dma_wait3A_838] : memref<512xf32, #tpu.memory_space<vmem>> -> memref<128xf32, #tpu.memory_space<vmem>>
    %dma_wait3A_840 = arith.constant 0 : i32
    %dma_wait3A_841 = tpu.memref_slice %arg10[%dma_wait3A_837, %dma_wait3A_840] : memref<4x128xi32, #tpu.memory_space<vmem>> -> memref<1x128xi32, #tpu.memory_space<vmem>>
    %dma_wait3A_842 = tpu.memref_squeeze %dma_wait3A_841 : memref<1x128xi32, #tpu.memory_space<vmem>> -> memref<128xi32, #tpu.memory_space<vmem>>
    %dma_wait3A_843 = arith.constant 0 : i32
    %dma_wait3A_844 = tpu.memref_slice %arg5[%dma_wait3A_843] : memref<1000000xf32, #tpu.memory_space<hbm>> -> memref<1000000xf32, #tpu.memory_space<hbm>>
    tpu.wait_indirect_dma semaphore(%arg21 : memref<!tpu.dma_semaphore, #tpu.memory_space<semaphore_mem>>) src(%dma_wait3A_844 : memref<1000000xf32, #tpu.memory_space<hbm>>) dst(%dma_wait3A_839 : memref<128xf32, #tpu.memory_space<vmem>>)
    %dma_wait3A_845 = arith.constant 1 : i32
    %dma_wait3A_846 = arith.constant 128 : i32
    %dma_wait3A_847 = tpu.memref_slice %arg17[%dma_wait3A_846] : memref<512xf32, #tpu.memory_space<vmem>> -> memref<128xf32, #tpu.memory_space<vmem>>
    %dma_wait3A_848 = arith.constant 0 : i32
    %dma_wait3A_849 = tpu.memref_slice %arg11[%dma_wait3A_845, %dma_wait3A_848] : memref<4x128xi32, #tpu.memory_space<vmem>> -> memref<1x128xi32, #tpu.memory_space<vmem>>
    %dma_wait3A_850 = tpu.memref_squeeze %dma_wait3A_849 : memref<1x128xi32, #tpu.memory_space<vmem>> -> memref<128xi32, #tpu.memory_space<vmem>>
    %dma_wait3A_851 = arith.constant 0 : i32
    %dma_wait3A_852 = tpu.memref_slice %arg6[%dma_wait3A_851] : memref<100000xf32, #tpu.memory_space<hbm>> -> memref<100000xf32, #tpu.memory_space<hbm>>
    tpu.wait_indirect_dma semaphore(%arg21 : memref<!tpu.dma_semaphore, #tpu.memory_space<semaphore_mem>>) src(%dma_wait3A_852 : memref<100000xf32, #tpu.memory_space<hbm>>) dst(%dma_wait3A_847 : memref<128xf32, #tpu.memory_space<vmem>>)
    %dma_start3A_853 = arith.constant 2 : i32
    %dma_start3A_854 = arith.constant 0 : i32
    %dma_start3A_855 = arith.constant 0 : i32
    %dma_start3A_856 = tpu.memref_slice %arg14[%dma_start3A_854, %dma_start3A_855] : memref<256x128xi32, #tpu.memory_space<vmem>> -> memref<128x128xi32, #tpu.memory_space<vmem>>
    %dma_start3A_857 = arith.constant 0 : i32
    %dma_start3A_858 = tpu.memref_slice %arg12[%dma_start3A_853, %dma_start3A_857] : memref<4x128xi32, #tpu.memory_space<vmem>> -> memref<1x128xi32, #tpu.memory_space<vmem>>
    %dma_start3A_859 = tpu.memref_squeeze %dma_start3A_858 : memref<1x128xi32, #tpu.memory_space<vmem>> -> memref<128xi32, #tpu.memory_space<vmem>>
    %dma_start3A_860 = arith.constant 0 : i32
    %dma_start3A_861 = arith.constant 0 : i32
    %dma_start3A_862 = tpu.memref_slice %arg7[%dma_start3A_860, %dma_start3A_861] : memref<131072x128xi32, #tpu.memory_space<hbm>> -> memref<131072x128xi32, #tpu.memory_space<hbm>>
    tpu.enqueue_indirect_dma source(%dma_start3A_862 : memref<131072x128xi32, #tpu.memory_space<hbm>>) target(%dma_start3A_856 : memref<128x128xi32, #tpu.memory_space<vmem>>) offsets(%dma_start3A_859 : memref<128xi32, #tpu.memory_space<vmem>>) semaphore(%arg20 : memref<!tpu.dma_semaphore, #tpu.memory_space<semaphore_mem>>)
    %dma_start3A_863 = arith.constant 2 : i32
    %dma_start3A_864 = arith.constant 0 : i32
    %dma_start3A_865 = arith.constant 0 : i32
    %dma_start3A_866 = tpu.memref_slice %arg15[%dma_start3A_864, %dma_start3A_865] : memref<256x128xi32, #tpu.memory_space<vmem>> -> memref<128x128xi32, #tpu.memory_space<vmem>>
    %dma_start3A_867 = arith.constant 0 : i32
    %dma_start3A_868 = tpu.memref_slice %arg13[%dma_start3A_863, %dma_start3A_867] : memref<4x128xi32, #tpu.memory_space<vmem>> -> memref<1x128xi32, #tpu.memory_space<vmem>>
    %dma_start3A_869 = tpu.memref_squeeze %dma_start3A_868 : memref<1x128xi32, #tpu.memory_space<vmem>> -> memref<128xi32, #tpu.memory_space<vmem>>
    %dma_start3A_870 = arith.constant 0 : i32
    %dma_start3A_871 = arith.constant 0 : i32
    %dma_start3A_872 = tpu.memref_slice %arg8[%dma_start3A_870, %dma_start3A_871] : memref<16384x128xi32, #tpu.memory_space<hbm>> -> memref<16384x128xi32, #tpu.memory_space<hbm>>
    tpu.enqueue_indirect_dma source(%dma_start3A_872 : memref<16384x128xi32, #tpu.memory_space<hbm>>) target(%dma_start3A_866 : memref<128x128xi32, #tpu.memory_space<vmem>>) offsets(%dma_start3A_869 : memref<128xi32, #tpu.memory_space<vmem>>) semaphore(%arg20 : memref<!tpu.dma_semaphore, #tpu.memory_space<semaphore_mem>>)
    %dma_start3A_873 = arith.constant 2 : i32
    %dma_start3A_874 = arith.constant 256 : i32
    %dma_start3A_875 = tpu.memref_slice %arg16[%dma_start3A_874] : memref<512xf32, #tpu.memory_space<vmem>> -> memref<128xf32, #tpu.memory_space<vmem>>
    %dma_start3A_876 = arith.constant 0 : i32
    %dma_start3A_877 = tpu.memref_slice %arg10[%dma_start3A_873, %dma_start3A_876] : memref<4x128xi32, #tpu.memory_space<vmem>> -> memref<1x128xi32, #tpu.memory_space<vmem>>
    %dma_start3A_878 = tpu.memref_squeeze %dma_start3A_877 : memref<1x128xi32, #tpu.memory_space<vmem>> -> memref<128xi32, #tpu.memory_space<vmem>>
    %dma_start3A_879 = arith.constant 0 : i32
    %dma_start3A_880 = tpu.memref_slice %arg5[%dma_start3A_879] : memref<1000000xf32, #tpu.memory_space<hbm>> -> memref<1000000xf32, #tpu.memory_space<hbm>>
    tpu.enqueue_indirect_dma source(%dma_start3A_880 : memref<1000000xf32, #tpu.memory_space<hbm>>) target(%dma_start3A_875 : memref<128xf32, #tpu.memory_space<vmem>>) offsets(%dma_start3A_878 : memref<128xi32, #tpu.memory_space<vmem>>) semaphore(%arg20 : memref<!tpu.dma_semaphore, #tpu.memory_space<semaphore_mem>>)
    %dma_start3A_881 = arith.constant 2 : i32
    %dma_start3A_882 = arith.constant 256 : i32
    %dma_start3A_883 = tpu.memref_slice %arg17[%dma_start3A_882] : memref<512xf32, #tpu.memory_space<vmem>> -> memref<128xf32, #tpu.memory_space<vmem>>
    %dma_start3A_884 = arith.constant 0 : i32
    %dma_start3A_885 = tpu.memref_slice %arg11[%dma_start3A_881, %dma_start3A_884] : memref<4x128xi32, #tpu.memory_space<vmem>> -> memref<1x128xi32, #tpu.memory_space<vmem>>
    %dma_start3A_886 = tpu.memref_squeeze %dma_start3A_885 : memref<1x128xi32, #tpu.memory_space<vmem>> -> memref<128xi32, #tpu.memory_space<vmem>>
    %dma_start3A_887 = arith.constant 0 : i32
    %dma_start3A_888 = tpu.memref_slice %arg6[%dma_start3A_887] : memref<100000xf32, #tpu.memory_space<hbm>> -> memref<100000xf32, #tpu.memory_space<hbm>>
    tpu.enqueue_indirect_dma source(%dma_start3A_888 : memref<100000xf32, #tpu.memory_space<hbm>>) target(%dma_start3A_883 : memref<128xf32, #tpu.memory_space<vmem>>) offsets(%dma_start3A_886 : memref<128xi32, #tpu.memory_space<vmem>>) semaphore(%arg20 : memref<!tpu.dma_semaphore, #tpu.memory_space<semaphore_mem>>)
    %scan3A_889 = arith.constant 0 : i32
    %scan3A_890 = arith.constant 0 : i32
    %scan3A_891 = arith.constant 8 : i32
    %scan3A_892 = arith.addi %scan3A_890, %scan3A_891 : i32
    %scan3A_893 = arith.constant 1 : i32
    scf.for %scan3A_1017 = %scan3A_890 to %scan3A_892 step %scan3A_893  : i32 {
      %mul3A_1018 = arith.constant 16 : i32
      %mul3A_1019 = arith.muli %scan3A_1017, %mul3A_1018 : i32
      %add3A_1020 = arith.constant 128 : i32
      %add3A_1021 = arith.addi %add3A_1020, %mul3A_1019 : i32
      %iota3A = tpu.iota {dimensions = array<i32: 0>} : vector<16xi32>
      %add3A_1022 = vector.broadcast %add3A_1021 : i32 to vector<16xi32>
      %add3A_1023 = arith.addi %add3A_1022, %iota3A : vector<16xi32>
      %mul3A_1024 = arith.constant 16 : i32
      %mul3A_1025 = arith.muli %scan3A_1017, %mul3A_1024 : i32
      %get3A_1026 = arith.constant 1 : i32
      %get3A_1027 = arith.index_cast %get3A_1026 : i32 to index
      %get3A_1028 = arith.index_cast %mul3A_1025 : i32 to index
      %get3A_1029 = tpu.vector_load %arg10[%get3A_1027, %get3A_1028] {strides = array<i32>} : memref<4x128xi32, #tpu.memory_space<vmem>>, vector<16xi32>,
      %shift_right_arithmetic3A = arith.constant 17 : i32
      %shift_right_arithmetic3A_1030 = vector.broadcast %shift_right_arithmetic3A : i32 to vector<16xi32>
      %shift_right_arithmetic3A_1031 = arith.shrsi %get3A_1029, %shift_right_arithmetic3A_1030 : vector<16xi32>
      %shift_left3A = arith.constant 5 : i32
      %shift_left3A_1032 = vector.broadcast %shift_left3A : i32 to vector<16xi32>
      %shift_left3A_1033 = arith.shli %shift_right_arithmetic3A_1031, %shift_left3A_1032 : vector<16xi32>
      %get3A_1034 = arith.constant 1 : i32
      %get3A_1035 = arith.index_cast %get3A_1034 : i32 to index
      %get3A_1036 = arith.index_cast %mul3A_1025 : i32 to index
      %get3A_1037 = tpu.vector_load %arg11[%get3A_1035, %get3A_1036] {strides = array<i32>} : memref<4x128xi32, #tpu.memory_space<vmem>>, vector<16xi32>,
      %shift_right_arithmetic3A_1038 = arith.constant 14 : i32
      %shift_right_arithmetic3A_1039 = vector.broadcast %shift_right_arithmetic3A_1038 : i32 to vector<16xi32>
      %shift_right_arithmetic3A_1040 = arith.shrsi %get3A_1037, %shift_right_arithmetic3A_1039 : vector<16xi32>
      %shift_left3A_1041 = arith.constant 5 : i32
      %shift_left3A_1042 = vector.broadcast %shift_left3A_1041 : i32 to vector<16xi32>
      %shift_left3A_1043 = arith.shli %shift_right_arithmetic3A_1040, %shift_left3A_1042 : vector<16xi32>
      %and3A_1044 = arith.constant 127 : i32
      %and3A_1045 = vector.broadcast %and3A_1044 : i32 to vector<16xi32>
      %and3A_1046 = arith.andi %shift_left3A_1033, %and3A_1045 : vector<16xi32>
      %and3A_1047 = arith.constant 127 : i32
      %and3A_1048 = vector.broadcast %and3A_1047 : i32 to vector<16xi32>
      %and3A_1049 = arith.andi %shift_left3A_1043, %and3A_1048 : vector<16xi32>
      %shift_right_arithmetic3A_1050 = arith.constant 7 : i32
      %shift_right_arithmetic3A_1051 = vector.broadcast %shift_right_arithmetic3A_1050 : i32 to vector<16xi32>
      %shift_right_arithmetic3A_1052 = arith.shrsi %shift_left3A_1033, %shift_right_arithmetic3A_1051 : vector<16xi32>
      %shift_left3A_1053 = arith.constant 4 : i32
      %shift_left3A_1054 = vector.broadcast %shift_left3A_1053 : i32 to vector<16xi32>
      %shift_left3A_1055 = arith.shli %shift_right_arithmetic3A_1052, %shift_left3A_1054 : vector<16xi32>
      %shift_right_arithmetic3A_1056 = arith.constant 7 : i32
      %shift_right_arithmetic3A_1057 = vector.broadcast %shift_right_arithmetic3A_1056 : i32 to vector<16xi32>
      %shift_right_arithmetic3A_1058 = arith.shrsi %shift_left3A_1043, %shift_right_arithmetic3A_1057 : vector<16xi32>
      %shift_left3A_1059 = arith.constant 4 : i32
      %shift_left3A_1060 = vector.broadcast %shift_left3A_1059 : i32 to vector<16xi32>
      %shift_left3A_1061 = arith.shli %shift_right_arithmetic3A_1058, %shift_left3A_1060 : vector<16xi32>
      %mul3A_1062 = arith.constant 16 : i32
      %mul3A_1063 = arith.muli %scan3A_1017, %mul3A_1062 : i32
      %add3A_1064 = arith.constant 128 : i32
      %add3A_1065 = arith.addi %add3A_1064, %mul3A_1063 : i32
      %get3A_1066 = arith.index_cast %add3A_1065 : i32 to index
      %get3A_1067 = tpu.vector_load %arg16[%get3A_1066] {strides = array<i32>} : memref<512xf32, #tpu.memory_space<vmem>>, vector<16xf32>,
      %get3A_1068 = arith.index_cast %add3A_1065 : i32 to index
      %get3A_1069 = tpu.vector_load %arg17[%get3A_1068] {strides = array<i32>} : memref<512xf32, #tpu.memory_space<vmem>>, vector<16xf32>,
      %add3A_1070 = arith.addf %get3A_1067, %get3A_1069 : vector<16xf32>
      %add3A_1071 = arith.addf %add3A_1070, %get3A_705 : vector<16xf32>
      %add3A_1072 = arith.constant 0 : i32
      %add3A_1073 = vector.broadcast %add3A_1072 : i32 to vector<16xi32>
      %add3A_1074 = arith.addi %and3A_1046, %add3A_1073 : vector<16xi32>
      %gather3A = tpu.vector_load_idx %arg14[%add3A_1023, %add3A_1074] : memref<256x128xi32, #tpu.memory_space<vmem>>[vector<16xi32>, vector<16xi32>], vector<16xi32>,
      %add3A_1075 = arith.constant 0 : i32
      %add3A_1076 = vector.broadcast %add3A_1075 : i32 to vector<16xi32>
      %add3A_1077 = arith.addi %and3A_1049, %add3A_1076 : vector<16xi32>
      %gather3A_1078 = tpu.vector_load_idx %arg15[%add3A_1023, %add3A_1077] : memref<256x128xi32, #tpu.memory_space<vmem>>[vector<16xi32>, vector<16xi32>], vector<16xi32>,
      %shift_right_arithmetic3A_1079 = arith.shrsi %gather3A, %shift_left3A_1055 : vector<16xi32>
      %shift_left3A_1080 = arith.constant 16 : i32
      %shift_left3A_1081 = vector.broadcast %shift_left3A_1080 : i32 to vector<16xi32>
      %shift_left3A_1082 = arith.shli %shift_right_arithmetic3A_1079, %shift_left3A_1081 : vector<16xi32>
      %bitcast3A = vector.bitcast %shift_left3A_1082 : vector<16xi32> to vector<16xf32>
      %shift_right_arithmetic3A_1083 = arith.shrsi %gather3A_1078, %shift_left3A_1061 : vector<16xi32>
      %shift_left3A_1084 = arith.constant 16 : i32
      %shift_left3A_1085 = vector.broadcast %shift_left3A_1084 : i32 to vector<16xi32>
      %shift_left3A_1086 = arith.shli %shift_right_arithmetic3A_1083, %shift_left3A_1085 : vector<16xi32>
      %bitcast3A_1087 = vector.bitcast %shift_left3A_1086 : vector<16xi32> to vector<16xf32>
      %mul3A_1088 = arith.mulf %bitcast3A, %bitcast3A_1087 : vector<16xf32>
      %add3A_1089 = arith.addf %add3A_1071, %mul3A_1088 : vector<16xf32>
      %add3A_1090 = arith.constant 1 : i32
      %add3A_1091 = vector.broadcast %add3A_1090 : i32 to vector<16xi32>
      %add3A_1092 = arith.addi %and3A_1046, %add3A_1091 : vector<16xi32>
      %gather3A_1093 = tpu.vector_load_idx %arg14[%add3A_1023, %add3A_1092] : memref<256x128xi32, #tpu.memory_space<vmem>>[vector<16xi32>, vector<16xi32>], vector<16xi32>,
      %add3A_1094 = arith.constant 1 : i32
      %add3A_1095 = vector.broadcast %add3A_1094 : i32 to vector<16xi32>
      %add3A_1096 = arith.addi %and3A_1049, %add3A_1095 : vector<16xi32>
      %gather3A_1097 = tpu.vector_load_idx %arg15[%add3A_1023, %add3A_1096] : memref<256x128xi32, #tpu.memory_space<vmem>>[vector<16xi32>, vector<16xi32>], vector<16xi32>,
      %shift_right_arithmetic3A_1098 = arith.shrsi %gather3A_1093, %shift_left3A_1055 : vector<16xi32>
      %shift_left3A_1099 = arith.constant 16 : i32
      %shift_left3A_1100 = vector.broadcast %shift_left3A_1099 : i32 to vector<16xi32>
      %shift_left3A_1101 = arith.shli %shift_right_arithmetic3A_1098, %shift_left3A_1100 : vector<16xi32>
      %bitcast3A_1102 = vector.bitcast %shift_left3A_1101 : vector<16xi32> to vector<16xf32>
      %shift_right_arithmetic3A_1103 = arith.shrsi %gather3A_1097, %shift_left3A_1061 : vector<16xi32>
      %shift_left3A_1104 = arith.constant 16 : i32
      %shift_left3A_1105 = vector.broadcast %shift_left3A_1104 : i32 to vector<16xi32>
      %shift_left3A_1106 = arith.shli %shift_right_arithmetic3A_1103, %shift_left3A_1105 : vector<16xi32>
      %bitcast3A_1107 = vector.bitcast %shift_left3A_1106 : vector<16xi32> to vector<16xf32>
      %mul3A_1108 = arith.mulf %bitcast3A_1102, %bitcast3A_1107 : vector<16xf32>
      %add3A_1109 = arith.addf %add3A_1089, %mul3A_1108 : vector<16xf32>
      %add3A_1110 = arith.constant 2 : i32
      %add3A_1111 = vector.broadcast %add3A_1110 : i32 to vector<16xi32>
      %add3A_1112 = arith.addi %and3A_1046, %add3A_1111 : vector<16xi32>
      %gather3A_1113 = tpu.vector_load_idx %arg14[%add3A_1023, %add3A_1112] : memref<256x128xi32, #tpu.memory_space<vmem>>[vector<16xi32>, vector<16xi32>], vector<16xi32>,
      %add3A_1114 = arith.constant 2 : i32
      %add3A_1115 = vector.broadcast %add3A_1114 : i32 to vector<16xi32>
      %add3A_1116 = arith.addi %and3A_1049, %add3A_1115 : vector<16xi32>
      %gather3A_1117 = tpu.vector_load_idx %arg15[%add3A_1023, %add3A_1116] : memref<256x128xi32, #tpu.memory_space<vmem>>[vector<16xi32>, vector<16xi32>], vector<16xi32>,
      %shift_right_arithmetic3A_1118 = arith.shrsi %gather3A_1113, %shift_left3A_1055 : vector<16xi32>
      %shift_left3A_1119 = arith.constant 16 : i32
      %shift_left3A_1120 = vector.broadcast %shift_left3A_1119 : i32 to vector<16xi32>
      %shift_left3A_1121 = arith.shli %shift_right_arithmetic3A_1118, %shift_left3A_1120 : vector<16xi32>
      %bitcast3A_1122 = vector.bitcast %shift_left3A_1121 : vector<16xi32> to vector<16xf32>
      %shift_right_arithmetic3A_1123 = arith.shrsi %gather3A_1117, %shift_left3A_1061 : vector<16xi32>
      %shift_left3A_1124 = arith.constant 16 : i32
      %shift_left3A_1125 = vector.broadcast %shift_left3A_1124 : i32 to vector<16xi32>
      %shift_left3A_1126 = arith.shli %shift_right_arithmetic3A_1123, %shift_left3A_1125 : vector<16xi32>
      %bitcast3A_1127 = vector.bitcast %shift_left3A_1126 : vector<16xi32> to vector<16xf32>
      %mul3A_1128 = arith.mulf %bitcast3A_1122, %bitcast3A_1127 : vector<16xf32>
      %add3A_1129 = arith.addf %add3A_1109, %mul3A_1128 : vector<16xf32>
      %add3A_1130 = arith.constant 3 : i32
      %add3A_1131 = vector.broadcast %add3A_1130 : i32 to vector<16xi32>
      %add3A_1132 = arith.addi %and3A_1046, %add3A_1131 : vector<16xi32>
      %gather3A_1133 = tpu.vector_load_idx %arg14[%add3A_1023, %add3A_1132] : memref<256x128xi32, #tpu.memory_space<vmem>>[vector<16xi32>, vector<16xi32>], vector<16xi32>,
      %add3A_1134 = arith.constant 3 : i32
      %add3A_1135 = vector.broadcast %add3A_1134 : i32 to vector<16xi32>
      %add3A_1136 = arith.addi %and3A_1049, %add3A_1135 : vector<16xi32>
      %gather3A_1137 = tpu.vector_load_idx %arg15[%add3A_1023, %add3A_1136] : memref<256x128xi32, #tpu.memory_space<vmem>>[vector<16xi32>, vector<16xi32>], vector<16xi32>,
      %shift_right_arithmetic3A_1138 = arith.shrsi %gather3A_1133, %shift_left3A_1055 : vector<16xi32>
      %shift_left3A_1139 = arith.constant 16 : i32
      %shift_left3A_1140 = vector.broadcast %shift_left3A_1139 : i32 to vector<16xi32>
      %shift_left3A_1141 = arith.shli %shift_right_arithmetic3A_1138, %shift_left3A_1140 : vector<16xi32>
      %bitcast3A_1142 = vector.bitcast %shift_left3A_1141 : vector<16xi32> to vector<16xf32>
      %shift_right_arithmetic3A_1143 = arith.shrsi %gather3A_1137, %shift_left3A_1061 : vector<16xi32>
      %shift_left3A_1144 = arith.constant 16 : i32
      %shift_left3A_1145 = vector.broadcast %shift_left3A_1144 : i32 to vector<16xi32>
      %shift_left3A_1146 = arith.shli %shift_right_arithmetic3A_1143, %shift_left3A_1145 : vector<16xi32>
      %bitcast3A_1147 = vector.bitcast %shift_left3A_1146 : vector<16xi32> to vector<16xf32>
      %mul3A_1148 = arith.mulf %bitcast3A_1142, %bitcast3A_1147 : vector<16xf32>
      %add3A_1149 = arith.addf %add3A_1129, %mul3A_1148 : vector<16xf32>
      %add3A_1150 = arith.constant 4 : i32
      %add3A_1151 = vector.broadcast %add3A_1150 : i32 to vector<16xi32>
      %add3A_1152 = arith.addi %and3A_1046, %add3A_1151 : vector<16xi32>
      %gather3A_1153 = tpu.vector_load_idx %arg14[%add3A_1023, %add3A_1152] : memref<256x128xi32, #tpu.memory_space<vmem>>[vector<16xi32>, vector<16xi32>], vector<16xi32>,
      %add3A_1154 = arith.constant 4 : i32
      %add3A_1155 = vector.broadcast %add3A_1154 : i32 to vector<16xi32>
      %add3A_1156 = arith.addi %and3A_1049, %add3A_1155 : vector<16xi32>
      %gather3A_1157 = tpu.vector_load_idx %arg15[%add3A_1023, %add3A_1156] : memref<256x128xi32, #tpu.memory_space<vmem>>[vector<16xi32>, vector<16xi32>], vector<16xi32>,
      %shift_right_arithmetic3A_1158 = arith.shrsi %gather3A_1153, %shift_left3A_1055 : vector<16xi32>
      %shift_left3A_1159 = arith.constant 16 : i32
      %shift_left3A_1160 = vector.broadcast %shift_left3A_1159 : i32 to vector<16xi32>
      %shift_left3A_1161 = arith.shli %shift_right_arithmetic3A_1158, %shift_left3A_1160 : vector<16xi32>
      %bitcast3A_1162 = vector.bitcast %shift_left3A_1161 : vector<16xi32> to vector<16xf32>
      %shift_right_arithmetic3A_1163 = arith.shrsi %gather3A_1157, %shift_left3A_1061 : vector<16xi32>
      %shift_left3A_1164 = arith.constant 16 : i32
      %shift_left3A_1165 = vector.broadcast %shift_left3A_1164 : i32 to vector<16xi32>
      %shift_left3A_1166 = arith.shli %shift_right_arithmetic3A_1163, %shift_left3A_1165 : vector<16xi32>
      %bitcast3A_1167 = vector.bitcast %shift_left3A_1166 : vector<16xi32> to vector<16xf32>
      %mul3A_1168 = arith.mulf %bitcast3A_1162, %bitcast3A_1167 : vector<16xf32>
      %add3A_1169 = arith.addf %add3A_1149, %mul3A_1168 : vector<16xf32>
      %add3A_1170 = arith.constant 5 : i32
      %add3A_1171 = vector.broadcast %add3A_1170 : i32 to vector<16xi32>
      %add3A_1172 = arith.addi %and3A_1046, %add3A_1171 : vector<16xi32>
      %gather3A_1173 = tpu.vector_load_idx %arg14[%add3A_1023, %add3A_1172] : memref<256x128xi32, #tpu.memory_space<vmem>>[vector<16xi32>, vector<16xi32>], vector<16xi32>,
      %add3A_1174 = arith.constant 5 : i32
      %add3A_1175 = vector.broadcast %add3A_1174 : i32 to vector<16xi32>
      %add3A_1176 = arith.addi %and3A_1049, %add3A_1175 : vector<16xi32>
      %gather3A_1177 = tpu.vector_load_idx %arg15[%add3A_1023, %add3A_1176] : memref<256x128xi32, #tpu.memory_space<vmem>>[vector<16xi32>, vector<16xi32>], vector<16xi32>,
      %shift_right_arithmetic3A_1178 = arith.shrsi %gather3A_1173, %shift_left3A_1055 : vector<16xi32>
      %shift_left3A_1179 = arith.constant 16 : i32
      %shift_left3A_1180 = vector.broadcast %shift_left3A_1179 : i32 to vector<16xi32>
      %shift_left3A_1181 = arith.shli %shift_right_arithmetic3A_1178, %shift_left3A_1180 : vector<16xi32>
      %bitcast3A_1182 = vector.bitcast %shift_left3A_1181 : vector<16xi32> to vector<16xf32>
      %shift_right_arithmetic3A_1183 = arith.shrsi %gather3A_1177, %shift_left3A_1061 : vector<16xi32>
      %shift_left3A_1184 = arith.constant 16 : i32
      %shift_left3A_1185 = vector.broadcast %shift_left3A_1184 : i32 to vector<16xi32>
      %shift_left3A_1186 = arith.shli %shift_right_arithmetic3A_1183, %shift_left3A_1185 : vector<16xi32>
      %bitcast3A_1187 = vector.bitcast %shift_left3A_1186 : vector<16xi32> to vector<16xf32>
      %mul3A_1188 = arith.mulf %bitcast3A_1182, %bitcast3A_1187 : vector<16xf32>
      %add3A_1189 = arith.addf %add3A_1169, %mul3A_1188 : vector<16xf32>
      %add3A_1190 = arith.constant 6 : i32
      %add3A_1191 = vector.broadcast %add3A_1190 : i32 to vector<16xi32>
      %add3A_1192 = arith.addi %and3A_1046, %add3A_1191 : vector<16xi32>
      %gather3A_1193 = tpu.vector_load_idx %arg14[%add3A_1023, %add3A_1192] : memref<256x128xi32, #tpu.memory_space<vmem>>[vector<16xi32>, vector<16xi32>], vector<16xi32>,
      %add3A_1194 = arith.constant 6 : i32
      %add3A_1195 = vector.broadcast %add3A_1194 : i32 to vector<16xi32>
      %add3A_1196 = arith.addi %and3A_1049, %add3A_1195 : vector<16xi32>
      %gather3A_1197 = tpu.vector_load_idx %arg15[%add3A_1023, %add3A_1196] : memref<256x128xi32, #tpu.memory_space<vmem>>[vector<16xi32>, vector<16xi32>], vector<16xi32>,
      %shift_right_arithmetic3A_1198 = arith.shrsi %gather3A_1193, %shift_left3A_1055 : vector<16xi32>
      %shift_left3A_1199 = arith.constant 16 : i32
      %shift_left3A_1200 = vector.broadcast %shift_left3A_1199 : i32 to vector<16xi32>
      %shift_left3A_1201 = arith.shli %shift_right_arithmetic3A_1198, %shift_left3A_1200 : vector<16xi32>
      %bitcast3A_1202 = vector.bitcast %shift_left3A_1201 : vector<16xi32> to vector<16xf32>
      %shift_right_arithmetic3A_1203 = arith.shrsi %gather3A_1197, %shift_left3A_1061 : vector<16xi32>
      %shift_left3A_1204 = arith.constant 16 : i32
      %shift_left3A_1205 = vector.broadcast %shift_left3A_1204 : i32 to vector<16xi32>
      %shift_left3A_1206 = arith.shli %shift_right_arithmetic3A_1203, %shift_left3A_1205 : vector<16xi32>
      %bitcast3A_1207 = vector.bitcast %shift_left3A_1206 : vector<16xi32> to vector<16xf32>
      %mul3A_1208 = arith.mulf %bitcast3A_1202, %bitcast3A_1207 : vector<16xf32>
      %add3A_1209 = arith.addf %add3A_1189, %mul3A_1208 : vector<16xf32>
      %add3A_1210 = arith.constant 7 : i32
      %add3A_1211 = vector.broadcast %add3A_1210 : i32 to vector<16xi32>
      %add3A_1212 = arith.addi %and3A_1046, %add3A_1211 : vector<16xi32>
      %gather3A_1213 = tpu.vector_load_idx %arg14[%add3A_1023, %add3A_1212] : memref<256x128xi32, #tpu.memory_space<vmem>>[vector<16xi32>, vector<16xi32>], vector<16xi32>,
      %add3A_1214 = arith.constant 7 : i32
      %add3A_1215 = vector.broadcast %add3A_1214 : i32 to vector<16xi32>
      %add3A_1216 = arith.addi %and3A_1049, %add3A_1215 : vector<16xi32>
      %gather3A_1217 = tpu.vector_load_idx %arg15[%add3A_1023, %add3A_1216] : memref<256x128xi32, #tpu.memory_space<vmem>>[vector<16xi32>, vector<16xi32>], vector<16xi32>,
      %shift_right_arithmetic3A_1218 = arith.shrsi %gather3A_1213, %shift_left3A_1055 : vector<16xi32>
      %shift_left3A_1219 = arith.constant 16 : i32
      %shift_left3A_1220 = vector.broadcast %shift_left3A_1219 : i32 to vector<16xi32>
      %shift_left3A_1221 = arith.shli %shift_right_arithmetic3A_1218, %shift_left3A_1220 : vector<16xi32>
      %bitcast3A_1222 = vector.bitcast %shift_left3A_1221 : vector<16xi32> to vector<16xf32>
      %shift_right_arithmetic3A_1223 = arith.shrsi %gather3A_1217, %shift_left3A_1061 : vector<16xi32>
      %shift_left3A_1224 = arith.constant 16 : i32
      %shift_left3A_1225 = vector.broadcast %shift_left3A_1224 : i32 to vector<16xi32>
      %shift_left3A_1226 = arith.shli %shift_right_arithmetic3A_1223, %shift_left3A_1225 : vector<16xi32>
      %bitcast3A_1227 = vector.bitcast %shift_left3A_1226 : vector<16xi32> to vector<16xf32>
      %mul3A_1228 = arith.mulf %bitcast3A_1222, %bitcast3A_1227 : vector<16xf32>
      %add3A_1229 = arith.addf %add3A_1209, %mul3A_1228 : vector<16xf32>
      %add3A_1230 = arith.constant 8 : i32
      %add3A_1231 = vector.broadcast %add3A_1230 : i32 to vector<16xi32>
      %add3A_1232 = arith.addi %and3A_1046, %add3A_1231 : vector<16xi32>
      %gather3A_1233 = tpu.vector_load_idx %arg14[%add3A_1023, %add3A_1232] : memref<256x128xi32, #tpu.memory_space<vmem>>[vector<16xi32>, vector<16xi32>], vector<16xi32>,
      %add3A_1234 = arith.constant 8 : i32
      %add3A_1235 = vector.broadcast %add3A_1234 : i32 to vector<16xi32>
      %add3A_1236 = arith.addi %and3A_1049, %add3A_1235 : vector<16xi32>
      %gather3A_1237 = tpu.vector_load_idx %arg15[%add3A_1023, %add3A_1236] : memref<256x128xi32, #tpu.memory_space<vmem>>[vector<16xi32>, vector<16xi32>], vector<16xi32>,
      %shift_right_arithmetic3A_1238 = arith.shrsi %gather3A_1233, %shift_left3A_1055 : vector<16xi32>
      %shift_left3A_1239 = arith.constant 16 : i32
      %shift_left3A_1240 = vector.broadcast %shift_left3A_1239 : i32 to vector<16xi32>
      %shift_left3A_1241 = arith.shli %shift_right_arithmetic3A_1238, %shift_left3A_1240 : vector<16xi32>
      %bitcast3A_1242 = vector.bitcast %shift_left3A_1241 : vector<16xi32> to vector<16xf32>
      %shift_right_arithmetic3A_1243 = arith.shrsi %gather3A_1237, %shift_left3A_1061 : vector<16xi32>
      %shift_left3A_1244 = arith.constant 16 : i32
      %shift_left3A_1245 = vector.broadcast %shift_left3A_1244 : i32 to vector<16xi32>
      %shift_left3A_1246 = arith.shli %shift_right_arithmetic3A_1243, %shift_left3A_1245 : vector<16xi32>
      %bitcast3A_1247 = vector.bitcast %shift_left3A_1246 : vector<16xi32> to vector<16xf32>
      %mul3A_1248 = arith.mulf %bitcast3A_1242, %bitcast3A_1247 : vector<16xf32>
      %add3A_1249 = arith.addf %add3A_1229, %mul3A_1248 : vector<16xf32>
      %add3A_1250 = arith.constant 9 : i32
      %add3A_1251 = vector.broadcast %add3A_1250 : i32 to vector<16xi32>
      %add3A_1252 = arith.addi %and3A_1046, %add3A_1251 : vector<16xi32>
      %gather3A_1253 = tpu.vector_load_idx %arg14[%add3A_1023, %add3A_1252] : memref<256x128xi32, #tpu.memory_space<vmem>>[vector<16xi32>, vector<16xi32>], vector<16xi32>,
      %add3A_1254 = arith.constant 9 : i32
      %add3A_1255 = vector.broadcast %add3A_1254 : i32 to vector<16xi32>
      %add3A_1256 = arith.addi %and3A_1049, %add3A_1255 : vector<16xi32>
      %gather3A_1257 = tpu.vector_load_idx %arg15[%add3A_1023, %add3A_1256] : memref<256x128xi32, #tpu.memory_space<vmem>>[vector<16xi32>, vector<16xi32>], vector<16xi32>,
      %shift_right_arithmetic3A_1258 = arith.shrsi %gather3A_1253, %shift_left3A_1055 : vector<16xi32>
      %shift_left3A_1259 = arith.constant 16 : i32
      %shift_left3A_1260 = vector.broadcast %shift_left3A_1259 : i32 to vector<16xi32>
      %shift_left3A_1261 = arith.shli %shift_right_arithmetic3A_1258, %shift_left3A_1260 : vector<16xi32>
      %bitcast3A_1262 = vector.bitcast %shift_left3A_1261 : vector<16xi32> to vector<16xf32>
      %shift_right_arithmetic3A_1263 = arith.shrsi %gather3A_1257, %shift_left3A_1061 : vector<16xi32>
      %shift_left3A_1264 = arith.constant 16 : i32
      %shift_left3A_1265 = vector.broadcast %shift_left3A_1264 : i32 to vector<16xi32>
      %shift_left3A_1266 = arith.shli %shift_right_arithmetic3A_1263, %shift_left3A_1265 : vector<16xi32>
      %bitcast3A_1267 = vector.bitcast %shift_left3A_1266 : vector<16xi32> to vector<16xf32>
      %mul3A_1268 = arith.mulf %bitcast3A_1262, %bitcast3A_1267 : vector<16xf32>
      %add3A_1269 = arith.addf %add3A_1249, %mul3A_1268 : vector<16xf32>
      %add3A_1270 = arith.constant 10 : i32
      %add3A_1271 = vector.broadcast %add3A_1270 : i32 to vector<16xi32>
      %add3A_1272 = arith.addi %and3A_1046, %add3A_1271 : vector<16xi32>
      %gather3A_1273 = tpu.vector_load_idx %arg14[%add3A_1023, %add3A_1272] : memref<256x128xi32, #tpu.memory_space<vmem>>[vector<16xi32>, vector<16xi32>], vector<16xi32>,
      %add3A_1274 = arith.constant 10 : i32
      %add3A_1275 = vector.broadcast %add3A_1274 : i32 to vector<16xi32>
      %add3A_1276 = arith.addi %and3A_1049, %add3A_1275 : vector<16xi32>
      %gather3A_1277 = tpu.vector_load_idx %arg15[%add3A_1023, %add3A_1276] : memref<256x128xi32, #tpu.memory_space<vmem>>[vector<16xi32>, vector<16xi32>], vector<16xi32>,
      %shift_right_arithmetic3A_1278 = arith.shrsi %gather3A_1273, %shift_left3A_1055 : vector<16xi32>
      %shift_left3A_1279 = arith.constant 16 : i32
      %shift_left3A_1280 = vector.broadcast %shift_left3A_1279 : i32 to vector<16xi32>
      %shift_left3A_1281 = arith.shli %shift_right_arithmetic3A_1278, %shift_left3A_1280 : vector<16xi32>
      %bitcast3A_1282 = vector.bitcast %shift_left3A_1281 : vector<16xi32> to vector<16xf32>
      %shift_right_arithmetic3A_1283 = arith.shrsi %gather3A_1277, %shift_left3A_1061 : vector<16xi32>
      %shift_left3A_1284 = arith.constant 16 : i32
      %shift_left3A_1285 = vector.broadcast %shift_left3A_1284 : i32 to vector<16xi32>
      %shift_left3A_1286 = arith.shli %shift_right_arithmetic3A_1283, %shift_left3A_1285 : vector<16xi32>
      %bitcast3A_1287 = vector.bitcast %shift_left3A_1286 : vector<16xi32> to vector<16xf32>
      %mul3A_1288 = arith.mulf %bitcast3A_1282, %bitcast3A_1287 : vector<16xf32>
      %add3A_1289 = arith.addf %add3A_1269, %mul3A_1288 : vector<16xf32>
      %add3A_1290 = arith.constant 11 : i32
      %add3A_1291 = vector.broadcast %add3A_1290 : i32 to vector<16xi32>
      %add3A_1292 = arith.addi %and3A_1046, %add3A_1291 : vector<16xi32>
      %gather3A_1293 = tpu.vector_load_idx %arg14[%add3A_1023, %add3A_1292] : memref<256x128xi32, #tpu.memory_space<vmem>>[vector<16xi32>, vector<16xi32>], vector<16xi32>,
      %add3A_1294 = arith.constant 11 : i32
      %add3A_1295 = vector.broadcast %add3A_1294 : i32 to vector<16xi32>
      %add3A_1296 = arith.addi %and3A_1049, %add3A_1295 : vector<16xi32>
      %gather3A_1297 = tpu.vector_load_idx %arg15[%add3A_1023, %add3A_1296] : memref<256x128xi32, #tpu.memory_space<vmem>>[vector<16xi32>, vector<16xi32>], vector<16xi32>,
      %shift_right_arithmetic3A_1298 = arith.shrsi %gather3A_1293, %shift_left3A_1055 : vector<16xi32>
      %shift_left3A_1299 = arith.constant 16 : i32
      %shift_left3A_1300 = vector.broadcast %shift_left3A_1299 : i32 to vector<16xi32>
      %shift_left3A_1301 = arith.shli %shift_right_arithmetic3A_1298, %shift_left3A_1300 : vector<16xi32>
      %bitcast3A_1302 = vector.bitcast %shift_left3A_1301 : vector<16xi32> to vector<16xf32>
      %shift_right_arithmetic3A_1303 = arith.shrsi %gather3A_1297, %shift_left3A_1061 : vector<16xi32>
      %shift_left3A_1304 = arith.constant 16 : i32
      %shift_left3A_1305 = vector.broadcast %shift_left3A_1304 : i32 to vector<16xi32>
      %shift_left3A_1306 = arith.shli %shift_right_arithmetic3A_1303, %shift_left3A_1305 : vector<16xi32>
      %bitcast3A_1307 = vector.bitcast %shift_left3A_1306 : vector<16xi32> to vector<16xf32>
      %mul3A_1308 = arith.mulf %bitcast3A_1302, %bitcast3A_1307 : vector<16xf32>
      %add3A_1309 = arith.addf %add3A_1289, %mul3A_1308 : vector<16xf32>
      %add3A_1310 = arith.constant 12 : i32
      %add3A_1311 = vector.broadcast %add3A_1310 : i32 to vector<16xi32>
      %add3A_1312 = arith.addi %and3A_1046, %add3A_1311 : vector<16xi32>
      %gather3A_1313 = tpu.vector_load_idx %arg14[%add3A_1023, %add3A_1312] : memref<256x128xi32, #tpu.memory_space<vmem>>[vector<16xi32>, vector<16xi32>], vector<16xi32>,
      %add3A_1314 = arith.constant 12 : i32
      %add3A_1315 = vector.broadcast %add3A_1314 : i32 to vector<16xi32>
      %add3A_1316 = arith.addi %and3A_1049, %add3A_1315 : vector<16xi32>
      %gather3A_1317 = tpu.vector_load_idx %arg15[%add3A_1023, %add3A_1316] : memref<256x128xi32, #tpu.memory_space<vmem>>[vector<16xi32>, vector<16xi32>], vector<16xi32>,
      %shift_right_arithmetic3A_1318 = arith.shrsi %gather3A_1313, %shift_left3A_1055 : vector<16xi32>
      %shift_left3A_1319 = arith.constant 16 : i32
      %shift_left3A_1320 = vector.broadcast %shift_left3A_1319 : i32 to vector<16xi32>
      %shift_left3A_1321 = arith.shli %shift_right_arithmetic3A_1318, %shift_left3A_1320 : vector<16xi32>
      %bitcast3A_1322 = vector.bitcast %shift_left3A_1321 : vector<16xi32> to vector<16xf32>
      %shift_right_arithmetic3A_1323 = arith.shrsi %gather3A_1317, %shift_left3A_1061 : vector<16xi32>
      %shift_left3A_1324 = arith.constant 16 : i32
      %shift_left3A_1325 = vector.broadcast %shift_left3A_1324 : i32 to vector<16xi32>
      %shift_left3A_1326 = arith.shli %shift_right_arithmetic3A_1323, %shift_left3A_1325 : vector<16xi32>
      %bitcast3A_1327 = vector.bitcast %shift_left3A_1326 : vector<16xi32> to vector<16xf32>
      %mul3A_1328 = arith.mulf %bitcast3A_1322, %bitcast3A_1327 : vector<16xf32>
      %add3A_1329 = arith.addf %add3A_1309, %mul3A_1328 : vector<16xf32>
      %add3A_1330 = arith.constant 13 : i32
      %add3A_1331 = vector.broadcast %add3A_1330 : i32 to vector<16xi32>
      %add3A_1332 = arith.addi %and3A_1046, %add3A_1331 : vector<16xi32>
      %gather3A_1333 = tpu.vector_load_idx %arg14[%add3A_1023, %add3A_1332] : memref<256x128xi32, #tpu.memory_space<vmem>>[vector<16xi32>, vector<16xi32>], vector<16xi32>,
      %add3A_1334 = arith.constant 13 : i32
      %add3A_1335 = vector.broadcast %add3A_1334 : i32 to vector<16xi32>
      %add3A_1336 = arith.addi %and3A_1049, %add3A_1335 : vector<16xi32>
      %gather3A_1337 = tpu.vector_load_idx %arg15[%add3A_1023, %add3A_1336] : memref<256x128xi32, #tpu.memory_space<vmem>>[vector<16xi32>, vector<16xi32>], vector<16xi32>,
      %shift_right_arithmetic3A_1338 = arith.shrsi %gather3A_1333, %shift_left3A_1055 : vector<16xi32>
      %shift_left3A_1339 = arith.constant 16 : i32
      %shift_left3A_1340 = vector.broadcast %shift_left3A_1339 : i32 to vector<16xi32>
      %shift_left3A_1341 = arith.shli %shift_right_arithmetic3A_1338, %shift_left3A_1340 : vector<16xi32>
      %bitcast3A_1342 = vector.bitcast %shift_left3A_1341 : vector<16xi32> to vector<16xf32>
      %shift_right_arithmetic3A_1343 = arith.shrsi %gather3A_1337, %shift_left3A_1061 : vector<16xi32>
      %shift_left3A_1344 = arith.constant 16 : i32
      %shift_left3A_1345 = vector.broadcast %shift_left3A_1344 : i32 to vector<16xi32>
      %shift_left3A_1346 = arith.shli %shift_right_arithmetic3A_1343, %shift_left3A_1345 : vector<16xi32>
      %bitcast3A_1347 = vector.bitcast %shift_left3A_1346 : vector<16xi32> to vector<16xf32>
      %mul3A_1348 = arith.mulf %bitcast3A_1342, %bitcast3A_1347 : vector<16xf32>
      %add3A_1349 = arith.addf %add3A_1329, %mul3A_1348 : vector<16xf32>
      %add3A_1350 = arith.constant 14 : i32
      %add3A_1351 = vector.broadcast %add3A_1350 : i32 to vector<16xi32>
      %add3A_1352 = arith.addi %and3A_1046, %add3A_1351 : vector<16xi32>
      %gather3A_1353 = tpu.vector_load_idx %arg14[%add3A_1023, %add3A_1352] : memref<256x128xi32, #tpu.memory_space<vmem>>[vector<16xi32>, vector<16xi32>], vector<16xi32>,
      %add3A_1354 = arith.constant 14 : i32
      %add3A_1355 = vector.broadcast %add3A_1354 : i32 to vector<16xi32>
      %add3A_1356 = arith.addi %and3A_1049, %add3A_1355 : vector<16xi32>
      %gather3A_1357 = tpu.vector_load_idx %arg15[%add3A_1023, %add3A_1356] : memref<256x128xi32, #tpu.memory_space<vmem>>[vector<16xi32>, vector<16xi32>], vector<16xi32>,
      %shift_right_arithmetic3A_1358 = arith.shrsi %gather3A_1353, %shift_left3A_1055 : vector<16xi32>
      %shift_left3A_1359 = arith.constant 16 : i32
      %shift_left3A_1360 = vector.broadcast %shift_left3A_1359 : i32 to vector<16xi32>
      %shift_left3A_1361 = arith.shli %shift_right_arithmetic3A_1358, %shift_left3A_1360 : vector<16xi32>
      %bitcast3A_1362 = vector.bitcast %shift_left3A_1361 : vector<16xi32> to vector<16xf32>
      %shift_right_arithmetic3A_1363 = arith.shrsi %gather3A_1357, %shift_left3A_1061 : vector<16xi32>
      %shift_left3A_1364 = arith.constant 16 : i32
      %shift_left3A_1365 = vector.broadcast %shift_left3A_1364 : i32 to vector<16xi32>
      %shift_left3A_1366 = arith.shli %shift_right_arithmetic3A_1363, %shift_left3A_1365 : vector<16xi32>
      %bitcast3A_1367 = vector.bitcast %shift_left3A_1366 : vector<16xi32> to vector<16xf32>
      %mul3A_1368 = arith.mulf %bitcast3A_1362, %bitcast3A_1367 : vector<16xf32>
      %add3A_1369 = arith.addf %add3A_1349, %mul3A_1368 : vector<16xf32>
      %add3A_1370 = arith.constant 15 : i32
      %add3A_1371 = vector.broadcast %add3A_1370 : i32 to vector<16xi32>
      %add3A_1372 = arith.addi %and3A_1046, %add3A_1371 : vector<16xi32>
      %gather3A_1373 = tpu.vector_load_idx %arg14[%add3A_1023, %add3A_1372] : memref<256x128xi32, #tpu.memory_space<vmem>>[vector<16xi32>, vector<16xi32>], vector<16xi32>,
      %add3A_1374 = arith.constant 15 : i32
      %add3A_1375 = vector.broadcast %add3A_1374 : i32 to vector<16xi32>
      %add3A_1376 = arith.addi %and3A_1049, %add3A_1375 : vector<16xi32>
      %gather3A_1377 = tpu.vector_load_idx %arg15[%add3A_1023, %add3A_1376] : memref<256x128xi32, #tpu.memory_space<vmem>>[vector<16xi32>, vector<16xi32>], vector<16xi32>,
      %shift_right_arithmetic3A_1378 = arith.shrsi %gather3A_1373, %shift_left3A_1055 : vector<16xi32>
      %shift_left3A_1379 = arith.constant 16 : i32
      %shift_left3A_1380 = vector.broadcast %shift_left3A_1379 : i32 to vector<16xi32>
      %shift_left3A_1381 = arith.shli %shift_right_arithmetic3A_1378, %shift_left3A_1380 : vector<16xi32>
      %bitcast3A_1382 = vector.bitcast %shift_left3A_1381 : vector<16xi32> to vector<16xf32>
      %shift_right_arithmetic3A_1383 = arith.shrsi %gather3A_1377, %shift_left3A_1061 : vector<16xi32>
      %shift_left3A_1384 = arith.constant 16 : i32
      %shift_left3A_1385 = vector.broadcast %shift_left3A_1384 : i32 to vector<16xi32>
      %shift_left3A_1386 = arith.shli %shift_right_arithmetic3A_1383, %shift_left3A_1385 : vector<16xi32>
      %bitcast3A_1387 = vector.bitcast %shift_left3A_1386 : vector<16xi32> to vector<16xf32>
      %mul3A_1388 = arith.mulf %bitcast3A_1382, %bitcast3A_1387 : vector<16xf32>
      %add3A_1389 = arith.addf %add3A_1369, %mul3A_1388 : vector<16xf32>
      %add3A_1390 = arith.constant 16 : i32
      %add3A_1391 = vector.broadcast %add3A_1390 : i32 to vector<16xi32>
      %add3A_1392 = arith.addi %and3A_1046, %add3A_1391 : vector<16xi32>
      %gather3A_1393 = tpu.vector_load_idx %arg14[%add3A_1023, %add3A_1392] : memref<256x128xi32, #tpu.memory_space<vmem>>[vector<16xi32>, vector<16xi32>], vector<16xi32>,
      %add3A_1394 = arith.constant 16 : i32
      %add3A_1395 = vector.broadcast %add3A_1394 : i32 to vector<16xi32>
      %add3A_1396 = arith.addi %and3A_1049, %add3A_1395 : vector<16xi32>
      %gather3A_1397 = tpu.vector_load_idx %arg15[%add3A_1023, %add3A_1396] : memref<256x128xi32, #tpu.memory_space<vmem>>[vector<16xi32>, vector<16xi32>], vector<16xi32>,
      %shift_right_arithmetic3A_1398 = arith.shrsi %gather3A_1393, %shift_left3A_1055 : vector<16xi32>
      %shift_left3A_1399 = arith.constant 16 : i32
      %shift_left3A_1400 = vector.broadcast %shift_left3A_1399 : i32 to vector<16xi32>
      %shift_left3A_1401 = arith.shli %shift_right_arithmetic3A_1398, %shift_left3A_1400 : vector<16xi32>
      %bitcast3A_1402 = vector.bitcast %shift_left3A_1401 : vector<16xi32> to vector<16xf32>
      %shift_right_arithmetic3A_1403 = arith.shrsi %gather3A_1397, %shift_left3A_1061 : vector<16xi32>
      %shift_left3A_1404 = arith.constant 16 : i32
      %shift_left3A_1405 = vector.broadcast %shift_left3A_1404 : i32 to vector<16xi32>
      %shift_left3A_1406 = arith.shli %shift_right_arithmetic3A_1403, %shift_left3A_1405 : vector<16xi32>
      %bitcast3A_1407 = vector.bitcast %shift_left3A_1406 : vector<16xi32> to vector<16xf32>
      %mul3A_1408 = arith.mulf %bitcast3A_1402, %bitcast3A_1407 : vector<16xf32>
      %add3A_1409 = arith.addf %add3A_1389, %mul3A_1408 : vector<16xf32>
      %add3A_1410 = arith.constant 17 : i32
      %add3A_1411 = vector.broadcast %add3A_1410 : i32 to vector<16xi32>
      %add3A_1412 = arith.addi %and3A_1046, %add3A_1411 : vector<16xi32>
      %gather3A_1413 = tpu.vector_load_idx %arg14[%add3A_1023, %add3A_1412] : memref<256x128xi32, #tpu.memory_space<vmem>>[vector<16xi32>, vector<16xi32>], vector<16xi32>,
      %add3A_1414 = arith.constant 17 : i32
      %add3A_1415 = vector.broadcast %add3A_1414 : i32 to vector<16xi32>
      %add3A_1416 = arith.addi %and3A_1049, %add3A_1415 : vector<16xi32>
      %gather3A_1417 = tpu.vector_load_idx %arg15[%add3A_1023, %add3A_1416] : memref<256x128xi32, #tpu.memory_space<vmem>>[vector<16xi32>, vector<16xi32>], vector<16xi32>,
      %shift_right_arithmetic3A_1418 = arith.shrsi %gather3A_1413, %shift_left3A_1055 : vector<16xi32>
      %shift_left3A_1419 = arith.constant 16 : i32
      %shift_left3A_1420 = vector.broadcast %shift_left3A_1419 : i32 to vector<16xi32>
      %shift_left3A_1421 = arith.shli %shift_right_arithmetic3A_1418, %shift_left3A_1420 : vector<16xi32>
      %bitcast3A_1422 = vector.bitcast %shift_left3A_1421 : vector<16xi32> to vector<16xf32>
      %shift_right_arithmetic3A_1423 = arith.shrsi %gather3A_1417, %shift_left3A_1061 : vector<16xi32>
      %shift_left3A_1424 = arith.constant 16 : i32
      %shift_left3A_1425 = vector.broadcast %shift_left3A_1424 : i32 to vector<16xi32>
      %shift_left3A_1426 = arith.shli %shift_right_arithmetic3A_1423, %shift_left3A_1425 : vector<16xi32>
      %bitcast3A_1427 = vector.bitcast %shift_left3A_1426 : vector<16xi32> to vector<16xf32>
      %mul3A_1428 = arith.mulf %bitcast3A_1422, %bitcast3A_1427 : vector<16xf32>
      %add3A_1429 = arith.addf %add3A_1409, %mul3A_1428 : vector<16xf32>
      %add3A_1430 = arith.constant 18 : i32
      %add3A_1431 = vector.broadcast %add3A_1430 : i32 to vector<16xi32>
      %add3A_1432 = arith.addi %and3A_1046, %add3A_1431 : vector<16xi32>
      %gather3A_1433 = tpu.vector_load_idx %arg14[%add3A_1023, %add3A_1432] : memref<256x128xi32, #tpu.memory_space<vmem>>[vector<16xi32>, vector<16xi32>], vector<16xi32>,
      %add3A_1434 = arith.constant 18 : i32
      %add3A_1435 = vector.broadcast %add3A_1434 : i32 to vector<16xi32>
      %add3A_1436 = arith.addi %and3A_1049, %add3A_1435 : vector<16xi32>
      %gather3A_1437 = tpu.vector_load_idx %arg15[%add3A_1023, %add3A_1436] : memref<256x128xi32, #tpu.memory_space<vmem>>[vector<16xi32>, vector<16xi32>], vector<16xi32>,
      %shift_right_arithmetic3A_1438 = arith.shrsi %gather3A_1433, %shift_left3A_1055 : vector<16xi32>
      %shift_left3A_1439 = arith.constant 16 : i32
      %shift_left3A_1440 = vector.broadcast %shift_left3A_1439 : i32 to vector<16xi32>
      %shift_left3A_1441 = arith.shli %shift_right_arithmetic3A_1438, %shift_left3A_1440 : vector<16xi32>
      %bitcast3A_1442 = vector.bitcast %shift_left3A_1441 : vector<16xi32> to vector<16xf32>
      %shift_right_arithmetic3A_1443 = arith.shrsi %gather3A_1437, %shift_left3A_1061 : vector<16xi32>
      %shift_left3A_1444 = arith.constant 16 : i32
      %shift_left3A_1445 = vector.broadcast %shift_left3A_1444 : i32 to vector<16xi32>
      %shift_left3A_1446 = arith.shli %shift_right_arithmetic3A_1443, %shift_left3A_1445 : vector<16xi32>
      %bitcast3A_1447 = vector.bitcast %shift_left3A_1446 : vector<16xi32> to vector<16xf32>
      %mul3A_1448 = arith.mulf %bitcast3A_1442, %bitcast3A_1447 : vector<16xf32>
      %add3A_1449 = arith.addf %add3A_1429, %mul3A_1448 : vector<16xf32>
      %add3A_1450 = arith.constant 19 : i32
      %add3A_1451 = vector.broadcast %add3A_1450 : i32 to vector<16xi32>
      %add3A_1452 = arith.addi %and3A_1046, %add3A_1451 : vector<16xi32>
      %gather3A_1453 = tpu.vector_load_idx %arg14[%add3A_1023, %add3A_1452] : memref<256x128xi32, #tpu.memory_space<vmem>>[vector<16xi32>, vector<16xi32>], vector<16xi32>,
      %add3A_1454 = arith.constant 19 : i32
      %add3A_1455 = vector.broadcast %add3A_1454 : i32 to vector<16xi32>
      %add3A_1456 = arith.addi %and3A_1049, %add3A_1455 : vector<16xi32>
      %gather3A_1457 = tpu.vector_load_idx %arg15[%add3A_1023, %add3A_1456] : memref<256x128xi32, #tpu.memory_space<vmem>>[vector<16xi32>, vector<16xi32>], vector<16xi32>,
      %shift_right_arithmetic3A_1458 = arith.shrsi %gather3A_1453, %shift_left3A_1055 : vector<16xi32>
      %shift_left3A_1459 = arith.constant 16 : i32
      %shift_left3A_1460 = vector.broadcast %shift_left3A_1459 : i32 to vector<16xi32>
      %shift_left3A_1461 = arith.shli %shift_right_arithmetic3A_1458, %shift_left3A_1460 : vector<16xi32>
      %bitcast3A_1462 = vector.bitcast %shift_left3A_1461 : vector<16xi32> to vector<16xf32>
      %shift_right_arithmetic3A_1463 = arith.shrsi %gather3A_1457, %shift_left3A_1061 : vector<16xi32>
      %shift_left3A_1464 = arith.constant 16 : i32
      %shift_left3A_1465 = vector.broadcast %shift_left3A_1464 : i32 to vector<16xi32>
      %shift_left3A_1466 = arith.shli %shift_right_arithmetic3A_1463, %shift_left3A_1465 : vector<16xi32>
      %bitcast3A_1467 = vector.bitcast %shift_left3A_1466 : vector<16xi32> to vector<16xf32>
      %mul3A_1468 = arith.mulf %bitcast3A_1462, %bitcast3A_1467 : vector<16xf32>
      %add3A_1469 = arith.addf %add3A_1449, %mul3A_1468 : vector<16xf32>
      %add3A_1470 = arith.constant 20 : i32
      %add3A_1471 = vector.broadcast %add3A_1470 : i32 to vector<16xi32>
      %add3A_1472 = arith.addi %and3A_1046, %add3A_1471 : vector<16xi32>
      %gather3A_1473 = tpu.vector_load_idx %arg14[%add3A_1023, %add3A_1472] : memref<256x128xi32, #tpu.memory_space<vmem>>[vector<16xi32>, vector<16xi32>], vector<16xi32>,
      %add3A_1474 = arith.constant 20 : i32
      %add3A_1475 = vector.broadcast %add3A_1474 : i32 to vector<16xi32>
      %add3A_1476 = arith.addi %and3A_1049, %add3A_1475 : vector<16xi32>
      %gather3A_1477 = tpu.vector_load_idx %arg15[%add3A_1023, %add3A_1476] : memref<256x128xi32, #tpu.memory_space<vmem>>[vector<16xi32>, vector<16xi32>], vector<16xi32>,
      %shift_right_arithmetic3A_1478 = arith.shrsi %gather3A_1473, %shift_left3A_1055 : vector<16xi32>
      %shift_left3A_1479 = arith.constant 16 : i32
      %shift_left3A_1480 = vector.broadcast %shift_left3A_1479 : i32 to vector<16xi32>
      %shift_left3A_1481 = arith.shli %shift_right_arithmetic3A_1478, %shift_left3A_1480 : vector<16xi32>
      %bitcast3A_1482 = vector.bitcast %shift_left3A_1481 : vector<16xi32> to vector<16xf32>
      %shift_right_arithmetic3A_1483 = arith.shrsi %gather3A_1477, %shift_left3A_1061 : vector<16xi32>
      %shift_left3A_1484 = arith.constant 16 : i32
      %shift_left3A_1485 = vector.broadcast %shift_left3A_1484 : i32 to vector<16xi32>
      %shift_left3A_1486 = arith.shli %shift_right_arithmetic3A_1483, %shift_left3A_1485 : vector<16xi32>
      %bitcast3A_1487 = vector.bitcast %shift_left3A_1486 : vector<16xi32> to vector<16xf32>
      %mul3A_1488 = arith.mulf %bitcast3A_1482, %bitcast3A_1487 : vector<16xf32>
      %add3A_1489 = arith.addf %add3A_1469, %mul3A_1488 : vector<16xf32>
      %add3A_1490 = arith.constant 21 : i32
      %add3A_1491 = vector.broadcast %add3A_1490 : i32 to vector<16xi32>
      %add3A_1492 = arith.addi %and3A_1046, %add3A_1491 : vector<16xi32>
      %gather3A_1493 = tpu.vector_load_idx %arg14[%add3A_1023, %add3A_1492] : memref<256x128xi32, #tpu.memory_space<vmem>>[vector<16xi32>, vector<16xi32>], vector<16xi32>,
      %add3A_1494 = arith.constant 21 : i32
      %add3A_1495 = vector.broadcast %add3A_1494 : i32 to vector<16xi32>
      %add3A_1496 = arith.addi %and3A_1049, %add3A_1495 : vector<16xi32>
      %gather3A_1497 = tpu.vector_load_idx %arg15[%add3A_1023, %add3A_1496] : memref<256x128xi32, #tpu.memory_space<vmem>>[vector<16xi32>, vector<16xi32>], vector<16xi32>,
      %shift_right_arithmetic3A_1498 = arith.shrsi %gather3A_1493, %shift_left3A_1055 : vector<16xi32>
      %shift_left3A_1499 = arith.constant 16 : i32
      %shift_left3A_1500 = vector.broadcast %shift_left3A_1499 : i32 to vector<16xi32>
      %shift_left3A_1501 = arith.shli %shift_right_arithmetic3A_1498, %shift_left3A_1500 : vector<16xi32>
      %bitcast3A_1502 = vector.bitcast %shift_left3A_1501 : vector<16xi32> to vector<16xf32>
      %shift_right_arithmetic3A_1503 = arith.shrsi %gather3A_1497, %shift_left3A_1061 : vector<16xi32>
      %shift_left3A_1504 = arith.constant 16 : i32
      %shift_left3A_1505 = vector.broadcast %shift_left3A_1504 : i32 to vector<16xi32>
      %shift_left3A_1506 = arith.shli %shift_right_arithmetic3A_1503, %shift_left3A_1505 : vector<16xi32>
      %bitcast3A_1507 = vector.bitcast %shift_left3A_1506 : vector<16xi32> to vector<16xf32>
      %mul3A_1508 = arith.mulf %bitcast3A_1502, %bitcast3A_1507 : vector<16xf32>
      %add3A_1509 = arith.addf %add3A_1489, %mul3A_1508 : vector<16xf32>
      %add3A_1510 = arith.constant 22 : i32
      %add3A_1511 = vector.broadcast %add3A_1510 : i32 to vector<16xi32>
      %add3A_1512 = arith.addi %and3A_1046, %add3A_1511 : vector<16xi32>
      %gather3A_1513 = tpu.vector_load_idx %arg14[%add3A_1023, %add3A_1512] : memref<256x128xi32, #tpu.memory_space<vmem>>[vector<16xi32>, vector<16xi32>], vector<16xi32>,
      %add3A_1514 = arith.constant 22 : i32
      %add3A_1515 = vector.broadcast %add3A_1514 : i32 to vector<16xi32>
      %add3A_1516 = arith.addi %and3A_1049, %add3A_1515 : vector<16xi32>
      %gather3A_1517 = tpu.vector_load_idx %arg15[%add3A_1023, %add3A_1516] : memref<256x128xi32, #tpu.memory_space<vmem>>[vector<16xi32>, vector<16xi32>], vector<16xi32>,
      %shift_right_arithmetic3A_1518 = arith.shrsi %gather3A_1513, %shift_left3A_1055 : vector<16xi32>
      %shift_left3A_1519 = arith.constant 16 : i32
      %shift_left3A_1520 = vector.broadcast %shift_left3A_1519 : i32 to vector<16xi32>
      %shift_left3A_1521 = arith.shli %shift_right_arithmetic3A_1518, %shift_left3A_1520 : vector<16xi32>
      %bitcast3A_1522 = vector.bitcast %shift_left3A_1521 : vector<16xi32> to vector<16xf32>
      %shift_right_arithmetic3A_1523 = arith.shrsi %gather3A_1517, %shift_left3A_1061 : vector<16xi32>
      %shift_left3A_1524 = arith.constant 16 : i32
      %shift_left3A_1525 = vector.broadcast %shift_left3A_1524 : i32 to vector<16xi32>
      %shift_left3A_1526 = arith.shli %shift_right_arithmetic3A_1523, %shift_left3A_1525 : vector<16xi32>
      %bitcast3A_1527 = vector.bitcast %shift_left3A_1526 : vector<16xi32> to vector<16xf32>
      %mul3A_1528 = arith.mulf %bitcast3A_1522, %bitcast3A_1527 : vector<16xf32>
      %add3A_1529 = arith.addf %add3A_1509, %mul3A_1528 : vector<16xf32>
      %add3A_1530 = arith.constant 23 : i32
      %add3A_1531 = vector.broadcast %add3A_1530 : i32 to vector<16xi32>
      %add3A_1532 = arith.addi %and3A_1046, %add3A_1531 : vector<16xi32>
      %gather3A_1533 = tpu.vector_load_idx %arg14[%add3A_1023, %add3A_1532] : memref<256x128xi32, #tpu.memory_space<vmem>>[vector<16xi32>, vector<16xi32>], vector<16xi32>,
      %add3A_1534 = arith.constant 23 : i32
      %add3A_1535 = vector.broadcast %add3A_1534 : i32 to vector<16xi32>
      %add3A_1536 = arith.addi %and3A_1049, %add3A_1535 : vector<16xi32>
      %gather3A_1537 = tpu.vector_load_idx %arg15[%add3A_1023, %add3A_1536] : memref<256x128xi32, #tpu.memory_space<vmem>>[vector<16xi32>, vector<16xi32>], vector<16xi32>,
      %shift_right_arithmetic3A_1538 = arith.shrsi %gather3A_1533, %shift_left3A_1055 : vector<16xi32>
      %shift_left3A_1539 = arith.constant 16 : i32
      %shift_left3A_1540 = vector.broadcast %shift_left3A_1539 : i32 to vector<16xi32>
      %shift_left3A_1541 = arith.shli %shift_right_arithmetic3A_1538, %shift_left3A_1540 : vector<16xi32>
      %bitcast3A_1542 = vector.bitcast %shift_left3A_1541 : vector<16xi32> to vector<16xf32>
      %shift_right_arithmetic3A_1543 = arith.shrsi %gather3A_1537, %shift_left3A_1061 : vector<16xi32>
      %shift_left3A_1544 = arith.constant 16 : i32
      %shift_left3A_1545 = vector.broadcast %shift_left3A_1544 : i32 to vector<16xi32>
      %shift_left3A_1546 = arith.shli %shift_right_arithmetic3A_1543, %shift_left3A_1545 : vector<16xi32>
      %bitcast3A_1547 = vector.bitcast %shift_left3A_1546 : vector<16xi32> to vector<16xf32>
      %mul3A_1548 = arith.mulf %bitcast3A_1542, %bitcast3A_1547 : vector<16xf32>
      %add3A_1549 = arith.addf %add3A_1529, %mul3A_1548 : vector<16xf32>
      %add3A_1550 = arith.constant 24 : i32
      %add3A_1551 = vector.broadcast %add3A_1550 : i32 to vector<16xi32>
      %add3A_1552 = arith.addi %and3A_1046, %add3A_1551 : vector<16xi32>
      %gather3A_1553 = tpu.vector_load_idx %arg14[%add3A_1023, %add3A_1552] : memref<256x128xi32, #tpu.memory_space<vmem>>[vector<16xi32>, vector<16xi32>], vector<16xi32>,
      %add3A_1554 = arith.constant 24 : i32
      %add3A_1555 = vector.broadcast %add3A_1554 : i32 to vector<16xi32>
      %add3A_1556 = arith.addi %and3A_1049, %add3A_1555 : vector<16xi32>
      %gather3A_1557 = tpu.vector_load_idx %arg15[%add3A_1023, %add3A_1556] : memref<256x128xi32, #tpu.memory_space<vmem>>[vector<16xi32>, vector<16xi32>], vector<16xi32>,
      %shift_right_arithmetic3A_1558 = arith.shrsi %gather3A_1553, %shift_left3A_1055 : vector<16xi32>
      %shift_left3A_1559 = arith.constant 16 : i32
      %shift_left3A_1560 = vector.broadcast %shift_left3A_1559 : i32 to vector<16xi32>
      %shift_left3A_1561 = arith.shli %shift_right_arithmetic3A_1558, %shift_left3A_1560 : vector<16xi32>
      %bitcast3A_1562 = vector.bitcast %shift_left3A_1561 : vector<16xi32> to vector<16xf32>
      %shift_right_arithmetic3A_1563 = arith.shrsi %gather3A_1557, %shift_left3A_1061 : vector<16xi32>
      %shift_left3A_1564 = arith.constant 16 : i32
      %shift_left3A_1565 = vector.broadcast %shift_left3A_1564 : i32 to vector<16xi32>
      %shift_left3A_1566 = arith.shli %shift_right_arithmetic3A_1563, %shift_left3A_1565 : vector<16xi32>
      %bitcast3A_1567 = vector.bitcast %shift_left3A_1566 : vector<16xi32> to vector<16xf32>
      %mul3A_1568 = arith.mulf %bitcast3A_1562, %bitcast3A_1567 : vector<16xf32>
      %add3A_1569 = arith.addf %add3A_1549, %mul3A_1568 : vector<16xf32>
      %add3A_1570 = arith.constant 25 : i32
      %add3A_1571 = vector.broadcast %add3A_1570 : i32 to vector<16xi32>
      %add3A_1572 = arith.addi %and3A_1046, %add3A_1571 : vector<16xi32>
      %gather3A_1573 = tpu.vector_load_idx %arg14[%add3A_1023, %add3A_1572] : memref<256x128xi32, #tpu.memory_space<vmem>>[vector<16xi32>, vector<16xi32>], vector<16xi32>,
      %add3A_1574 = arith.constant 25 : i32
      %add3A_1575 = vector.broadcast %add3A_1574 : i32 to vector<16xi32>
      %add3A_1576 = arith.addi %and3A_1049, %add3A_1575 : vector<16xi32>
      %gather3A_1577 = tpu.vector_load_idx %arg15[%add3A_1023, %add3A_1576] : memref<256x128xi32, #tpu.memory_space<vmem>>[vector<16xi32>, vector<16xi32>], vector<16xi32>,
      %shift_right_arithmetic3A_1578 = arith.shrsi %gather3A_1573, %shift_left3A_1055 : vector<16xi32>
      %shift_left3A_1579 = arith.constant 16 : i32
      %shift_left3A_1580 = vector.broadcast %shift_left3A_1579 : i32 to vector<16xi32>
      %shift_left3A_1581 = arith.shli %shift_right_arithmetic3A_1578, %shift_left3A_1580 : vector<16xi32>
      %bitcast3A_1582 = vector.bitcast %shift_left3A_1581 : vector<16xi32> to vector<16xf32>
      %shift_right_arithmetic3A_1583 = arith.shrsi %gather3A_1577, %shift_left3A_1061 : vector<16xi32>
      %shift_left3A_1584 = arith.constant 16 : i32
      %shift_left3A_1585 = vector.broadcast %shift_left3A_1584 : i32 to vector<16xi32>
      %shift_left3A_1586 = arith.shli %shift_right_arithmetic3A_1583, %shift_left3A_1585 : vector<16xi32>
      %bitcast3A_1587 = vector.bitcast %shift_left3A_1586 : vector<16xi32> to vector<16xf32>
      %mul3A_1588 = arith.mulf %bitcast3A_1582, %bitcast3A_1587 : vector<16xf32>
      %add3A_1589 = arith.addf %add3A_1569, %mul3A_1588 : vector<16xf32>
      %add3A_1590 = arith.constant 26 : i32
      %add3A_1591 = vector.broadcast %add3A_1590 : i32 to vector<16xi32>
      %add3A_1592 = arith.addi %and3A_1046, %add3A_1591 : vector<16xi32>
      %gather3A_1593 = tpu.vector_load_idx %arg14[%add3A_1023, %add3A_1592] : memref<256x128xi32, #tpu.memory_space<vmem>>[vector<16xi32>, vector<16xi32>], vector<16xi32>,
      %add3A_1594 = arith.constant 26 : i32
      %add3A_1595 = vector.broadcast %add3A_1594 : i32 to vector<16xi32>
      %add3A_1596 = arith.addi %and3A_1049, %add3A_1595 : vector<16xi32>
      %gather3A_1597 = tpu.vector_load_idx %arg15[%add3A_1023, %add3A_1596] : memref<256x128xi32, #tpu.memory_space<vmem>>[vector<16xi32>, vector<16xi32>], vector<16xi32>,
      %shift_right_arithmetic3A_1598 = arith.shrsi %gather3A_1593, %shift_left3A_1055 : vector<16xi32>
      %shift_left3A_1599 = arith.constant 16 : i32
      %shift_left3A_1600 = vector.broadcast %shift_left3A_1599 : i32 to vector<16xi32>
      %shift_left3A_1601 = arith.shli %shift_right_arithmetic3A_1598, %shift_left3A_1600 : vector<16xi32>
      %bitcast3A_1602 = vector.bitcast %shift_left3A_1601 : vector<16xi32> to vector<16xf32>
      %shift_right_arithmetic3A_1603 = arith.shrsi %gather3A_1597, %shift_left3A_1061 : vector<16xi32>
      %shift_left3A_1604 = arith.constant 16 : i32
      %shift_left3A_1605 = vector.broadcast %shift_left3A_1604 : i32 to vector<16xi32>
      %shift_left3A_1606 = arith.shli %shift_right_arithmetic3A_1603, %shift_left3A_1605 : vector<16xi32>
      %bitcast3A_1607 = vector.bitcast %shift_left3A_1606 : vector<16xi32> to vector<16xf32>
      %mul3A_1608 = arith.mulf %bitcast3A_1602, %bitcast3A_1607 : vector<16xf32>
      %add3A_1609 = arith.addf %add3A_1589, %mul3A_1608 : vector<16xf32>
      %add3A_1610 = arith.constant 27 : i32
      %add3A_1611 = vector.broadcast %add3A_1610 : i32 to vector<16xi32>
      %add3A_1612 = arith.addi %and3A_1046, %add3A_1611 : vector<16xi32>
      %gather3A_1613 = tpu.vector_load_idx %arg14[%add3A_1023, %add3A_1612] : memref<256x128xi32, #tpu.memory_space<vmem>>[vector<16xi32>, vector<16xi32>], vector<16xi32>,
      %add3A_1614 = arith.constant 27 : i32
      %add3A_1615 = vector.broadcast %add3A_1614 : i32 to vector<16xi32>
      %add3A_1616 = arith.addi %and3A_1049, %add3A_1615 : vector<16xi32>
      %gather3A_1617 = tpu.vector_load_idx %arg15[%add3A_1023, %add3A_1616] : memref<256x128xi32, #tpu.memory_space<vmem>>[vector<16xi32>, vector<16xi32>], vector<16xi32>,
      %shift_right_arithmetic3A_1618 = arith.shrsi %gather3A_1613, %shift_left3A_1055 : vector<16xi32>
      %shift_left3A_1619 = arith.constant 16 : i32
      %shift_left3A_1620 = vector.broadcast %shift_left3A_1619 : i32 to vector<16xi32>
      %shift_left3A_1621 = arith.shli %shift_right_arithmetic3A_1618, %shift_left3A_1620 : vector<16xi32>
      %bitcast3A_1622 = vector.bitcast %shift_left3A_1621 : vector<16xi32> to vector<16xf32>
      %shift_right_arithmetic3A_1623 = arith.shrsi %gather3A_1617, %shift_left3A_1061 : vector<16xi32>
      %shift_left3A_1624 = arith.constant 16 : i32
      %shift_left3A_1625 = vector.broadcast %shift_left3A_1624 : i32 to vector<16xi32>
      %shift_left3A_1626 = arith.shli %shift_right_arithmetic3A_1623, %shift_left3A_1625 : vector<16xi32>
      %bitcast3A_1627 = vector.bitcast %shift_left3A_1626 : vector<16xi32> to vector<16xf32>
      %mul3A_1628 = arith.mulf %bitcast3A_1622, %bitcast3A_1627 : vector<16xf32>
      %add3A_1629 = arith.addf %add3A_1609, %mul3A_1628 : vector<16xf32>
      %add3A_1630 = arith.constant 28 : i32
      %add3A_1631 = vector.broadcast %add3A_1630 : i32 to vector<16xi32>
      %add3A_1632 = arith.addi %and3A_1046, %add3A_1631 : vector<16xi32>
      %gather3A_1633 = tpu.vector_load_idx %arg14[%add3A_1023, %add3A_1632] : memref<256x128xi32, #tpu.memory_space<vmem>>[vector<16xi32>, vector<16xi32>], vector<16xi32>,
      %add3A_1634 = arith.constant 28 : i32
      %add3A_1635 = vector.broadcast %add3A_1634 : i32 to vector<16xi32>
      %add3A_1636 = arith.addi %and3A_1049, %add3A_1635 : vector<16xi32>
      %gather3A_1637 = tpu.vector_load_idx %arg15[%add3A_1023, %add3A_1636] : memref<256x128xi32, #tpu.memory_space<vmem>>[vector<16xi32>, vector<16xi32>], vector<16xi32>,
      %shift_right_arithmetic3A_1638 = arith.shrsi %gather3A_1633, %shift_left3A_1055 : vector<16xi32>
      %shift_left3A_1639 = arith.constant 16 : i32
      %shift_left3A_1640 = vector.broadcast %shift_left3A_1639 : i32 to vector<16xi32>
      %shift_left3A_1641 = arith.shli %shift_right_arithmetic3A_1638, %shift_left3A_1640 : vector<16xi32>
      %bitcast3A_1642 = vector.bitcast %shift_left3A_1641 : vector<16xi32> to vector<16xf32>
      %shift_right_arithmetic3A_1643 = arith.shrsi %gather3A_1637, %shift_left3A_1061 : vector<16xi32>
      %shift_left3A_1644 = arith.constant 16 : i32
      %shift_left3A_1645 = vector.broadcast %shift_left3A_1644 : i32 to vector<16xi32>
      %shift_left3A_1646 = arith.shli %shift_right_arithmetic3A_1643, %shift_left3A_1645 : vector<16xi32>
      %bitcast3A_1647 = vector.bitcast %shift_left3A_1646 : vector<16xi32> to vector<16xf32>
      %mul3A_1648 = arith.mulf %bitcast3A_1642, %bitcast3A_1647 : vector<16xf32>
      %add3A_1649 = arith.addf %add3A_1629, %mul3A_1648 : vector<16xf32>
      %add3A_1650 = arith.constant 29 : i32
      %add3A_1651 = vector.broadcast %add3A_1650 : i32 to vector<16xi32>
      %add3A_1652 = arith.addi %and3A_1046, %add3A_1651 : vector<16xi32>
      %gather3A_1653 = tpu.vector_load_idx %arg14[%add3A_1023, %add3A_1652] : memref<256x128xi32, #tpu.memory_space<vmem>>[vector<16xi32>, vector<16xi32>], vector<16xi32>,
      %add3A_1654 = arith.constant 29 : i32
      %add3A_1655 = vector.broadcast %add3A_1654 : i32 to vector<16xi32>
      %add3A_1656 = arith.addi %and3A_1049, %add3A_1655 : vector<16xi32>
      %gather3A_1657 = tpu.vector_load_idx %arg15[%add3A_1023, %add3A_1656] : memref<256x128xi32, #tpu.memory_space<vmem>>[vector<16xi32>, vector<16xi32>], vector<16xi32>,
      %shift_right_arithmetic3A_1658 = arith.shrsi %gather3A_1653, %shift_left3A_1055 : vector<16xi32>
      %shift_left3A_1659 = arith.constant 16 : i32
      %shift_left3A_1660 = vector.broadcast %shift_left3A_1659 : i32 to vector<16xi32>
      %shift_left3A_1661 = arith.shli %shift_right_arithmetic3A_1658, %shift_left3A_1660 : vector<16xi32>
      %bitcast3A_1662 = vector.bitcast %shift_left3A_1661 : vector<16xi32> to vector<16xf32>
      %shift_right_arithmetic3A_1663 = arith.shrsi %gather3A_1657, %shift_left3A_1061 : vector<16xi32>
      %shift_left3A_1664 = arith.constant 16 : i32
      %shift_left3A_1665 = vector.broadcast %shift_left3A_1664 : i32 to vector<16xi32>
      %shift_left3A_1666 = arith.shli %shift_right_arithmetic3A_1663, %shift_left3A_1665 : vector<16xi32>
      %bitcast3A_1667 = vector.bitcast %shift_left3A_1666 : vector<16xi32> to vector<16xf32>
      %mul3A_1668 = arith.mulf %bitcast3A_1662, %bitcast3A_1667 : vector<16xf32>
      %add3A_1669 = arith.addf %add3A_1649, %mul3A_1668 : vector<16xf32>
      %add3A_1670 = arith.constant 30 : i32
      %add3A_1671 = vector.broadcast %add3A_1670 : i32 to vector<16xi32>
      %add3A_1672 = arith.addi %and3A_1046, %add3A_1671 : vector<16xi32>
      %gather3A_1673 = tpu.vector_load_idx %arg14[%add3A_1023, %add3A_1672] : memref<256x128xi32, #tpu.memory_space<vmem>>[vector<16xi32>, vector<16xi32>], vector<16xi32>,
      %add3A_1674 = arith.constant 30 : i32
      %add3A_1675 = vector.broadcast %add3A_1674 : i32 to vector<16xi32>
      %add3A_1676 = arith.addi %and3A_1049, %add3A_1675 : vector<16xi32>
      %gather3A_1677 = tpu.vector_load_idx %arg15[%add3A_1023, %add3A_1676] : memref<256x128xi32, #tpu.memory_space<vmem>>[vector<16xi32>, vector<16xi32>], vector<16xi32>,
      %shift_right_arithmetic3A_1678 = arith.shrsi %gather3A_1673, %shift_left3A_1055 : vector<16xi32>
      %shift_left3A_1679 = arith.constant 16 : i32
      %shift_left3A_1680 = vector.broadcast %shift_left3A_1679 : i32 to vector<16xi32>
      %shift_left3A_1681 = arith.shli %shift_right_arithmetic3A_1678, %shift_left3A_1680 : vector<16xi32>
      %bitcast3A_1682 = vector.bitcast %shift_left3A_1681 : vector<16xi32> to vector<16xf32>
      %shift_right_arithmetic3A_1683 = arith.shrsi %gather3A_1677, %shift_left3A_1061 : vector<16xi32>
      %shift_left3A_1684 = arith.constant 16 : i32
      %shift_left3A_1685 = vector.broadcast %shift_left3A_1684 : i32 to vector<16xi32>
      %shift_left3A_1686 = arith.shli %shift_right_arithmetic3A_1683, %shift_left3A_1685 : vector<16xi32>
      %bitcast3A_1687 = vector.bitcast %shift_left3A_1686 : vector<16xi32> to vector<16xf32>
      %mul3A_1688 = arith.mulf %bitcast3A_1682, %bitcast3A_1687 : vector<16xf32>
      %add3A_1689 = arith.addf %add3A_1669, %mul3A_1688 : vector<16xf32>
      %add3A_1690 = arith.constant 31 : i32
      %add3A_1691 = vector.broadcast %add3A_1690 : i32 to vector<16xi32>
      %add3A_1692 = arith.addi %and3A_1046, %add3A_1691 : vector<16xi32>
      %gather3A_1693 = tpu.vector_load_idx %arg14[%add3A_1023, %add3A_1692] : memref<256x128xi32, #tpu.memory_space<vmem>>[vector<16xi32>, vector<16xi32>], vector<16xi32>,
      %add3A_1694 = arith.constant 31 : i32
      %add3A_1695 = vector.broadcast %add3A_1694 : i32 to vector<16xi32>
      %add3A_1696 = arith.addi %and3A_1049, %add3A_1695 : vector<16xi32>
      %gather3A_1697 = tpu.vector_load_idx %arg15[%add3A_1023, %add3A_1696] : memref<256x128xi32, #tpu.memory_space<vmem>>[vector<16xi32>, vector<16xi32>], vector<16xi32>,
      %shift_right_arithmetic3A_1698 = arith.shrsi %gather3A_1693, %shift_left3A_1055 : vector<16xi32>
      %shift_left3A_1699 = arith.constant 16 : i32
      %shift_left3A_1700 = vector.broadcast %shift_left3A_1699 : i32 to vector<16xi32>
      %shift_left3A_1701 = arith.shli %shift_right_arithmetic3A_1698, %shift_left3A_1700 : vector<16xi32>
      %bitcast3A_1702 = vector.bitcast %shift_left3A_1701 : vector<16xi32> to vector<16xf32>
      %shift_right_arithmetic3A_1703 = arith.shrsi %gather3A_1697, %shift_left3A_1061 : vector<16xi32>
      %shift_left3A_1704 = arith.constant 16 : i32
      %shift_left3A_1705 = vector.broadcast %shift_left3A_1704 : i32 to vector<16xi32>
      %shift_left3A_1706 = arith.shli %shift_right_arithmetic3A_1703, %shift_left3A_1705 : vector<16xi32>
      %bitcast3A_1707 = vector.bitcast %shift_left3A_1706 : vector<16xi32> to vector<16xf32>
      %mul3A_1708 = arith.mulf %bitcast3A_1702, %bitcast3A_1707 : vector<16xf32>
      %add3A_1709 = arith.addf %add3A_1689, %mul3A_1708 : vector<16xf32>
      %swap3A_1710 = arith.index_cast %add3A_1065 : i32 to index
      %swap3A_1711 = tpu.vector_load %arg18[%swap3A_1710] {strides = array<i32>} : memref<512xf32, #tpu.memory_space<vmem>>, vector<16xf32>,
      tpu.vector_store %arg18[%swap3A_1710], %add3A_1709 {strides = array<i32>} : memref<512xf32, #tpu.memory_space<vmem>>, vector<16xf32>,
    }
    %scan3A_894 = arith.constant 8 : i32
    %dma_wait3A_895 = arith.constant 2 : i32
    %dma_wait3A_896 = arith.constant 0 : i32
    %dma_wait3A_897 = arith.constant 0 : i32
    %dma_wait3A_898 = tpu.memref_slice %arg14[%dma_wait3A_896, %dma_wait3A_897] : memref<256x128xi32, #tpu.memory_space<vmem>> -> memref<128x128xi32, #tpu.memory_space<vmem>>
    %dma_wait3A_899 = arith.constant 0 : i32
    %dma_wait3A_900 = tpu.memref_slice %arg12[%dma_wait3A_895, %dma_wait3A_899] : memref<4x128xi32, #tpu.memory_space<vmem>> -> memref<1x128xi32, #tpu.memory_space<vmem>>
    %dma_wait3A_901 = tpu.memref_squeeze %dma_wait3A_900 : memref<1x128xi32, #tpu.memory_space<vmem>> -> memref<128xi32, #tpu.memory_space<vmem>>
    %dma_wait3A_902 = arith.constant 0 : i32
    %dma_wait3A_903 = arith.constant 0 : i32
    %dma_wait3A_904 = tpu.memref_slice %arg7[%dma_wait3A_902, %dma_wait3A_903] : memref<131072x128xi32, #tpu.memory_space<hbm>> -> memref<131072x128xi32, #tpu.memory_space<hbm>>
    tpu.wait_indirect_dma semaphore(%arg20 : memref<!tpu.dma_semaphore, #tpu.memory_space<semaphore_mem>>) src(%dma_wait3A_904 : memref<131072x128xi32, #tpu.memory_space<hbm>>) dst(%dma_wait3A_898 : memref<128x128xi32, #tpu.memory_space<vmem>>)
    %dma_wait3A_905 = arith.constant 2 : i32
    %dma_wait3A_906 = arith.constant 0 : i32
    %dma_wait3A_907 = arith.constant 0 : i32
    %dma_wait3A_908 = tpu.memref_slice %arg15[%dma_wait3A_906, %dma_wait3A_907] : memref<256x128xi32, #tpu.memory_space<vmem>> -> memref<128x128xi32, #tpu.memory_space<vmem>>
    %dma_wait3A_909 = arith.constant 0 : i32
    %dma_wait3A_910 = tpu.memref_slice %arg13[%dma_wait3A_905, %dma_wait3A_909] : memref<4x128xi32, #tpu.memory_space<vmem>> -> memref<1x128xi32, #tpu.memory_space<vmem>>
    %dma_wait3A_911 = tpu.memref_squeeze %dma_wait3A_910 : memref<1x128xi32, #tpu.memory_space<vmem>> -> memref<128xi32, #tpu.memory_space<vmem>>
    %dma_wait3A_912 = arith.constant 0 : i32
    %dma_wait3A_913 = arith.constant 0 : i32
    %dma_wait3A_914 = tpu.memref_slice %arg8[%dma_wait3A_912, %dma_wait3A_913] : memref<16384x128xi32, #tpu.memory_space<hbm>> -> memref<16384x128xi32, #tpu.memory_space<hbm>>
    tpu.wait_indirect_dma semaphore(%arg20 : memref<!tpu.dma_semaphore, #tpu.memory_space<semaphore_mem>>) src(%dma_wait3A_914 : memref<16384x128xi32, #tpu.memory_space<hbm>>) dst(%dma_wait3A_908 : memref<128x128xi32, #tpu.memory_space<vmem>>)
    %dma_wait3A_915 = arith.constant 2 : i32
    %dma_wait3A_916 = arith.constant 256 : i32
    %dma_wait3A_917 = tpu.memref_slice %arg16[%dma_wait3A_916] : memref<512xf32, #tpu.memory_space<vmem>> -> memref<128xf32, #tpu.memory_space<vmem>>
    %dma_wait3A_918 = arith.constant 0 : i32
    %dma_wait3A_919 = tpu.memref_slice %arg10[%dma_wait3A_915, %dma_wait3A_918] : memref<4x128xi32, #tpu.memory_space<vmem>> -> memref<1x128xi32, #tpu.memory_space<vmem>>
    %dma_wait3A_920 = tpu.memref_squeeze %dma_wait3A_919 : memref<1x128xi32, #tpu.memory_space<vmem>> -> memref<128xi32, #tpu.memory_space<vmem>>
    %dma_wait3A_921 = arith.constant 0 : i32
    %dma_wait3A_922 = tpu.memref_slice %arg5[%dma_wait3A_921] : memref<1000000xf32, #tpu.memory_space<hbm>> -> memref<1000000xf32, #tpu.memory_space<hbm>>
    tpu.wait_indirect_dma semaphore(%arg20 : memref<!tpu.dma_semaphore, #tpu.memory_space<semaphore_mem>>) src(%dma_wait3A_922 : memref<1000000xf32, #tpu.memory_space<hbm>>) dst(%dma_wait3A_917 : memref<128xf32, #tpu.memory_space<vmem>>)
    %dma_wait3A_923 = arith.constant 2 : i32
    %dma_wait3A_924 = arith.constant 256 : i32
    %dma_wait3A_925 = tpu.memref_slice %arg17[%dma_wait3A_924] : memref<512xf32, #tpu.memory_space<vmem>> -> memref<128xf32, #tpu.memory_space<vmem>>
    %dma_wait3A_926 = arith.constant 0 : i32
    %dma_wait3A_927 = tpu.memref_slice %arg11[%dma_wait3A_923, %dma_wait3A_926] : memref<4x128xi32, #tpu.memory_space<vmem>> -> memref<1x128xi32, #tpu.memory_space<vmem>>
    %dma_wait3A_928 = tpu.memref_squeeze %dma_wait3A_927 : memref<1x128xi32, #tpu.memory_space<vmem>> -> memref<128xi32, #tpu.memory_space<vmem>>
    %dma_wait3A_929 = arith.constant 0 : i32
    %dma_wait3A_930 = tpu.memref_slice %arg6[%dma_wait3A_929] : memref<100000xf32, #tpu.memory_space<hbm>> -> memref<100000xf32, #tpu.memory_space<hbm>>
    tpu.wait_indirect_dma semaphore(%arg20 : memref<!tpu.dma_semaphore, #tpu.memory_space<semaphore_mem>>) src(%dma_wait3A_930 : memref<100000xf32, #tpu.memory_space<hbm>>) dst(%dma_wait3A_925 : memref<128xf32, #tpu.memory_space<vmem>>)
    %dma_start3A_931 = arith.constant 3 : i32
    %dma_start3A_932 = arith.constant 128 : i32
    %dma_start3A_933 = arith.constant 0 : i32
    %dma_start3A_934 = tpu.memref_slice %arg14[%dma_start3A_932, %dma_start3A_933] : memref<256x128xi32, #tpu.memory_space<vmem>> -> memref<128x128xi32, #tpu.memory_space<vmem>>
    %dma_start3A_935 = arith.constant 0 : i32
    %dma_start3A_936 = tpu.memref_slice %arg12[%dma_start3A_931, %dma_start3A_935] : memref<4x128xi32, #tpu.memory_space<vmem>> -> memref<1x128xi32, #tpu.memory_space<vmem>>
    %dma_start3A_937 = tpu.memref_squeeze %dma_start3A_936 : memref<1x128xi32, #tpu.memory_space<vmem>> -> memref<128xi32, #tpu.memory_space<vmem>>
    %dma_start3A_938 = arith.constant 0 : i32
    %dma_start3A_939 = arith.constant 0 : i32
    %dma_start3A_940 = tpu.memref_slice %arg7[%dma_start3A_938, %dma_start3A_939] : memref<131072x128xi32, #tpu.memory_space<hbm>> -> memref<131072x128xi32, #tpu.memory_space<hbm>>
    tpu.enqueue_indirect_dma source(%dma_start3A_940 : memref<131072x128xi32, #tpu.memory_space<hbm>>) target(%dma_start3A_934 : memref<128x128xi32, #tpu.memory_space<vmem>>) offsets(%dma_start3A_937 : memref<128xi32, #tpu.memory_space<vmem>>) semaphore(%arg21 : memref<!tpu.dma_semaphore, #tpu.memory_space<semaphore_mem>>)
    %dma_start3A_941 = arith.constant 3 : i32
    %dma_start3A_942 = arith.constant 128 : i32
    %dma_start3A_943 = arith.constant 0 : i32
    %dma_start3A_944 = tpu.memref_slice %arg15[%dma_start3A_942, %dma_start3A_943] : memref<256x128xi32, #tpu.memory_space<vmem>> -> memref<128x128xi32, #tpu.memory_space<vmem>>
    %dma_start3A_945 = arith.constant 0 : i32
    %dma_start3A_946 = tpu.memref_slice %arg13[%dma_start3A_941, %dma_start3A_945] : memref<4x128xi32, #tpu.memory_space<vmem>> -> memref<1x128xi32, #tpu.memory_space<vmem>>
    %dma_start3A_947 = tpu.memref_squeeze %dma_start3A_946 : memref<1x128xi32, #tpu.memory_space<vmem>> -> memref<128xi32, #tpu.memory_space<vmem>>
    %dma_start3A_948 = arith.constant 0 : i32
    %dma_start3A_949 = arith.constant 0 : i32
    %dma_start3A_950 = tpu.memref_slice %arg8[%dma_start3A_948, %dma_start3A_949] : memref<16384x128xi32, #tpu.memory_space<hbm>> -> memref<16384x128xi32, #tpu.memory_space<hbm>>
    tpu.enqueue_indirect_dma source(%dma_start3A_950 : memref<16384x128xi32, #tpu.memory_space<hbm>>) target(%dma_start3A_944 : memref<128x128xi32, #tpu.memory_space<vmem>>) offsets(%dma_start3A_947 : memref<128xi32, #tpu.memory_space<vmem>>) semaphore(%arg21 : memref<!tpu.dma_semaphore, #tpu.memory_space<semaphore_mem>>)
    %dma_start3A_951 = arith.constant 3 : i32
    %dma_start3A_952 = arith.constant 384 : i32
    %dma_start3A_953 = tpu.memref_slice %arg16[%dma_start3A_952] : memref<512xf32, #tpu.memory_space<vmem>> -> memref<128xf32, #tpu.memory_space<vmem>>
    %dma_start3A_954 = arith.constant 0 : i32
    %dma_start3A_955 = tpu.memref_slice %arg10[%dma_start3A_951, %dma_start3A_954] : memref<4x128xi32, #tpu.memory_space<vmem>> -> memref<1x128xi32, #tpu.memory_space<vmem>>
    %dma_start3A_956 = tpu.memref_squeeze %dma_start3A_955 : memref<1x128xi32, #tpu.memory_space<vmem>> -> memref<128xi32, #tpu.memory_space<vmem>>
    %dma_start3A_957 = arith.constant 0 : i32
    %dma_start3A_958 = tpu.memref_slice %arg5[%dma_start3A_957] : memref<1000000xf32, #tpu.memory_space<hbm>> -> memref<1000000xf32, #tpu.memory_space<hbm>>
    tpu.enqueue_indirect_dma source(%dma_start3A_958 : memref<1000000xf32, #tpu.memory_space<hbm>>) target(%dma_start3A_953 : memref<128xf32, #tpu.memory_space<vmem>>) offsets(%dma_start3A_956 : memref<128xi32, #tpu.memory_space<vmem>>) semaphore(%arg21 : memref<!tpu.dma_semaphore, #tpu.memory_space<semaphore_mem>>)
    %dma_start3A_959 = arith.constant 3 : i32
    %dma_start3A_960 = arith.constant 384 : i32
    %dma_start3A_961 = tpu.memref_slice %arg17[%dma_start3A_960] : memref<512xf32, #tpu.memory_space<vmem>> -> memref<128xf32, #tpu.memory_space<vmem>>
    %dma_start3A_962 = arith.constant 0 : i32
    %dma_start3A_963 = tpu.memref_slice %arg11[%dma_start3A_959, %dma_start3A_962] : memref<4x128xi32, #tpu.memory_space<vmem>> -> memref<1x128xi32, #tpu.memory_space<vmem>>
    %dma_start3A_964 = tpu.memref_squeeze %dma_start3A_963 : memref<1x128xi32, #tpu.memory_space<vmem>> -> memref<128xi32, #tpu.memory_space<vmem>>
    %dma_start3A_965 = arith.constant 0 : i32
    %dma_start3A_966 = tpu.memref_slice %arg6[%dma_start3A_965] : memref<100000xf32, #tpu.memory_space<hbm>> -> memref<100000xf32, #tpu.memory_space<hbm>>
    tpu.enqueue_indirect_dma source(%dma_start3A_966 : memref<100000xf32, #tpu.memory_space<hbm>>) target(%dma_start3A_961 : memref<128xf32, #tpu.memory_space<vmem>>) offsets(%dma_start3A_964 : memref<128xi32, #tpu.memory_space<vmem>>) semaphore(%arg21 : memref<!tpu.dma_semaphore, #tpu.memory_space<semaphore_mem>>)
    %scan3A_967 = arith.constant 0 : i32
    %scan3A_968 = arith.constant 0 : i32
    %scan3A_969 = arith.constant 8 : i32
    %scan3A_970 = arith.addi %scan3A_968, %scan3A_969 : i32
    %scan3A_971 = arith.constant 1 : i32
    scf.for %scan3A_1017 = %scan3A_968 to %scan3A_970 step %scan3A_971  : i32 {
      %mul3A_1018 = arith.constant 16 : i32
      %mul3A_1019 = arith.muli %scan3A_1017, %mul3A_1018 : i32
      %add3A_1020 = arith.constant 0 : i32
      %add3A_1021 = arith.addi %add3A_1020, %mul3A_1019 : i32
      %iota3A = tpu.iota {dimensions = array<i32: 0>} : vector<16xi32>
      %add3A_1022 = vector.broadcast %add3A_1021 : i32 to vector<16xi32>
      %add3A_1023 = arith.addi %add3A_1022, %iota3A : vector<16xi32>
      %mul3A_1024 = arith.constant 16 : i32
      %mul3A_1025 = arith.muli %scan3A_1017, %mul3A_1024 : i32
      %get3A_1026 = arith.constant 2 : i32
      %get3A_1027 = arith.index_cast %get3A_1026 : i32 to index
      %get3A_1028 = arith.index_cast %mul3A_1025 : i32 to index
      %get3A_1029 = tpu.vector_load %arg10[%get3A_1027, %get3A_1028] {strides = array<i32>} : memref<4x128xi32, #tpu.memory_space<vmem>>, vector<16xi32>,
      %shift_right_arithmetic3A = arith.constant 17 : i32
      %shift_right_arithmetic3A_1030 = vector.broadcast %shift_right_arithmetic3A : i32 to vector<16xi32>
      %shift_right_arithmetic3A_1031 = arith.shrsi %get3A_1029, %shift_right_arithmetic3A_1030 : vector<16xi32>
      %shift_left3A = arith.constant 5 : i32
      %shift_left3A_1032 = vector.broadcast %shift_left3A : i32 to vector<16xi32>
      %shift_left3A_1033 = arith.shli %shift_right_arithmetic3A_1031, %shift_left3A_1032 : vector<16xi32>
      %get3A_1034 = arith.constant 2 : i32
      %get3A_1035 = arith.index_cast %get3A_1034 : i32 to index
      %get3A_1036 = arith.index_cast %mul3A_1025 : i32 to index
      %get3A_1037 = tpu.vector_load %arg11[%get3A_1035, %get3A_1036] {strides = array<i32>} : memref<4x128xi32, #tpu.memory_space<vmem>>, vector<16xi32>,
      %shift_right_arithmetic3A_1038 = arith.constant 14 : i32
      %shift_right_arithmetic3A_1039 = vector.broadcast %shift_right_arithmetic3A_1038 : i32 to vector<16xi32>
      %shift_right_arithmetic3A_1040 = arith.shrsi %get3A_1037, %shift_right_arithmetic3A_1039 : vector<16xi32>
      %shift_left3A_1041 = arith.constant 5 : i32
      %shift_left3A_1042 = vector.broadcast %shift_left3A_1041 : i32 to vector<16xi32>
      %shift_left3A_1043 = arith.shli %shift_right_arithmetic3A_1040, %shift_left3A_1042 : vector<16xi32>
      %and3A_1044 = arith.constant 127 : i32
      %and3A_1045 = vector.broadcast %and3A_1044 : i32 to vector<16xi32>
      %and3A_1046 = arith.andi %shift_left3A_1033, %and3A_1045 : vector<16xi32>
      %and3A_1047 = arith.constant 127 : i32
      %and3A_1048 = vector.broadcast %and3A_1047 : i32 to vector<16xi32>
      %and3A_1049 = arith.andi %shift_left3A_1043, %and3A_1048 : vector<16xi32>
      %shift_right_arithmetic3A_1050 = arith.constant 7 : i32
      %shift_right_arithmetic3A_1051 = vector.broadcast %shift_right_arithmetic3A_1050 : i32 to vector<16xi32>
      %shift_right_arithmetic3A_1052 = arith.shrsi %shift_left3A_1033, %shift_right_arithmetic3A_1051 : vector<16xi32>
      %shift_left3A_1053 = arith.constant 4 : i32
      %shift_left3A_1054 = vector.broadcast %shift_left3A_1053 : i32 to vector<16xi32>
      %shift_left3A_1055 = arith.shli %shift_right_arithmetic3A_1052, %shift_left3A_1054 : vector<16xi32>
      %shift_right_arithmetic3A_1056 = arith.constant 7 : i32
      %shift_right_arithmetic3A_1057 = vector.broadcast %shift_right_arithmetic3A_1056 : i32 to vector<16xi32>
      %shift_right_arithmetic3A_1058 = arith.shrsi %shift_left3A_1043, %shift_right_arithmetic3A_1057 : vector<16xi32>
      %shift_left3A_1059 = arith.constant 4 : i32
      %shift_left3A_1060 = vector.broadcast %shift_left3A_1059 : i32 to vector<16xi32>
      %shift_left3A_1061 = arith.shli %shift_right_arithmetic3A_1058, %shift_left3A_1060 : vector<16xi32>
      %mul3A_1062 = arith.constant 16 : i32
      %mul3A_1063 = arith.muli %scan3A_1017, %mul3A_1062 : i32
      %add3A_1064 = arith.constant 256 : i32
      %add3A_1065 = arith.addi %add3A_1064, %mul3A_1063 : i32
      %get3A_1066 = arith.index_cast %add3A_1065 : i32 to index
      %get3A_1067 = tpu.vector_load %arg16[%get3A_1066] {strides = array<i32>} : memref<512xf32, #tpu.memory_space<vmem>>, vector<16xf32>,
      %get3A_1068 = arith.index_cast %add3A_1065 : i32 to index
      %get3A_1069 = tpu.vector_load %arg17[%get3A_1068] {strides = array<i32>} : memref<512xf32, #tpu.memory_space<vmem>>, vector<16xf32>,
      %add3A_1070 = arith.addf %get3A_1067, %get3A_1069 : vector<16xf32>
      %add3A_1071 = arith.addf %add3A_1070, %get3A_705 : vector<16xf32>
      %add3A_1072 = arith.constant 0 : i32
      %add3A_1073 = vector.broadcast %add3A_1072 : i32 to vector<16xi32>
      %add3A_1074 = arith.addi %and3A_1046, %add3A_1073 : vector<16xi32>
      %gather3A = tpu.vector_load_idx %arg14[%add3A_1023, %add3A_1074] : memref<256x128xi32, #tpu.memory_space<vmem>>[vector<16xi32>, vector<16xi32>], vector<16xi32>,
      %add3A_1075 = arith.constant 0 : i32
      %add3A_1076 = vector.broadcast %add3A_1075 : i32 to vector<16xi32>
      %add3A_1077 = arith.addi %and3A_1049, %add3A_1076 : vector<16xi32>
      %gather3A_1078 = tpu.vector_load_idx %arg15[%add3A_1023, %add3A_1077] : memref<256x128xi32, #tpu.memory_space<vmem>>[vector<16xi32>, vector<16xi32>], vector<16xi32>,
      %shift_right_arithmetic3A_1079 = arith.shrsi %gather3A, %shift_left3A_1055 : vector<16xi32>
      %shift_left3A_1080 = arith.constant 16 : i32
      %shift_left3A_1081 = vector.broadcast %shift_left3A_1080 : i32 to vector<16xi32>
      %shift_left3A_1082 = arith.shli %shift_right_arithmetic3A_1079, %shift_left3A_1081 : vector<16xi32>
      %bitcast3A = vector.bitcast %shift_left3A_1082 : vector<16xi32> to vector<16xf32>
      %shift_right_arithmetic3A_1083 = arith.shrsi %gather3A_1078, %shift_left3A_1061 : vector<16xi32>
      %shift_left3A_1084 = arith.constant 16 : i32
      %shift_left3A_1085 = vector.broadcast %shift_left3A_1084 : i32 to vector<16xi32>
      %shift_left3A_1086 = arith.shli %shift_right_arithmetic3A_1083, %shift_left3A_1085 : vector<16xi32>
      %bitcast3A_1087 = vector.bitcast %shift_left3A_1086 : vector<16xi32> to vector<16xf32>
      %mul3A_1088 = arith.mulf %bitcast3A, %bitcast3A_1087 : vector<16xf32>
      %add3A_1089 = arith.addf %add3A_1071, %mul3A_1088 : vector<16xf32>
      %add3A_1090 = arith.constant 1 : i32
      %add3A_1091 = vector.broadcast %add3A_1090 : i32 to vector<16xi32>
      %add3A_1092 = arith.addi %and3A_1046, %add3A_1091 : vector<16xi32>
      %gather3A_1093 = tpu.vector_load_idx %arg14[%add3A_1023, %add3A_1092] : memref<256x128xi32, #tpu.memory_space<vmem>>[vector<16xi32>, vector<16xi32>], vector<16xi32>,
      %add3A_1094 = arith.constant 1 : i32
      %add3A_1095 = vector.broadcast %add3A_1094 : i32 to vector<16xi32>
      %add3A_1096 = arith.addi %and3A_1049, %add3A_1095 : vector<16xi32>
      %gather3A_1097 = tpu.vector_load_idx %arg15[%add3A_1023, %add3A_1096] : memref<256x128xi32, #tpu.memory_space<vmem>>[vector<16xi32>, vector<16xi32>], vector<16xi32>,
      %shift_right_arithmetic3A_1098 = arith.shrsi %gather3A_1093, %shift_left3A_1055 : vector<16xi32>
      %shift_left3A_1099 = arith.constant 16 : i32
      %shift_left3A_1100 = vector.broadcast %shift_left3A_1099 : i32 to vector<16xi32>
      %shift_left3A_1101 = arith.shli %shift_right_arithmetic3A_1098, %shift_left3A_1100 : vector<16xi32>
      %bitcast3A_1102 = vector.bitcast %shift_left3A_1101 : vector<16xi32> to vector<16xf32>
      %shift_right_arithmetic3A_1103 = arith.shrsi %gather3A_1097, %shift_left3A_1061 : vector<16xi32>
      %shift_left3A_1104 = arith.constant 16 : i32
      %shift_left3A_1105 = vector.broadcast %shift_left3A_1104 : i32 to vector<16xi32>
      %shift_left3A_1106 = arith.shli %shift_right_arithmetic3A_1103, %shift_left3A_1105 : vector<16xi32>
      %bitcast3A_1107 = vector.bitcast %shift_left3A_1106 : vector<16xi32> to vector<16xf32>
      %mul3A_1108 = arith.mulf %bitcast3A_1102, %bitcast3A_1107 : vector<16xf32>
      %add3A_1109 = arith.addf %add3A_1089, %mul3A_1108 : vector<16xf32>
      %add3A_1110 = arith.constant 2 : i32
      %add3A_1111 = vector.broadcast %add3A_1110 : i32 to vector<16xi32>
      %add3A_1112 = arith.addi %and3A_1046, %add3A_1111 : vector<16xi32>
      %gather3A_1113 = tpu.vector_load_idx %arg14[%add3A_1023, %add3A_1112] : memref<256x128xi32, #tpu.memory_space<vmem>>[vector<16xi32>, vector<16xi32>], vector<16xi32>,
      %add3A_1114 = arith.constant 2 : i32
      %add3A_1115 = vector.broadcast %add3A_1114 : i32 to vector<16xi32>
      %add3A_1116 = arith.addi %and3A_1049, %add3A_1115 : vector<16xi32>
      %gather3A_1117 = tpu.vector_load_idx %arg15[%add3A_1023, %add3A_1116] : memref<256x128xi32, #tpu.memory_space<vmem>>[vector<16xi32>, vector<16xi32>], vector<16xi32>,
      %shift_right_arithmetic3A_1118 = arith.shrsi %gather3A_1113, %shift_left3A_1055 : vector<16xi32>
      %shift_left3A_1119 = arith.constant 16 : i32
      %shift_left3A_1120 = vector.broadcast %shift_left3A_1119 : i32 to vector<16xi32>
      %shift_left3A_1121 = arith.shli %shift_right_arithmetic3A_1118, %shift_left3A_1120 : vector<16xi32>
      %bitcast3A_1122 = vector.bitcast %shift_left3A_1121 : vector<16xi32> to vector<16xf32>
      %shift_right_arithmetic3A_1123 = arith.shrsi %gather3A_1117, %shift_left3A_1061 : vector<16xi32>
      %shift_left3A_1124 = arith.constant 16 : i32
      %shift_left3A_1125 = vector.broadcast %shift_left3A_1124 : i32 to vector<16xi32>
      %shift_left3A_1126 = arith.shli %shift_right_arithmetic3A_1123, %shift_left3A_1125 : vector<16xi32>
      %bitcast3A_1127 = vector.bitcast %shift_left3A_1126 : vector<16xi32> to vector<16xf32>
      %mul3A_1128 = arith.mulf %bitcast3A_1122, %bitcast3A_1127 : vector<16xf32>
      %add3A_1129 = arith.addf %add3A_1109, %mul3A_1128 : vector<16xf32>
      %add3A_1130 = arith.constant 3 : i32
      %add3A_1131 = vector.broadcast %add3A_1130 : i32 to vector<16xi32>
      %add3A_1132 = arith.addi %and3A_1046, %add3A_1131 : vector<16xi32>
      %gather3A_1133 = tpu.vector_load_idx %arg14[%add3A_1023, %add3A_1132] : memref<256x128xi32, #tpu.memory_space<vmem>>[vector<16xi32>, vector<16xi32>], vector<16xi32>,
      %add3A_1134 = arith.constant 3 : i32
      %add3A_1135 = vector.broadcast %add3A_1134 : i32 to vector<16xi32>
      %add3A_1136 = arith.addi %and3A_1049, %add3A_1135 : vector<16xi32>
      %gather3A_1137 = tpu.vector_load_idx %arg15[%add3A_1023, %add3A_1136] : memref<256x128xi32, #tpu.memory_space<vmem>>[vector<16xi32>, vector<16xi32>], vector<16xi32>,
      %shift_right_arithmetic3A_1138 = arith.shrsi %gather3A_1133, %shift_left3A_1055 : vector<16xi32>
      %shift_left3A_1139 = arith.constant 16 : i32
      %shift_left3A_1140 = vector.broadcast %shift_left3A_1139 : i32 to vector<16xi32>
      %shift_left3A_1141 = arith.shli %shift_right_arithmetic3A_1138, %shift_left3A_1140 : vector<16xi32>
      %bitcast3A_1142 = vector.bitcast %shift_left3A_1141 : vector<16xi32> to vector<16xf32>
      %shift_right_arithmetic3A_1143 = arith.shrsi %gather3A_1137, %shift_left3A_1061 : vector<16xi32>
      %shift_left3A_1144 = arith.constant 16 : i32
      %shift_left3A_1145 = vector.broadcast %shift_left3A_1144 : i32 to vector<16xi32>
      %shift_left3A_1146 = arith.shli %shift_right_arithmetic3A_1143, %shift_left3A_1145 : vector<16xi32>
      %bitcast3A_1147 = vector.bitcast %shift_left3A_1146 : vector<16xi32> to vector<16xf32>
      %mul3A_1148 = arith.mulf %bitcast3A_1142, %bitcast3A_1147 : vector<16xf32>
      %add3A_1149 = arith.addf %add3A_1129, %mul3A_1148 : vector<16xf32>
      %add3A_1150 = arith.constant 4 : i32
      %add3A_1151 = vector.broadcast %add3A_1150 : i32 to vector<16xi32>
      %add3A_1152 = arith.addi %and3A_1046, %add3A_1151 : vector<16xi32>
      %gather3A_1153 = tpu.vector_load_idx %arg14[%add3A_1023, %add3A_1152] : memref<256x128xi32, #tpu.memory_space<vmem>>[vector<16xi32>, vector<16xi32>], vector<16xi32>,
      %add3A_1154 = arith.constant 4 : i32
      %add3A_1155 = vector.broadcast %add3A_1154 : i32 to vector<16xi32>
      %add3A_1156 = arith.addi %and3A_1049, %add3A_1155 : vector<16xi32>
      %gather3A_1157 = tpu.vector_load_idx %arg15[%add3A_1023, %add3A_1156] : memref<256x128xi32, #tpu.memory_space<vmem>>[vector<16xi32>, vector<16xi32>], vector<16xi32>,
      %shift_right_arithmetic3A_1158 = arith.shrsi %gather3A_1153, %shift_left3A_1055 : vector<16xi32>
      %shift_left3A_1159 = arith.constant 16 : i32
      %shift_left3A_1160 = vector.broadcast %shift_left3A_1159 : i32 to vector<16xi32>
      %shift_left3A_1161 = arith.shli %shift_right_arithmetic3A_1158, %shift_left3A_1160 : vector<16xi32>
      %bitcast3A_1162 = vector.bitcast %shift_left3A_1161 : vector<16xi32> to vector<16xf32>
      %shift_right_arithmetic3A_1163 = arith.shrsi %gather3A_1157, %shift_left3A_1061 : vector<16xi32>
      %shift_left3A_1164 = arith.constant 16 : i32
      %shift_left3A_1165 = vector.broadcast %shift_left3A_1164 : i32 to vector<16xi32>
      %shift_left3A_1166 = arith.shli %shift_right_arithmetic3A_1163, %shift_left3A_1165 : vector<16xi32>
      %bitcast3A_1167 = vector.bitcast %shift_left3A_1166 : vector<16xi32> to vector<16xf32>
      %mul3A_1168 = arith.mulf %bitcast3A_1162, %bitcast3A_1167 : vector<16xf32>
      %add3A_1169 = arith.addf %add3A_1149, %mul3A_1168 : vector<16xf32>
      %add3A_1170 = arith.constant 5 : i32
      %add3A_1171 = vector.broadcast %add3A_1170 : i32 to vector<16xi32>
      %add3A_1172 = arith.addi %and3A_1046, %add3A_1171 : vector<16xi32>
      %gather3A_1173 = tpu.vector_load_idx %arg14[%add3A_1023, %add3A_1172] : memref<256x128xi32, #tpu.memory_space<vmem>>[vector<16xi32>, vector<16xi32>], vector<16xi32>,
      %add3A_1174 = arith.constant 5 : i32
      %add3A_1175 = vector.broadcast %add3A_1174 : i32 to vector<16xi32>
      %add3A_1176 = arith.addi %and3A_1049, %add3A_1175 : vector<16xi32>
      %gather3A_1177 = tpu.vector_load_idx %arg15[%add3A_1023, %add3A_1176] : memref<256x128xi32, #tpu.memory_space<vmem>>[vector<16xi32>, vector<16xi32>], vector<16xi32>,
      %shift_right_arithmetic3A_1178 = arith.shrsi %gather3A_1173, %shift_left3A_1055 : vector<16xi32>
      %shift_left3A_1179 = arith.constant 16 : i32
      %shift_left3A_1180 = vector.broadcast %shift_left3A_1179 : i32 to vector<16xi32>
      %shift_left3A_1181 = arith.shli %shift_right_arithmetic3A_1178, %shift_left3A_1180 : vector<16xi32>
      %bitcast3A_1182 = vector.bitcast %shift_left3A_1181 : vector<16xi32> to vector<16xf32>
      %shift_right_arithmetic3A_1183 = arith.shrsi %gather3A_1177, %shift_left3A_1061 : vector<16xi32>
      %shift_left3A_1184 = arith.constant 16 : i32
      %shift_left3A_1185 = vector.broadcast %shift_left3A_1184 : i32 to vector<16xi32>
      %shift_left3A_1186 = arith.shli %shift_right_arithmetic3A_1183, %shift_left3A_1185 : vector<16xi32>
      %bitcast3A_1187 = vector.bitcast %shift_left3A_1186 : vector<16xi32> to vector<16xf32>
      %mul3A_1188 = arith.mulf %bitcast3A_1182, %bitcast3A_1187 : vector<16xf32>
      %add3A_1189 = arith.addf %add3A_1169, %mul3A_1188 : vector<16xf32>
      %add3A_1190 = arith.constant 6 : i32
      %add3A_1191 = vector.broadcast %add3A_1190 : i32 to vector<16xi32>
      %add3A_1192 = arith.addi %and3A_1046, %add3A_1191 : vector<16xi32>
      %gather3A_1193 = tpu.vector_load_idx %arg14[%add3A_1023, %add3A_1192] : memref<256x128xi32, #tpu.memory_space<vmem>>[vector<16xi32>, vector<16xi32>], vector<16xi32>,
      %add3A_1194 = arith.constant 6 : i32
      %add3A_1195 = vector.broadcast %add3A_1194 : i32 to vector<16xi32>
      %add3A_1196 = arith.addi %and3A_1049, %add3A_1195 : vector<16xi32>
      %gather3A_1197 = tpu.vector_load_idx %arg15[%add3A_1023, %add3A_1196] : memref<256x128xi32, #tpu.memory_space<vmem>>[vector<16xi32>, vector<16xi32>], vector<16xi32>,
      %shift_right_arithmetic3A_1198 = arith.shrsi %gather3A_1193, %shift_left3A_1055 : vector<16xi32>
      %shift_left3A_1199 = arith.constant 16 : i32
      %shift_left3A_1200 = vector.broadcast %shift_left3A_1199 : i32 to vector<16xi32>
      %shift_left3A_1201 = arith.shli %shift_right_arithmetic3A_1198, %shift_left3A_1200 : vector<16xi32>
      %bitcast3A_1202 = vector.bitcast %shift_left3A_1201 : vector<16xi32> to vector<16xf32>
      %shift_right_arithmetic3A_1203 = arith.shrsi %gather3A_1197, %shift_left3A_1061 : vector<16xi32>
      %shift_left3A_1204 = arith.constant 16 : i32
      %shift_left3A_1205 = vector.broadcast %shift_left3A_1204 : i32 to vector<16xi32>
      %shift_left3A_1206 = arith.shli %shift_right_arithmetic3A_1203, %shift_left3A_1205 : vector<16xi32>
      %bitcast3A_1207 = vector.bitcast %shift_left3A_1206 : vector<16xi32> to vector<16xf32>
      %mul3A_1208 = arith.mulf %bitcast3A_1202, %bitcast3A_1207 : vector<16xf32>
      %add3A_1209 = arith.addf %add3A_1189, %mul3A_1208 : vector<16xf32>
      %add3A_1210 = arith.constant 7 : i32
      %add3A_1211 = vector.broadcast %add3A_1210 : i32 to vector<16xi32>
      %add3A_1212 = arith.addi %and3A_1046, %add3A_1211 : vector<16xi32>
      %gather3A_1213 = tpu.vector_load_idx %arg14[%add3A_1023, %add3A_1212] : memref<256x128xi32, #tpu.memory_space<vmem>>[vector<16xi32>, vector<16xi32>], vector<16xi32>,
      %add3A_1214 = arith.constant 7 : i32
      %add3A_1215 = vector.broadcast %add3A_1214 : i32 to vector<16xi32>
      %add3A_1216 = arith.addi %and3A_1049, %add3A_1215 : vector<16xi32>
      %gather3A_1217 = tpu.vector_load_idx %arg15[%add3A_1023, %add3A_1216] : memref<256x128xi32, #tpu.memory_space<vmem>>[vector<16xi32>, vector<16xi32>], vector<16xi32>,
      %shift_right_arithmetic3A_1218 = arith.shrsi %gather3A_1213, %shift_left3A_1055 : vector<16xi32>
      %shift_left3A_1219 = arith.constant 16 : i32
      %shift_left3A_1220 = vector.broadcast %shift_left3A_1219 : i32 to vector<16xi32>
      %shift_left3A_1221 = arith.shli %shift_right_arithmetic3A_1218, %shift_left3A_1220 : vector<16xi32>
      %bitcast3A_1222 = vector.bitcast %shift_left3A_1221 : vector<16xi32> to vector<16xf32>
      %shift_right_arithmetic3A_1223 = arith.shrsi %gather3A_1217, %shift_left3A_1061 : vector<16xi32>
      %shift_left3A_1224 = arith.constant 16 : i32
      %shift_left3A_1225 = vector.broadcast %shift_left3A_1224 : i32 to vector<16xi32>
      %shift_left3A_1226 = arith.shli %shift_right_arithmetic3A_1223, %shift_left3A_1225 : vector<16xi32>
      %bitcast3A_1227 = vector.bitcast %shift_left3A_1226 : vector<16xi32> to vector<16xf32>
      %mul3A_1228 = arith.mulf %bitcast3A_1222, %bitcast3A_1227 : vector<16xf32>
      %add3A_1229 = arith.addf %add3A_1209, %mul3A_1228 : vector<16xf32>
      %add3A_1230 = arith.constant 8 : i32
      %add3A_1231 = vector.broadcast %add3A_1230 : i32 to vector<16xi32>
      %add3A_1232 = arith.addi %and3A_1046, %add3A_1231 : vector<16xi32>
      %gather3A_1233 = tpu.vector_load_idx %arg14[%add3A_1023, %add3A_1232] : memref<256x128xi32, #tpu.memory_space<vmem>>[vector<16xi32>, vector<16xi32>], vector<16xi32>,
      %add3A_1234 = arith.constant 8 : i32
      %add3A_1235 = vector.broadcast %add3A_1234 : i32 to vector<16xi32>
      %add3A_1236 = arith.addi %and3A_1049, %add3A_1235 : vector<16xi32>
      %gather3A_1237 = tpu.vector_load_idx %arg15[%add3A_1023, %add3A_1236] : memref<256x128xi32, #tpu.memory_space<vmem>>[vector<16xi32>, vector<16xi32>], vector<16xi32>,
      %shift_right_arithmetic3A_1238 = arith.shrsi %gather3A_1233, %shift_left3A_1055 : vector<16xi32>
      %shift_left3A_1239 = arith.constant 16 : i32
      %shift_left3A_1240 = vector.broadcast %shift_left3A_1239 : i32 to vector<16xi32>
      %shift_left3A_1241 = arith.shli %shift_right_arithmetic3A_1238, %shift_left3A_1240 : vector<16xi32>
      %bitcast3A_1242 = vector.bitcast %shift_left3A_1241 : vector<16xi32> to vector<16xf32>
      %shift_right_arithmetic3A_1243 = arith.shrsi %gather3A_1237, %shift_left3A_1061 : vector<16xi32>
      %shift_left3A_1244 = arith.constant 16 : i32
      %shift_left3A_1245 = vector.broadcast %shift_left3A_1244 : i32 to vector<16xi32>
      %shift_left3A_1246 = arith.shli %shift_right_arithmetic3A_1243, %shift_left3A_1245 : vector<16xi32>
      %bitcast3A_1247 = vector.bitcast %shift_left3A_1246 : vector<16xi32> to vector<16xf32>
      %mul3A_1248 = arith.mulf %bitcast3A_1242, %bitcast3A_1247 : vector<16xf32>
      %add3A_1249 = arith.addf %add3A_1229, %mul3A_1248 : vector<16xf32>
      %add3A_1250 = arith.constant 9 : i32
      %add3A_1251 = vector.broadcast %add3A_1250 : i32 to vector<16xi32>
      %add3A_1252 = arith.addi %and3A_1046, %add3A_1251 : vector<16xi32>
      %gather3A_1253 = tpu.vector_load_idx %arg14[%add3A_1023, %add3A_1252] : memref<256x128xi32, #tpu.memory_space<vmem>>[vector<16xi32>, vector<16xi32>], vector<16xi32>,
      %add3A_1254 = arith.constant 9 : i32
      %add3A_1255 = vector.broadcast %add3A_1254 : i32 to vector<16xi32>
      %add3A_1256 = arith.addi %and3A_1049, %add3A_1255 : vector<16xi32>
      %gather3A_1257 = tpu.vector_load_idx %arg15[%add3A_1023, %add3A_1256] : memref<256x128xi32, #tpu.memory_space<vmem>>[vector<16xi32>, vector<16xi32>], vector<16xi32>,
      %shift_right_arithmetic3A_1258 = arith.shrsi %gather3A_1253, %shift_left3A_1055 : vector<16xi32>
      %shift_left3A_1259 = arith.constant 16 : i32
      %shift_left3A_1260 = vector.broadcast %shift_left3A_1259 : i32 to vector<16xi32>
      %shift_left3A_1261 = arith.shli %shift_right_arithmetic3A_1258, %shift_left3A_1260 : vector<16xi32>
      %bitcast3A_1262 = vector.bitcast %shift_left3A_1261 : vector<16xi32> to vector<16xf32>
      %shift_right_arithmetic3A_1263 = arith.shrsi %gather3A_1257, %shift_left3A_1061 : vector<16xi32>
      %shift_left3A_1264 = arith.constant 16 : i32
      %shift_left3A_1265 = vector.broadcast %shift_left3A_1264 : i32 to vector<16xi32>
      %shift_left3A_1266 = arith.shli %shift_right_arithmetic3A_1263, %shift_left3A_1265 : vector<16xi32>
      %bitcast3A_1267 = vector.bitcast %shift_left3A_1266 : vector<16xi32> to vector<16xf32>
      %mul3A_1268 = arith.mulf %bitcast3A_1262, %bitcast3A_1267 : vector<16xf32>
      %add3A_1269 = arith.addf %add3A_1249, %mul3A_1268 : vector<16xf32>
      %add3A_1270 = arith.constant 10 : i32
      %add3A_1271 = vector.broadcast %add3A_1270 : i32 to vector<16xi32>
      %add3A_1272 = arith.addi %and3A_1046, %add3A_1271 : vector<16xi32>
      %gather3A_1273 = tpu.vector_load_idx %arg14[%add3A_1023, %add3A_1272] : memref<256x128xi32, #tpu.memory_space<vmem>>[vector<16xi32>, vector<16xi32>], vector<16xi32>,
      %add3A_1274 = arith.constant 10 : i32
      %add3A_1275 = vector.broadcast %add3A_1274 : i32 to vector<16xi32>
      %add3A_1276 = arith.addi %and3A_1049, %add3A_1275 : vector<16xi32>
      %gather3A_1277 = tpu.vector_load_idx %arg15[%add3A_1023, %add3A_1276] : memref<256x128xi32, #tpu.memory_space<vmem>>[vector<16xi32>, vector<16xi32>], vector<16xi32>,
      %shift_right_arithmetic3A_1278 = arith.shrsi %gather3A_1273, %shift_left3A_1055 : vector<16xi32>
      %shift_left3A_1279 = arith.constant 16 : i32
      %shift_left3A_1280 = vector.broadcast %shift_left3A_1279 : i32 to vector<16xi32>
      %shift_left3A_1281 = arith.shli %shift_right_arithmetic3A_1278, %shift_left3A_1280 : vector<16xi32>
      %bitcast3A_1282 = vector.bitcast %shift_left3A_1281 : vector<16xi32> to vector<16xf32>
      %shift_right_arithmetic3A_1283 = arith.shrsi %gather3A_1277, %shift_left3A_1061 : vector<16xi32>
      %shift_left3A_1284 = arith.constant 16 : i32
      %shift_left3A_1285 = vector.broadcast %shift_left3A_1284 : i32 to vector<16xi32>
      %shift_left3A_1286 = arith.shli %shift_right_arithmetic3A_1283, %shift_left3A_1285 : vector<16xi32>
      %bitcast3A_1287 = vector.bitcast %shift_left3A_1286 : vector<16xi32> to vector<16xf32>
      %mul3A_1288 = arith.mulf %bitcast3A_1282, %bitcast3A_1287 : vector<16xf32>
      %add3A_1289 = arith.addf %add3A_1269, %mul3A_1288 : vector<16xf32>
      %add3A_1290 = arith.constant 11 : i32
      %add3A_1291 = vector.broadcast %add3A_1290 : i32 to vector<16xi32>
      %add3A_1292 = arith.addi %and3A_1046, %add3A_1291 : vector<16xi32>
      %gather3A_1293 = tpu.vector_load_idx %arg14[%add3A_1023, %add3A_1292] : memref<256x128xi32, #tpu.memory_space<vmem>>[vector<16xi32>, vector<16xi32>], vector<16xi32>,
      %add3A_1294 = arith.constant 11 : i32
      %add3A_1295 = vector.broadcast %add3A_1294 : i32 to vector<16xi32>
      %add3A_1296 = arith.addi %and3A_1049, %add3A_1295 : vector<16xi32>
      %gather3A_1297 = tpu.vector_load_idx %arg15[%add3A_1023, %add3A_1296] : memref<256x128xi32, #tpu.memory_space<vmem>>[vector<16xi32>, vector<16xi32>], vector<16xi32>,
      %shift_right_arithmetic3A_1298 = arith.shrsi %gather3A_1293, %shift_left3A_1055 : vector<16xi32>
      %shift_left3A_1299 = arith.constant 16 : i32
      %shift_left3A_1300 = vector.broadcast %shift_left3A_1299 : i32 to vector<16xi32>
      %shift_left3A_1301 = arith.shli %shift_right_arithmetic3A_1298, %shift_left3A_1300 : vector<16xi32>
      %bitcast3A_1302 = vector.bitcast %shift_left3A_1301 : vector<16xi32> to vector<16xf32>
      %shift_right_arithmetic3A_1303 = arith.shrsi %gather3A_1297, %shift_left3A_1061 : vector<16xi32>
      %shift_left3A_1304 = arith.constant 16 : i32
      %shift_left3A_1305 = vector.broadcast %shift_left3A_1304 : i32 to vector<16xi32>
      %shift_left3A_1306 = arith.shli %shift_right_arithmetic3A_1303, %shift_left3A_1305 : vector<16xi32>
      %bitcast3A_1307 = vector.bitcast %shift_left3A_1306 : vector<16xi32> to vector<16xf32>
      %mul3A_1308 = arith.mulf %bitcast3A_1302, %bitcast3A_1307 : vector<16xf32>
      %add3A_1309 = arith.addf %add3A_1289, %mul3A_1308 : vector<16xf32>
      %add3A_1310 = arith.constant 12 : i32
      %add3A_1311 = vector.broadcast %add3A_1310 : i32 to vector<16xi32>
      %add3A_1312 = arith.addi %and3A_1046, %add3A_1311 : vector<16xi32>
      %gather3A_1313 = tpu.vector_load_idx %arg14[%add3A_1023, %add3A_1312] : memref<256x128xi32, #tpu.memory_space<vmem>>[vector<16xi32>, vector<16xi32>], vector<16xi32>,
      %add3A_1314 = arith.constant 12 : i32
      %add3A_1315 = vector.broadcast %add3A_1314 : i32 to vector<16xi32>
      %add3A_1316 = arith.addi %and3A_1049, %add3A_1315 : vector<16xi32>
      %gather3A_1317 = tpu.vector_load_idx %arg15[%add3A_1023, %add3A_1316] : memref<256x128xi32, #tpu.memory_space<vmem>>[vector<16xi32>, vector<16xi32>], vector<16xi32>,
      %shift_right_arithmetic3A_1318 = arith.shrsi %gather3A_1313, %shift_left3A_1055 : vector<16xi32>
      %shift_left3A_1319 = arith.constant 16 : i32
      %shift_left3A_1320 = vector.broadcast %shift_left3A_1319 : i32 to vector<16xi32>
      %shift_left3A_1321 = arith.shli %shift_right_arithmetic3A_1318, %shift_left3A_1320 : vector<16xi32>
      %bitcast3A_1322 = vector.bitcast %shift_left3A_1321 : vector<16xi32> to vector<16xf32>
      %shift_right_arithmetic3A_1323 = arith.shrsi %gather3A_1317, %shift_left3A_1061 : vector<16xi32>
      %shift_left3A_1324 = arith.constant 16 : i32
      %shift_left3A_1325 = vector.broadcast %shift_left3A_1324 : i32 to vector<16xi32>
      %shift_left3A_1326 = arith.shli %shift_right_arithmetic3A_1323, %shift_left3A_1325 : vector<16xi32>
      %bitcast3A_1327 = vector.bitcast %shift_left3A_1326 : vector<16xi32> to vector<16xf32>
      %mul3A_1328 = arith.mulf %bitcast3A_1322, %bitcast3A_1327 : vector<16xf32>
      %add3A_1329 = arith.addf %add3A_1309, %mul3A_1328 : vector<16xf32>
      %add3A_1330 = arith.constant 13 : i32
      %add3A_1331 = vector.broadcast %add3A_1330 : i32 to vector<16xi32>
      %add3A_1332 = arith.addi %and3A_1046, %add3A_1331 : vector<16xi32>
      %gather3A_1333 = tpu.vector_load_idx %arg14[%add3A_1023, %add3A_1332] : memref<256x128xi32, #tpu.memory_space<vmem>>[vector<16xi32>, vector<16xi32>], vector<16xi32>,
      %add3A_1334 = arith.constant 13 : i32
      %add3A_1335 = vector.broadcast %add3A_1334 : i32 to vector<16xi32>
      %add3A_1336 = arith.addi %and3A_1049, %add3A_1335 : vector<16xi32>
      %gather3A_1337 = tpu.vector_load_idx %arg15[%add3A_1023, %add3A_1336] : memref<256x128xi32, #tpu.memory_space<vmem>>[vector<16xi32>, vector<16xi32>], vector<16xi32>,
      %shift_right_arithmetic3A_1338 = arith.shrsi %gather3A_1333, %shift_left3A_1055 : vector<16xi32>
      %shift_left3A_1339 = arith.constant 16 : i32
      %shift_left3A_1340 = vector.broadcast %shift_left3A_1339 : i32 to vector<16xi32>
      %shift_left3A_1341 = arith.shli %shift_right_arithmetic3A_1338, %shift_left3A_1340 : vector<16xi32>
      %bitcast3A_1342 = vector.bitcast %shift_left3A_1341 : vector<16xi32> to vector<16xf32>
      %shift_right_arithmetic3A_1343 = arith.shrsi %gather3A_1337, %shift_left3A_1061 : vector<16xi32>
      %shift_left3A_1344 = arith.constant 16 : i32
      %shift_left3A_1345 = vector.broadcast %shift_left3A_1344 : i32 to vector<16xi32>
      %shift_left3A_1346 = arith.shli %shift_right_arithmetic3A_1343, %shift_left3A_1345 : vector<16xi32>
      %bitcast3A_1347 = vector.bitcast %shift_left3A_1346 : vector<16xi32> to vector<16xf32>
      %mul3A_1348 = arith.mulf %bitcast3A_1342, %bitcast3A_1347 : vector<16xf32>
      %add3A_1349 = arith.addf %add3A_1329, %mul3A_1348 : vector<16xf32>
      %add3A_1350 = arith.constant 14 : i32
      %add3A_1351 = vector.broadcast %add3A_1350 : i32 to vector<16xi32>
      %add3A_1352 = arith.addi %and3A_1046, %add3A_1351 : vector<16xi32>
      %gather3A_1353 = tpu.vector_load_idx %arg14[%add3A_1023, %add3A_1352] : memref<256x128xi32, #tpu.memory_space<vmem>>[vector<16xi32>, vector<16xi32>], vector<16xi32>,
      %add3A_1354 = arith.constant 14 : i32
      %add3A_1355 = vector.broadcast %add3A_1354 : i32 to vector<16xi32>
      %add3A_1356 = arith.addi %and3A_1049, %add3A_1355 : vector<16xi32>
      %gather3A_1357 = tpu.vector_load_idx %arg15[%add3A_1023, %add3A_1356] : memref<256x128xi32, #tpu.memory_space<vmem>>[vector<16xi32>, vector<16xi32>], vector<16xi32>,
      %shift_right_arithmetic3A_1358 = arith.shrsi %gather3A_1353, %shift_left3A_1055 : vector<16xi32>
      %shift_left3A_1359 = arith.constant 16 : i32
      %shift_left3A_1360 = vector.broadcast %shift_left3A_1359 : i32 to vector<16xi32>
      %shift_left3A_1361 = arith.shli %shift_right_arithmetic3A_1358, %shift_left3A_1360 : vector<16xi32>
      %bitcast3A_1362 = vector.bitcast %shift_left3A_1361 : vector<16xi32> to vector<16xf32>
      %shift_right_arithmetic3A_1363 = arith.shrsi %gather3A_1357, %shift_left3A_1061 : vector<16xi32>
      %shift_left3A_1364 = arith.constant 16 : i32
      %shift_left3A_1365 = vector.broadcast %shift_left3A_1364 : i32 to vector<16xi32>
      %shift_left3A_1366 = arith.shli %shift_right_arithmetic3A_1363, %shift_left3A_1365 : vector<16xi32>
      %bitcast3A_1367 = vector.bitcast %shift_left3A_1366 : vector<16xi32> to vector<16xf32>
      %mul3A_1368 = arith.mulf %bitcast3A_1362, %bitcast3A_1367 : vector<16xf32>
      %add3A_1369 = arith.addf %add3A_1349, %mul3A_1368 : vector<16xf32>
      %add3A_1370 = arith.constant 15 : i32
      %add3A_1371 = vector.broadcast %add3A_1370 : i32 to vector<16xi32>
      %add3A_1372 = arith.addi %and3A_1046, %add3A_1371 : vector<16xi32>
      %gather3A_1373 = tpu.vector_load_idx %arg14[%add3A_1023, %add3A_1372] : memref<256x128xi32, #tpu.memory_space<vmem>>[vector<16xi32>, vector<16xi32>], vector<16xi32>,
      %add3A_1374 = arith.constant 15 : i32
      %add3A_1375 = vector.broadcast %add3A_1374 : i32 to vector<16xi32>
      %add3A_1376 = arith.addi %and3A_1049, %add3A_1375 : vector<16xi32>
      %gather3A_1377 = tpu.vector_load_idx %arg15[%add3A_1023, %add3A_1376] : memref<256x128xi32, #tpu.memory_space<vmem>>[vector<16xi32>, vector<16xi32>], vector<16xi32>,
      %shift_right_arithmetic3A_1378 = arith.shrsi %gather3A_1373, %shift_left3A_1055 : vector<16xi32>
      %shift_left3A_1379 = arith.constant 16 : i32
      %shift_left3A_1380 = vector.broadcast %shift_left3A_1379 : i32 to vector<16xi32>
      %shift_left3A_1381 = arith.shli %shift_right_arithmetic3A_1378, %shift_left3A_1380 : vector<16xi32>
      %bitcast3A_1382 = vector.bitcast %shift_left3A_1381 : vector<16xi32> to vector<16xf32>
      %shift_right_arithmetic3A_1383 = arith.shrsi %gather3A_1377, %shift_left3A_1061 : vector<16xi32>
      %shift_left3A_1384 = arith.constant 16 : i32
      %shift_left3A_1385 = vector.broadcast %shift_left3A_1384 : i32 to vector<16xi32>
      %shift_left3A_1386 = arith.shli %shift_right_arithmetic3A_1383, %shift_left3A_1385 : vector<16xi32>
      %bitcast3A_1387 = vector.bitcast %shift_left3A_1386 : vector<16xi32> to vector<16xf32>
      %mul3A_1388 = arith.mulf %bitcast3A_1382, %bitcast3A_1387 : vector<16xf32>
      %add3A_1389 = arith.addf %add3A_1369, %mul3A_1388 : vector<16xf32>
      %add3A_1390 = arith.constant 16 : i32
      %add3A_1391 = vector.broadcast %add3A_1390 : i32 to vector<16xi32>
      %add3A_1392 = arith.addi %and3A_1046, %add3A_1391 : vector<16xi32>
      %gather3A_1393 = tpu.vector_load_idx %arg14[%add3A_1023, %add3A_1392] : memref<256x128xi32, #tpu.memory_space<vmem>>[vector<16xi32>, vector<16xi32>], vector<16xi32>,
      %add3A_1394 = arith.constant 16 : i32
      %add3A_1395 = vector.broadcast %add3A_1394 : i32 to vector<16xi32>
      %add3A_1396 = arith.addi %and3A_1049, %add3A_1395 : vector<16xi32>
      %gather3A_1397 = tpu.vector_load_idx %arg15[%add3A_1023, %add3A_1396] : memref<256x128xi32, #tpu.memory_space<vmem>>[vector<16xi32>, vector<16xi32>], vector<16xi32>,
      %shift_right_arithmetic3A_1398 = arith.shrsi %gather3A_1393, %shift_left3A_1055 : vector<16xi32>
      %shift_left3A_1399 = arith.constant 16 : i32
      %shift_left3A_1400 = vector.broadcast %shift_left3A_1399 : i32 to vector<16xi32>
      %shift_left3A_1401 = arith.shli %shift_right_arithmetic3A_1398, %shift_left3A_1400 : vector<16xi32>
      %bitcast3A_1402 = vector.bitcast %shift_left3A_1401 : vector<16xi32> to vector<16xf32>
      %shift_right_arithmetic3A_1403 = arith.shrsi %gather3A_1397, %shift_left3A_1061 : vector<16xi32>
      %shift_left3A_1404 = arith.constant 16 : i32
      %shift_left3A_1405 = vector.broadcast %shift_left3A_1404 : i32 to vector<16xi32>
      %shift_left3A_1406 = arith.shli %shift_right_arithmetic3A_1403, %shift_left3A_1405 : vector<16xi32>
      %bitcast3A_1407 = vector.bitcast %shift_left3A_1406 : vector<16xi32> to vector<16xf32>
      %mul3A_1408 = arith.mulf %bitcast3A_1402, %bitcast3A_1407 : vector<16xf32>
      %add3A_1409 = arith.addf %add3A_1389, %mul3A_1408 : vector<16xf32>
      %add3A_1410 = arith.constant 17 : i32
      %add3A_1411 = vector.broadcast %add3A_1410 : i32 to vector<16xi32>
      %add3A_1412 = arith.addi %and3A_1046, %add3A_1411 : vector<16xi32>
      %gather3A_1413 = tpu.vector_load_idx %arg14[%add3A_1023, %add3A_1412] : memref<256x128xi32, #tpu.memory_space<vmem>>[vector<16xi32>, vector<16xi32>], vector<16xi32>,
      %add3A_1414 = arith.constant 17 : i32
      %add3A_1415 = vector.broadcast %add3A_1414 : i32 to vector<16xi32>
      %add3A_1416 = arith.addi %and3A_1049, %add3A_1415 : vector<16xi32>
      %gather3A_1417 = tpu.vector_load_idx %arg15[%add3A_1023, %add3A_1416] : memref<256x128xi32, #tpu.memory_space<vmem>>[vector<16xi32>, vector<16xi32>], vector<16xi32>,
      %shift_right_arithmetic3A_1418 = arith.shrsi %gather3A_1413, %shift_left3A_1055 : vector<16xi32>
      %shift_left3A_1419 = arith.constant 16 : i32
      %shift_left3A_1420 = vector.broadcast %shift_left3A_1419 : i32 to vector<16xi32>
      %shift_left3A_1421 = arith.shli %shift_right_arithmetic3A_1418, %shift_left3A_1420 : vector<16xi32>
      %bitcast3A_1422 = vector.bitcast %shift_left3A_1421 : vector<16xi32> to vector<16xf32>
      %shift_right_arithmetic3A_1423 = arith.shrsi %gather3A_1417, %shift_left3A_1061 : vector<16xi32>
      %shift_left3A_1424 = arith.constant 16 : i32
      %shift_left3A_1425 = vector.broadcast %shift_left3A_1424 : i32 to vector<16xi32>
      %shift_left3A_1426 = arith.shli %shift_right_arithmetic3A_1423, %shift_left3A_1425 : vector<16xi32>
      %bitcast3A_1427 = vector.bitcast %shift_left3A_1426 : vector<16xi32> to vector<16xf32>
      %mul3A_1428 = arith.mulf %bitcast3A_1422, %bitcast3A_1427 : vector<16xf32>
      %add3A_1429 = arith.addf %add3A_1409, %mul3A_1428 : vector<16xf32>
      %add3A_1430 = arith.constant 18 : i32
      %add3A_1431 = vector.broadcast %add3A_1430 : i32 to vector<16xi32>
      %add3A_1432 = arith.addi %and3A_1046, %add3A_1431 : vector<16xi32>
      %gather3A_1433 = tpu.vector_load_idx %arg14[%add3A_1023, %add3A_1432] : memref<256x128xi32, #tpu.memory_space<vmem>>[vector<16xi32>, vector<16xi32>], vector<16xi32>,
      %add3A_1434 = arith.constant 18 : i32
      %add3A_1435 = vector.broadcast %add3A_1434 : i32 to vector<16xi32>
      %add3A_1436 = arith.addi %and3A_1049, %add3A_1435 : vector<16xi32>
      %gather3A_1437 = tpu.vector_load_idx %arg15[%add3A_1023, %add3A_1436] : memref<256x128xi32, #tpu.memory_space<vmem>>[vector<16xi32>, vector<16xi32>], vector<16xi32>,
      %shift_right_arithmetic3A_1438 = arith.shrsi %gather3A_1433, %shift_left3A_1055 : vector<16xi32>
      %shift_left3A_1439 = arith.constant 16 : i32
      %shift_left3A_1440 = vector.broadcast %shift_left3A_1439 : i32 to vector<16xi32>
      %shift_left3A_1441 = arith.shli %shift_right_arithmetic3A_1438, %shift_left3A_1440 : vector<16xi32>
      %bitcast3A_1442 = vector.bitcast %shift_left3A_1441 : vector<16xi32> to vector<16xf32>
      %shift_right_arithmetic3A_1443 = arith.shrsi %gather3A_1437, %shift_left3A_1061 : vector<16xi32>
      %shift_left3A_1444 = arith.constant 16 : i32
      %shift_left3A_1445 = vector.broadcast %shift_left3A_1444 : i32 to vector<16xi32>
      %shift_left3A_1446 = arith.shli %shift_right_arithmetic3A_1443, %shift_left3A_1445 : vector<16xi32>
      %bitcast3A_1447 = vector.bitcast %shift_left3A_1446 : vector<16xi32> to vector<16xf32>
      %mul3A_1448 = arith.mulf %bitcast3A_1442, %bitcast3A_1447 : vector<16xf32>
      %add3A_1449 = arith.addf %add3A_1429, %mul3A_1448 : vector<16xf32>
      %add3A_1450 = arith.constant 19 : i32
      %add3A_1451 = vector.broadcast %add3A_1450 : i32 to vector<16xi32>
      %add3A_1452 = arith.addi %and3A_1046, %add3A_1451 : vector<16xi32>
      %gather3A_1453 = tpu.vector_load_idx %arg14[%add3A_1023, %add3A_1452] : memref<256x128xi32, #tpu.memory_space<vmem>>[vector<16xi32>, vector<16xi32>], vector<16xi32>,
      %add3A_1454 = arith.constant 19 : i32
      %add3A_1455 = vector.broadcast %add3A_1454 : i32 to vector<16xi32>
      %add3A_1456 = arith.addi %and3A_1049, %add3A_1455 : vector<16xi32>
      %gather3A_1457 = tpu.vector_load_idx %arg15[%add3A_1023, %add3A_1456] : memref<256x128xi32, #tpu.memory_space<vmem>>[vector<16xi32>, vector<16xi32>], vector<16xi32>,
      %shift_right_arithmetic3A_1458 = arith.shrsi %gather3A_1453, %shift_left3A_1055 : vector<16xi32>
      %shift_left3A_1459 = arith.constant 16 : i32
      %shift_left3A_1460 = vector.broadcast %shift_left3A_1459 : i32 to vector<16xi32>
      %shift_left3A_1461 = arith.shli %shift_right_arithmetic3A_1458, %shift_left3A_1460 : vector<16xi32>
      %bitcast3A_1462 = vector.bitcast %shift_left3A_1461 : vector<16xi32> to vector<16xf32>
      %shift_right_arithmetic3A_1463 = arith.shrsi %gather3A_1457, %shift_left3A_1061 : vector<16xi32>
      %shift_left3A_1464 = arith.constant 16 : i32
      %shift_left3A_1465 = vector.broadcast %shift_left3A_1464 : i32 to vector<16xi32>
      %shift_left3A_1466 = arith.shli %shift_right_arithmetic3A_1463, %shift_left3A_1465 : vector<16xi32>
      %bitcast3A_1467 = vector.bitcast %shift_left3A_1466 : vector<16xi32> to vector<16xf32>
      %mul3A_1468 = arith.mulf %bitcast3A_1462, %bitcast3A_1467 : vector<16xf32>
      %add3A_1469 = arith.addf %add3A_1449, %mul3A_1468 : vector<16xf32>
      %add3A_1470 = arith.constant 20 : i32
      %add3A_1471 = vector.broadcast %add3A_1470 : i32 to vector<16xi32>
      %add3A_1472 = arith.addi %and3A_1046, %add3A_1471 : vector<16xi32>
      %gather3A_1473 = tpu.vector_load_idx %arg14[%add3A_1023, %add3A_1472] : memref<256x128xi32, #tpu.memory_space<vmem>>[vector<16xi32>, vector<16xi32>], vector<16xi32>,
      %add3A_1474 = arith.constant 20 : i32
      %add3A_1475 = vector.broadcast %add3A_1474 : i32 to vector<16xi32>
      %add3A_1476 = arith.addi %and3A_1049, %add3A_1475 : vector<16xi32>
      %gather3A_1477 = tpu.vector_load_idx %arg15[%add3A_1023, %add3A_1476] : memref<256x128xi32, #tpu.memory_space<vmem>>[vector<16xi32>, vector<16xi32>], vector<16xi32>,
      %shift_right_arithmetic3A_1478 = arith.shrsi %gather3A_1473, %shift_left3A_1055 : vector<16xi32>
      %shift_left3A_1479 = arith.constant 16 : i32
      %shift_left3A_1480 = vector.broadcast %shift_left3A_1479 : i32 to vector<16xi32>
      %shift_left3A_1481 = arith.shli %shift_right_arithmetic3A_1478, %shift_left3A_1480 : vector<16xi32>
      %bitcast3A_1482 = vector.bitcast %shift_left3A_1481 : vector<16xi32> to vector<16xf32>
      %shift_right_arithmetic3A_1483 = arith.shrsi %gather3A_1477, %shift_left3A_1061 : vector<16xi32>
      %shift_left3A_1484 = arith.constant 16 : i32
      %shift_left3A_1485 = vector.broadcast %shift_left3A_1484 : i32 to vector<16xi32>
      %shift_left3A_1486 = arith.shli %shift_right_arithmetic3A_1483, %shift_left3A_1485 : vector<16xi32>
      %bitcast3A_1487 = vector.bitcast %shift_left3A_1486 : vector<16xi32> to vector<16xf32>
      %mul3A_1488 = arith.mulf %bitcast3A_1482, %bitcast3A_1487 : vector<16xf32>
      %add3A_1489 = arith.addf %add3A_1469, %mul3A_1488 : vector<16xf32>
      %add3A_1490 = arith.constant 21 : i32
      %add3A_1491 = vector.broadcast %add3A_1490 : i32 to vector<16xi32>
      %add3A_1492 = arith.addi %and3A_1046, %add3A_1491 : vector<16xi32>
      %gather3A_1493 = tpu.vector_load_idx %arg14[%add3A_1023, %add3A_1492] : memref<256x128xi32, #tpu.memory_space<vmem>>[vector<16xi32>, vector<16xi32>], vector<16xi32>,
      %add3A_1494 = arith.constant 21 : i32
      %add3A_1495 = vector.broadcast %add3A_1494 : i32 to vector<16xi32>
      %add3A_1496 = arith.addi %and3A_1049, %add3A_1495 : vector<16xi32>
      %gather3A_1497 = tpu.vector_load_idx %arg15[%add3A_1023, %add3A_1496] : memref<256x128xi32, #tpu.memory_space<vmem>>[vector<16xi32>, vector<16xi32>], vector<16xi32>,
      %shift_right_arithmetic3A_1498 = arith.shrsi %gather3A_1493, %shift_left3A_1055 : vector<16xi32>
      %shift_left3A_1499 = arith.constant 16 : i32
      %shift_left3A_1500 = vector.broadcast %shift_left3A_1499 : i32 to vector<16xi32>
      %shift_left3A_1501 = arith.shli %shift_right_arithmetic3A_1498, %shift_left3A_1500 : vector<16xi32>
      %bitcast3A_1502 = vector.bitcast %shift_left3A_1501 : vector<16xi32> to vector<16xf32>
      %shift_right_arithmetic3A_1503 = arith.shrsi %gather3A_1497, %shift_left3A_1061 : vector<16xi32>
      %shift_left3A_1504 = arith.constant 16 : i32
      %shift_left3A_1505 = vector.broadcast %shift_left3A_1504 : i32 to vector<16xi32>
      %shift_left3A_1506 = arith.shli %shift_right_arithmetic3A_1503, %shift_left3A_1505 : vector<16xi32>
      %bitcast3A_1507 = vector.bitcast %shift_left3A_1506 : vector<16xi32> to vector<16xf32>
      %mul3A_1508 = arith.mulf %bitcast3A_1502, %bitcast3A_1507 : vector<16xf32>
      %add3A_1509 = arith.addf %add3A_1489, %mul3A_1508 : vector<16xf32>
      %add3A_1510 = arith.constant 22 : i32
      %add3A_1511 = vector.broadcast %add3A_1510 : i32 to vector<16xi32>
      %add3A_1512 = arith.addi %and3A_1046, %add3A_1511 : vector<16xi32>
      %gather3A_1513 = tpu.vector_load_idx %arg14[%add3A_1023, %add3A_1512] : memref<256x128xi32, #tpu.memory_space<vmem>>[vector<16xi32>, vector<16xi32>], vector<16xi32>,
      %add3A_1514 = arith.constant 22 : i32
      %add3A_1515 = vector.broadcast %add3A_1514 : i32 to vector<16xi32>
      %add3A_1516 = arith.addi %and3A_1049, %add3A_1515 : vector<16xi32>
      %gather3A_1517 = tpu.vector_load_idx %arg15[%add3A_1023, %add3A_1516] : memref<256x128xi32, #tpu.memory_space<vmem>>[vector<16xi32>, vector<16xi32>], vector<16xi32>,
      %shift_right_arithmetic3A_1518 = arith.shrsi %gather3A_1513, %shift_left3A_1055 : vector<16xi32>
      %shift_left3A_1519 = arith.constant 16 : i32
      %shift_left3A_1520 = vector.broadcast %shift_left3A_1519 : i32 to vector<16xi32>
      %shift_left3A_1521 = arith.shli %shift_right_arithmetic3A_1518, %shift_left3A_1520 : vector<16xi32>
      %bitcast3A_1522 = vector.bitcast %shift_left3A_1521 : vector<16xi32> to vector<16xf32>
      %shift_right_arithmetic3A_1523 = arith.shrsi %gather3A_1517, %shift_left3A_1061 : vector<16xi32>
      %shift_left3A_1524 = arith.constant 16 : i32
      %shift_left3A_1525 = vector.broadcast %shift_left3A_1524 : i32 to vector<16xi32>
      %shift_left3A_1526 = arith.shli %shift_right_arithmetic3A_1523, %shift_left3A_1525 : vector<16xi32>
      %bitcast3A_1527 = vector.bitcast %shift_left3A_1526 : vector<16xi32> to vector<16xf32>
      %mul3A_1528 = arith.mulf %bitcast3A_1522, %bitcast3A_1527 : vector<16xf32>
      %add3A_1529 = arith.addf %add3A_1509, %mul3A_1528 : vector<16xf32>
      %add3A_1530 = arith.constant 23 : i32
      %add3A_1531 = vector.broadcast %add3A_1530 : i32 to vector<16xi32>
      %add3A_1532 = arith.addi %and3A_1046, %add3A_1531 : vector<16xi32>
      %gather3A_1533 = tpu.vector_load_idx %arg14[%add3A_1023, %add3A_1532] : memref<256x128xi32, #tpu.memory_space<vmem>>[vector<16xi32>, vector<16xi32>], vector<16xi32>,
      %add3A_1534 = arith.constant 23 : i32
      %add3A_1535 = vector.broadcast %add3A_1534 : i32 to vector<16xi32>
      %add3A_1536 = arith.addi %and3A_1049, %add3A_1535 : vector<16xi32>
      %gather3A_1537 = tpu.vector_load_idx %arg15[%add3A_1023, %add3A_1536] : memref<256x128xi32, #tpu.memory_space<vmem>>[vector<16xi32>, vector<16xi32>], vector<16xi32>,
      %shift_right_arithmetic3A_1538 = arith.shrsi %gather3A_1533, %shift_left3A_1055 : vector<16xi32>
      %shift_left3A_1539 = arith.constant 16 : i32
      %shift_left3A_1540 = vector.broadcast %shift_left3A_1539 : i32 to vector<16xi32>
      %shift_left3A_1541 = arith.shli %shift_right_arithmetic3A_1538, %shift_left3A_1540 : vector<16xi32>
      %bitcast3A_1542 = vector.bitcast %shift_left3A_1541 : vector<16xi32> to vector<16xf32>
      %shift_right_arithmetic3A_1543 = arith.shrsi %gather3A_1537, %shift_left3A_1061 : vector<16xi32>
      %shift_left3A_1544 = arith.constant 16 : i32
      %shift_left3A_1545 = vector.broadcast %shift_left3A_1544 : i32 to vector<16xi32>
      %shift_left3A_1546 = arith.shli %shift_right_arithmetic3A_1543, %shift_left3A_1545 : vector<16xi32>
      %bitcast3A_1547 = vector.bitcast %shift_left3A_1546 : vector<16xi32> to vector<16xf32>
      %mul3A_1548 = arith.mulf %bitcast3A_1542, %bitcast3A_1547 : vector<16xf32>
      %add3A_1549 = arith.addf %add3A_1529, %mul3A_1548 : vector<16xf32>
      %add3A_1550 = arith.constant 24 : i32
      %add3A_1551 = vector.broadcast %add3A_1550 : i32 to vector<16xi32>
      %add3A_1552 = arith.addi %and3A_1046, %add3A_1551 : vector<16xi32>
      %gather3A_1553 = tpu.vector_load_idx %arg14[%add3A_1023, %add3A_1552] : memref<256x128xi32, #tpu.memory_space<vmem>>[vector<16xi32>, vector<16xi32>], vector<16xi32>,
      %add3A_1554 = arith.constant 24 : i32
      %add3A_1555 = vector.broadcast %add3A_1554 : i32 to vector<16xi32>
      %add3A_1556 = arith.addi %and3A_1049, %add3A_1555 : vector<16xi32>
      %gather3A_1557 = tpu.vector_load_idx %arg15[%add3A_1023, %add3A_1556] : memref<256x128xi32, #tpu.memory_space<vmem>>[vector<16xi32>, vector<16xi32>], vector<16xi32>,
      %shift_right_arithmetic3A_1558 = arith.shrsi %gather3A_1553, %shift_left3A_1055 : vector<16xi32>
      %shift_left3A_1559 = arith.constant 16 : i32
      %shift_left3A_1560 = vector.broadcast %shift_left3A_1559 : i32 to vector<16xi32>
      %shift_left3A_1561 = arith.shli %shift_right_arithmetic3A_1558, %shift_left3A_1560 : vector<16xi32>
      %bitcast3A_1562 = vector.bitcast %shift_left3A_1561 : vector<16xi32> to vector<16xf32>
      %shift_right_arithmetic3A_1563 = arith.shrsi %gather3A_1557, %shift_left3A_1061 : vector<16xi32>
      %shift_left3A_1564 = arith.constant 16 : i32
      %shift_left3A_1565 = vector.broadcast %shift_left3A_1564 : i32 to vector<16xi32>
      %shift_left3A_1566 = arith.shli %shift_right_arithmetic3A_1563, %shift_left3A_1565 : vector<16xi32>
      %bitcast3A_1567 = vector.bitcast %shift_left3A_1566 : vector<16xi32> to vector<16xf32>
      %mul3A_1568 = arith.mulf %bitcast3A_1562, %bitcast3A_1567 : vector<16xf32>
      %add3A_1569 = arith.addf %add3A_1549, %mul3A_1568 : vector<16xf32>
      %add3A_1570 = arith.constant 25 : i32
      %add3A_1571 = vector.broadcast %add3A_1570 : i32 to vector<16xi32>
      %add3A_1572 = arith.addi %and3A_1046, %add3A_1571 : vector<16xi32>
      %gather3A_1573 = tpu.vector_load_idx %arg14[%add3A_1023, %add3A_1572] : memref<256x128xi32, #tpu.memory_space<vmem>>[vector<16xi32>, vector<16xi32>], vector<16xi32>,
      %add3A_1574 = arith.constant 25 : i32
      %add3A_1575 = vector.broadcast %add3A_1574 : i32 to vector<16xi32>
      %add3A_1576 = arith.addi %and3A_1049, %add3A_1575 : vector<16xi32>
      %gather3A_1577 = tpu.vector_load_idx %arg15[%add3A_1023, %add3A_1576] : memref<256x128xi32, #tpu.memory_space<vmem>>[vector<16xi32>, vector<16xi32>], vector<16xi32>,
      %shift_right_arithmetic3A_1578 = arith.shrsi %gather3A_1573, %shift_left3A_1055 : vector<16xi32>
      %shift_left3A_1579 = arith.constant 16 : i32
      %shift_left3A_1580 = vector.broadcast %shift_left3A_1579 : i32 to vector<16xi32>
      %shift_left3A_1581 = arith.shli %shift_right_arithmetic3A_1578, %shift_left3A_1580 : vector<16xi32>
      %bitcast3A_1582 = vector.bitcast %shift_left3A_1581 : vector<16xi32> to vector<16xf32>
      %shift_right_arithmetic3A_1583 = arith.shrsi %gather3A_1577, %shift_left3A_1061 : vector<16xi32>
      %shift_left3A_1584 = arith.constant 16 : i32
      %shift_left3A_1585 = vector.broadcast %shift_left3A_1584 : i32 to vector<16xi32>
      %shift_left3A_1586 = arith.shli %shift_right_arithmetic3A_1583, %shift_left3A_1585 : vector<16xi32>
      %bitcast3A_1587 = vector.bitcast %shift_left3A_1586 : vector<16xi32> to vector<16xf32>
      %mul3A_1588 = arith.mulf %bitcast3A_1582, %bitcast3A_1587 : vector<16xf32>
      %add3A_1589 = arith.addf %add3A_1569, %mul3A_1588 : vector<16xf32>
      %add3A_1590 = arith.constant 26 : i32
      %add3A_1591 = vector.broadcast %add3A_1590 : i32 to vector<16xi32>
      %add3A_1592 = arith.addi %and3A_1046, %add3A_1591 : vector<16xi32>
      %gather3A_1593 = tpu.vector_load_idx %arg14[%add3A_1023, %add3A_1592] : memref<256x128xi32, #tpu.memory_space<vmem>>[vector<16xi32>, vector<16xi32>], vector<16xi32>,
      %add3A_1594 = arith.constant 26 : i32
      %add3A_1595 = vector.broadcast %add3A_1594 : i32 to vector<16xi32>
      %add3A_1596 = arith.addi %and3A_1049, %add3A_1595 : vector<16xi32>
      %gather3A_1597 = tpu.vector_load_idx %arg15[%add3A_1023, %add3A_1596] : memref<256x128xi32, #tpu.memory_space<vmem>>[vector<16xi32>, vector<16xi32>], vector<16xi32>,
      %shift_right_arithmetic3A_1598 = arith.shrsi %gather3A_1593, %shift_left3A_1055 : vector<16xi32>
      %shift_left3A_1599 = arith.constant 16 : i32
      %shift_left3A_1600 = vector.broadcast %shift_left3A_1599 : i32 to vector<16xi32>
      %shift_left3A_1601 = arith.shli %shift_right_arithmetic3A_1598, %shift_left3A_1600 : vector<16xi32>
      %bitcast3A_1602 = vector.bitcast %shift_left3A_1601 : vector<16xi32> to vector<16xf32>
      %shift_right_arithmetic3A_1603 = arith.shrsi %gather3A_1597, %shift_left3A_1061 : vector<16xi32>
      %shift_left3A_1604 = arith.constant 16 : i32
      %shift_left3A_1605 = vector.broadcast %shift_left3A_1604 : i32 to vector<16xi32>
      %shift_left3A_1606 = arith.shli %shift_right_arithmetic3A_1603, %shift_left3A_1605 : vector<16xi32>
      %bitcast3A_1607 = vector.bitcast %shift_left3A_1606 : vector<16xi32> to vector<16xf32>
      %mul3A_1608 = arith.mulf %bitcast3A_1602, %bitcast3A_1607 : vector<16xf32>
      %add3A_1609 = arith.addf %add3A_1589, %mul3A_1608 : vector<16xf32>
      %add3A_1610 = arith.constant 27 : i32
      %add3A_1611 = vector.broadcast %add3A_1610 : i32 to vector<16xi32>
      %add3A_1612 = arith.addi %and3A_1046, %add3A_1611 : vector<16xi32>
      %gather3A_1613 = tpu.vector_load_idx %arg14[%add3A_1023, %add3A_1612] : memref<256x128xi32, #tpu.memory_space<vmem>>[vector<16xi32>, vector<16xi32>], vector<16xi32>,
      %add3A_1614 = arith.constant 27 : i32
      %add3A_1615 = vector.broadcast %add3A_1614 : i32 to vector<16xi32>
      %add3A_1616 = arith.addi %and3A_1049, %add3A_1615 : vector<16xi32>
      %gather3A_1617 = tpu.vector_load_idx %arg15[%add3A_1023, %add3A_1616] : memref<256x128xi32, #tpu.memory_space<vmem>>[vector<16xi32>, vector<16xi32>], vector<16xi32>,
      %shift_right_arithmetic3A_1618 = arith.shrsi %gather3A_1613, %shift_left3A_1055 : vector<16xi32>
      %shift_left3A_1619 = arith.constant 16 : i32
      %shift_left3A_1620 = vector.broadcast %shift_left3A_1619 : i32 to vector<16xi32>
      %shift_left3A_1621 = arith.shli %shift_right_arithmetic3A_1618, %shift_left3A_1620 : vector<16xi32>
      %bitcast3A_1622 = vector.bitcast %shift_left3A_1621 : vector<16xi32> to vector<16xf32>
      %shift_right_arithmetic3A_1623 = arith.shrsi %gather3A_1617, %shift_left3A_1061 : vector<16xi32>
      %shift_left3A_1624 = arith.constant 16 : i32
      %shift_left3A_1625 = vector.broadcast %shift_left3A_1624 : i32 to vector<16xi32>
      %shift_left3A_1626 = arith.shli %shift_right_arithmetic3A_1623, %shift_left3A_1625 : vector<16xi32>
      %bitcast3A_1627 = vector.bitcast %shift_left3A_1626 : vector<16xi32> to vector<16xf32>
      %mul3A_1628 = arith.mulf %bitcast3A_1622, %bitcast3A_1627 : vector<16xf32>
      %add3A_1629 = arith.addf %add3A_1609, %mul3A_1628 : vector<16xf32>
      %add3A_1630 = arith.constant 28 : i32
      %add3A_1631 = vector.broadcast %add3A_1630 : i32 to vector<16xi32>
      %add3A_1632 = arith.addi %and3A_1046, %add3A_1631 : vector<16xi32>
      %gather3A_1633 = tpu.vector_load_idx %arg14[%add3A_1023, %add3A_1632] : memref<256x128xi32, #tpu.memory_space<vmem>>[vector<16xi32>, vector<16xi32>], vector<16xi32>,
      %add3A_1634 = arith.constant 28 : i32
      %add3A_1635 = vector.broadcast %add3A_1634 : i32 to vector<16xi32>
      %add3A_1636 = arith.addi %and3A_1049, %add3A_1635 : vector<16xi32>
      %gather3A_1637 = tpu.vector_load_idx %arg15[%add3A_1023, %add3A_1636] : memref<256x128xi32, #tpu.memory_space<vmem>>[vector<16xi32>, vector<16xi32>], vector<16xi32>,
      %shift_right_arithmetic3A_1638 = arith.shrsi %gather3A_1633, %shift_left3A_1055 : vector<16xi32>
      %shift_left3A_1639 = arith.constant 16 : i32
      %shift_left3A_1640 = vector.broadcast %shift_left3A_1639 : i32 to vector<16xi32>
      %shift_left3A_1641 = arith.shli %shift_right_arithmetic3A_1638, %shift_left3A_1640 : vector<16xi32>
      %bitcast3A_1642 = vector.bitcast %shift_left3A_1641 : vector<16xi32> to vector<16xf32>
      %shift_right_arithmetic3A_1643 = arith.shrsi %gather3A_1637, %shift_left3A_1061 : vector<16xi32>
      %shift_left3A_1644 = arith.constant 16 : i32
      %shift_left3A_1645 = vector.broadcast %shift_left3A_1644 : i32 to vector<16xi32>
      %shift_left3A_1646 = arith.shli %shift_right_arithmetic3A_1643, %shift_left3A_1645 : vector<16xi32>
      %bitcast3A_1647 = vector.bitcast %shift_left3A_1646 : vector<16xi32> to vector<16xf32>
      %mul3A_1648 = arith.mulf %bitcast3A_1642, %bitcast3A_1647 : vector<16xf32>
      %add3A_1649 = arith.addf %add3A_1629, %mul3A_1648 : vector<16xf32>
      %add3A_1650 = arith.constant 29 : i32
      %add3A_1651 = vector.broadcast %add3A_1650 : i32 to vector<16xi32>
      %add3A_1652 = arith.addi %and3A_1046, %add3A_1651 : vector<16xi32>
      %gather3A_1653 = tpu.vector_load_idx %arg14[%add3A_1023, %add3A_1652] : memref<256x128xi32, #tpu.memory_space<vmem>>[vector<16xi32>, vector<16xi32>], vector<16xi32>,
      %add3A_1654 = arith.constant 29 : i32
      %add3A_1655 = vector.broadcast %add3A_1654 : i32 to vector<16xi32>
      %add3A_1656 = arith.addi %and3A_1049, %add3A_1655 : vector<16xi32>
      %gather3A_1657 = tpu.vector_load_idx %arg15[%add3A_1023, %add3A_1656] : memref<256x128xi32, #tpu.memory_space<vmem>>[vector<16xi32>, vector<16xi32>], vector<16xi32>,
      %shift_right_arithmetic3A_1658 = arith.shrsi %gather3A_1653, %shift_left3A_1055 : vector<16xi32>
      %shift_left3A_1659 = arith.constant 16 : i32
      %shift_left3A_1660 = vector.broadcast %shift_left3A_1659 : i32 to vector<16xi32>
      %shift_left3A_1661 = arith.shli %shift_right_arithmetic3A_1658, %shift_left3A_1660 : vector<16xi32>
      %bitcast3A_1662 = vector.bitcast %shift_left3A_1661 : vector<16xi32> to vector<16xf32>
      %shift_right_arithmetic3A_1663 = arith.shrsi %gather3A_1657, %shift_left3A_1061 : vector<16xi32>
      %shift_left3A_1664 = arith.constant 16 : i32
      %shift_left3A_1665 = vector.broadcast %shift_left3A_1664 : i32 to vector<16xi32>
      %shift_left3A_1666 = arith.shli %shift_right_arithmetic3A_1663, %shift_left3A_1665 : vector<16xi32>
      %bitcast3A_1667 = vector.bitcast %shift_left3A_1666 : vector<16xi32> to vector<16xf32>
      %mul3A_1668 = arith.mulf %bitcast3A_1662, %bitcast3A_1667 : vector<16xf32>
      %add3A_1669 = arith.addf %add3A_1649, %mul3A_1668 : vector<16xf32>
      %add3A_1670 = arith.constant 30 : i32
      %add3A_1671 = vector.broadcast %add3A_1670 : i32 to vector<16xi32>
      %add3A_1672 = arith.addi %and3A_1046, %add3A_1671 : vector<16xi32>
      %gather3A_1673 = tpu.vector_load_idx %arg14[%add3A_1023, %add3A_1672] : memref<256x128xi32, #tpu.memory_space<vmem>>[vector<16xi32>, vector<16xi32>], vector<16xi32>,
      %add3A_1674 = arith.constant 30 : i32
      %add3A_1675 = vector.broadcast %add3A_1674 : i32 to vector<16xi32>
      %add3A_1676 = arith.addi %and3A_1049, %add3A_1675 : vector<16xi32>
      %gather3A_1677 = tpu.vector_load_idx %arg15[%add3A_1023, %add3A_1676] : memref<256x128xi32, #tpu.memory_space<vmem>>[vector<16xi32>, vector<16xi32>], vector<16xi32>,
      %shift_right_arithmetic3A_1678 = arith.shrsi %gather3A_1673, %shift_left3A_1055 : vector<16xi32>
      %shift_left3A_1679 = arith.constant 16 : i32
      %shift_left3A_1680 = vector.broadcast %shift_left3A_1679 : i32 to vector<16xi32>
      %shift_left3A_1681 = arith.shli %shift_right_arithmetic3A_1678, %shift_left3A_1680 : vector<16xi32>
      %bitcast3A_1682 = vector.bitcast %shift_left3A_1681 : vector<16xi32> to vector<16xf32>
      %shift_right_arithmetic3A_1683 = arith.shrsi %gather3A_1677, %shift_left3A_1061 : vector<16xi32>
      %shift_left3A_1684 = arith.constant 16 : i32
      %shift_left3A_1685 = vector.broadcast %shift_left3A_1684 : i32 to vector<16xi32>
      %shift_left3A_1686 = arith.shli %shift_right_arithmetic3A_1683, %shift_left3A_1685 : vector<16xi32>
      %bitcast3A_1687 = vector.bitcast %shift_left3A_1686 : vector<16xi32> to vector<16xf32>
      %mul3A_1688 = arith.mulf %bitcast3A_1682, %bitcast3A_1687 : vector<16xf32>
      %add3A_1689 = arith.addf %add3A_1669, %mul3A_1688 : vector<16xf32>
      %add3A_1690 = arith.constant 31 : i32
      %add3A_1691 = vector.broadcast %add3A_1690 : i32 to vector<16xi32>
      %add3A_1692 = arith.addi %and3A_1046, %add3A_1691 : vector<16xi32>
      %gather3A_1693 = tpu.vector_load_idx %arg14[%add3A_1023, %add3A_1692] : memref<256x128xi32, #tpu.memory_space<vmem>>[vector<16xi32>, vector<16xi32>], vector<16xi32>,
      %add3A_1694 = arith.constant 31 : i32
      %add3A_1695 = vector.broadcast %add3A_1694 : i32 to vector<16xi32>
      %add3A_1696 = arith.addi %and3A_1049, %add3A_1695 : vector<16xi32>
      %gather3A_1697 = tpu.vector_load_idx %arg15[%add3A_1023, %add3A_1696] : memref<256x128xi32, #tpu.memory_space<vmem>>[vector<16xi32>, vector<16xi32>], vector<16xi32>,
      %shift_right_arithmetic3A_1698 = arith.shrsi %gather3A_1693, %shift_left3A_1055 : vector<16xi32>
      %shift_left3A_1699 = arith.constant 16 : i32
      %shift_left3A_1700 = vector.broadcast %shift_left3A_1699 : i32 to vector<16xi32>
      %shift_left3A_1701 = arith.shli %shift_right_arithmetic3A_1698, %shift_left3A_1700 : vector<16xi32>
      %bitcast3A_1702 = vector.bitcast %shift_left3A_1701 : vector<16xi32> to vector<16xf32>
      %shift_right_arithmetic3A_1703 = arith.shrsi %gather3A_1697, %shift_left3A_1061 : vector<16xi32>
      %shift_left3A_1704 = arith.constant 16 : i32
      %shift_left3A_1705 = vector.broadcast %shift_left3A_1704 : i32 to vector<16xi32>
      %shift_left3A_1706 = arith.shli %shift_right_arithmetic3A_1703, %shift_left3A_1705 : vector<16xi32>
      %bitcast3A_1707 = vector.bitcast %shift_left3A_1706 : vector<16xi32> to vector<16xf32>
      %mul3A_1708 = arith.mulf %bitcast3A_1702, %bitcast3A_1707 : vector<16xf32>
      %add3A_1709 = arith.addf %add3A_1689, %mul3A_1708 : vector<16xf32>
      %swap3A_1710 = arith.index_cast %add3A_1065 : i32 to index
      %swap3A_1711 = tpu.vector_load %arg18[%swap3A_1710] {strides = array<i32>} : memref<512xf32, #tpu.memory_space<vmem>>, vector<16xf32>,
      tpu.vector_store %arg18[%swap3A_1710], %add3A_1709 {strides = array<i32>} : memref<512xf32, #tpu.memory_space<vmem>>, vector<16xf32>,
    }
    %scan3A_972 = arith.constant 8 : i32
    %dma_wait3A_973 = arith.constant 3 : i32
    %dma_wait3A_974 = arith.constant 128 : i32
    %dma_wait3A_975 = arith.constant 0 : i32
    %dma_wait3A_976 = tpu.memref_slice %arg14[%dma_wait3A_974, %dma_wait3A_975] : memref<256x128xi32, #tpu.memory_space<vmem>> -> memref<128x128xi32, #tpu.memory_space<vmem>>
    %dma_wait3A_977 = arith.constant 0 : i32
    %dma_wait3A_978 = tpu.memref_slice %arg12[%dma_wait3A_973, %dma_wait3A_977] : memref<4x128xi32, #tpu.memory_space<vmem>> -> memref<1x128xi32, #tpu.memory_space<vmem>>
    %dma_wait3A_979 = tpu.memref_squeeze %dma_wait3A_978 : memref<1x128xi32, #tpu.memory_space<vmem>> -> memref<128xi32, #tpu.memory_space<vmem>>
    %dma_wait3A_980 = arith.constant 0 : i32
    %dma_wait3A_981 = arith.constant 0 : i32
    %dma_wait3A_982 = tpu.memref_slice %arg7[%dma_wait3A_980, %dma_wait3A_981] : memref<131072x128xi32, #tpu.memory_space<hbm>> -> memref<131072x128xi32, #tpu.memory_space<hbm>>
    tpu.wait_indirect_dma semaphore(%arg21 : memref<!tpu.dma_semaphore, #tpu.memory_space<semaphore_mem>>) src(%dma_wait3A_982 : memref<131072x128xi32, #tpu.memory_space<hbm>>) dst(%dma_wait3A_976 : memref<128x128xi32, #tpu.memory_space<vmem>>)
    %dma_wait3A_983 = arith.constant 3 : i32
    %dma_wait3A_984 = arith.constant 128 : i32
    %dma_wait3A_985 = arith.constant 0 : i32
    %dma_wait3A_986 = tpu.memref_slice %arg15[%dma_wait3A_984, %dma_wait3A_985] : memref<256x128xi32, #tpu.memory_space<vmem>> -> memref<128x128xi32, #tpu.memory_space<vmem>>
    %dma_wait3A_987 = arith.constant 0 : i32
    %dma_wait3A_988 = tpu.memref_slice %arg13[%dma_wait3A_983, %dma_wait3A_987] : memref<4x128xi32, #tpu.memory_space<vmem>> -> memref<1x128xi32, #tpu.memory_space<vmem>>
    %dma_wait3A_989 = tpu.memref_squeeze %dma_wait3A_988 : memref<1x128xi32, #tpu.memory_space<vmem>> -> memref<128xi32, #tpu.memory_space<vmem>>
    %dma_wait3A_990 = arith.constant 0 : i32
    %dma_wait3A_991 = arith.constant 0 : i32
    %dma_wait3A_992 = tpu.memref_slice %arg8[%dma_wait3A_990, %dma_wait3A_991] : memref<16384x128xi32, #tpu.memory_space<hbm>> -> memref<16384x128xi32, #tpu.memory_space<hbm>>
    tpu.wait_indirect_dma semaphore(%arg21 : memref<!tpu.dma_semaphore, #tpu.memory_space<semaphore_mem>>) src(%dma_wait3A_992 : memref<16384x128xi32, #tpu.memory_space<hbm>>) dst(%dma_wait3A_986 : memref<128x128xi32, #tpu.memory_space<vmem>>)
    %dma_wait3A_993 = arith.constant 3 : i32
    %dma_wait3A_994 = arith.constant 384 : i32
    %dma_wait3A_995 = tpu.memref_slice %arg16[%dma_wait3A_994] : memref<512xf32, #tpu.memory_space<vmem>> -> memref<128xf32, #tpu.memory_space<vmem>>
    %dma_wait3A_996 = arith.constant 0 : i32
    %dma_wait3A_997 = tpu.memref_slice %arg10[%dma_wait3A_993, %dma_wait3A_996] : memref<4x128xi32, #tpu.memory_space<vmem>> -> memref<1x128xi32, #tpu.memory_space<vmem>>
    %dma_wait3A_998 = tpu.memref_squeeze %dma_wait3A_997 : memref<1x128xi32, #tpu.memory_space<vmem>> -> memref<128xi32, #tpu.memory_space<vmem>>
    %dma_wait3A_999 = arith.constant 0 : i32
    %dma_wait3A_1000 = tpu.memref_slice %arg5[%dma_wait3A_999] : memref<1000000xf32, #tpu.memory_space<hbm>> -> memref<1000000xf32, #tpu.memory_space<hbm>>
    tpu.wait_indirect_dma semaphore(%arg21 : memref<!tpu.dma_semaphore, #tpu.memory_space<semaphore_mem>>) src(%dma_wait3A_1000 : memref<1000000xf32, #tpu.memory_space<hbm>>) dst(%dma_wait3A_995 : memref<128xf32, #tpu.memory_space<vmem>>)
    %dma_wait3A_1001 = arith.constant 3 : i32
    %dma_wait3A_1002 = arith.constant 384 : i32
    %dma_wait3A_1003 = tpu.memref_slice %arg17[%dma_wait3A_1002] : memref<512xf32, #tpu.memory_space<vmem>> -> memref<128xf32, #tpu.memory_space<vmem>>
    %dma_wait3A_1004 = arith.constant 0 : i32
    %dma_wait3A_1005 = tpu.memref_slice %arg11[%dma_wait3A_1001, %dma_wait3A_1004] : memref<4x128xi32, #tpu.memory_space<vmem>> -> memref<1x128xi32, #tpu.memory_space<vmem>>
    %dma_wait3A_1006 = tpu.memref_squeeze %dma_wait3A_1005 : memref<1x128xi32, #tpu.memory_space<vmem>> -> memref<128xi32, #tpu.memory_space<vmem>>
    %dma_wait3A_1007 = arith.constant 0 : i32
    %dma_wait3A_1008 = tpu.memref_slice %arg6[%dma_wait3A_1007] : memref<100000xf32, #tpu.memory_space<hbm>> -> memref<100000xf32, #tpu.memory_space<hbm>>
    tpu.wait_indirect_dma semaphore(%arg21 : memref<!tpu.dma_semaphore, #tpu.memory_space<semaphore_mem>>) src(%dma_wait3A_1008 : memref<100000xf32, #tpu.memory_space<hbm>>) dst(%dma_wait3A_1003 : memref<128xf32, #tpu.memory_space<vmem>>)
    %scan3A_1009 = arith.constant 0 : i32
    %scan3A_1010 = arith.constant 0 : i32
    %scan3A_1011 = arith.constant 8 : i32
    %scan3A_1012 = arith.addi %scan3A_1010, %scan3A_1011 : i32
    %scan3A_1013 = arith.constant 1 : i32
    scf.for %scan3A_1017 = %scan3A_1010 to %scan3A_1012 step %scan3A_1013  : i32 {
      %mul3A_1018 = arith.constant 16 : i32
      %mul3A_1019 = arith.muli %scan3A_1017, %mul3A_1018 : i32
      %add3A_1020 = arith.constant 128 : i32
      %add3A_1021 = arith.addi %add3A_1020, %mul3A_1019 : i32
      %iota3A = tpu.iota {dimensions = array<i32: 0>} : vector<16xi32>
      %add3A_1022 = vector.broadcast %add3A_1021 : i32 to vector<16xi32>
      %add3A_1023 = arith.addi %add3A_1022, %iota3A : vector<16xi32>
      %mul3A_1024 = arith.constant 16 : i32
      %mul3A_1025 = arith.muli %scan3A_1017, %mul3A_1024 : i32
      %get3A_1026 = arith.constant 3 : i32
      %get3A_1027 = arith.index_cast %get3A_1026 : i32 to index
      %get3A_1028 = arith.index_cast %mul3A_1025 : i32 to index
      %get3A_1029 = tpu.vector_load %arg10[%get3A_1027, %get3A_1028] {strides = array<i32>} : memref<4x128xi32, #tpu.memory_space<vmem>>, vector<16xi32>,
      %shift_right_arithmetic3A = arith.constant 17 : i32
      %shift_right_arithmetic3A_1030 = vector.broadcast %shift_right_arithmetic3A : i32 to vector<16xi32>
      %shift_right_arithmetic3A_1031 = arith.shrsi %get3A_1029, %shift_right_arithmetic3A_1030 : vector<16xi32>
      %shift_left3A = arith.constant 5 : i32
      %shift_left3A_1032 = vector.broadcast %shift_left3A : i32 to vector<16xi32>
      %shift_left3A_1033 = arith.shli %shift_right_arithmetic3A_1031, %shift_left3A_1032 : vector<16xi32>
      %get3A_1034 = arith.constant 3 : i32
      %get3A_1035 = arith.index_cast %get3A_1034 : i32 to index
      %get3A_1036 = arith.index_cast %mul3A_1025 : i32 to index
      %get3A_1037 = tpu.vector_load %arg11[%get3A_1035, %get3A_1036] {strides = array<i32>} : memref<4x128xi32, #tpu.memory_space<vmem>>, vector<16xi32>,
      %shift_right_arithmetic3A_1038 = arith.constant 14 : i32
      %shift_right_arithmetic3A_1039 = vector.broadcast %shift_right_arithmetic3A_1038 : i32 to vector<16xi32>
      %shift_right_arithmetic3A_1040 = arith.shrsi %get3A_1037, %shift_right_arithmetic3A_1039 : vector<16xi32>
      %shift_left3A_1041 = arith.constant 5 : i32
      %shift_left3A_1042 = vector.broadcast %shift_left3A_1041 : i32 to vector<16xi32>
      %shift_left3A_1043 = arith.shli %shift_right_arithmetic3A_1040, %shift_left3A_1042 : vector<16xi32>
      %and3A_1044 = arith.constant 127 : i32
      %and3A_1045 = vector.broadcast %and3A_1044 : i32 to vector<16xi32>
      %and3A_1046 = arith.andi %shift_left3A_1033, %and3A_1045 : vector<16xi32>
      %and3A_1047 = arith.constant 127 : i32
      %and3A_1048 = vector.broadcast %and3A_1047 : i32 to vector<16xi32>
      %and3A_1049 = arith.andi %shift_left3A_1043, %and3A_1048 : vector<16xi32>
      %shift_right_arithmetic3A_1050 = arith.constant 7 : i32
      %shift_right_arithmetic3A_1051 = vector.broadcast %shift_right_arithmetic3A_1050 : i32 to vector<16xi32>
      %shift_right_arithmetic3A_1052 = arith.shrsi %shift_left3A_1033, %shift_right_arithmetic3A_1051 : vector<16xi32>
      %shift_left3A_1053 = arith.constant 4 : i32
      %shift_left3A_1054 = vector.broadcast %shift_left3A_1053 : i32 to vector<16xi32>
      %shift_left3A_1055 = arith.shli %shift_right_arithmetic3A_1052, %shift_left3A_1054 : vector<16xi32>
      %shift_right_arithmetic3A_1056 = arith.constant 7 : i32
      %shift_right_arithmetic3A_1057 = vector.broadcast %shift_right_arithmetic3A_1056 : i32 to vector<16xi32>
      %shift_right_arithmetic3A_1058 = arith.shrsi %shift_left3A_1043, %shift_right_arithmetic3A_1057 : vector<16xi32>
      %shift_left3A_1059 = arith.constant 4 : i32
      %shift_left3A_1060 = vector.broadcast %shift_left3A_1059 : i32 to vector<16xi32>
      %shift_left3A_1061 = arith.shli %shift_right_arithmetic3A_1058, %shift_left3A_1060 : vector<16xi32>
      %mul3A_1062 = arith.constant 16 : i32
      %mul3A_1063 = arith.muli %scan3A_1017, %mul3A_1062 : i32
      %add3A_1064 = arith.constant 384 : i32
      %add3A_1065 = arith.addi %add3A_1064, %mul3A_1063 : i32
      %get3A_1066 = arith.index_cast %add3A_1065 : i32 to index
      %get3A_1067 = tpu.vector_load %arg16[%get3A_1066] {strides = array<i32>} : memref<512xf32, #tpu.memory_space<vmem>>, vector<16xf32>,
      %get3A_1068 = arith.index_cast %add3A_1065 : i32 to index
      %get3A_1069 = tpu.vector_load %arg17[%get3A_1068] {strides = array<i32>} : memref<512xf32, #tpu.memory_space<vmem>>, vector<16xf32>,
      %add3A_1070 = arith.addf %get3A_1067, %get3A_1069 : vector<16xf32>
      %add3A_1071 = arith.addf %add3A_1070, %get3A_705 : vector<16xf32>
      %add3A_1072 = arith.constant 0 : i32
      %add3A_1073 = vector.broadcast %add3A_1072 : i32 to vector<16xi32>
      %add3A_1074 = arith.addi %and3A_1046, %add3A_1073 : vector<16xi32>
      %gather3A = tpu.vector_load_idx %arg14[%add3A_1023, %add3A_1074] : memref<256x128xi32, #tpu.memory_space<vmem>>[vector<16xi32>, vector<16xi32>], vector<16xi32>,
      %add3A_1075 = arith.constant 0 : i32
      %add3A_1076 = vector.broadcast %add3A_1075 : i32 to vector<16xi32>
      %add3A_1077 = arith.addi %and3A_1049, %add3A_1076 : vector<16xi32>
      %gather3A_1078 = tpu.vector_load_idx %arg15[%add3A_1023, %add3A_1077] : memref<256x128xi32, #tpu.memory_space<vmem>>[vector<16xi32>, vector<16xi32>], vector<16xi32>,
      %shift_right_arithmetic3A_1079 = arith.shrsi %gather3A, %shift_left3A_1055 : vector<16xi32>
      %shift_left3A_1080 = arith.constant 16 : i32
      %shift_left3A_1081 = vector.broadcast %shift_left3A_1080 : i32 to vector<16xi32>
      %shift_left3A_1082 = arith.shli %shift_right_arithmetic3A_1079, %shift_left3A_1081 : vector<16xi32>
      %bitcast3A = vector.bitcast %shift_left3A_1082 : vector<16xi32> to vector<16xf32>
      %shift_right_arithmetic3A_1083 = arith.shrsi %gather3A_1078, %shift_left3A_1061 : vector<16xi32>
      %shift_left3A_1084 = arith.constant 16 : i32
      %shift_left3A_1085 = vector.broadcast %shift_left3A_1084 : i32 to vector<16xi32>
      %shift_left3A_1086 = arith.shli %shift_right_arithmetic3A_1083, %shift_left3A_1085 : vector<16xi32>
      %bitcast3A_1087 = vector.bitcast %shift_left3A_1086 : vector<16xi32> to vector<16xf32>
      %mul3A_1088 = arith.mulf %bitcast3A, %bitcast3A_1087 : vector<16xf32>
      %add3A_1089 = arith.addf %add3A_1071, %mul3A_1088 : vector<16xf32>
      %add3A_1090 = arith.constant 1 : i32
      %add3A_1091 = vector.broadcast %add3A_1090 : i32 to vector<16xi32>
      %add3A_1092 = arith.addi %and3A_1046, %add3A_1091 : vector<16xi32>
      %gather3A_1093 = tpu.vector_load_idx %arg14[%add3A_1023, %add3A_1092] : memref<256x128xi32, #tpu.memory_space<vmem>>[vector<16xi32>, vector<16xi32>], vector<16xi32>,
      %add3A_1094 = arith.constant 1 : i32
      %add3A_1095 = vector.broadcast %add3A_1094 : i32 to vector<16xi32>
      %add3A_1096 = arith.addi %and3A_1049, %add3A_1095 : vector<16xi32>
      %gather3A_1097 = tpu.vector_load_idx %arg15[%add3A_1023, %add3A_1096] : memref<256x128xi32, #tpu.memory_space<vmem>>[vector<16xi32>, vector<16xi32>], vector<16xi32>,
      %shift_right_arithmetic3A_1098 = arith.shrsi %gather3A_1093, %shift_left3A_1055 : vector<16xi32>
      %shift_left3A_1099 = arith.constant 16 : i32
      %shift_left3A_1100 = vector.broadcast %shift_left3A_1099 : i32 to vector<16xi32>
      %shift_left3A_1101 = arith.shli %shift_right_arithmetic3A_1098, %shift_left3A_1100 : vector<16xi32>
      %bitcast3A_1102 = vector.bitcast %shift_left3A_1101 : vector<16xi32> to vector<16xf32>
      %shift_right_arithmetic3A_1103 = arith.shrsi %gather3A_1097, %shift_left3A_1061 : vector<16xi32>
      %shift_left3A_1104 = arith.constant 16 : i32
      %shift_left3A_1105 = vector.broadcast %shift_left3A_1104 : i32 to vector<16xi32>
      %shift_left3A_1106 = arith.shli %shift_right_arithmetic3A_1103, %shift_left3A_1105 : vector<16xi32>
      %bitcast3A_1107 = vector.bitcast %shift_left3A_1106 : vector<16xi32> to vector<16xf32>
      %mul3A_1108 = arith.mulf %bitcast3A_1102, %bitcast3A_1107 : vector<16xf32>
      %add3A_1109 = arith.addf %add3A_1089, %mul3A_1108 : vector<16xf32>
      %add3A_1110 = arith.constant 2 : i32
      %add3A_1111 = vector.broadcast %add3A_1110 : i32 to vector<16xi32>
      %add3A_1112 = arith.addi %and3A_1046, %add3A_1111 : vector<16xi32>
      %gather3A_1113 = tpu.vector_load_idx %arg14[%add3A_1023, %add3A_1112] : memref<256x128xi32, #tpu.memory_space<vmem>>[vector<16xi32>, vector<16xi32>], vector<16xi32>,
      %add3A_1114 = arith.constant 2 : i32
      %add3A_1115 = vector.broadcast %add3A_1114 : i32 to vector<16xi32>
      %add3A_1116 = arith.addi %and3A_1049, %add3A_1115 : vector<16xi32>
      %gather3A_1117 = tpu.vector_load_idx %arg15[%add3A_1023, %add3A_1116] : memref<256x128xi32, #tpu.memory_space<vmem>>[vector<16xi32>, vector<16xi32>], vector<16xi32>,
      %shift_right_arithmetic3A_1118 = arith.shrsi %gather3A_1113, %shift_left3A_1055 : vector<16xi32>
      %shift_left3A_1119 = arith.constant 16 : i32
      %shift_left3A_1120 = vector.broadcast %shift_left3A_1119 : i32 to vector<16xi32>
      %shift_left3A_1121 = arith.shli %shift_right_arithmetic3A_1118, %shift_left3A_1120 : vector<16xi32>
      %bitcast3A_1122 = vector.bitcast %shift_left3A_1121 : vector<16xi32> to vector<16xf32>
      %shift_right_arithmetic3A_1123 = arith.shrsi %gather3A_1117, %shift_left3A_1061 : vector<16xi32>
      %shift_left3A_1124 = arith.constant 16 : i32
      %shift_left3A_1125 = vector.broadcast %shift_left3A_1124 : i32 to vector<16xi32>
      %shift_left3A_1126 = arith.shli %shift_right_arithmetic3A_1123, %shift_left3A_1125 : vector<16xi32>
      %bitcast3A_1127 = vector.bitcast %shift_left3A_1126 : vector<16xi32> to vector<16xf32>
      %mul3A_1128 = arith.mulf %bitcast3A_1122, %bitcast3A_1127 : vector<16xf32>
      %add3A_1129 = arith.addf %add3A_1109, %mul3A_1128 : vector<16xf32>
      %add3A_1130 = arith.constant 3 : i32
      %add3A_1131 = vector.broadcast %add3A_1130 : i32 to vector<16xi32>
      %add3A_1132 = arith.addi %and3A_1046, %add3A_1131 : vector<16xi32>
      %gather3A_1133 = tpu.vector_load_idx %arg14[%add3A_1023, %add3A_1132] : memref<256x128xi32, #tpu.memory_space<vmem>>[vector<16xi32>, vector<16xi32>], vector<16xi32>,
      %add3A_1134 = arith.constant 3 : i32
      %add3A_1135 = vector.broadcast %add3A_1134 : i32 to vector<16xi32>
      %add3A_1136 = arith.addi %and3A_1049, %add3A_1135 : vector<16xi32>
      %gather3A_1137 = tpu.vector_load_idx %arg15[%add3A_1023, %add3A_1136] : memref<256x128xi32, #tpu.memory_space<vmem>>[vector<16xi32>, vector<16xi32>], vector<16xi32>,
      %shift_right_arithmetic3A_1138 = arith.shrsi %gather3A_1133, %shift_left3A_1055 : vector<16xi32>
      %shift_left3A_1139 = arith.constant 16 : i32
      %shift_left3A_1140 = vector.broadcast %shift_left3A_1139 : i32 to vector<16xi32>
      %shift_left3A_1141 = arith.shli %shift_right_arithmetic3A_1138, %shift_left3A_1140 : vector<16xi32>
      %bitcast3A_1142 = vector.bitcast %shift_left3A_1141 : vector<16xi32> to vector<16xf32>
      %shift_right_arithmetic3A_1143 = arith.shrsi %gather3A_1137, %shift_left3A_1061 : vector<16xi32>
      %shift_left3A_1144 = arith.constant 16 : i32
      %shift_left3A_1145 = vector.broadcast %shift_left3A_1144 : i32 to vector<16xi32>
      %shift_left3A_1146 = arith.shli %shift_right_arithmetic3A_1143, %shift_left3A_1145 : vector<16xi32>
      %bitcast3A_1147 = vector.bitcast %shift_left3A_1146 : vector<16xi32> to vector<16xf32>
      %mul3A_1148 = arith.mulf %bitcast3A_1142, %bitcast3A_1147 : vector<16xf32>
      %add3A_1149 = arith.addf %add3A_1129, %mul3A_1148 : vector<16xf32>
      %add3A_1150 = arith.constant 4 : i32
      %add3A_1151 = vector.broadcast %add3A_1150 : i32 to vector<16xi32>
      %add3A_1152 = arith.addi %and3A_1046, %add3A_1151 : vector<16xi32>
      %gather3A_1153 = tpu.vector_load_idx %arg14[%add3A_1023, %add3A_1152] : memref<256x128xi32, #tpu.memory_space<vmem>>[vector<16xi32>, vector<16xi32>], vector<16xi32>,
      %add3A_1154 = arith.constant 4 : i32
      %add3A_1155 = vector.broadcast %add3A_1154 : i32 to vector<16xi32>
      %add3A_1156 = arith.addi %and3A_1049, %add3A_1155 : vector<16xi32>
      %gather3A_1157 = tpu.vector_load_idx %arg15[%add3A_1023, %add3A_1156] : memref<256x128xi32, #tpu.memory_space<vmem>>[vector<16xi32>, vector<16xi32>], vector<16xi32>,
      %shift_right_arithmetic3A_1158 = arith.shrsi %gather3A_1153, %shift_left3A_1055 : vector<16xi32>
      %shift_left3A_1159 = arith.constant 16 : i32
      %shift_left3A_1160 = vector.broadcast %shift_left3A_1159 : i32 to vector<16xi32>
      %shift_left3A_1161 = arith.shli %shift_right_arithmetic3A_1158, %shift_left3A_1160 : vector<16xi32>
      %bitcast3A_1162 = vector.bitcast %shift_left3A_1161 : vector<16xi32> to vector<16xf32>
      %shift_right_arithmetic3A_1163 = arith.shrsi %gather3A_1157, %shift_left3A_1061 : vector<16xi32>
      %shift_left3A_1164 = arith.constant 16 : i32
      %shift_left3A_1165 = vector.broadcast %shift_left3A_1164 : i32 to vector<16xi32>
      %shift_left3A_1166 = arith.shli %shift_right_arithmetic3A_1163, %shift_left3A_1165 : vector<16xi32>
      %bitcast3A_1167 = vector.bitcast %shift_left3A_1166 : vector<16xi32> to vector<16xf32>
      %mul3A_1168 = arith.mulf %bitcast3A_1162, %bitcast3A_1167 : vector<16xf32>
      %add3A_1169 = arith.addf %add3A_1149, %mul3A_1168 : vector<16xf32>
      %add3A_1170 = arith.constant 5 : i32
      %add3A_1171 = vector.broadcast %add3A_1170 : i32 to vector<16xi32>
      %add3A_1172 = arith.addi %and3A_1046, %add3A_1171 : vector<16xi32>
      %gather3A_1173 = tpu.vector_load_idx %arg14[%add3A_1023, %add3A_1172] : memref<256x128xi32, #tpu.memory_space<vmem>>[vector<16xi32>, vector<16xi32>], vector<16xi32>,
      %add3A_1174 = arith.constant 5 : i32
      %add3A_1175 = vector.broadcast %add3A_1174 : i32 to vector<16xi32>
      %add3A_1176 = arith.addi %and3A_1049, %add3A_1175 : vector<16xi32>
      %gather3A_1177 = tpu.vector_load_idx %arg15[%add3A_1023, %add3A_1176] : memref<256x128xi32, #tpu.memory_space<vmem>>[vector<16xi32>, vector<16xi32>], vector<16xi32>,
      %shift_right_arithmetic3A_1178 = arith.shrsi %gather3A_1173, %shift_left3A_1055 : vector<16xi32>
      %shift_left3A_1179 = arith.constant 16 : i32
      %shift_left3A_1180 = vector.broadcast %shift_left3A_1179 : i32 to vector<16xi32>
      %shift_left3A_1181 = arith.shli %shift_right_arithmetic3A_1178, %shift_left3A_1180 : vector<16xi32>
      %bitcast3A_1182 = vector.bitcast %shift_left3A_1181 : vector<16xi32> to vector<16xf32>
      %shift_right_arithmetic3A_1183 = arith.shrsi %gather3A_1177, %shift_left3A_1061 : vector<16xi32>
      %shift_left3A_1184 = arith.constant 16 : i32
      %shift_left3A_1185 = vector.broadcast %shift_left3A_1184 : i32 to vector<16xi32>
      %shift_left3A_1186 = arith.shli %shift_right_arithmetic3A_1183, %shift_left3A_1185 : vector<16xi32>
      %bitcast3A_1187 = vector.bitcast %shift_left3A_1186 : vector<16xi32> to vector<16xf32>
      %mul3A_1188 = arith.mulf %bitcast3A_1182, %bitcast3A_1187 : vector<16xf32>
      %add3A_1189 = arith.addf %add3A_1169, %mul3A_1188 : vector<16xf32>
      %add3A_1190 = arith.constant 6 : i32
      %add3A_1191 = vector.broadcast %add3A_1190 : i32 to vector<16xi32>
      %add3A_1192 = arith.addi %and3A_1046, %add3A_1191 : vector<16xi32>
      %gather3A_1193 = tpu.vector_load_idx %arg14[%add3A_1023, %add3A_1192] : memref<256x128xi32, #tpu.memory_space<vmem>>[vector<16xi32>, vector<16xi32>], vector<16xi32>,
      %add3A_1194 = arith.constant 6 : i32
      %add3A_1195 = vector.broadcast %add3A_1194 : i32 to vector<16xi32>
      %add3A_1196 = arith.addi %and3A_1049, %add3A_1195 : vector<16xi32>
      %gather3A_1197 = tpu.vector_load_idx %arg15[%add3A_1023, %add3A_1196] : memref<256x128xi32, #tpu.memory_space<vmem>>[vector<16xi32>, vector<16xi32>], vector<16xi32>,
      %shift_right_arithmetic3A_1198 = arith.shrsi %gather3A_1193, %shift_left3A_1055 : vector<16xi32>
      %shift_left3A_1199 = arith.constant 16 : i32
      %shift_left3A_1200 = vector.broadcast %shift_left3A_1199 : i32 to vector<16xi32>
      %shift_left3A_1201 = arith.shli %shift_right_arithmetic3A_1198, %shift_left3A_1200 : vector<16xi32>
      %bitcast3A_1202 = vector.bitcast %shift_left3A_1201 : vector<16xi32> to vector<16xf32>
      %shift_right_arithmetic3A_1203 = arith.shrsi %gather3A_1197, %shift_left3A_1061 : vector<16xi32>
      %shift_left3A_1204 = arith.constant 16 : i32
      %shift_left3A_1205 = vector.broadcast %shift_left3A_1204 : i32 to vector<16xi32>
      %shift_left3A_1206 = arith.shli %shift_right_arithmetic3A_1203, %shift_left3A_1205 : vector<16xi32>
      %bitcast3A_1207 = vector.bitcast %shift_left3A_1206 : vector<16xi32> to vector<16xf32>
      %mul3A_1208 = arith.mulf %bitcast3A_1202, %bitcast3A_1207 : vector<16xf32>
      %add3A_1209 = arith.addf %add3A_1189, %mul3A_1208 : vector<16xf32>
      %add3A_1210 = arith.constant 7 : i32
      %add3A_1211 = vector.broadcast %add3A_1210 : i32 to vector<16xi32>
      %add3A_1212 = arith.addi %and3A_1046, %add3A_1211 : vector<16xi32>
      %gather3A_1213 = tpu.vector_load_idx %arg14[%add3A_1023, %add3A_1212] : memref<256x128xi32, #tpu.memory_space<vmem>>[vector<16xi32>, vector<16xi32>], vector<16xi32>,
      %add3A_1214 = arith.constant 7 : i32
      %add3A_1215 = vector.broadcast %add3A_1214 : i32 to vector<16xi32>
      %add3A_1216 = arith.addi %and3A_1049, %add3A_1215 : vector<16xi32>
      %gather3A_1217 = tpu.vector_load_idx %arg15[%add3A_1023, %add3A_1216] : memref<256x128xi32, #tpu.memory_space<vmem>>[vector<16xi32>, vector<16xi32>], vector<16xi32>,
      %shift_right_arithmetic3A_1218 = arith.shrsi %gather3A_1213, %shift_left3A_1055 : vector<16xi32>
      %shift_left3A_1219 = arith.constant 16 : i32
      %shift_left3A_1220 = vector.broadcast %shift_left3A_1219 : i32 to vector<16xi32>
      %shift_left3A_1221 = arith.shli %shift_right_arithmetic3A_1218, %shift_left3A_1220 : vector<16xi32>
      %bitcast3A_1222 = vector.bitcast %shift_left3A_1221 : vector<16xi32> to vector<16xf32>
      %shift_right_arithmetic3A_1223 = arith.shrsi %gather3A_1217, %shift_left3A_1061 : vector<16xi32>
      %shift_left3A_1224 = arith.constant 16 : i32
      %shift_left3A_1225 = vector.broadcast %shift_left3A_1224 : i32 to vector<16xi32>
      %shift_left3A_1226 = arith.shli %shift_right_arithmetic3A_1223, %shift_left3A_1225 : vector<16xi32>
      %bitcast3A_1227 = vector.bitcast %shift_left3A_1226 : vector<16xi32> to vector<16xf32>
      %mul3A_1228 = arith.mulf %bitcast3A_1222, %bitcast3A_1227 : vector<16xf32>
      %add3A_1229 = arith.addf %add3A_1209, %mul3A_1228 : vector<16xf32>
      %add3A_1230 = arith.constant 8 : i32
      %add3A_1231 = vector.broadcast %add3A_1230 : i32 to vector<16xi32>
      %add3A_1232 = arith.addi %and3A_1046, %add3A_1231 : vector<16xi32>
      %gather3A_1233 = tpu.vector_load_idx %arg14[%add3A_1023, %add3A_1232] : memref<256x128xi32, #tpu.memory_space<vmem>>[vector<16xi32>, vector<16xi32>], vector<16xi32>,
      %add3A_1234 = arith.constant 8 : i32
      %add3A_1235 = vector.broadcast %add3A_1234 : i32 to vector<16xi32>
      %add3A_1236 = arith.addi %and3A_1049, %add3A_1235 : vector<16xi32>
      %gather3A_1237 = tpu.vector_load_idx %arg15[%add3A_1023, %add3A_1236] : memref<256x128xi32, #tpu.memory_space<vmem>>[vector<16xi32>, vector<16xi32>], vector<16xi32>,
      %shift_right_arithmetic3A_1238 = arith.shrsi %gather3A_1233, %shift_left3A_1055 : vector<16xi32>
      %shift_left3A_1239 = arith.constant 16 : i32
      %shift_left3A_1240 = vector.broadcast %shift_left3A_1239 : i32 to vector<16xi32>
      %shift_left3A_1241 = arith.shli %shift_right_arithmetic3A_1238, %shift_left3A_1240 : vector<16xi32>
      %bitcast3A_1242 = vector.bitcast %shift_left3A_1241 : vector<16xi32> to vector<16xf32>
      %shift_right_arithmetic3A_1243 = arith.shrsi %gather3A_1237, %shift_left3A_1061 : vector<16xi32>
      %shift_left3A_1244 = arith.constant 16 : i32
      %shift_left3A_1245 = vector.broadcast %shift_left3A_1244 : i32 to vector<16xi32>
      %shift_left3A_1246 = arith.shli %shift_right_arithmetic3A_1243, %shift_left3A_1245 : vector<16xi32>
      %bitcast3A_1247 = vector.bitcast %shift_left3A_1246 : vector<16xi32> to vector<16xf32>
      %mul3A_1248 = arith.mulf %bitcast3A_1242, %bitcast3A_1247 : vector<16xf32>
      %add3A_1249 = arith.addf %add3A_1229, %mul3A_1248 : vector<16xf32>
      %add3A_1250 = arith.constant 9 : i32
      %add3A_1251 = vector.broadcast %add3A_1250 : i32 to vector<16xi32>
      %add3A_1252 = arith.addi %and3A_1046, %add3A_1251 : vector<16xi32>
      %gather3A_1253 = tpu.vector_load_idx %arg14[%add3A_1023, %add3A_1252] : memref<256x128xi32, #tpu.memory_space<vmem>>[vector<16xi32>, vector<16xi32>], vector<16xi32>,
      %add3A_1254 = arith.constant 9 : i32
      %add3A_1255 = vector.broadcast %add3A_1254 : i32 to vector<16xi32>
      %add3A_1256 = arith.addi %and3A_1049, %add3A_1255 : vector<16xi32>
      %gather3A_1257 = tpu.vector_load_idx %arg15[%add3A_1023, %add3A_1256] : memref<256x128xi32, #tpu.memory_space<vmem>>[vector<16xi32>, vector<16xi32>], vector<16xi32>,
      %shift_right_arithmetic3A_1258 = arith.shrsi %gather3A_1253, %shift_left3A_1055 : vector<16xi32>
      %shift_left3A_1259 = arith.constant 16 : i32
      %shift_left3A_1260 = vector.broadcast %shift_left3A_1259 : i32 to vector<16xi32>
      %shift_left3A_1261 = arith.shli %shift_right_arithmetic3A_1258, %shift_left3A_1260 : vector<16xi32>
      %bitcast3A_1262 = vector.bitcast %shift_left3A_1261 : vector<16xi32> to vector<16xf32>
      %shift_right_arithmetic3A_1263 = arith.shrsi %gather3A_1257, %shift_left3A_1061 : vector<16xi32>
      %shift_left3A_1264 = arith.constant 16 : i32
      %shift_left3A_1265 = vector.broadcast %shift_left3A_1264 : i32 to vector<16xi32>
      %shift_left3A_1266 = arith.shli %shift_right_arithmetic3A_1263, %shift_left3A_1265 : vector<16xi32>
      %bitcast3A_1267 = vector.bitcast %shift_left3A_1266 : vector<16xi32> to vector<16xf32>
      %mul3A_1268 = arith.mulf %bitcast3A_1262, %bitcast3A_1267 : vector<16xf32>
      %add3A_1269 = arith.addf %add3A_1249, %mul3A_1268 : vector<16xf32>
      %add3A_1270 = arith.constant 10 : i32
      %add3A_1271 = vector.broadcast %add3A_1270 : i32 to vector<16xi32>
      %add3A_1272 = arith.addi %and3A_1046, %add3A_1271 : vector<16xi32>
      %gather3A_1273 = tpu.vector_load_idx %arg14[%add3A_1023, %add3A_1272] : memref<256x128xi32, #tpu.memory_space<vmem>>[vector<16xi32>, vector<16xi32>], vector<16xi32>,
      %add3A_1274 = arith.constant 10 : i32
      %add3A_1275 = vector.broadcast %add3A_1274 : i32 to vector<16xi32>
      %add3A_1276 = arith.addi %and3A_1049, %add3A_1275 : vector<16xi32>
      %gather3A_1277 = tpu.vector_load_idx %arg15[%add3A_1023, %add3A_1276] : memref<256x128xi32, #tpu.memory_space<vmem>>[vector<16xi32>, vector<16xi32>], vector<16xi32>,
      %shift_right_arithmetic3A_1278 = arith.shrsi %gather3A_1273, %shift_left3A_1055 : vector<16xi32>
      %shift_left3A_1279 = arith.constant 16 : i32
      %shift_left3A_1280 = vector.broadcast %shift_left3A_1279 : i32 to vector<16xi32>
      %shift_left3A_1281 = arith.shli %shift_right_arithmetic3A_1278, %shift_left3A_1280 : vector<16xi32>
      %bitcast3A_1282 = vector.bitcast %shift_left3A_1281 : vector<16xi32> to vector<16xf32>
      %shift_right_arithmetic3A_1283 = arith.shrsi %gather3A_1277, %shift_left3A_1061 : vector<16xi32>
      %shift_left3A_1284 = arith.constant 16 : i32
      %shift_left3A_1285 = vector.broadcast %shift_left3A_1284 : i32 to vector<16xi32>
      %shift_left3A_1286 = arith.shli %shift_right_arithmetic3A_1283, %shift_left3A_1285 : vector<16xi32>
      %bitcast3A_1287 = vector.bitcast %shift_left3A_1286 : vector<16xi32> to vector<16xf32>
      %mul3A_1288 = arith.mulf %bitcast3A_1282, %bitcast3A_1287 : vector<16xf32>
      %add3A_1289 = arith.addf %add3A_1269, %mul3A_1288 : vector<16xf32>
      %add3A_1290 = arith.constant 11 : i32
      %add3A_1291 = vector.broadcast %add3A_1290 : i32 to vector<16xi32>
      %add3A_1292 = arith.addi %and3A_1046, %add3A_1291 : vector<16xi32>
      %gather3A_1293 = tpu.vector_load_idx %arg14[%add3A_1023, %add3A_1292] : memref<256x128xi32, #tpu.memory_space<vmem>>[vector<16xi32>, vector<16xi32>], vector<16xi32>,
      %add3A_1294 = arith.constant 11 : i32
      %add3A_1295 = vector.broadcast %add3A_1294 : i32 to vector<16xi32>
      %add3A_1296 = arith.addi %and3A_1049, %add3A_1295 : vector<16xi32>
      %gather3A_1297 = tpu.vector_load_idx %arg15[%add3A_1023, %add3A_1296] : memref<256x128xi32, #tpu.memory_space<vmem>>[vector<16xi32>, vector<16xi32>], vector<16xi32>,
      %shift_right_arithmetic3A_1298 = arith.shrsi %gather3A_1293, %shift_left3A_1055 : vector<16xi32>
      %shift_left3A_1299 = arith.constant 16 : i32
      %shift_left3A_1300 = vector.broadcast %shift_left3A_1299 : i32 to vector<16xi32>
      %shift_left3A_1301 = arith.shli %shift_right_arithmetic3A_1298, %shift_left3A_1300 : vector<16xi32>
      %bitcast3A_1302 = vector.bitcast %shift_left3A_1301 : vector<16xi32> to vector<16xf32>
      %shift_right_arithmetic3A_1303 = arith.shrsi %gather3A_1297, %shift_left3A_1061 : vector<16xi32>
      %shift_left3A_1304 = arith.constant 16 : i32
      %shift_left3A_1305 = vector.broadcast %shift_left3A_1304 : i32 to vector<16xi32>
      %shift_left3A_1306 = arith.shli %shift_right_arithmetic3A_1303, %shift_left3A_1305 : vector<16xi32>
      %bitcast3A_1307 = vector.bitcast %shift_left3A_1306 : vector<16xi32> to vector<16xf32>
      %mul3A_1308 = arith.mulf %bitcast3A_1302, %bitcast3A_1307 : vector<16xf32>
      %add3A_1309 = arith.addf %add3A_1289, %mul3A_1308 : vector<16xf32>
      %add3A_1310 = arith.constant 12 : i32
      %add3A_1311 = vector.broadcast %add3A_1310 : i32 to vector<16xi32>
      %add3A_1312 = arith.addi %and3A_1046, %add3A_1311 : vector<16xi32>
      %gather3A_1313 = tpu.vector_load_idx %arg14[%add3A_1023, %add3A_1312] : memref<256x128xi32, #tpu.memory_space<vmem>>[vector<16xi32>, vector<16xi32>], vector<16xi32>,
      %add3A_1314 = arith.constant 12 : i32
      %add3A_1315 = vector.broadcast %add3A_1314 : i32 to vector<16xi32>
      %add3A_1316 = arith.addi %and3A_1049, %add3A_1315 : vector<16xi32>
      %gather3A_1317 = tpu.vector_load_idx %arg15[%add3A_1023, %add3A_1316] : memref<256x128xi32, #tpu.memory_space<vmem>>[vector<16xi32>, vector<16xi32>], vector<16xi32>,
      %shift_right_arithmetic3A_1318 = arith.shrsi %gather3A_1313, %shift_left3A_1055 : vector<16xi32>
      %shift_left3A_1319 = arith.constant 16 : i32
      %shift_left3A_1320 = vector.broadcast %shift_left3A_1319 : i32 to vector<16xi32>
      %shift_left3A_1321 = arith.shli %shift_right_arithmetic3A_1318, %shift_left3A_1320 : vector<16xi32>
      %bitcast3A_1322 = vector.bitcast %shift_left3A_1321 : vector<16xi32> to vector<16xf32>
      %shift_right_arithmetic3A_1323 = arith.shrsi %gather3A_1317, %shift_left3A_1061 : vector<16xi32>
      %shift_left3A_1324 = arith.constant 16 : i32
      %shift_left3A_1325 = vector.broadcast %shift_left3A_1324 : i32 to vector<16xi32>
      %shift_left3A_1326 = arith.shli %shift_right_arithmetic3A_1323, %shift_left3A_1325 : vector<16xi32>
      %bitcast3A_1327 = vector.bitcast %shift_left3A_1326 : vector<16xi32> to vector<16xf32>
      %mul3A_1328 = arith.mulf %bitcast3A_1322, %bitcast3A_1327 : vector<16xf32>
      %add3A_1329 = arith.addf %add3A_1309, %mul3A_1328 : vector<16xf32>
      %add3A_1330 = arith.constant 13 : i32
      %add3A_1331 = vector.broadcast %add3A_1330 : i32 to vector<16xi32>
      %add3A_1332 = arith.addi %and3A_1046, %add3A_1331 : vector<16xi32>
      %gather3A_1333 = tpu.vector_load_idx %arg14[%add3A_1023, %add3A_1332] : memref<256x128xi32, #tpu.memory_space<vmem>>[vector<16xi32>, vector<16xi32>], vector<16xi32>,
      %add3A_1334 = arith.constant 13 : i32
      %add3A_1335 = vector.broadcast %add3A_1334 : i32 to vector<16xi32>
      %add3A_1336 = arith.addi %and3A_1049, %add3A_1335 : vector<16xi32>
      %gather3A_1337 = tpu.vector_load_idx %arg15[%add3A_1023, %add3A_1336] : memref<256x128xi32, #tpu.memory_space<vmem>>[vector<16xi32>, vector<16xi32>], vector<16xi32>,
      %shift_right_arithmetic3A_1338 = arith.shrsi %gather3A_1333, %shift_left3A_1055 : vector<16xi32>
      %shift_left3A_1339 = arith.constant 16 : i32
      %shift_left3A_1340 = vector.broadcast %shift_left3A_1339 : i32 to vector<16xi32>
      %shift_left3A_1341 = arith.shli %shift_right_arithmetic3A_1338, %shift_left3A_1340 : vector<16xi32>
      %bitcast3A_1342 = vector.bitcast %shift_left3A_1341 : vector<16xi32> to vector<16xf32>
      %shift_right_arithmetic3A_1343 = arith.shrsi %gather3A_1337, %shift_left3A_1061 : vector<16xi32>
      %shift_left3A_1344 = arith.constant 16 : i32
      %shift_left3A_1345 = vector.broadcast %shift_left3A_1344 : i32 to vector<16xi32>
      %shift_left3A_1346 = arith.shli %shift_right_arithmetic3A_1343, %shift_left3A_1345 : vector<16xi32>
      %bitcast3A_1347 = vector.bitcast %shift_left3A_1346 : vector<16xi32> to vector<16xf32>
      %mul3A_1348 = arith.mulf %bitcast3A_1342, %bitcast3A_1347 : vector<16xf32>
      %add3A_1349 = arith.addf %add3A_1329, %mul3A_1348 : vector<16xf32>
      %add3A_1350 = arith.constant 14 : i32
      %add3A_1351 = vector.broadcast %add3A_1350 : i32 to vector<16xi32>
      %add3A_1352 = arith.addi %and3A_1046, %add3A_1351 : vector<16xi32>
      %gather3A_1353 = tpu.vector_load_idx %arg14[%add3A_1023, %add3A_1352] : memref<256x128xi32, #tpu.memory_space<vmem>>[vector<16xi32>, vector<16xi32>], vector<16xi32>,
      %add3A_1354 = arith.constant 14 : i32
      %add3A_1355 = vector.broadcast %add3A_1354 : i32 to vector<16xi32>
      %add3A_1356 = arith.addi %and3A_1049, %add3A_1355 : vector<16xi32>
      %gather3A_1357 = tpu.vector_load_idx %arg15[%add3A_1023, %add3A_1356] : memref<256x128xi32, #tpu.memory_space<vmem>>[vector<16xi32>, vector<16xi32>], vector<16xi32>,
      %shift_right_arithmetic3A_1358 = arith.shrsi %gather3A_1353, %shift_left3A_1055 : vector<16xi32>
      %shift_left3A_1359 = arith.constant 16 : i32
      %shift_left3A_1360 = vector.broadcast %shift_left3A_1359 : i32 to vector<16xi32>
      %shift_left3A_1361 = arith.shli %shift_right_arithmetic3A_1358, %shift_left3A_1360 : vector<16xi32>
      %bitcast3A_1362 = vector.bitcast %shift_left3A_1361 : vector<16xi32> to vector<16xf32>
      %shift_right_arithmetic3A_1363 = arith.shrsi %gather3A_1357, %shift_left3A_1061 : vector<16xi32>
      %shift_left3A_1364 = arith.constant 16 : i32
      %shift_left3A_1365 = vector.broadcast %shift_left3A_1364 : i32 to vector<16xi32>
      %shift_left3A_1366 = arith.shli %shift_right_arithmetic3A_1363, %shift_left3A_1365 : vector<16xi32>
      %bitcast3A_1367 = vector.bitcast %shift_left3A_1366 : vector<16xi32> to vector<16xf32>
      %mul3A_1368 = arith.mulf %bitcast3A_1362, %bitcast3A_1367 : vector<16xf32>
      %add3A_1369 = arith.addf %add3A_1349, %mul3A_1368 : vector<16xf32>
      %add3A_1370 = arith.constant 15 : i32
      %add3A_1371 = vector.broadcast %add3A_1370 : i32 to vector<16xi32>
      %add3A_1372 = arith.addi %and3A_1046, %add3A_1371 : vector<16xi32>
      %gather3A_1373 = tpu.vector_load_idx %arg14[%add3A_1023, %add3A_1372] : memref<256x128xi32, #tpu.memory_space<vmem>>[vector<16xi32>, vector<16xi32>], vector<16xi32>,
      %add3A_1374 = arith.constant 15 : i32
      %add3A_1375 = vector.broadcast %add3A_1374 : i32 to vector<16xi32>
      %add3A_1376 = arith.addi %and3A_1049, %add3A_1375 : vector<16xi32>
      %gather3A_1377 = tpu.vector_load_idx %arg15[%add3A_1023, %add3A_1376] : memref<256x128xi32, #tpu.memory_space<vmem>>[vector<16xi32>, vector<16xi32>], vector<16xi32>,
      %shift_right_arithmetic3A_1378 = arith.shrsi %gather3A_1373, %shift_left3A_1055 : vector<16xi32>
      %shift_left3A_1379 = arith.constant 16 : i32
      %shift_left3A_1380 = vector.broadcast %shift_left3A_1379 : i32 to vector<16xi32>
      %shift_left3A_1381 = arith.shli %shift_right_arithmetic3A_1378, %shift_left3A_1380 : vector<16xi32>
      %bitcast3A_1382 = vector.bitcast %shift_left3A_1381 : vector<16xi32> to vector<16xf32>
      %shift_right_arithmetic3A_1383 = arith.shrsi %gather3A_1377, %shift_left3A_1061 : vector<16xi32>
      %shift_left3A_1384 = arith.constant 16 : i32
      %shift_left3A_1385 = vector.broadcast %shift_left3A_1384 : i32 to vector<16xi32>
      %shift_left3A_1386 = arith.shli %shift_right_arithmetic3A_1383, %shift_left3A_1385 : vector<16xi32>
      %bitcast3A_1387 = vector.bitcast %shift_left3A_1386 : vector<16xi32> to vector<16xf32>
      %mul3A_1388 = arith.mulf %bitcast3A_1382, %bitcast3A_1387 : vector<16xf32>
      %add3A_1389 = arith.addf %add3A_1369, %mul3A_1388 : vector<16xf32>
      %add3A_1390 = arith.constant 16 : i32
      %add3A_1391 = vector.broadcast %add3A_1390 : i32 to vector<16xi32>
      %add3A_1392 = arith.addi %and3A_1046, %add3A_1391 : vector<16xi32>
      %gather3A_1393 = tpu.vector_load_idx %arg14[%add3A_1023, %add3A_1392] : memref<256x128xi32, #tpu.memory_space<vmem>>[vector<16xi32>, vector<16xi32>], vector<16xi32>,
      %add3A_1394 = arith.constant 16 : i32
      %add3A_1395 = vector.broadcast %add3A_1394 : i32 to vector<16xi32>
      %add3A_1396 = arith.addi %and3A_1049, %add3A_1395 : vector<16xi32>
      %gather3A_1397 = tpu.vector_load_idx %arg15[%add3A_1023, %add3A_1396] : memref<256x128xi32, #tpu.memory_space<vmem>>[vector<16xi32>, vector<16xi32>], vector<16xi32>,
      %shift_right_arithmetic3A_1398 = arith.shrsi %gather3A_1393, %shift_left3A_1055 : vector<16xi32>
      %shift_left3A_1399 = arith.constant 16 : i32
      %shift_left3A_1400 = vector.broadcast %shift_left3A_1399 : i32 to vector<16xi32>
      %shift_left3A_1401 = arith.shli %shift_right_arithmetic3A_1398, %shift_left3A_1400 : vector<16xi32>
      %bitcast3A_1402 = vector.bitcast %shift_left3A_1401 : vector<16xi32> to vector<16xf32>
      %shift_right_arithmetic3A_1403 = arith.shrsi %gather3A_1397, %shift_left3A_1061 : vector<16xi32>
      %shift_left3A_1404 = arith.constant 16 : i32
      %shift_left3A_1405 = vector.broadcast %shift_left3A_1404 : i32 to vector<16xi32>
      %shift_left3A_1406 = arith.shli %shift_right_arithmetic3A_1403, %shift_left3A_1405 : vector<16xi32>
      %bitcast3A_1407 = vector.bitcast %shift_left3A_1406 : vector<16xi32> to vector<16xf32>
      %mul3A_1408 = arith.mulf %bitcast3A_1402, %bitcast3A_1407 : vector<16xf32>
      %add3A_1409 = arith.addf %add3A_1389, %mul3A_1408 : vector<16xf32>
      %add3A_1410 = arith.constant 17 : i32
      %add3A_1411 = vector.broadcast %add3A_1410 : i32 to vector<16xi32>
      %add3A_1412 = arith.addi %and3A_1046, %add3A_1411 : vector<16xi32>
      %gather3A_1413 = tpu.vector_load_idx %arg14[%add3A_1023, %add3A_1412] : memref<256x128xi32, #tpu.memory_space<vmem>>[vector<16xi32>, vector<16xi32>], vector<16xi32>,
      %add3A_1414 = arith.constant 17 : i32
      %add3A_1415 = vector.broadcast %add3A_1414 : i32 to vector<16xi32>
      %add3A_1416 = arith.addi %and3A_1049, %add3A_1415 : vector<16xi32>
      %gather3A_1417 = tpu.vector_load_idx %arg15[%add3A_1023, %add3A_1416] : memref<256x128xi32, #tpu.memory_space<vmem>>[vector<16xi32>, vector<16xi32>], vector<16xi32>,
      %shift_right_arithmetic3A_1418 = arith.shrsi %gather3A_1413, %shift_left3A_1055 : vector<16xi32>
      %shift_left3A_1419 = arith.constant 16 : i32
      %shift_left3A_1420 = vector.broadcast %shift_left3A_1419 : i32 to vector<16xi32>
      %shift_left3A_1421 = arith.shli %shift_right_arithmetic3A_1418, %shift_left3A_1420 : vector<16xi32>
      %bitcast3A_1422 = vector.bitcast %shift_left3A_1421 : vector<16xi32> to vector<16xf32>
      %shift_right_arithmetic3A_1423 = arith.shrsi %gather3A_1417, %shift_left3A_1061 : vector<16xi32>
      %shift_left3A_1424 = arith.constant 16 : i32
      %shift_left3A_1425 = vector.broadcast %shift_left3A_1424 : i32 to vector<16xi32>
      %shift_left3A_1426 = arith.shli %shift_right_arithmetic3A_1423, %shift_left3A_1425 : vector<16xi32>
      %bitcast3A_1427 = vector.bitcast %shift_left3A_1426 : vector<16xi32> to vector<16xf32>
      %mul3A_1428 = arith.mulf %bitcast3A_1422, %bitcast3A_1427 : vector<16xf32>
      %add3A_1429 = arith.addf %add3A_1409, %mul3A_1428 : vector<16xf32>
      %add3A_1430 = arith.constant 18 : i32
      %add3A_1431 = vector.broadcast %add3A_1430 : i32 to vector<16xi32>
      %add3A_1432 = arith.addi %and3A_1046, %add3A_1431 : vector<16xi32>
      %gather3A_1433 = tpu.vector_load_idx %arg14[%add3A_1023, %add3A_1432] : memref<256x128xi32, #tpu.memory_space<vmem>>[vector<16xi32>, vector<16xi32>], vector<16xi32>,
      %add3A_1434 = arith.constant 18 : i32
      %add3A_1435 = vector.broadcast %add3A_1434 : i32 to vector<16xi32>
      %add3A_1436 = arith.addi %and3A_1049, %add3A_1435 : vector<16xi32>
      %gather3A_1437 = tpu.vector_load_idx %arg15[%add3A_1023, %add3A_1436] : memref<256x128xi32, #tpu.memory_space<vmem>>[vector<16xi32>, vector<16xi32>], vector<16xi32>,
      %shift_right_arithmetic3A_1438 = arith.shrsi %gather3A_1433, %shift_left3A_1055 : vector<16xi32>
      %shift_left3A_1439 = arith.constant 16 : i32
      %shift_left3A_1440 = vector.broadcast %shift_left3A_1439 : i32 to vector<16xi32>
      %shift_left3A_1441 = arith.shli %shift_right_arithmetic3A_1438, %shift_left3A_1440 : vector<16xi32>
      %bitcast3A_1442 = vector.bitcast %shift_left3A_1441 : vector<16xi32> to vector<16xf32>
      %shift_right_arithmetic3A_1443 = arith.shrsi %gather3A_1437, %shift_left3A_1061 : vector<16xi32>
      %shift_left3A_1444 = arith.constant 16 : i32
      %shift_left3A_1445 = vector.broadcast %shift_left3A_1444 : i32 to vector<16xi32>
      %shift_left3A_1446 = arith.shli %shift_right_arithmetic3A_1443, %shift_left3A_1445 : vector<16xi32>
      %bitcast3A_1447 = vector.bitcast %shift_left3A_1446 : vector<16xi32> to vector<16xf32>
      %mul3A_1448 = arith.mulf %bitcast3A_1442, %bitcast3A_1447 : vector<16xf32>
      %add3A_1449 = arith.addf %add3A_1429, %mul3A_1448 : vector<16xf32>
      %add3A_1450 = arith.constant 19 : i32
      %add3A_1451 = vector.broadcast %add3A_1450 : i32 to vector<16xi32>
      %add3A_1452 = arith.addi %and3A_1046, %add3A_1451 : vector<16xi32>
      %gather3A_1453 = tpu.vector_load_idx %arg14[%add3A_1023, %add3A_1452] : memref<256x128xi32, #tpu.memory_space<vmem>>[vector<16xi32>, vector<16xi32>], vector<16xi32>,
      %add3A_1454 = arith.constant 19 : i32
      %add3A_1455 = vector.broadcast %add3A_1454 : i32 to vector<16xi32>
      %add3A_1456 = arith.addi %and3A_1049, %add3A_1455 : vector<16xi32>
      %gather3A_1457 = tpu.vector_load_idx %arg15[%add3A_1023, %add3A_1456] : memref<256x128xi32, #tpu.memory_space<vmem>>[vector<16xi32>, vector<16xi32>], vector<16xi32>,
      %shift_right_arithmetic3A_1458 = arith.shrsi %gather3A_1453, %shift_left3A_1055 : vector<16xi32>
      %shift_left3A_1459 = arith.constant 16 : i32
      %shift_left3A_1460 = vector.broadcast %shift_left3A_1459 : i32 to vector<16xi32>
      %shift_left3A_1461 = arith.shli %shift_right_arithmetic3A_1458, %shift_left3A_1460 : vector<16xi32>
      %bitcast3A_1462 = vector.bitcast %shift_left3A_1461 : vector<16xi32> to vector<16xf32>
      %shift_right_arithmetic3A_1463 = arith.shrsi %gather3A_1457, %shift_left3A_1061 : vector<16xi32>
      %shift_left3A_1464 = arith.constant 16 : i32
      %shift_left3A_1465 = vector.broadcast %shift_left3A_1464 : i32 to vector<16xi32>
      %shift_left3A_1466 = arith.shli %shift_right_arithmetic3A_1463, %shift_left3A_1465 : vector<16xi32>
      %bitcast3A_1467 = vector.bitcast %shift_left3A_1466 : vector<16xi32> to vector<16xf32>
      %mul3A_1468 = arith.mulf %bitcast3A_1462, %bitcast3A_1467 : vector<16xf32>
      %add3A_1469 = arith.addf %add3A_1449, %mul3A_1468 : vector<16xf32>
      %add3A_1470 = arith.constant 20 : i32
      %add3A_1471 = vector.broadcast %add3A_1470 : i32 to vector<16xi32>
      %add3A_1472 = arith.addi %and3A_1046, %add3A_1471 : vector<16xi32>
      %gather3A_1473 = tpu.vector_load_idx %arg14[%add3A_1023, %add3A_1472] : memref<256x128xi32, #tpu.memory_space<vmem>>[vector<16xi32>, vector<16xi32>], vector<16xi32>,
      %add3A_1474 = arith.constant 20 : i32
      %add3A_1475 = vector.broadcast %add3A_1474 : i32 to vector<16xi32>
      %add3A_1476 = arith.addi %and3A_1049, %add3A_1475 : vector<16xi32>
      %gather3A_1477 = tpu.vector_load_idx %arg15[%add3A_1023, %add3A_1476] : memref<256x128xi32, #tpu.memory_space<vmem>>[vector<16xi32>, vector<16xi32>], vector<16xi32>,
      %shift_right_arithmetic3A_1478 = arith.shrsi %gather3A_1473, %shift_left3A_1055 : vector<16xi32>
      %shift_left3A_1479 = arith.constant 16 : i32
      %shift_left3A_1480 = vector.broadcast %shift_left3A_1479 : i32 to vector<16xi32>
      %shift_left3A_1481 = arith.shli %shift_right_arithmetic3A_1478, %shift_left3A_1480 : vector<16xi32>
      %bitcast3A_1482 = vector.bitcast %shift_left3A_1481 : vector<16xi32> to vector<16xf32>
      %shift_right_arithmetic3A_1483 = arith.shrsi %gather3A_1477, %shift_left3A_1061 : vector<16xi32>
      %shift_left3A_1484 = arith.constant 16 : i32
      %shift_left3A_1485 = vector.broadcast %shift_left3A_1484 : i32 to vector<16xi32>
      %shift_left3A_1486 = arith.shli %shift_right_arithmetic3A_1483, %shift_left3A_1485 : vector<16xi32>
      %bitcast3A_1487 = vector.bitcast %shift_left3A_1486 : vector<16xi32> to vector<16xf32>
      %mul3A_1488 = arith.mulf %bitcast3A_1482, %bitcast3A_1487 : vector<16xf32>
      %add3A_1489 = arith.addf %add3A_1469, %mul3A_1488 : vector<16xf32>
      %add3A_1490 = arith.constant 21 : i32
      %add3A_1491 = vector.broadcast %add3A_1490 : i32 to vector<16xi32>
      %add3A_1492 = arith.addi %and3A_1046, %add3A_1491 : vector<16xi32>
      %gather3A_1493 = tpu.vector_load_idx %arg14[%add3A_1023, %add3A_1492] : memref<256x128xi32, #tpu.memory_space<vmem>>[vector<16xi32>, vector<16xi32>], vector<16xi32>,
      %add3A_1494 = arith.constant 21 : i32
      %add3A_1495 = vector.broadcast %add3A_1494 : i32 to vector<16xi32>
      %add3A_1496 = arith.addi %and3A_1049, %add3A_1495 : vector<16xi32>
      %gather3A_1497 = tpu.vector_load_idx %arg15[%add3A_1023, %add3A_1496] : memref<256x128xi32, #tpu.memory_space<vmem>>[vector<16xi32>, vector<16xi32>], vector<16xi32>,
      %shift_right_arithmetic3A_1498 = arith.shrsi %gather3A_1493, %shift_left3A_1055 : vector<16xi32>
      %shift_left3A_1499 = arith.constant 16 : i32
      %shift_left3A_1500 = vector.broadcast %shift_left3A_1499 : i32 to vector<16xi32>
      %shift_left3A_1501 = arith.shli %shift_right_arithmetic3A_1498, %shift_left3A_1500 : vector<16xi32>
      %bitcast3A_1502 = vector.bitcast %shift_left3A_1501 : vector<16xi32> to vector<16xf32>
      %shift_right_arithmetic3A_1503 = arith.shrsi %gather3A_1497, %shift_left3A_1061 : vector<16xi32>
      %shift_left3A_1504 = arith.constant 16 : i32
      %shift_left3A_1505 = vector.broadcast %shift_left3A_1504 : i32 to vector<16xi32>
      %shift_left3A_1506 = arith.shli %shift_right_arithmetic3A_1503, %shift_left3A_1505 : vector<16xi32>
      %bitcast3A_1507 = vector.bitcast %shift_left3A_1506 : vector<16xi32> to vector<16xf32>
      %mul3A_1508 = arith.mulf %bitcast3A_1502, %bitcast3A_1507 : vector<16xf32>
      %add3A_1509 = arith.addf %add3A_1489, %mul3A_1508 : vector<16xf32>
      %add3A_1510 = arith.constant 22 : i32
      %add3A_1511 = vector.broadcast %add3A_1510 : i32 to vector<16xi32>
      %add3A_1512 = arith.addi %and3A_1046, %add3A_1511 : vector<16xi32>
      %gather3A_1513 = tpu.vector_load_idx %arg14[%add3A_1023, %add3A_1512] : memref<256x128xi32, #tpu.memory_space<vmem>>[vector<16xi32>, vector<16xi32>], vector<16xi32>,
      %add3A_1514 = arith.constant 22 : i32
      %add3A_1515 = vector.broadcast %add3A_1514 : i32 to vector<16xi32>
      %add3A_1516 = arith.addi %and3A_1049, %add3A_1515 : vector<16xi32>
      %gather3A_1517 = tpu.vector_load_idx %arg15[%add3A_1023, %add3A_1516] : memref<256x128xi32, #tpu.memory_space<vmem>>[vector<16xi32>, vector<16xi32>], vector<16xi32>,
      %shift_right_arithmetic3A_1518 = arith.shrsi %gather3A_1513, %shift_left3A_1055 : vector<16xi32>
      %shift_left3A_1519 = arith.constant 16 : i32
      %shift_left3A_1520 = vector.broadcast %shift_left3A_1519 : i32 to vector<16xi32>
      %shift_left3A_1521 = arith.shli %shift_right_arithmetic3A_1518, %shift_left3A_1520 : vector<16xi32>
      %bitcast3A_1522 = vector.bitcast %shift_left3A_1521 : vector<16xi32> to vector<16xf32>
      %shift_right_arithmetic3A_1523 = arith.shrsi %gather3A_1517, %shift_left3A_1061 : vector<16xi32>
      %shift_left3A_1524 = arith.constant 16 : i32
      %shift_left3A_1525 = vector.broadcast %shift_left3A_1524 : i32 to vector<16xi32>
      %shift_left3A_1526 = arith.shli %shift_right_arithmetic3A_1523, %shift_left3A_1525 : vector<16xi32>
      %bitcast3A_1527 = vector.bitcast %shift_left3A_1526 : vector<16xi32> to vector<16xf32>
      %mul3A_1528 = arith.mulf %bitcast3A_1522, %bitcast3A_1527 : vector<16xf32>
      %add3A_1529 = arith.addf %add3A_1509, %mul3A_1528 : vector<16xf32>
      %add3A_1530 = arith.constant 23 : i32
      %add3A_1531 = vector.broadcast %add3A_1530 : i32 to vector<16xi32>
      %add3A_1532 = arith.addi %and3A_1046, %add3A_1531 : vector<16xi32>
      %gather3A_1533 = tpu.vector_load_idx %arg14[%add3A_1023, %add3A_1532] : memref<256x128xi32, #tpu.memory_space<vmem>>[vector<16xi32>, vector<16xi32>], vector<16xi32>,
      %add3A_1534 = arith.constant 23 : i32
      %add3A_1535 = vector.broadcast %add3A_1534 : i32 to vector<16xi32>
      %add3A_1536 = arith.addi %and3A_1049, %add3A_1535 : vector<16xi32>
      %gather3A_1537 = tpu.vector_load_idx %arg15[%add3A_1023, %add3A_1536] : memref<256x128xi32, #tpu.memory_space<vmem>>[vector<16xi32>, vector<16xi32>], vector<16xi32>,
      %shift_right_arithmetic3A_1538 = arith.shrsi %gather3A_1533, %shift_left3A_1055 : vector<16xi32>
      %shift_left3A_1539 = arith.constant 16 : i32
      %shift_left3A_1540 = vector.broadcast %shift_left3A_1539 : i32 to vector<16xi32>
      %shift_left3A_1541 = arith.shli %shift_right_arithmetic3A_1538, %shift_left3A_1540 : vector<16xi32>
      %bitcast3A_1542 = vector.bitcast %shift_left3A_1541 : vector<16xi32> to vector<16xf32>
      %shift_right_arithmetic3A_1543 = arith.shrsi %gather3A_1537, %shift_left3A_1061 : vector<16xi32>
      %shift_left3A_1544 = arith.constant 16 : i32
      %shift_left3A_1545 = vector.broadcast %shift_left3A_1544 : i32 to vector<16xi32>
      %shift_left3A_1546 = arith.shli %shift_right_arithmetic3A_1543, %shift_left3A_1545 : vector<16xi32>
      %bitcast3A_1547 = vector.bitcast %shift_left3A_1546 : vector<16xi32> to vector<16xf32>
      %mul3A_1548 = arith.mulf %bitcast3A_1542, %bitcast3A_1547 : vector<16xf32>
      %add3A_1549 = arith.addf %add3A_1529, %mul3A_1548 : vector<16xf32>
      %add3A_1550 = arith.constant 24 : i32
      %add3A_1551 = vector.broadcast %add3A_1550 : i32 to vector<16xi32>
      %add3A_1552 = arith.addi %and3A_1046, %add3A_1551 : vector<16xi32>
      %gather3A_1553 = tpu.vector_load_idx %arg14[%add3A_1023, %add3A_1552] : memref<256x128xi32, #tpu.memory_space<vmem>>[vector<16xi32>, vector<16xi32>], vector<16xi32>,
      %add3A_1554 = arith.constant 24 : i32
      %add3A_1555 = vector.broadcast %add3A_1554 : i32 to vector<16xi32>
      %add3A_1556 = arith.addi %and3A_1049, %add3A_1555 : vector<16xi32>
      %gather3A_1557 = tpu.vector_load_idx %arg15[%add3A_1023, %add3A_1556] : memref<256x128xi32, #tpu.memory_space<vmem>>[vector<16xi32>, vector<16xi32>], vector<16xi32>,
      %shift_right_arithmetic3A_1558 = arith.shrsi %gather3A_1553, %shift_left3A_1055 : vector<16xi32>
      %shift_left3A_1559 = arith.constant 16 : i32
      %shift_left3A_1560 = vector.broadcast %shift_left3A_1559 : i32 to vector<16xi32>
      %shift_left3A_1561 = arith.shli %shift_right_arithmetic3A_1558, %shift_left3A_1560 : vector<16xi32>
      %bitcast3A_1562 = vector.bitcast %shift_left3A_1561 : vector<16xi32> to vector<16xf32>
      %shift_right_arithmetic3A_1563 = arith.shrsi %gather3A_1557, %shift_left3A_1061 : vector<16xi32>
      %shift_left3A_1564 = arith.constant 16 : i32
      %shift_left3A_1565 = vector.broadcast %shift_left3A_1564 : i32 to vector<16xi32>
      %shift_left3A_1566 = arith.shli %shift_right_arithmetic3A_1563, %shift_left3A_1565 : vector<16xi32>
      %bitcast3A_1567 = vector.bitcast %shift_left3A_1566 : vector<16xi32> to vector<16xf32>
      %mul3A_1568 = arith.mulf %bitcast3A_1562, %bitcast3A_1567 : vector<16xf32>
      %add3A_1569 = arith.addf %add3A_1549, %mul3A_1568 : vector<16xf32>
      %add3A_1570 = arith.constant 25 : i32
      %add3A_1571 = vector.broadcast %add3A_1570 : i32 to vector<16xi32>
      %add3A_1572 = arith.addi %and3A_1046, %add3A_1571 : vector<16xi32>
      %gather3A_1573 = tpu.vector_load_idx %arg14[%add3A_1023, %add3A_1572] : memref<256x128xi32, #tpu.memory_space<vmem>>[vector<16xi32>, vector<16xi32>], vector<16xi32>,
      %add3A_1574 = arith.constant 25 : i32
      %add3A_1575 = vector.broadcast %add3A_1574 : i32 to vector<16xi32>
      %add3A_1576 = arith.addi %and3A_1049, %add3A_1575 : vector<16xi32>
      %gather3A_1577 = tpu.vector_load_idx %arg15[%add3A_1023, %add3A_1576] : memref<256x128xi32, #tpu.memory_space<vmem>>[vector<16xi32>, vector<16xi32>], vector<16xi32>,
      %shift_right_arithmetic3A_1578 = arith.shrsi %gather3A_1573, %shift_left3A_1055 : vector<16xi32>
      %shift_left3A_1579 = arith.constant 16 : i32
      %shift_left3A_1580 = vector.broadcast %shift_left3A_1579 : i32 to vector<16xi32>
      %shift_left3A_1581 = arith.shli %shift_right_arithmetic3A_1578, %shift_left3A_1580 : vector<16xi32>
      %bitcast3A_1582 = vector.bitcast %shift_left3A_1581 : vector<16xi32> to vector<16xf32>
      %shift_right_arithmetic3A_1583 = arith.shrsi %gather3A_1577, %shift_left3A_1061 : vector<16xi32>
      %shift_left3A_1584 = arith.constant 16 : i32
      %shift_left3A_1585 = vector.broadcast %shift_left3A_1584 : i32 to vector<16xi32>
      %shift_left3A_1586 = arith.shli %shift_right_arithmetic3A_1583, %shift_left3A_1585 : vector<16xi32>
      %bitcast3A_1587 = vector.bitcast %shift_left3A_1586 : vector<16xi32> to vector<16xf32>
      %mul3A_1588 = arith.mulf %bitcast3A_1582, %bitcast3A_1587 : vector<16xf32>
      %add3A_1589 = arith.addf %add3A_1569, %mul3A_1588 : vector<16xf32>
      %add3A_1590 = arith.constant 26 : i32
      %add3A_1591 = vector.broadcast %add3A_1590 : i32 to vector<16xi32>
      %add3A_1592 = arith.addi %and3A_1046, %add3A_1591 : vector<16xi32>
      %gather3A_1593 = tpu.vector_load_idx %arg14[%add3A_1023, %add3A_1592] : memref<256x128xi32, #tpu.memory_space<vmem>>[vector<16xi32>, vector<16xi32>], vector<16xi32>,
      %add3A_1594 = arith.constant 26 : i32
      %add3A_1595 = vector.broadcast %add3A_1594 : i32 to vector<16xi32>
      %add3A_1596 = arith.addi %and3A_1049, %add3A_1595 : vector<16xi32>
      %gather3A_1597 = tpu.vector_load_idx %arg15[%add3A_1023, %add3A_1596] : memref<256x128xi32, #tpu.memory_space<vmem>>[vector<16xi32>, vector<16xi32>], vector<16xi32>,
      %shift_right_arithmetic3A_1598 = arith.shrsi %gather3A_1593, %shift_left3A_1055 : vector<16xi32>
      %shift_left3A_1599 = arith.constant 16 : i32
      %shift_left3A_1600 = vector.broadcast %shift_left3A_1599 : i32 to vector<16xi32>
      %shift_left3A_1601 = arith.shli %shift_right_arithmetic3A_1598, %shift_left3A_1600 : vector<16xi32>
      %bitcast3A_1602 = vector.bitcast %shift_left3A_1601 : vector<16xi32> to vector<16xf32>
      %shift_right_arithmetic3A_1603 = arith.shrsi %gather3A_1597, %shift_left3A_1061 : vector<16xi32>
      %shift_left3A_1604 = arith.constant 16 : i32
      %shift_left3A_1605 = vector.broadcast %shift_left3A_1604 : i32 to vector<16xi32>
      %shift_left3A_1606 = arith.shli %shift_right_arithmetic3A_1603, %shift_left3A_1605 : vector<16xi32>
      %bitcast3A_1607 = vector.bitcast %shift_left3A_1606 : vector<16xi32> to vector<16xf32>
      %mul3A_1608 = arith.mulf %bitcast3A_1602, %bitcast3A_1607 : vector<16xf32>
      %add3A_1609 = arith.addf %add3A_1589, %mul3A_1608 : vector<16xf32>
      %add3A_1610 = arith.constant 27 : i32
      %add3A_1611 = vector.broadcast %add3A_1610 : i32 to vector<16xi32>
      %add3A_1612 = arith.addi %and3A_1046, %add3A_1611 : vector<16xi32>
      %gather3A_1613 = tpu.vector_load_idx %arg14[%add3A_1023, %add3A_1612] : memref<256x128xi32, #tpu.memory_space<vmem>>[vector<16xi32>, vector<16xi32>], vector<16xi32>,
      %add3A_1614 = arith.constant 27 : i32
      %add3A_1615 = vector.broadcast %add3A_1614 : i32 to vector<16xi32>
      %add3A_1616 = arith.addi %and3A_1049, %add3A_1615 : vector<16xi32>
      %gather3A_1617 = tpu.vector_load_idx %arg15[%add3A_1023, %add3A_1616] : memref<256x128xi32, #tpu.memory_space<vmem>>[vector<16xi32>, vector<16xi32>], vector<16xi32>,
      %shift_right_arithmetic3A_1618 = arith.shrsi %gather3A_1613, %shift_left3A_1055 : vector<16xi32>
      %shift_left3A_1619 = arith.constant 16 : i32
      %shift_left3A_1620 = vector.broadcast %shift_left3A_1619 : i32 to vector<16xi32>
      %shift_left3A_1621 = arith.shli %shift_right_arithmetic3A_1618, %shift_left3A_1620 : vector<16xi32>
      %bitcast3A_1622 = vector.bitcast %shift_left3A_1621 : vector<16xi32> to vector<16xf32>
      %shift_right_arithmetic3A_1623 = arith.shrsi %gather3A_1617, %shift_left3A_1061 : vector<16xi32>
      %shift_left3A_1624 = arith.constant 16 : i32
      %shift_left3A_1625 = vector.broadcast %shift_left3A_1624 : i32 to vector<16xi32>
      %shift_left3A_1626 = arith.shli %shift_right_arithmetic3A_1623, %shift_left3A_1625 : vector<16xi32>
      %bitcast3A_1627 = vector.bitcast %shift_left3A_1626 : vector<16xi32> to vector<16xf32>
      %mul3A_1628 = arith.mulf %bitcast3A_1622, %bitcast3A_1627 : vector<16xf32>
      %add3A_1629 = arith.addf %add3A_1609, %mul3A_1628 : vector<16xf32>
      %add3A_1630 = arith.constant 28 : i32
      %add3A_1631 = vector.broadcast %add3A_1630 : i32 to vector<16xi32>
      %add3A_1632 = arith.addi %and3A_1046, %add3A_1631 : vector<16xi32>
      %gather3A_1633 = tpu.vector_load_idx %arg14[%add3A_1023, %add3A_1632] : memref<256x128xi32, #tpu.memory_space<vmem>>[vector<16xi32>, vector<16xi32>], vector<16xi32>,
      %add3A_1634 = arith.constant 28 : i32
      %add3A_1635 = vector.broadcast %add3A_1634 : i32 to vector<16xi32>
      %add3A_1636 = arith.addi %and3A_1049, %add3A_1635 : vector<16xi32>
      %gather3A_1637 = tpu.vector_load_idx %arg15[%add3A_1023, %add3A_1636] : memref<256x128xi32, #tpu.memory_space<vmem>>[vector<16xi32>, vector<16xi32>], vector<16xi32>,
      %shift_right_arithmetic3A_1638 = arith.shrsi %gather3A_1633, %shift_left3A_1055 : vector<16xi32>
      %shift_left3A_1639 = arith.constant 16 : i32
      %shift_left3A_1640 = vector.broadcast %shift_left3A_1639 : i32 to vector<16xi32>
      %shift_left3A_1641 = arith.shli %shift_right_arithmetic3A_1638, %shift_left3A_1640 : vector<16xi32>
      %bitcast3A_1642 = vector.bitcast %shift_left3A_1641 : vector<16xi32> to vector<16xf32>
      %shift_right_arithmetic3A_1643 = arith.shrsi %gather3A_1637, %shift_left3A_1061 : vector<16xi32>
      %shift_left3A_1644 = arith.constant 16 : i32
      %shift_left3A_1645 = vector.broadcast %shift_left3A_1644 : i32 to vector<16xi32>
      %shift_left3A_1646 = arith.shli %shift_right_arithmetic3A_1643, %shift_left3A_1645 : vector<16xi32>
      %bitcast3A_1647 = vector.bitcast %shift_left3A_1646 : vector<16xi32> to vector<16xf32>
      %mul3A_1648 = arith.mulf %bitcast3A_1642, %bitcast3A_1647 : vector<16xf32>
      %add3A_1649 = arith.addf %add3A_1629, %mul3A_1648 : vector<16xf32>
      %add3A_1650 = arith.constant 29 : i32
      %add3A_1651 = vector.broadcast %add3A_1650 : i32 to vector<16xi32>
      %add3A_1652 = arith.addi %and3A_1046, %add3A_1651 : vector<16xi32>
      %gather3A_1653 = tpu.vector_load_idx %arg14[%add3A_1023, %add3A_1652] : memref<256x128xi32, #tpu.memory_space<vmem>>[vector<16xi32>, vector<16xi32>], vector<16xi32>,
      %add3A_1654 = arith.constant 29 : i32
      %add3A_1655 = vector.broadcast %add3A_1654 : i32 to vector<16xi32>
      %add3A_1656 = arith.addi %and3A_1049, %add3A_1655 : vector<16xi32>
      %gather3A_1657 = tpu.vector_load_idx %arg15[%add3A_1023, %add3A_1656] : memref<256x128xi32, #tpu.memory_space<vmem>>[vector<16xi32>, vector<16xi32>], vector<16xi32>,
      %shift_right_arithmetic3A_1658 = arith.shrsi %gather3A_1653, %shift_left3A_1055 : vector<16xi32>
      %shift_left3A_1659 = arith.constant 16 : i32
      %shift_left3A_1660 = vector.broadcast %shift_left3A_1659 : i32 to vector<16xi32>
      %shift_left3A_1661 = arith.shli %shift_right_arithmetic3A_1658, %shift_left3A_1660 : vector<16xi32>
      %bitcast3A_1662 = vector.bitcast %shift_left3A_1661 : vector<16xi32> to vector<16xf32>
      %shift_right_arithmetic3A_1663 = arith.shrsi %gather3A_1657, %shift_left3A_1061 : vector<16xi32>
      %shift_left3A_1664 = arith.constant 16 : i32
      %shift_left3A_1665 = vector.broadcast %shift_left3A_1664 : i32 to vector<16xi32>
      %shift_left3A_1666 = arith.shli %shift_right_arithmetic3A_1663, %shift_left3A_1665 : vector<16xi32>
      %bitcast3A_1667 = vector.bitcast %shift_left3A_1666 : vector<16xi32> to vector<16xf32>
      %mul3A_1668 = arith.mulf %bitcast3A_1662, %bitcast3A_1667 : vector<16xf32>
      %add3A_1669 = arith.addf %add3A_1649, %mul3A_1668 : vector<16xf32>
      %add3A_1670 = arith.constant 30 : i32
      %add3A_1671 = vector.broadcast %add3A_1670 : i32 to vector<16xi32>
      %add3A_1672 = arith.addi %and3A_1046, %add3A_1671 : vector<16xi32>
      %gather3A_1673 = tpu.vector_load_idx %arg14[%add3A_1023, %add3A_1672] : memref<256x128xi32, #tpu.memory_space<vmem>>[vector<16xi32>, vector<16xi32>], vector<16xi32>,
      %add3A_1674 = arith.constant 30 : i32
      %add3A_1675 = vector.broadcast %add3A_1674 : i32 to vector<16xi32>
      %add3A_1676 = arith.addi %and3A_1049, %add3A_1675 : vector<16xi32>
      %gather3A_1677 = tpu.vector_load_idx %arg15[%add3A_1023, %add3A_1676] : memref<256x128xi32, #tpu.memory_space<vmem>>[vector<16xi32>, vector<16xi32>], vector<16xi32>,
      %shift_right_arithmetic3A_1678 = arith.shrsi %gather3A_1673, %shift_left3A_1055 : vector<16xi32>
      %shift_left3A_1679 = arith.constant 16 : i32
      %shift_left3A_1680 = vector.broadcast %shift_left3A_1679 : i32 to vector<16xi32>
      %shift_left3A_1681 = arith.shli %shift_right_arithmetic3A_1678, %shift_left3A_1680 : vector<16xi32>
      %bitcast3A_1682 = vector.bitcast %shift_left3A_1681 : vector<16xi32> to vector<16xf32>
      %shift_right_arithmetic3A_1683 = arith.shrsi %gather3A_1677, %shift_left3A_1061 : vector<16xi32>
      %shift_left3A_1684 = arith.constant 16 : i32
      %shift_left3A_1685 = vector.broadcast %shift_left3A_1684 : i32 to vector<16xi32>
      %shift_left3A_1686 = arith.shli %shift_right_arithmetic3A_1683, %shift_left3A_1685 : vector<16xi32>
      %bitcast3A_1687 = vector.bitcast %shift_left3A_1686 : vector<16xi32> to vector<16xf32>
      %mul3A_1688 = arith.mulf %bitcast3A_1682, %bitcast3A_1687 : vector<16xf32>
      %add3A_1689 = arith.addf %add3A_1669, %mul3A_1688 : vector<16xf32>
      %add3A_1690 = arith.constant 31 : i32
      %add3A_1691 = vector.broadcast %add3A_1690 : i32 to vector<16xi32>
      %add3A_1692 = arith.addi %and3A_1046, %add3A_1691 : vector<16xi32>
      %gather3A_1693 = tpu.vector_load_idx %arg14[%add3A_1023, %add3A_1692] : memref<256x128xi32, #tpu.memory_space<vmem>>[vector<16xi32>, vector<16xi32>], vector<16xi32>,
      %add3A_1694 = arith.constant 31 : i32
      %add3A_1695 = vector.broadcast %add3A_1694 : i32 to vector<16xi32>
      %add3A_1696 = arith.addi %and3A_1049, %add3A_1695 : vector<16xi32>
      %gather3A_1697 = tpu.vector_load_idx %arg15[%add3A_1023, %add3A_1696] : memref<256x128xi32, #tpu.memory_space<vmem>>[vector<16xi32>, vector<16xi32>], vector<16xi32>,
      %shift_right_arithmetic3A_1698 = arith.shrsi %gather3A_1693, %shift_left3A_1055 : vector<16xi32>
      %shift_left3A_1699 = arith.constant 16 : i32
      %shift_left3A_1700 = vector.broadcast %shift_left3A_1699 : i32 to vector<16xi32>
      %shift_left3A_1701 = arith.shli %shift_right_arithmetic3A_1698, %shift_left3A_1700 : vector<16xi32>
      %bitcast3A_1702 = vector.bitcast %shift_left3A_1701 : vector<16xi32> to vector<16xf32>
      %shift_right_arithmetic3A_1703 = arith.shrsi %gather3A_1697, %shift_left3A_1061 : vector<16xi32>
      %shift_left3A_1704 = arith.constant 16 : i32
      %shift_left3A_1705 = vector.broadcast %shift_left3A_1704 : i32 to vector<16xi32>
      %shift_left3A_1706 = arith.shli %shift_right_arithmetic3A_1703, %shift_left3A_1705 : vector<16xi32>
      %bitcast3A_1707 = vector.bitcast %shift_left3A_1706 : vector<16xi32> to vector<16xf32>
      %mul3A_1708 = arith.mulf %bitcast3A_1702, %bitcast3A_1707 : vector<16xf32>
      %add3A_1709 = arith.addf %add3A_1689, %mul3A_1708 : vector<16xf32>
      %swap3A_1710 = arith.index_cast %add3A_1065 : i32 to index
      %swap3A_1711 = tpu.vector_load %arg18[%swap3A_1710] {strides = array<i32>} : memref<512xf32, #tpu.memory_space<vmem>>, vector<16xf32>,
      tpu.vector_store %arg18[%swap3A_1710], %add3A_1709 {strides = array<i32>} : memref<512xf32, #tpu.memory_space<vmem>>, vector<16xf32>,
    }
    %scan3A_1014 = arith.constant 8 : i32
    %mul3A_1015 = arith.constant 512 : i32
    %mul3A_1016 = arith.muli %add3A, %mul3A_1015 : i32
    "tpu.region"() ({
      %run_scoped3A = tpu.sem_alloc : memref<!tpu.dma_semaphore, #tpu.memory_space<semaphore_mem>>
      %dma_start3A_1017 = tpu.memref_slice %arg9[%mul3A_1016] : memref<16384xf32, #tpu.memory_space<hbm>> -> memref<512xf32, #tpu.memory_space<hbm>>
      %dma_start3A_1018 = tpu.memref_slice %arg9[%mul3A_1016] : memref<16384xf32, #tpu.memory_space<hbm>> -> memref<512xf32, #tpu.memory_space<hbm>>
      tpu.enqueue_dma source(%arg18 : memref<512xf32, #tpu.memory_space<vmem>>) target(%dma_start3A_1018 : memref<512xf32, #tpu.memory_space<hbm>>) target_semaphore(%run_scoped3A : memref<!tpu.dma_semaphore, #tpu.memory_space<semaphore_mem>>)
      %dma_wait3A_1019 = tpu.memref_slice %arg9[%mul3A_1016] : memref<16384xf32, #tpu.memory_space<hbm>> -> memref<512xf32, #tpu.memory_space<hbm>>
      %dma_wait3A_1020 = tpu.memref_slice %arg9[%mul3A_1016] : memref<16384xf32, #tpu.memory_space<hbm>> -> memref<512xf32, #tpu.memory_space<hbm>>
      tpu.wait_dma2 semaphore(%run_scoped3A : memref<!tpu.dma_semaphore, #tpu.memory_space<semaphore_mem>>) src(%arg18 : memref<512xf32, #tpu.memory_space<vmem>>) dst(%dma_wait3A_1020 : memref<512xf32, #tpu.memory_space<hbm>>)
      tpu.yield
    }) : () -> ()
    return
  }
}

</mosaic_0001>

<sc_bundles>
// kernel: _mf.3.cloned.1.call-start
scs
__scs_entry_jumppad:
0x0: {  	(pc) =	sbr.rel $0x88, $3  }
0x1: {  	(tag) =	ssettag $0x0;
	lr =	simm.s32 $0x1  }
0x2: {  	[smem:$0x3F9A] =	sst lr;
	_ =	strace $0xD0000000  }
0x3: {  	_ = 	snop  }
0x4: {  	_ = 	snop  }
0x5: {  	_ = 	snop  }
0x6: {  	_ = 	snop  }
0x7: {  	_ = 	snop  }
__scs_overlays_trampoline_lowered:
0x8: {  	[smem:$0x3FA9] =	sst s0  }
0x9: {  	[smem:$0x3FAA] =	sst s1  }
0xa: {  	[smem:$0x3FAB] =	sst s2  }
0xb: {  	[smem:$0x3FAC] =	sst s3  }
0xc: {  	[smem:$0x3FAD] =	sst s4  }
0xd: {  	[smem:$0x3FAE] =	sst s5  }
0xe: {  	[smem:$0x3FAF] =	sst s6  }
0xf: {  	[smem:$0x3FB0] =	sst s7  }
0x10: {  	[smem:$0x3FB1] =	sst s8  }
0x11: {  	[smem:$0x3FB2] =	sst s9;
	s0 =	simm.s32 @!p0 $0x0  }
0x12: {  	s1 =	sld [smem:$0x3F98];
	s0 =	simm.s32 @p0 $0x1  }
0x13: {  	[smem:$0x3FB3] =	sst s0;
	s0 =	simm.s32 @!p1 $0x0  }
0x14: {  	s2 =	sld [smem:$0x3F97];
	s0 =	simm.s32 @p1 $0x1  }
0x15: {  	[smem:$0x3FB4] =	sst s0;
	s0 =	simm.s32 @!p2 $0x0  }
0x16: {  	s3 =	sld [smem:$0x3FDB];
	s0 =	simm.s32 @p2 $0x1  }
0x17: {  	s4 =	simm.s32 $0x1BF5;
	[smem:$0x3FB6] =	sst s0  }
0x18: {  	s0 =	sld [smem:$0x3F99];
	_ =	swait.ge [sflag:s4], $0x0  }
0x19: {  	s7 =	sld [smem:$0x3F9A]  }
0x1a: {  	s8 =	sadd.s32 $0xFFFFE003, lr  }
0x1b: {  	s9 =	sadd.s32 $0xFFFFFEF7, lr;
	s5 =	simm.s32 $0xFFFFFFFF;
	p2 =	slt.u32 s8, $0xFFFFF086  }
0x1c: {  	p1 =	slt.u32 s9, $0xF7A;
	s5 =	simm.s32 @!p2 $0x0  }
0x1d: {  	s5 =	simm.s32 @p1 $0x1;
	p0 =	seq.s32 s7, s2  }
0x1e: {  	s7 =	smul.u32 @!p0 $0xF7A, s2;
	p2 =	seq.s32 @!p0 s5, $0x0  }
0x1f: {  	s9 =	smul.u32 $0xF7A, s1;
	s8 =	simm.s32 @!p0 $0x1BF5;
	p2 =	por !p2, p0  }
0x20: {  	[sflag:s8] =	ssyncset.s32 @!p0 $0xFFFFF086;
	s6 =	sadd.s32 @!p0 s3, s7;
	s7 =	simm.s32 @!p0 $0x108  }
0x21: {  	s3 =	sadd.s32 s3, s9;
	s6 =	sadd.s32 @!p0 $0x88, s6;
	s7 =	simm.s32 @p2 $0x1082  }
0x22: {  	[simem:s7], [sflag:s8] =	dma.local @!p0 [hbm:s6], $0xF7A  }
0x23: {  	s9 =	sor.u32 $0xD0000000, s2;
	s6 =	simm.s32 $0x108;
	_ =	swait.ge @!p0 [sflag:s8], $0x0  }
0x24: {  	s3 =	sadd.s32 $0x88, s3;
	s6 =	simm.s32 @!p1 $0x1082;
	[sflag:s4] =	ssyncset.s32 $0xFFFFF086  }
0x25: {  	[simem:s6], [sflag:s4] =	dma.local [hbm:s3], $0xF7A  }
0x26: {  	[smem:$0x3F9A] =	sst s1;
	(tag) =	ssettag s2;
	_ =	strace s9  }
0x27: {  	s1 =	sld [smem:$0x3FAA]  }
0x28: {  	s2 =	sld [smem:$0x3FAB]  }
0x29: {  	s4 =	sld [smem:$0x3FAD]  }
0x2a: {  	p0 =	seq.s32 s5, $0x0;
	s5 =	sld [smem:$0x3FAE]  }
0x2b: {  	s6 =	sld [smem:$0x3FAF]  }
0x2c: {  	s7 =	sld [smem:$0x3FB0]  }
0x2d: {  	s3 =	simm.s32 $0x108;
	s8 =	sld [smem:$0x3FB1]  }
0x2e: {  	s3 =	simm.s32 @!p0 $0x1082;
	s9 =	sld [smem:$0x3FB2]  }
0x2f: {  	lr =	sadd.s32 s0, s3;
	s0 =	sld [smem:$0x3FA9]  }
0x30: {  	s3 =	sld [smem:$0x3FAC]  }
0x31: {  	[smem:$0x3FB5] =	sst s10  }
0x32: {  	s10 =	sld [smem:$0x3FB3];
	_ =	sdelay $0x3  }
0x33: {  	p0 =	seq.s32 s10, $0x1;
	s10 =	sld [smem:$0x3FB5];
	_ =	sdelay $0x3  }
0x34: {  	[smem:$0x3FB5] =	sst s10  }
0x35: {  	s10 =	sld [smem:$0x3FB4];
	_ =	sdelay $0x3  }
0x36: {  	p1 =	seq.s32 s10, $0x1;
	s10 =	sld [smem:$0x3FB5];
	_ =	sdelay $0x3  }
0x37: {  	[smem:$0x3FB5] =	sst s10  }
0x38: {  	s10 =	sld [smem:$0x3FB6]  }
0x39: {  	_ = 	snop;
	(pc) =	sbr.ind lr, $3  }
0x3a: {  	_ = 	snop  }
0x3b: {  	_ = 	snop  }
0x3c: {  	p2 =	seq.s32 s10, $0x1;
	s10 =	sld [smem:$0x3FB5]  }
0x3d: {  	_ =	shalt  }
0x3e: {  	_ =	shalt  }
0x3f: {  	_ =	shalt  }
0x40: {  	_ =	shalt  }
0x41: {  	_ =	shalt  }
0x42: {  	_ =	shalt  }
0x43: {  	_ =	shalt  }
0x44: {  	_ =	shalt  }
0x45: {  	_ =	shalt  }
0x46: {  	_ =	shalt  }
0x47: {  	_ =	shalt  }
0x48: {  	_ =	shalt  }
0x49: {  	_ =	shalt  }
0x4a: {  	_ =	shalt  }
0x4b: {  	_ =	shalt  }
0x4c: {  	_ =	shalt  }
0x4d: {  	_ =	shalt  }
0x4e: {  	_ =	shalt  }
0x4f: {  	_ =	shalt  }
0x50: {  	_ =	shalt  }
0x51: {  	_ =	shalt  }
0x52: {  	_ =	shalt  }
0x53: {  	_ =	shalt  }
0x54: {  	_ =	shalt  }
0x55: {  	_ =	shalt  }
0x56: {  	_ =	shalt  }
0x57: {  	_ =	shalt  }
0x58: {  	_ =	shalt  }
0x59: {  	_ =	shalt  }
0x5a: {  	_ =	shalt  }
0x5b: {  	_ =	shalt  }
0x5c: {  	_ =	shalt  }
0x5d: {  	_ =	shalt  }
0x5e: {  	_ =	shalt  }
0x5f: {  	_ =	shalt  }
0x60: {  	_ =	shalt  }
0x61: {  	_ =	shalt  }
0x62: {  	_ =	shalt  }
0x63: {  	_ =	shalt  }
0x64: {  	_ =	shalt  }
0x65: {  	_ =	shalt  }
0x66: {  	_ =	shalt  }
0x67: {  	_ =	shalt  }
0x68: {  	_ =	shalt  }
0x69: {  	_ =	shalt  }
0x6a: {  	_ =	shalt  }
0x6b: {  	_ =	shalt  }
0x6c: {  	_ =	shalt  }
0x6d: {  	_ =	shalt  }
0x6e: {  	_ =	shalt  }
0x6f: {  	_ =	shalt  }
0x70: {  	_ =	shalt  }
0x71: {  	_ =	shalt  }
0x72: {  	_ =	shalt  }
0x73: {  	_ =	shalt  }
0x74: {  	_ =	shalt  }
0x75: {  	_ =	shalt  }
0x76: {  	_ =	shalt  }
0x77: {  	_ =	shalt  }
0x78: {  	_ =	shalt  }
0x79: {  	_ =	shalt  }
0x7a: {  	_ =	shalt  }
0x7b: {  	_ =	shalt  }
0x7c: {  	_ =	shalt  }
0x7d: {  	_ =	shalt  }
0x7e: {  	_ =	shalt  }
0x7f: {  	_ =	shalt  }
0x80: {  	_ =	shalt  }
0x81: {  	_ =	shalt  }
0x82: {  	_ =	shalt  }
0x83: {  	_ =	shalt  }
0x84: {  	_ =	shalt  }
0x85: {  	_ =	shalt  }
0x86: {  	_ =	shalt  }
0x87: {  	_ =	shalt  }
.Lfunc_end0:
.L_simem_size_0:
called_computation_lowered:
.L_overlay_start_0:
0x88: {  	s2 =	sld [smem:$0x3FD9]  }
0x89: {  	s3 =	sld [smem:$0x3FFE];
	_ =	sdelay $0x1  }
0x8a: {  	s1 =	srdreg.scid  }
0x8b: {  	s0 =	sand.u32 $0x1, s1  }
0x8c: {  	s18 =	sshll.u32 s0, $0xA;
	s2 =	sadd.s32 s3, s2  }
0x8d: {  	s2 =	sadd.s32 s2, s18  }
0x8e: {  	[smem:$0x3FC1] =	sst s2  }
0x8f: {  	_ = 	snop  }
0x90: {  	s2 =	sld [smem:$0x3FC9]  }
0x91: {  	s19 =	sld [smem:$0x3FC8]  }
0x92: {  	s4 =	sld [smem:$0x3FC7]  }
0x93: {  	s5 =	sld [smem:$0x3FC6]  }
0x94: {  	s6 =	sld [smem:$0x3FC5]  }
0x95: {  	s7 =	sld [smem:$0x3FC4]  }
0x96: {  	s8 =	sld [smem:$0x3FC3]  }
0x97: {  	s9 =	sld [smem:$0x3FD0];
	(tm) =	ssettm $0x1  }
0x98: {  	s10 =	sld [smem:$0x3FFB];
	_ =	sdelay $0x3  }
0x99: {  	_ =	strace s10  }
0x9a: {  	s10 =	sld [smem:$0x3FFC];
	_ =	sdelay $0x3  }
0x9b: {  	_ =	strace s10  }
0x9c: {  	s10 =	sld [smem:$0x3FFD];
	_ =	sdelay $0x3  }
0x9d: {  	_ =	strace s10  }
0x9e: {  	_ =	strace $0x8FFFFFFF  }
0x9f: {  	s20 =	sld [smem:$0x3FDB];
	_ =	sdelay $0x1  }
0xa0: {  	s11 =	simm.s32 $_scs_section_size  }
0xa1: {  	s12 =	simm.s32 $_size__tile_overlayer_lowered;
	s13 =	simm.s32 $_tile_overlayer_lowered  }
0xa2: {  	s23 =	simm.s32 $0x1BFF;
	s22 =	sshll.u32 s13, $0x1;
	s10 =	sadd.s32 s11, s20  }
0xa3: {  	s14 =	simm.s32 $0x0;
	s21 =	sshll.u32 s12, $0x1;
	s12 =	sadd.s32 s22, s10  }
0xa4: {  	[timem:s14], [sflag:s23] =	dma.local [hbm:s12], s21  }
0xa5: {  	_ =	swait.ge [sflag:s23], s21  }
0xa6: {  	s11 =	ssub.s32 $0x0, s21;
	[sflag:s23] =	ssyncset.done $0x0  }
0xa7: {  	[sflag:s23] =	ssyncadd.s32 s11;
	_ =	sdelay $0x1  }
0xa8: {  	s24 =	simm.s32 $0x1B8B  }
0xa9: {  	_ =	swait.ge [sflag:s24], $0x1  }
0xaa: {  	[sflag:s24] =	ssyncset.done $0x0  }
0xab: {  	s25 =	simm.s32 $0x1B8E;
	[sflag:s24] =	ssyncadd.s32 $0xFFFFFFFF  }
0xac: {  	s26 =	simm.s32 $execute0_lowered;
	[smem:$0x3FD2] =	sst s25  }
0xad: {  	s11 =	sshll.u32 s26, $0x1;
	_ =	strace $0x80000046;
	[dreg:$0x1] =	wrdreg $0xFFFFFFFF  }
0xae: {  	s28 =	simm.s32 $_size_execute0_lowered;
	s10 =	sadd.s32 s10, s11;
	[dreg:$0x0] =	wrdreg $0x0  }
0xaf: {  	s11 =	sshll.u32 s28, $0x1;
	[dreg:$0x2] =	wrdreg s10  }
0xb0: {  	[dreg:$0x3] =	wrdreg s11  }
0xb1: {  	[dreg:$0x4] =	wrdreg $0xC0  }
0xb2: {  	_ =	task [dreg:s14], $0x5FFFF  }
0xb3: {  	[dreg:$0x1] =	wrdreg $0xFFFFFFFF  }
0xb4: {  	[dreg:$0x0] =	wrdreg $0x60  }
0xb5: {  	[dreg:$0x2] =	wrdreg s2  }
0xb6: {  	[dreg:$0x3] =	wrdreg s19  }
0xb7: {  	[dreg:$0x4] =	wrdreg s4  }
0xb8: {  	[dreg:$0x5] =	wrdreg s5  }
0xb9: {  	[dreg:$0x6] =	wrdreg s6  }
0xba: {  	[dreg:$0x7] =	wrdreg s7  }
0xbb: {  	[dreg:$0x8] =	wrdreg s8  }
0xbc: {  	[dreg:$0x9] =	wrdreg s9  }
0xbd: {  	[dreg:$0xa] =	wrdreg $0x9  }
0xbe: {  	_ =	task.clear_ibuf [dreg:s14], $0xBFFFF;
	_ =	strace $0x90000046  }
0xbf: {  	s29 =	simm.s32 $0x9;
	_ =	strace $0x80000048  }
0xc0: {  	_ =	swait.ge [sflag:s29], $0x1  }
0xc1: {  	[sflag:s29] =	ssyncadd.s32 $0xFFFFFFFF  }
0xc2: {  	_ =	strace $0x90000048  }
0xc3: {  	_ =	sfence  }
0xc4: {  	s30 =	sld [smem:$0x0];
	_ =	sdelay $0x2  }
0xc5: {  	s31 =	sshll.u32 s1, $0xD;
	s1 =	sshrl.u32 s1, $0x2  }
0xc6: {  	s3 =	sand.u32 $0x4000, s31;
	s1 =	sadd.s32 s1, s30  }
0xc7: {  	s0 =	sor.u32 s3, s0;
	s1 =	sshll.u32 s1, $0x11  }
0xc8: {  	s0 =	sor.u32 s1, s0  }
0xc9: {  	s0 =	sadd.s32 $0x8F2B, s0  }
0xca: {  	[sflag:s0] =	ssyncadd.remote.s32 $0x1  }
0xcb: {  	_ =	sfence.sel $0xFFFF  }
0xcc: {  	[dreg:$0x0] =	wrdreg $0xFFFFFFFF;
	(pc) =	sbr.abs _section_cstart, $3  }
0xcd: {  	[dreg:$0x1] =	wrdreg $0xFFFFFFFF  }
0xce: {  	_ =	task.clear_ibuf [dreg:s14], $0x2FFFF;
	_ =	strace $0x9FFFFFFF  }
0xcf: {  	(tm) =	ssettm $0x7FFFFFFF  }
tec
execute0_lowered:
.L_overlay_start_1:
0x0: {  	(tag) =	ssettag $0x1  }
0x1: {  	s0 =	rddreg [dreg:$0x0]  }
0x2: {  	s1 =	rddreg [dreg:$0x1]  }
0x3: {  	s2 =	rddreg [dreg:$0x3]  }
0x4: {  	s3 =	rddreg [dreg:$0x4]  }
0x5: {  	s4 =	rddreg [dreg:$0x5]  }
0x6: {  	s5 =	rddreg [dreg:$0x6]  }
0x7: {  	s6 =	rddreg [dreg:$0x7]  }
0x8: {  	s8 =	srdreg.scid;
	s7 =	simm.s32 $0x0;
	s10 =	stileid.u32  }
0x9: {  	s12 =	simm.s32 $0x3;
	s14 =	simm.s32 $0x80;
	s16 =	simm.s32 $0x800  }
0xa: {  	s18 =	simm.s32 $0x8800;
	s19 =	simm.s32 $0x1;
	s21 =	simm.s32 $0x4800  }
0xb: {  	s23 =	simm.s32 $0xC800;
	s28 =	simm.s32 $0x2;
	s17 =	simm.s32 $0x180  }
0xc: {  	s20 =	simm.s32 $0x10980;
	s22 =	simm.s32 $0x380;
	s24 =	simm.s32 $0x10B80  }
0xd: {  	s25 =	simm.s32 $0x10C00;
	s26 =	simm.s32 $0x0;
	s8 =	sand.u32 $0x1, s8  }
0xe: {  	s10 =	sshll.u32 s10, $0x7;
	s9 =	ssub.s32 $0x2, s8;
	s8 =	sshll.u32 s8, $0x6  }
0xf: {  	[smem:$0x7FF] =	sst s7;
	s11 =	sshrl.u32 s9, $0x1;
	s10 =	sor.u32 s8, s10  }
0x10: {  	v0 =	vlaneseq.u32;
	_ =	strace $0x80000047;
	s11 =	ssub.s32 s9, s11;
	s8 =	sadd.s32 s0, s10  }
0x11: {  	v63 =	vmul.u32 $0x80, v0;
	s9 =	sadd.s32 s1, s10;
	s10 =	sadd.s32 s6, s10;
	s11 =	smax.u32 s11, $0x1  }
.LBB2_1:
0x12: {  	[tilespmem:s7], [sflag:$0x3] =	stream.linear.gather [hbm4b:s8+s7], $0x200, $0x38;
	[tilespmem:$0x10E10] =	vst v63  }
0x13: {  	_ =	swait.ge [sflag:s12], $0x200  }
0x14: {  	[sflag:s12] =	ssyncset.done $0x0  }
0x15: {  	s29 =	simm.s32 $0x200;
	[sflag:s12] =	ssyncadd.s32 $0xFFFFFE00  }
0x16: {  	[tilespmem:s29], [sflag:$0x3] =	stream.linear.gather [hbm4b:s9+s7], $0x200, $0x38;
	[tilespmem:$0x10E10] =	vst v63  }
0x17: {  	_ =	swait.ge [sflag:s12], $0x200  }
0x18: {  	[sflag:s12] =	ssyncset.done $0x0  }
0x19: {  	[sflag:s12] =	ssyncadd.s32 $0xFFFFFE00  }
0x1a: {  	s1 =	simm.s32 $0x10E00;
	s0 =	rddreg [dreg:$0x2]  }
0x1b: {  	[tilespmem:s1], [sflag:$0x3] =	stream.linear.gather [hbm4b:s0+s7], $0x10, $0x38;
	[tilespmem:$0x10E10] =	vst v63  }
0x1c: {  	_ =	swait.ge [sflag:s12], $0x10  }
0x1d: {  	[sflag:s12] =	ssyncset.done $0x0  }
0x1e: {  	[sflag:s12] =	ssyncadd.s32 $0xFFFFFFF0  }
0x1f: {  	v1 =	vld [tilespmem:$0x0]  }
0x20: {  	v2 =	vld [tilespmem:$0x200]  }
0x21: {  	v3 =	vld [tilespmem:$0x10]  }
0x22: {  	v4 =	vld [tilespmem:$0x210]  }
0x23: {  	v5 =	vld [tilespmem:$0x20]  }
0x24: {  	v6 =	vld [tilespmem:$0x220];
	v1 =	vand.u32 $0x1FFFF, v1  }
0x25: {  	[tilespmem:$0x400] =	vst v1;
	v1 =	vand.u32 $0x3FFF, v2;
	v2 =	vld [tilespmem:$0x30]  }
0x26: {  	[tilespmem:$0x600] =	vst v1;
	v1 =	vand.u32 $0x1FFFF, v3;
	v3 =	vld [tilespmem:$0x230]  }
0x27: {  	[tilespmem:$0x410] =	vst v1;
	v1 =	vand.u32 $0x3FFF, v4;
	v4 =	vld [tilespmem:$0x40]  }
0x28: {  	[tilespmem:$0x610] =	vst v1;
	v1 =	vand.u32 $0x1FFFF, v5;
	v5 =	vld [tilespmem:$0x240]  }
0x29: {  	[tilespmem:$0x420] =	vst v1;
	v1 =	vand.u32 $0x3FFF, v6;
	v6 =	vld [tilespmem:$0x50]  }
0x2a: {  	[tilespmem:$0x620] =	vst v1;
	v1 =	vand.u32 $0x1FFFF, v2;
	v2 =	vld [tilespmem:$0x250]  }
0x2b: {  	[tilespmem:$0x430] =	vst v1;
	v1 =	vand.u32 $0x3FFF, v3;
	v3 =	vld [tilespmem:$0x60]  }
0x2c: {  	[tilespmem:$0x630] =	vst v1;
	v1 =	vand.u32 $0x1FFFF, v4;
	v4 =	vld [tilespmem:$0x260]  }
0x2d: {  	[tilespmem:$0x440] =	vst v1;
	v1 =	vand.u32 $0x3FFF, v5;
	v5 =	vld [tilespmem:$0x70]  }
0x2e: {  	[tilespmem:$0x640] =	vst v1;
	v1 =	vand.u32 $0x1FFFF, v6;
	v6 =	vld [tilespmem:$0x270]  }
0x2f: {  	[tilespmem:$0x450] =	vst v1;
	v1 =	vand.u32 $0x3FFF, v2;
	v2 =	vld [tilespmem:$0x80]  }
0x30: {  	[tilespmem:$0x650] =	vst v1;
	v1 =	vand.u32 $0x1FFFF, v3;
	v3 =	vld [tilespmem:$0x280]  }
0x31: {  	[tilespmem:$0x460] =	vst v1;
	v1 =	vand.u32 $0x3FFF, v4;
	v4 =	vld [tilespmem:$0x90]  }
0x32: {  	[tilespmem:$0x660] =	vst v1;
	v1 =	vand.u32 $0x1FFFF, v5;
	v5 =	vld [tilespmem:$0x290]  }
0x33: {  	[tilespmem:$0x470] =	vst v1;
	v1 =	vand.u32 $0x3FFF, v6;
	v6 =	vld [tilespmem:$0xA0]  }
0x34: {  	[tilespmem:$0x670] =	vst v1;
	v1 =	vand.u32 $0x1FFFF, v2;
	v2 =	vld [tilespmem:$0x2A0]  }
0x35: {  	[tilespmem:$0x480] =	vst v1;
	v1 =	vand.u32 $0x3FFF, v3;
	v3 =	vld [tilespmem:$0xB0]  }
0x36: {  	[tilespmem:$0x680] =	vst v1;
	v1 =	vand.u32 $0x1FFFF, v4;
	v4 =	vld [tilespmem:$0x2B0]  }
0x37: {  	[tilespmem:$0x490] =	vst v1;
	v1 =	vand.u32 $0x3FFF, v5;
	v5 =	vld [tilespmem:$0xC0]  }
0x38: {  	[tilespmem:$0x690] =	vst v1;
	v1 =	vand.u32 $0x1FFFF, v6;
	v6 =	vld [tilespmem:$0x2C0]  }
0x39: {  	[tilespmem:$0x4A0] =	vst v1;
	v1 =	vand.u32 $0x3FFF, v2;
	v2 =	vld [tilespmem:$0xD0]  }
0x3a: {  	[tilespmem:$0x6A0] =	vst v1;
	v1 =	vand.u32 $0x1FFFF, v3;
	v3 =	vld [tilespmem:$0x2D0]  }
0x3b: {  	[tilespmem:$0x4B0] =	vst v1;
	v1 =	vand.u32 $0x3FFF, v4;
	v4 =	vld [tilespmem:$0xE0]  }
0x3c: {  	[tilespmem:$0x6B0] =	vst v1;
	v1 =	vand.u32 $0x1FFFF, v5;
	v5 =	vld [tilespmem:$0x2E0]  }
0x3d: {  	[tilespmem:$0x4C0] =	vst v1;
	v1 =	vand.u32 $0x3FFF, v6;
	v6 =	vld [tilespmem:$0xF0]  }
0x3e: {  	[tilespmem:$0x6C0] =	vst v1;
	v1 =	vand.u32 $0x1FFFF, v2;
	v2 =	vld [tilespmem:$0x2F0]  }
0x3f: {  	[tilespmem:$0x4D0] =	vst v1;
	v1 =	vand.u32 $0x3FFF, v3;
	v3 =	vld [tilespmem:$0x100]  }
0x40: {  	[tilespmem:$0x6D0] =	vst v1;
	v1 =	vand.u32 $0x1FFFF, v4;
	v4 =	vld [tilespmem:$0x300]  }
0x41: {  	[tilespmem:$0x4E0] =	vst v1;
	v1 =	vand.u32 $0x3FFF, v5;
	v5 =	vld [tilespmem:$0x110]  }
0x42: {  	[tilespmem:$0x6E0] =	vst v1;
	v1 =	vand.u32 $0x1FFFF, v6;
	v6 =	vld [tilespmem:$0x310]  }
0x43: {  	[tilespmem:$0x4F0] =	vst v1;
	v1 =	vand.u32 $0x3FFF, v2;
	v2 =	vld [tilespmem:$0x120]  }
0x44: {  	[tilespmem:$0x6F0] =	vst v1;
	v1 =	vand.u32 $0x1FFFF, v3;
	v3 =	vld [tilespmem:$0x320]  }
0x45: {  	[tilespmem:$0x500] =	vst v1;
	v1 =	vand.u32 $0x3FFF, v4;
	v4 =	vld [tilespmem:$0x130]  }
0x46: {  	[tilespmem:$0x700] =	vst v1;
	v1 =	vand.u32 $0x1FFFF, v5;
	v5 =	vld [tilespmem:$0x330]  }
0x47: {  	[tilespmem:$0x510] =	vst v1;
	v1 =	vand.u32 $0x3FFF, v6;
	v6 =	vld [tilespmem:$0x140]  }
0x48: {  	[tilespmem:$0x710] =	vst v1;
	v1 =	vand.u32 $0x1FFFF, v2;
	v2 =	vld [tilespmem:$0x340]  }
0x49: {  	[tilespmem:$0x520] =	vst v1;
	v1 =	vand.u32 $0x3FFF, v3;
	v3 =	vld [tilespmem:$0x150]  }
0x4a: {  	[tilespmem:$0x720] =	vst v1;
	v1 =	vand.u32 $0x1FFFF, v4;
	v4 =	vld [tilespmem:$0x350]  }
0x4b: {  	[tilespmem:$0x530] =	vst v1;
	v1 =	vand.u32 $0x3FFF, v5;
	v5 =	vld [tilespmem:$0x160]  }
0x4c: {  	[tilespmem:$0x730] =	vst v1;
	v1 =	vand.u32 $0x1FFFF, v6;
	v6 =	vld [tilespmem:$0x360]  }
0x4d: {  	[tilespmem:$0x540] =	vst v1;
	v1 =	vand.u32 $0x3FFF, v2;
	v2 =	vld [tilespmem:$0x170]  }
0x4e: {  	[tilespmem:$0x740] =	vst v1;
	v1 =	vand.u32 $0x1FFFF, v3;
	v3 =	vld [tilespmem:$0x370]  }
0x4f: {  	[tilespmem:$0x550] =	vst v1;
	v1 =	vand.u32 $0x3FFF, v4;
	v4 =	vld [tilespmem:$0x180]  }
0x50: {  	[tilespmem:$0x750] =	vst v1;
	v1 =	vand.u32 $0x1FFFF, v5;
	v5 =	vld [tilespmem:$0x380]  }
0x51: {  	[tilespmem:$0x560] =	vst v1;
	v1 =	vand.u32 $0x3FFF, v6;
	v6 =	vld [tilespmem:$0x190]  }
0x52: {  	[tilespmem:$0x760] =	vst v1;
	v1 =	vand.u32 $0x1FFFF, v2;
	v2 =	vld [tilespmem:$0x390]  }
0x53: {  	[tilespmem:$0x570] =	vst v1;
	v1 =	vand.u32 $0x3FFF, v3;
	v3 =	vld [tilespmem:$0x1A0]  }
0x54: {  	[tilespmem:$0x770] =	vst v1;
	v1 =	vand.u32 $0x1FFFF, v4;
	v4 =	vld [tilespmem:$0x3A0]  }
0x55: {  	[tilespmem:$0x580] =	vst v1;
	v1 =	vand.u32 $0x3FFF, v5;
	v5 =	vld [tilespmem:$0x1B0]  }
0x56: {  	[tilespmem:$0x780] =	vst v1;
	v1 =	vand.u32 $0x1FFFF, v6;
	v6 =	vld [tilespmem:$0x3B0]  }
0x57: {  	[tilespmem:$0x590] =	vst v1;
	v1 =	vand.u32 $0x3FFF, v2;
	v2 =	vld [tilespmem:$0x1C0]  }
0x58: {  	[tilespmem:$0x790] =	vst v1;
	v1 =	vand.u32 $0x1FFFF, v3;
	v3 =	vld [tilespmem:$0x3C0]  }
0x59: {  	[tilespmem:$0x5A0] =	vst v1;
	v1 =	vand.u32 $0x3FFF, v4;
	v4 =	vld [tilespmem:$0x1D0]  }
0x5a: {  	[tilespmem:$0x7A0] =	vst v1;
	v1 =	vand.u32 $0x1FFFF, v5;
	v5 =	vld [tilespmem:$0x3D0]  }
0x5b: {  	[tilespmem:$0x5B0] =	vst v1;
	v1 =	vand.u32 $0x3FFF, v6;
	v6 =	vld [tilespmem:$0x1E0]  }
0x5c: {  	[tilespmem:$0x7B0] =	vst v1;
	v1 =	vand.u32 $0x1FFFF, v2;
	v2 =	vld [tilespmem:$0x3E0]  }
0x5d: {  	[tilespmem:$0x5C0] =	vst v1;
	v1 =	vand.u32 $0x3FFF, v3;
	v3 =	vld [tilespmem:$0x1F0]  }
0x5e: {  	[tilespmem:$0x7C0] =	vst v1;
	v1 =	vand.u32 $0x1FFFF, v4;
	v4 =	vld [tilespmem:$0x3F0]  }
0x5f: {  	[tilespmem:$0x5D0] =	vst v1;
	v1 =	vand.u32 $0x3FFF, v5  }
0x60: {  	[tilespmem:$0x7D0] =	vst v1;
	v1 =	vand.u32 $0x1FFFF, v6  }
0x61: {  	[tilespmem:$0x5E0] =	vst v1;
	v1 =	vand.u32 $0x3FFF, v2  }
0x62: {  	[tilespmem:$0x7E0] =	vst v1;
	v1 =	vand.u32 $0x1FFFF, v3  }
0x63: {  	[tilespmem:$0x5F0] =	vst v1;
	v1 =	vand.u32 $0x3FFF, v4  }
0x64: {  	s6 =	simm.s32 $0x400;
	[tilespmem:$0x7F0] =	vst v1  }
0x65: {  	v0 =	vld [tilespmem:$0x10E00];
	[tilespmem:s16], [sflag:$0x1] =	stream.indirect.gather [hbm4b:s4+s14], $0x80, s6, s14, $0xb8  }
0x66: {  	s13 =	simm.s32 $0x600  }
0x67: {  	[tilespmem:s18], [sflag:$0x1] =	stream.indirect.gather [hbm4b:s5+s14], $0x80, s13, s14, $0xb8;
	[tilespmem:$0x10E10] =	vst v63  }
0x68: {  	s30 =	simm.s32 $0x10800  }
0x69: {  	[tilespmem:s30], [sflag:$0x1] =	stream.indirect.gather [hbm4b:s2+s14], $0x1, s7, s14, $0xb8;
	[tilespmem:$0x10E10] =	vst v63  }
0x6a: {  	s0 =	simm.s32 $0x10A00  }
0x6b: {  	[tilespmem:s0], [sflag:$0x1] =	stream.indirect.gather [hbm4b:s3+s14], $0x1, s29, s14, $0xb8;
	[tilespmem:$0x10E10] =	vst v63  }
0x6c: {  	_ =	swait.ge [sflag:s19], $0x4000  }
0x6d: {  	[sflag:s19] =	ssyncset.done $0x0  }
0x6e: {  	[sflag:s19] =	ssyncadd.s32 $0xFFFFC000  }
0x6f: {  	_ =	swait.ge [sflag:s19], $0x4000  }
0x70: {  	[sflag:s19] =	ssyncset.done $0x0  }
0x71: {  	[sflag:s19] =	ssyncadd.s32 $0xFFFFC000  }
0x72: {  	_ =	swait.ge [sflag:s19], $0x80  }
0x73: {  	[sflag:s19] =	ssyncset.done $0x0  }
0x74: {  	[sflag:s19] =	ssyncadd.s32 $0xFFFFFF80  }
0x75: {  	_ =	swait.ge [sflag:s19], $0x80  }
0x76: {  	[sflag:s19] =	ssyncset.done $0x0  }
0x77: {  	s15 =	simm.s32 $0x480;
	[sflag:s19] =	ssyncadd.s32 $0xFFFFFF80  }
0x78: {  	[tilespmem:s21], [sflag:$0x2] =	stream.indirect.gather [hbm4b:s4+s14], $0x80, s15, s14, $0xb8;
	[tilespmem:$0x10E10] =	vst v63  }
0x79: {  	s6 =	simm.s32 $0x680  }
0x7a: {  	[tilespmem:s23], [sflag:$0x2] =	stream.indirect.gather [hbm4b:s5+s14], $0x80, s6, s14, $0xb8;
	[tilespmem:$0x10E10] =	vst v63  }
0x7b: {  	s13 =	simm.s32 $0x10880  }
0x7c: {  	[tilespmem:s13], [sflag:$0x2] =	stream.indirect.gather [hbm4b:s2+s14], $0x1, s14, s14, $0xb8;
	[tilespmem:$0x10E10] =	vst v63  }
0x7d: {  	s15 =	simm.s32 $0x280;
	s6 =	simm.s32 $0x10A80  }
0x7e: {  	[tilespmem:s6], [sflag:$0x2] =	stream.indirect.gather [hbm4b:s3+s14], $0x1, s15, s14, $0xb8;
	[tilespmem:$0x10E10] =	vst v63  }
0x7f: {  	v2 =	vld [tilespmem:s29+$0x0]  }
0x80: {  	v3 =	vld [tilespmem:s7+$0x0];
	_ =	sdelay $0x2  }
0x81: {  	v4 =	vmov s7  }
0x82: {  	v4 =	vshll.u32 v4, $0x7;
	v10 =	vld [tilespmem:s0+$0x0];
	v5 =	vshrl.u32 v2, $0x9  }
0x83: {  	v4 =	vor.u32 v63, v4;
	v11 =	vld [tilespmem:s30+$0x0];
	v6 =	vshrl.u32 v3, $0xC;
	v5 =	vand.u32 $0x60, v5  }
0x84: {  	v6 =	vand.u32 $0x60, v6;
	v5 =	vor.u32 v4, v5  }
0x85: {  	v4 =	vor.u32 v4, v6  }
0x86: {  	v6 =	vor.u32 $0x1, v5  }
0x87: {  	v2 =	vshra.s32 v2, $0xC;
	v8 =	vor.u32 $0x1, v4  }
0x88: {  	v3 =	vshra.s32 v3, $0xF;
	v10 =	vadd.f32 v10, v11;
	v9 =	vor.u32 $0x2, v5  }
0x89: {  	v2 =	vand.u32 $0xFFFFFFF0, v2;
	v3 =	vand.u32 $0xFFFFFFF0, v3;
	v12 =	vor.u32 $0x2, v4;
	v7 =	vld.idx.msk [tilespmem:v5+s18+$0x0], $0xffff  }
0x8a: {  	v10 =	vadd.f32 v10, v0;
	v14 =	vor.u32 $0x4, v5;
	v15 =	vor.u32 $0x3, v5;
	v13 =	vld.idx.msk [tilespmem:v4+s16+$0x0], $0xffff  }
0x8b: {  	v16 =	vor.u32 $0x5, v5;
	v17 =	vor.u32 $0x4, v4;
	v37 =	vor.u32 $0x3, v4;
	v6 =	vld.idx.msk [tilespmem:v6+s18+$0x0], $0xffff  }
0x8c: {  	v18 =	vor.u32 $0x5, v4;
	v39 =	vor.u32 $0x6, v4;
	v41 =	vor.u32 $0x6, v5;
	v8 =	vld.idx.msk [tilespmem:v8+s16+$0x0], $0xffff  }
0x8d: {  	v42 =	vor.u32 $0x7, v5;
	v44 =	vor.u32 $0x8, v5;
	v45 =	vor.u32 $0x7, v4;
	v9 =	vld.idx.msk [tilespmem:v9+s18+$0x0], $0xffff  }
0x8e: {  	v46 =	vor.u32 $0x9, v5;
	v47 =	vor.u32 $0x9, v4;
	v49 =	vor.u32 $0xA, v5;
	v12 =	vld.idx.msk [tilespmem:v12+s16+$0x0], $0xffff  }
0x8f: {  	v50 =	vor.u32 $0xA, v4;
	v51 =	vor.u32 $0xB, v5;
	v53 =	vor.u32 $0xB, v4;
	v15 =	vld.idx.msk [tilespmem:v15+s18+$0x0], $0xffff  }
0x90: {  	v54 =	vor.u32 $0xC, v5;
	v55 =	vor.u32 $0xC, v4;
	v57 =	vor.u32 $0xD, v5;
	v38 =	vld.idx.msk [tilespmem:v14+s18+$0x0], $0xffff  }
0x91: {  	v58 =	vor.u32 $0xD, v4;
	v59 =	vor.u32 $0xE, v5;
	v61 =	vor.u32 $0xE, v4;
	v11 =	vld.idx.msk [tilespmem:v37+s16+$0x0], $0xffff  }
0x92: {  	v62 =	vor.u32 $0xF, v4;
	v22 =	vor.u32 $0x10, v5;
	v23 =	vor.u32 $0x10, v4;
	v40 =	vld.idx.msk [tilespmem:v17+s16+$0x0], $0xffff  }
0x93: {  	v24 =	vor.u32 $0x11, v5;
	v26 =	vor.u32 $0x11, v4;
	v27 =	vor.u32 $0x12, v5;
	v43 =	vld.idx.msk [tilespmem:v18+s16+$0x0], $0xffff  }
0x94: {  	v28 =	vor.u32 $0x12, v4;
	v30 =	vor.u32 $0x13, v5;
	v31 =	vor.u32 $0x13, v4;
	v16 =	vld.idx.msk [tilespmem:v16+s18+$0x0], $0xffff  }
0x95: {  	v32 =	vor.u32 $0x14, v5;
	v34 =	vor.u32 $0x14, v4;
	v35 =	vor.u32 $0x15, v5;
	v14 =	vld.idx.msk [tilespmem:v41+s18+$0x0], $0xffff  }
0x96: {  	v36 =	vor.u32 $0x15, v4;
	v18 =	vld.idx.msk [tilespmem:v45+s16+$0x0], $0xffff;
	v37 =	vor.u32 $0x16, v5;
	v41 =	vor.u32 $0x17, v4  }
0x97: {  	v17 =	vld.idx.msk [tilespmem:v44+s18+$0x0], $0xffff;
	v44 =	vor.u32 $0x19, v5;
	v45 =	vor.u32 $0x1A, v5;
	v13 =	vshra.s32 v13, v3  }
0x98: {  	v7 =	vshra.s32 v7, v2;
	v6 =	vshra.s32 v6, v2;
	v13 =	vshll.u32 v13, $0x10  }
0x99: {  	v7 =	vshll.u32 v7, $0x10;
	v8 =	vshra.s32 v8, v3;
	v9 =	vshra.s32 v9, v2  }
0x9a: {  	v12 =	vshra.s32 v12, v3;
	v15 =	vshra.s32 v15, v2;
	v11 =	vshra.s32 v11, v3  }
0x9b: {  	v16 =	vshra.s32 v16, v2;
	v14 =	vshra.s32 v14, v2;
	v7 =	vmul.f32 v7, v13  }
0x9c: {  	v52 =	vshra.s32 v18, v3;
	v8 =	vshll.u32 v8, $0x10;
	v6 =	vshll.u32 v6, $0x10  }
0x9d: {  	v17 =	vshra.s32 v17, v2;
	v6 =	vmul.f32 v6, v8;
	v7 =	vadd.f32 v7, v10  }
0x9e: {  	v12 =	vshll.u32 v12, $0x10;
	v9 =	vshll.u32 v9, $0x10;
	v15 =	vshll.u32 v15, $0x10  }
0x9f: {  	v18 =	vld.idx.msk [tilespmem:v53+s16+$0x0], $0xffff;
	v13 =	vshra.s32 v38, v2;
	v6 =	vadd.f32 v6, v7;
	v7 =	vmul.f32 v9, v12  }
0xa0: {  	v11 =	vshll.u32 v11, $0x10;
	v48 =	vshll.u32 v16, $0x10;
	v14 =	vshll.u32 v14, $0x10;
	v16 =	vld.idx.msk [tilespmem:v49+s18+$0x0], $0xffff  }
0xa1: {  	v56 =	vshll.u32 v17, $0x10;
	v8 =	vld.idx.msk [tilespmem:v39+s16+$0x0], $0xffff;
	v6 =	vadd.f32 v7, v6;
	v7 =	vor.u32 $0x8, v4  }
0xa2: {  	v38 =	vor.u32 $0x16, v4;
	v11 =	vmul.f32 v15, v11;
	v15 =	vld.idx.msk [tilespmem:v46+s18+$0x0], $0xffff;
	v10 =	vshra.s32 v40, v3  }
0xa3: {  	v17 =	vld.idx.msk [tilespmem:v57+s18+$0x0], $0xffff;
	v49 =	vor.u32 $0x1A, v4;
	v13 =	vshll.u32 v13, $0x10;
	v10 =	vshll.u32 v10, $0x10  }
0xa4: {  	v39 =	vor.u32 $0x17, v5;
	v9 =	vld.idx.msk [tilespmem:v42+s18+$0x0], $0xffff;
	v10 =	vmul.f32 v13, v10;
	v12 =	vshra.s32 v43, v3  }
0xa5: {  	v13 =	vld.idx.msk [tilespmem:v47+s16+$0x0], $0xffff;
	v18 =	vshra.s32 v18, v3;
	v12 =	vshll.u32 v12, $0x10;
	v6 =	vadd.f32 v11, v6  }
0xa6: {  	v60 =	vshra.s32 v16, v2;
	v21 =	vshll.u32 v18, $0x10;
	v8 =	vshra.s32 v8, v3;
	v7 =	vld.idx.msk [tilespmem:v7+s16+$0x0], $0xffff  }
0xa7: {  	v16 =	vld.idx.msk [tilespmem:v61+s16+$0x0], $0xffff;
	v15 =	vshra.s32 v15, v2;
	v11 =	vmul.f32 v48, v12;
	v6 =	vadd.f32 v10, v6  }
0xa8: {  	v25 =	vshra.s32 v17, v2;
	v18 =	vld.idx.msk [tilespmem:v22+s18+$0x0], $0xffff;
	v8 =	vshll.u32 v8, $0x10;
	v15 =	vshll.u32 v15, $0x10  }
0xa9: {  	v8 =	vmul.f32 v14, v8;
	v12 =	vld.idx.msk [tilespmem:v50+s16+$0x0], $0xffff;
	v9 =	vshra.s32 v9, v2;
	v6 =	vadd.f32 v11, v6  }
0xaa: {  	v14 =	vshll.u32 v52, $0x10;
	v13 =	vshra.s32 v13, v3;
	v9 =	vshll.u32 v9, $0x10  }
0xab: {  	v10 =	vld.idx.msk [tilespmem:v51+s18+$0x0], $0xffff;
	v9 =	vmul.f32 v9, v14;
	v6 =	vadd.f32 v8, v6;
	v7 =	vshra.s32 v7, v3  }
0xac: {  	v13 =	vshll.u32 v13, $0x10;
	v16 =	vshra.s32 v16, v3;
	v14 =	vld.idx.msk [tilespmem:v55+s16+$0x0], $0xffff;
	v7 =	vshll.u32 v7, $0x10  }
0xad: {  	v33 =	vshra.s32 v18, v2;
	v11 =	vld.idx.msk [tilespmem:v54+s18+$0x0], $0xffff;
	v6 =	vadd.f32 v9, v6;
	v7 =	vmul.f32 v56, v7  }
0xae: {  	v13 =	vmul.f32 v15, v13;
	v15 =	vshll.u32 v60, $0x10;
	v12 =	vshra.s32 v12, v3;
	v8 =	vld.idx.msk [tilespmem:v58+s16+$0x0], $0xffff  }
0xaf: {  	v17 =	vld.idx.msk [tilespmem:v26+s16+$0x0], $0xffff;
	v12 =	vshll.u32 v12, $0x10;
	v6 =	vadd.f32 v7, v6;
	v7 =	vor.u32 $0xF, v5  }
0xb0: {  	v18 =	vld.idx.msk [tilespmem:v34+s16+$0x0], $0xffff;
	v29 =	vshll.u32 v16, $0x10;
	v12 =	vmul.f32 v15, v12;
	v10 =	vshra.s32 v10, v2  }
0xb1: {  	v16 =	vld.idx.msk [tilespmem:v30+s18+$0x0], $0xffff;
	v10 =	vshll.u32 v10, $0x10;
	v14 =	vshra.s32 v14, v3;
	v6 =	vadd.f32 v13, v6  }
0xb2: {  	v9 =	vld.idx.msk [tilespmem:v59+s18+$0x0], $0xffff;
	v10 =	vmul.f32 v10, v21;
	v11 =	vshra.s32 v11, v2;
	v14 =	vshll.u32 v14, $0x10  }
0xb3: {  	v15 =	vld.idx.msk [tilespmem:v62+s16+$0x0], $0xffff;
	v11 =	vshll.u32 v11, $0x10;
	v8 =	vshra.s32 v8, v3;
	v6 =	vadd.f32 v12, v6  }
0xb4: {  	v11 =	vmul.f32 v11, v14;
	v14 =	vshll.u32 v25, $0x10;
	v8 =	vshll.u32 v8, $0x10;
	v7 =	vld.idx.msk [tilespmem:v7+s18+$0x0], $0xffff  }
0xb5: {  	v46 =	vor.u32 $0x19, v4;
	v8 =	vmul.f32 v14, v8;
	v14 =	vld.idx.msk [tilespmem:v28+s16+$0x0], $0xffff;
	v6 =	vadd.f32 v10, v6  }
0xb6: {  	v42 =	vor.u32 $0x18, v4;
	v48 =	vor.u32 $0x1B, v5;
	v17 =	vshra.s32 v17, v3;
	v13 =	vld.idx.msk [tilespmem:v23+s16+$0x0], $0xffff  }
0xb7: {  	v18 =	vshra.s32 v18, v3;
	v9 =	vshra.s32 v9, v2;
	v6 =	vadd.f32 v11, v6  }
0xb8: {  	v40 =	vshra.s32 v16, v2;
	v15 =	vshra.s32 v15, v3;
	v9 =	vshll.u32 v9, $0x10;
	v12 =	vld.idx.msk [tilespmem:v24+s18+$0x0], $0xffff  }
0xb9: {  	v9 =	vmul.f32 v9, v29;
	v10 =	vld.idx.msk [tilespmem:v27+s18+$0x0], $0xffff;
	v7 =	vshra.s32 v7, v2;
	v6 =	vadd.f32 v8, v6  }
0xba: {  	v15 =	vshll.u32 v15, $0x10;
	v14 =	vshra.s32 v14, v3;
	v7 =	vshll.u32 v7, $0x10  }
0xbb: {  	v13 =	vshra.s32 v13, v3;
	v7 =	vmul.f32 v7, v15;
	v6 =	vadd.f32 v9, v6  }
0xbc: {  	v14 =	vshll.u32 v14, $0x10;
	v13 =	vshll.u32 v13, $0x10;
	v11 =	vld.idx.msk [tilespmem:v31+s16+$0x0], $0xffff;
	v15 =	vshll.u32 v33, $0x10  }
0xbd: {  	v12 =	vshra.s32 v12, v2;
	v8 =	vld.idx.msk [tilespmem:v32+s18+$0x0], $0xffff;
	v13 =	vmul.f32 v15, v13;
	v6 =	vadd.f32 v7, v6  }
0xbe: {  	v16 =	vld.idx.msk [tilespmem:v41+s16+$0x0], $0xffff;
	v12 =	vshll.u32 v12, $0x10;
	v10 =	vshra.s32 v10, v2;
	v7 =	vshll.u32 v17, $0x10  }
0xbf: {  	v10 =	vshll.u32 v10, $0x10;
	v9 =	vld.idx.msk [tilespmem:v35+s18+$0x0], $0xffff;
	v7 =	vmul.f32 v12, v7;
	v6 =	vadd.f32 v13, v6  }
0xc0: {  	v50 =	vor.u32 $0x1B, v4;
	v43 =	vshll.u32 v18, $0x10;
	v10 =	vmul.f32 v10, v14;
	v15 =	vld.idx.msk [tilespmem:v36+s16+$0x0], $0xffff  }
0xc1: {  	v11 =	vshra.s32 v11, v3;
	v17 =	vld.idx.msk [tilespmem:v37+s18+$0x0], $0xffff;
	v6 =	vadd.f32 v7, v6;
	v7 =	vor.u32 $0x18, v5  }
0xc2: {  	v14 =	vshll.u32 v40, $0x10;
	v11 =	vshll.u32 v11, $0x10;
	v12 =	vld.idx.msk [tilespmem:v38+s16+$0x0], $0xffff;
	v8 =	vshra.s32 v8, v2  }
0xc3: {  	v11 =	vmul.f32 v14, v11;
	v8 =	vshll.u32 v8, $0x10;
	v6 =	vadd.f32 v10, v6  }
0xc4: {  	v52 =	vor.u32 $0x1C, v5;
	v16 =	vshra.s32 v16, v3;
	v13 =	vld.idx.msk [tilespmem:v39+s18+$0x0], $0xffff;
	v8 =	vmul.f32 v8, v43  }
0xc5: {  	v14 =	vld.idx.msk [tilespmem:v42+s16+$0x0], $0xffff;
	v9 =	vshra.s32 v9, v2;
	v15 =	vshra.s32 v15, v3;
	v6 =	vadd.f32 v11, v6  }
0xc6: {  	v9 =	vshll.u32 v9, $0x10;
	v15 =	vshll.u32 v15, $0x10;
	v47 =	vshra.s32 v17, v2;
	v7 =	vld.idx.msk [tilespmem:v7+s18+$0x0], $0xffff  }
0xc7: {  	v9 =	vmul.f32 v9, v15;
	v12 =	vshra.s32 v12, v3;
	v6 =	vadd.f32 v8, v6  }
0xc8: {  	v18 =	vld.idx.msk [tilespmem:v44+s18+$0x0], $0xffff;
	v51 =	vshll.u32 v16, $0x10;
	v15 =	vshll.u32 v47, $0x10;
	v12 =	vshll.u32 v12, $0x10  }
0xc9: {  	v16 =	vld.idx.msk [tilespmem:v52+s18+$0x0], $0xffff;
	v13 =	vshra.s32 v13, v2;
	v12 =	vmul.f32 v15, v12;
	v6 =	vadd.f32 v9, v6  }
0xca: {  	v53 =	vor.u32 $0x1C, v4;
	v17 =	vld.idx.msk [tilespmem:v48+s18+$0x0], $0xffff;
	v14 =	vshra.s32 v14, v3;
	v13 =	vshll.u32 v13, $0x10  }
0xcb: {  	v10 =	vld.idx.msk [tilespmem:v45+s18+$0x0], $0xffff;
	v9 =	vmul.f32 v13, v51;
	v7 =	vshra.s32 v7, v2;
	v6 =	vadd.f32 v12, v6  }
0xcc: {  	v54 =	vor.u32 $0x1D, v5;
	v14 =	vshll.u32 v14, $0x10;
	v11 =	vld.idx.msk [tilespmem:v46+s16+$0x0], $0xffff;
	v7 =	vshll.u32 v7, $0x10  }
0xcd: {  	v55 =	vor.u32 $0x1D, v4;
	v15 =	vld.idx.msk [tilespmem:v50+s16+$0x0], $0xffff;
	v7 =	vmul.f32 v7, v14;
	v6 =	vadd.f32 v9, v6  }
0xce: {  	v56 =	vor.u32 $0x1F, v5;
	v5 =	vor.u32 $0x1E, v5;
	v8 =	vld.idx.msk [tilespmem:v49+s16+$0x0], $0xffff  }
0xcf: {  	v6 =	vadd.f32 v7, v6;
	v7 =	vor.u32 $0x1E, v4  }
0xd0: {  	v18 =	vshra.s32 v18, v2;
	v13 =	vld.idx.msk [tilespmem:v53+s16+$0x0], $0xffff;
	v4 =	vor.u32 $0x1F, v4  }
0xd1: {  	v18 =	vshll.u32 v18, $0x10;
	v59 =	vshra.s32 v16, v2;
	v11 =	vshra.s32 v11, v3;
	v12 =	vld.idx.msk [tilespmem:v54+s18+$0x0], $0xffff  }
0xd2: {  	v57 =	vshra.s32 v17, v2;
	v10 =	vshra.s32 v10, v2;
	v11 =	vshll.u32 v11, $0x10;
	v14 =	vld.idx.msk [tilespmem:v55+s16+$0x0], $0xffff  }
0xd3: {  	v5 =	vld.idx.msk [tilespmem:v5+s18+$0x0], $0xffff;
	v15 =	vshra.s32 v15, v3;
	v8 =	vshra.s32 v8, v3;
	v11 =	vmul.f32 v18, v11  }
0xd4: {  	v10 =	vshll.u32 v10, $0x10;
	v58 =	vshll.u32 v15, $0x10;
	v8 =	vshll.u32 v8, $0x10;
	v7 =	vld.idx.msk [tilespmem:v7+s16+$0x0], $0xffff  }
0xd5: {  	v8 =	vmul.f32 v10, v8;
	v10 =	vshll.u32 v57, $0x10;
	v6 =	vadd.f32 v11, v6;
	v4 =	vld.idx.msk [tilespmem:v4+s16+$0x0], $0xffff  }
0xd6: {  	v9 =	vld.idx.msk [tilespmem:v56+s18+$0x0], $0xffff;
	v60 =	vshra.s32 v13, v3;
	v10 =	vmul.f32 v10, v58;
	v12 =	vshra.s32 v12, v2  }
0xd7: {  	v11 =	vshll.u32 v60, $0x10;
	v61 =	vshra.s32 v14, v3;
	v6 =	vadd.f32 v8, v6  }
0xd8: {  	v12 =	vshll.u32 v12, $0x10;
	v8 =	vshll.u32 v59, $0x10;
	v13 =	vshll.u32 v61, $0x10  }
0xd9: {  	v8 =	vmul.f32 v8, v11;
	v62 =	vmul.f32 v12, v13;
	v6 =	vadd.f32 v10, v6  }
0xda: {  	v7 =	vshra.s32 v7, v3;
	v3 =	vshra.s32 v4, v3;
	v4 =	vshra.s32 v5, v2  }
0xdb: {  	v2 =	vshra.s32 v9, v2;
	v5 =	vadd.f32 v8, v6;
	v6 =	vshll.u32 v7, $0x10  }
0xdc: {  	s31 =	simm.s32 $0x10;
	s1 =	simm.s32 $0x10C10;
	v4 =	vshll.u32 v4, $0x10;
	v7 =	vshll.u32 v3, $0x10;
	v2 =	vshll.u32 v2, $0x10  }
0xdd: {  	[tilespmem:$0x1FFF0] =	vst v0;
	s13 =	simm.s32 $0x0;
	s6 =	simm.s32 $0x10C00;
	s0 =	simm.s32 $0x10A10;
	v3 =	vmul.f32 v4, v6;
	v2 =	vmul.f32 v2, v7;
	v4 =	vadd.f32 v62, v5  }
.LBB2_2:
0xde: {  	_ = 	snop  }
0xdf: {  	v3 =	vadd.f32 v3, v4;
	_ =	sdelay $0x1  }
0xe0: {  	v2 =	vadd.f32 v2, v3  }
0xe1: {  	s15 =	smov.u32 s31  }
0xe2: {  	s29 =	sadd.s32 $0x10, s29;
	v3 =	vmov s15;
	[tilespmem:s6+$0x0] =	vst v2  }
0xe3: {  	s13 =	sadd.s32 $0x10, s13;
	v2 =	vshll.u32 v3, $0x7;
	v3 =	vld [tilespmem:s29+$0x0]  }
0xe4: {  	v16 =	vld [tilespmem:s13+$0x0]  }
0xe5: {  	s30 =	sadd.s32 $0x10, s30;
	v60 =	vld [tilespmem:s0+$0x0]  }
0xe6: {  	v31 =	vld [tilespmem:s30+$0x0];
	_ =	sdelay $0x1  }
0xe7: {  	v1 =	vld [tilespmem:$0x1FFF0];
	_ =	sdelay $0x1  }
0xe8: {  	v9 =	vor.u32 v63, v2;
	v2 =	vshrl.u32 v3, $0x9;
	v4 =	vshra.s32 v3, $0xC  }
0xe9: {  	v19 =	vshrl.u32 v16, $0xC;
	v60 =	vadd.f32 v60, v31;
	v2 =	vand.u32 $0x60, v2  }
0xea: {  	v22 =	vshra.s32 v16, $0xF;
	v59 =	vand.u32 $0x60, v19;
	v10 =	vor.u32 v9, v2  }
0xeb: {  	v2 =	vand.u32 $0xFFFFFFF0, v4;
	v9 =	vor.u32 v9, v59;
	v60 =	vadd.f32 v60, v1  }
0xec: {  	v25 =	vor.u32 $0x10, v10;
	v23 =	vor.u32 $0x11, v10;
	v11 =	vor.u32 $0x18, v10  }
0xed: {  	v18 =	vor.u32 $0x13, v10;
	v17 =	vor.u32 $0x14, v10;
	v15 =	vor.u32 $0x15, v10  }
0xee: {  	v21 =	vor.u32 $0x12, v10;
	v14 =	vor.u32 $0x16, v10;
	v24 =	vor.u32 $0x2, v10  }
0xef: {  	v13 =	vor.u32 $0x17, v10;
	v12 =	vor.u32 $0x19, v10;
	v26 =	vor.u32 $0x1, v10  }
0xf0: {  	v8 =	vor.u32 $0x1A, v10;
	v0 =	vor.u32 $0x1F, v10;
	v29 =	vor.u32 $0x1, v9  }
0xf1: {  	v20 =	vor.u32 $0x4, v10;
	v7 =	vor.u32 $0x1B, v10;
	v34 =	vor.u32 $0x5, v9;
	v46 =	vld.idx.msk [tilespmem:v10+s18+$0x0], $0xffff  }
0xf2: {  	v6 =	vor.u32 $0x1C, v10;
	v5 =	vor.u32 $0x1D, v10;
	v51 =	vor.u32 $0x2, v9;
	v56 =	vld.idx.msk [tilespmem:v9+s16+$0x0], $0xffff  }
0xf3: {  	v4 =	vor.u32 $0x1E, v10;
	v35 =	vor.u32 $0xD, v10;
	v50 =	vor.u32 $0x6, v9;
	v24 =	vld.idx.msk [tilespmem:v24+s18+$0x0], $0xffff  }
0xf4: {  	v33 =	vor.u32 $0xE, v10;
	v32 =	vor.u32 $0xF, v10;
	v47 =	vor.u32 $0x3, v10;
	v53 =	vld.idx.msk [tilespmem:v26+s18+$0x0], $0xffff  }
0xf5: {  	v42 =	vor.u32 $0xA, v10;
	v40 =	vor.u32 $0xB, v10;
	v37 =	vor.u32 $0xC, v10;
	v58 =	vld.idx.msk [tilespmem:v29+s16+$0x0], $0xffff  }
0xf6: {  	v28 =	vor.u32 $0x7, v10;
	v30 =	vor.u32 $0x8, v10;
	v45 =	vor.u32 $0x6, v10;
	v62 =	vld.idx.msk [tilespmem:v34+s16+$0x0], $0xffff  }
0xf7: {  	v44 =	vor.u32 $0x9, v10;
	v48 =	vor.u32 $0x5, v10;
	v49 =	vor.u32 $0x4, v9;
	v51 =	vld.idx.msk [tilespmem:v51+s16+$0x0], $0xffff  }
0xf8: {  	v16 =	vor.u32 $0x19, v9;
	v19 =	vor.u32 $0x17, v9;
	v52 =	vor.u32 $0x8, v9;
	v50 =	vld.idx.msk [tilespmem:v50+s16+$0x0], $0xffff  }
0xf9: {  	v27 =	vor.u32 $0x14, v9;
	v54 =	vor.u32 $0xA, v9;
	v55 =	vor.u32 $0xB, v9;
	v47 =	vld.idx.msk [tilespmem:v47+s18+$0x0], $0xffff  }
0xfa: {  	v39 =	vor.u32 $0xF, v9;
	v57 =	vor.u32 $0xC, v9;
	v43 =	vor.u32 $0xD, v9;
	v1 =	vld.idx.msk [tilespmem:v20+s18+$0x0], $0xffff  }
0xfb: {  	v41 =	vor.u32 $0xE, v9;
	v59 =	vor.u32 $0x9, v9;
	v38 =	vor.u32 $0x10, v9;
	v45 =	vld.idx.msk [tilespmem:v45+s18+$0x0], $0xffff  }
0xfc: {  	v3 =	vmovc v63;
	v36 =	vor.u32 $0x11, v9;
	v61 =	vor.u32 $0x3, v9;
	v63 =	vor.u32 $0x7, v9;
	v44 =	vld.idx.msk [tilespmem:v44+s18+$0x0], $0xffff  }
0xfd: {  	v31 =	vor.u32 $0x15, v9;
	v10 =	vand.u32 $0xFFFFFFF0, v22;
	v22 =	vor.u32 $0x1B, v9;
	v42 =	vld.idx.msk [tilespmem:v42+s18+$0x0], $0xffff  }
0xfe: {  	[tilespmem:$0x1FFE0] =	vst v0;
	v34 =	vor.u32 $0x13, v9;
	v29 =	vor.u32 $0x16, v9;
	v26 =	vor.u32 $0x18, v9;
	v40 =	vld.idx.msk [tilespmem:v40+s18+$0x0], $0xffff  }
0xff: {  	v37 =	vld.idx.msk [tilespmem:v37+s18+$0x0], $0xffff;
	v46 =	vshra.s32 v46, v2;
	v56 =	vshra.s32 v56, v10;
	v0 =	vshra.s32 v24, v2  }
0x100: {  	v35 =	vld.idx.msk [tilespmem:v35+s18+$0x0], $0xffff;
	v53 =	vshra.s32 v53, v2;
	v24 =	vor.u32 $0x1A, v9;
	v20 =	vshll.u32 v56, $0x10  }
0x101: {  	v46 =	vshll.u32 v46, $0x10;
	v56 =	vshra.s32 v58, v10;
	v58 =	vld.idx.msk [tilespmem:v61+s16+$0x0], $0xffff;
	v61 =	vshra.s32 v62, v10  }
0x102: {  	v33 =	vld.idx.msk [tilespmem:v33+s18+$0x0], $0xffff;
	v51 =	vshra.s32 v51, v10;
	v50 =	vshra.s32 v50, v10;
	v47 =	vshra.s32 v47, v2  }
0x103: {  	v49 =	vld.idx.msk [tilespmem:v49+s16+$0x0], $0xffff;
	v1 =	vshra.s32 v1, v2;
	v45 =	vshra.s32 v45, v2;
	v44 =	vshra.s32 v44, v2  }
0x104: {  	v32 =	vld.idx.msk [tilespmem:v32+s18+$0x0], $0xffff;
	v42 =	vshra.s32 v42, v2;
	v40 =	vshra.s32 v40, v2;
	v20 =	vmul.f32 v46, v20  }
0x105: {  	v48 =	vld.idx.msk [tilespmem:v48+s18+$0x0], $0xffff;
	v37 =	vshra.s32 v37, v2;
	v46 =	vshll.u32 v56, $0x10;
	v53 =	vshll.u32 v53, $0x10  }
0x106: {  	v25 =	vld.idx.msk [tilespmem:v25+s18+$0x0], $0xffff;
	v35 =	vshra.s32 v35, v2;
	v46 =	vmul.f32 v53, v46;
	v20 =	vadd.f32 v20, v60  }
0x107: {  	v23 =	vld.idx.msk [tilespmem:v23+s18+$0x0], $0xffff;
	v33 =	vshra.s32 v33, v2;
	v51 =	vshll.u32 v51, $0x10;
	v0 =	vshll.u32 v0, $0x10  }
0x108: {  	v21 =	vld.idx.msk [tilespmem:v21+s18+$0x0], $0xffff;
	v0 =	vmul.f32 v0, v51;
	v46 =	vadd.f32 v46, v20;
	v62 =	vshra.s32 v58, v10  }
0x109: {  	v32 =	vshra.s32 v32, v2;
	v47 =	vshll.u32 v47, $0x10;
	v53 =	vld.idx.msk [tilespmem:v28+s18+$0x0], $0xffff;
	v28 =	vshll.u32 v62, $0x10  }
0x10a: {  	v58 =	vld.idx.msk [tilespmem:v63+s16+$0x0], $0xffff;
	v0 =	vadd.f32 v0, v46;
	v46 =	vshra.s32 v49, v10;
	v28 =	vmul.f32 v47, v28  }
0x10b: {  	v56 =	vshll.u32 v61, $0x10;
	v1 =	vshll.u32 v1, $0x10;
	v46 =	vshll.u32 v46, $0x10  }
0x10c: {  	v61 =	vshra.s32 v48, v2;
	v62 =	vld.idx.msk [tilespmem:v52+s16+$0x0], $0xffff;
	v1 =	vmul.f32 v1, v46;
	v0 =	vadd.f32 v28, v0  }
0x10d: {  	v25 =	vshra.s32 v25, v2;
	v23 =	vshra.s32 v23, v2;
	v47 =	vld.idx.msk [tilespmem:v30+s18+$0x0], $0xffff;
	v46 =	vshll.u32 v61, $0x10  }
0x10e: {  	v18 =	vld.idx.msk [tilespmem:v18+s18+$0x0], $0xffff;
	v21 =	vshra.s32 v21, v2;
	v46 =	vmul.f32 v46, v56;
	v0 =	vadd.f32 v1, v0  }
0x10f: {  	v45 =	vshll.u32 v45, $0x10;
	v56 =	vld.idx.msk [tilespmem:v59+s16+$0x0], $0xffff;
	v58 =	vshra.s32 v58, v10;
	v1 =	vshll.u32 v50, $0x10  }
0x110: {  	v17 =	vld.idx.msk [tilespmem:v17+s18+$0x0], $0xffff;
	v59 =	vshra.s32 v53, v2;
	v1 =	vmul.f32 v45, v1;
	v0 =	vadd.f32 v46, v0  }
0x111: {  	v60 =	vld.idx.msk [tilespmem:v54+s16+$0x0], $0xffff;
	v61 =	vshll.u32 v59, $0x10;
	v62 =	vshra.s32 v62, v10;
	v45 =	vshll.u32 v58, $0x10  }
0x112: {  	v15 =	vld.idx.msk [tilespmem:v15+s18+$0x0], $0xffff;
	v47 =	vshra.s32 v47, v2;
	v45 =	vmul.f32 v61, v45;
	v0 =	vadd.f32 v1, v0  }
0x113: {  	v18 =	vshra.s32 v18, v2;
	v53 =	vld.idx.msk [tilespmem:v55+s16+$0x0], $0xffff;
	v54 =	vshll.u32 v47, $0x10;
	v1 =	vshll.u32 v62, $0x10  }
0x114: {  	v14 =	vld.idx.msk [tilespmem:v14+s18+$0x0], $0xffff;
	v55 =	vshra.s32 v56, v10;
	v1 =	vmul.f32 v54, v1;
	v0 =	vadd.f32 v45, v0  }
0x115: {  	v17 =	vshra.s32 v17, v2;
	v44 =	vshll.u32 v44, $0x10;
	v56 =	vld.idx.msk [tilespmem:v57+s16+$0x0], $0xffff;
	v57 =	vshll.u32 v55, $0x10  }
0x116: {  	v58 =	vshra.s32 v60, v10;
	v44 =	vmul.f32 v44, v57;
	v0 =	vadd.f32 v1, v0  }
0x117: {  	v43 =	vld.idx.msk [tilespmem:v43+s16+$0x0], $0xffff;
	v15 =	vshra.s32 v15, v2;
	v42 =	vshll.u32 v42, $0x10;
	v1 =	vshll.u32 v58, $0x10  }
0x118: {  	v13 =	vld.idx.msk [tilespmem:v13+s18+$0x0], $0xffff;
	v59 =	vshra.s32 v53, v10;
	v1 =	vmul.f32 v42, v1;
	v0 =	vadd.f32 v44, v0  }
0x119: {  	v41 =	vld.idx.msk [tilespmem:v41+s16+$0x0], $0xffff;
	v14 =	vshra.s32 v14, v2;
	v40 =	vshll.u32 v40, $0x10;
	v42 =	vshll.u32 v59, $0x10  }
0x11a: {  	v11 =	vld.idx.msk [tilespmem:v11+s18+$0x0], $0xffff;
	v60 =	vshra.s32 v56, v10;
	v40 =	vmul.f32 v40, v42;
	v0 =	vadd.f32 v1, v0  }
0x11b: {  	v39 =	vld.idx.msk [tilespmem:v39+s16+$0x0], $0xffff;
	v37 =	vshll.u32 v37, $0x10;
	v52 =	vor.u32 $0x12, v9;
	v1 =	vshll.u32 v60, $0x10  }
0x11c: {  	v12 =	vld.idx.msk [tilespmem:v12+s18+$0x0], $0xffff;
	v61 =	vshra.s32 v43, v10;
	v1 =	vmul.f32 v37, v1;
	v0 =	vadd.f32 v40, v0  }
0x11d: {  	v38 =	vld.idx.msk [tilespmem:v38+s16+$0x0], $0xffff;
	v13 =	vshra.s32 v13, v2;
	v35 =	vshll.u32 v35, $0x10;
	v37 =	vshll.u32 v61, $0x10  }
0x11e: {  	v8 =	vld.idx.msk [tilespmem:v8+s18+$0x0], $0xffff;
	v62 =	vshra.s32 v41, v10;
	v35 =	vmul.f32 v35, v37;
	v0 =	vadd.f32 v1, v0  }
0x11f: {  	v36 =	vld.idx.msk [tilespmem:v36+s16+$0x0], $0xffff;
	v11 =	vshra.s32 v11, v2;
	v33 =	vshll.u32 v33, $0x10;
	v1 =	vshll.u32 v62, $0x10  }
0x120: {  	v7 =	vld.idx.msk [tilespmem:v7+s18+$0x0], $0xffff;
	v40 =	vshra.s32 v39, v10;
	v1 =	vmul.f32 v33, v1;
	v0 =	vadd.f32 v35, v0  }
0x121: {  	v12 =	vshra.s32 v12, v2;
	v32 =	vshll.u32 v32, $0x10;
	v41 =	vld.idx.msk [tilespmem:v52+s16+$0x0], $0xffff;
	v33 =	vshll.u32 v40, $0x10  }
0x122: {  	v6 =	vld.idx.msk [tilespmem:v6+s18+$0x0], $0xffff;
	v42 =	vshra.s32 v38, v10;
	v32 =	vmul.f32 v32, v33;
	v0 =	vadd.f32 v1, v0  }
0x123: {  	v34 =	vld.idx.msk [tilespmem:v34+s16+$0x0], $0xffff;
	v8 =	vshra.s32 v8, v2;
	v25 =	vshll.u32 v25, $0x10;
	v1 =	vshll.u32 v42, $0x10  }
0x124: {  	v5 =	vld.idx.msk [tilespmem:v5+s18+$0x0], $0xffff;
	v43 =	vshra.s32 v36, v10;
	v1 =	vmul.f32 v25, v1;
	v0 =	vadd.f32 v32, v0  }
0x125: {  	v27 =	vld.idx.msk [tilespmem:v27+s16+$0x0], $0xffff;
	v7 =	vshra.s32 v7, v2;
	v23 =	vshll.u32 v23, $0x10;
	v25 =	vshll.u32 v43, $0x10  }
0x126: {  	v31 =	vld.idx.msk [tilespmem:v31+s16+$0x0], $0xffff;
	v44 =	vshra.s32 v41, v10;
	v23 =	vmul.f32 v23, v25;
	v0 =	vadd.f32 v1, v0  }
0x127: {  	v6 =	vshra.s32 v6, v2;
	v21 =	vshll.u32 v21, $0x10;
	v1 =	vshll.u32 v44, $0x10  }
0x128: {  	v45 =	vshra.s32 v34, v10;
	v1 =	vmul.f32 v21, v1;
	v0 =	vadd.f32 v23, v0  }
0x129: {  	v5 =	vshra.s32 v5, v2;
	v18 =	vshll.u32 v18, $0x10;
	v46 =	vld.idx.msk [tilespmem:v29+s16+$0x0], $0xffff;
	v21 =	vshll.u32 v45, $0x10  }
0x12a: {  	v19 =	vld.idx.msk [tilespmem:v19+s16+$0x0], $0xffff;
	v47 =	vshra.s32 v27, v10;
	v18 =	vmul.f32 v18, v21;
	v0 =	vadd.f32 v1, v0  }
0x12b: {  	v17 =	vshll.u32 v17, $0x10;
	v48 =	vshra.s32 v31, v10;
	v1 =	vshll.u32 v47, $0x10  }
0x12c: {  	v15 =	vshll.u32 v15, $0x10;
	v1 =	vmul.f32 v17, v1;
	v0 =	vadd.f32 v18, v0  }
0x12d: {  	v14 =	vshll.u32 v14, $0x10;
	v30 =	vor.u32 $0x1C, v9;
	v49 =	vld.idx.msk [tilespmem:v26+s16+$0x0], $0xffff;
	v17 =	vshll.u32 v48, $0x10  }
0x12e: {  	v16 =	vld.idx.msk [tilespmem:v16+s16+$0x0], $0xffff;
	v50 =	vshra.s32 v46, v10;
	v15 =	vmul.f32 v15, v17;
	v0 =	vadd.f32 v1, v0  }
0x12f: {  	v13 =	vshll.u32 v13, $0x10;
	v51 =	vshra.s32 v19, v10;
	v63 =	vmovc v3;
	v3 =	vld [tilespmem:$0x1FFE0];
	v1 =	vshll.u32 v50, $0x10  }
0x130: {  	v28 =	vor.u32 $0x1D, v9;
	v52 =	vld.idx.msk [tilespmem:v24+s16+$0x0], $0xffff;
	v1 =	vmul.f32 v14, v1;
	v0 =	vadd.f32 v15, v0  }
0x131: {  	v11 =	vshll.u32 v11, $0x10;
	v20 =	vor.u32 $0x1E, v9;
	v54 =	vld.idx.msk [tilespmem:v22+s16+$0x0], $0xffff;
	v14 =	vshll.u32 v51, $0x10  }
0x132: {  	v53 =	vshra.s32 v49, v10;
	v56 =	vld.idx.msk [tilespmem:v30+s16+$0x0], $0xffff;
	v13 =	vmul.f32 v13, v14;
	v0 =	vadd.f32 v1, v0  }
0x133: {  	v12 =	vshll.u32 v12, $0x10;
	v9 =	vor.u32 $0x1F, v9;
	v1 =	vshll.u32 v53, $0x10  }
0x134: {  	v4 =	vld.idx.msk [tilespmem:v4+s18+$0x0], $0xffff;
	v55 =	vshra.s32 v16, v10;
	v1 =	vmul.f32 v11, v1;
	v0 =	vadd.f32 v13, v0  }
0x135: {  	v8 =	vshll.u32 v8, $0x10;
	v7 =	vshll.u32 v7, $0x10;
	v58 =	vld.idx.msk [tilespmem:v28+s16+$0x0], $0xffff;
	v11 =	vshll.u32 v55, $0x10  }
0x136: {  	v57 =	vshra.s32 v52, v10;
	v59 =	vld.idx.msk [tilespmem:v20+s16+$0x0], $0xffff;
	v62 =	vmul.f32 v12, v11;
	v0 =	vadd.f32 v1, v0  }
0x137: {  	v61 =	vld.idx.msk [tilespmem:v3+s18+$0x0], $0xffff;
	v3 =	vshra.s32 v56, v10;
	v15 =	vshra.s32 v54, v10;
	v13 =	vshll.u32 v57, $0x10  }
0x138: {  	v60 =	vshll.u32 v15, $0x10;
	v8 =	vmul.f32 v8, v13;
	v0 =	vadd.f32 v62, v0  }
0x139: {  	v6 =	vshll.u32 v6, $0x10;
	v3 =	vshll.u32 v3, $0x10;
	v1 =	vmul.f32 v7, v60;
	v7 =	vld.idx.msk [tilespmem:v9+s16+$0x0], $0xffff  }
0x13a: {  	v6 =	vmul.f32 v6, v3;
	v3 =	vshra.s32 v58, v10;
	v0 =	vadd.f32 v8, v0  }
0x13b: {  	p0 =	sne.s32 s31, $0x70;
	v4 =	vshra.s32 v4, v2;
	v5 =	vshll.u32 v5, $0x10;
	v3 =	vshll.u32 v3, $0x10  }
.Ltmp0:
0x13c: {  	v5 =	vmul.f32 v5, v3;
	v3 =	vshra.s32 v59, v10;
	v0 =	vadd.f32 v1, v0;
	(pc) =	sbr.rel @p0 .LBB2_2-.Ltmp0, $4  }
0x13d: {  	v4 =	vshll.u32 v4, $0x10;
	v2 =	vshra.s32 v61, v2;
	v3 =	vshll.u32 v3, $0x10  }
0x13e: {  	v3 =	vmul.f32 v4, v3;
	v4 =	vshra.s32 v7, v10;
	v0 =	vadd.f32 v6, v0  }
0x13f: {  	s31 =	sadd.s32 $0x10, s31;
	v2 =	vshll.u32 v2, $0x10;
	v1 =	vshll.u32 v4, $0x10  }
0x140: {  	s6 =	smov.u32 s1;
	s1 =	sadd.s32 $0x10, s1;
	s0 =	sadd.s32 $0x10, s0;
	v2 =	vmul.f32 v2, v1;
	v4 =	vadd.f32 v5, v0  }
0x141: {  	_ = 	snop  }
0x142: {  	v0 =	vadd.f32 v3, v4;
	_ =	sdelay $0x1  }
0x143: {  	v0 =	vadd.f32 v2, v0;
	_ =	sdelay $0x1  }
0x144: {  	[tilespmem:s6+$0x0] =	vst v0  }
0x145: {  	_ =	swait.ge [sflag:s28], $0x4000  }
0x146: {  	[sflag:s28] =	ssyncset.done $0x0  }
0x147: {  	[sflag:s28] =	ssyncadd.s32 $0xFFFFC000  }
0x148: {  	_ =	swait.ge [sflag:s28], $0x4000  }
0x149: {  	[sflag:s28] =	ssyncset.done $0x0  }
0x14a: {  	[sflag:s28] =	ssyncadd.s32 $0xFFFFC000  }
0x14b: {  	_ =	swait.ge [sflag:s28], $0x80  }
0x14c: {  	[sflag:s28] =	ssyncset.done $0x0  }
0x14d: {  	[sflag:s28] =	ssyncadd.s32 $0xFFFFFF80  }
0x14e: {  	_ =	swait.ge [sflag:s28], $0x80  }
0x14f: {  	[sflag:s28] =	ssyncset.done $0x0  }
0x150: {  	s0 =	simm.s32 $0x80;
	s1 =	simm.s32 $0x500;
	[sflag:s28] =	ssyncadd.s32 $0xFFFFFF80  }
0x151: {  	[tilespmem:s16], [sflag:$0x1] =	stream.indirect.gather [hbm4b:s4+s0], $0x80, s1, s0, $0xb8;
	[tilespmem:$0x10E10] =	vst v63  }
0x152: {  	s6 =	simm.s32 $0x700  }
0x153: {  	[tilespmem:s18], [sflag:$0x1] =	stream.indirect.gather [hbm4b:s5+s0], $0x80, s6, s0, $0xb8;
	[tilespmem:$0x10E10] =	vst v63  }
0x154: {  	s13 =	simm.s32 $0x100;
	s15 =	simm.s32 $0x10900  }
0x155: {  	[tilespmem:s15], [sflag:$0x1] =	stream.indirect.gather [hbm4b:s2+s0], $0x1, s13, s0, $0xb8;
	[tilespmem:$0x10E10] =	vst v63  }
0x156: {  	s6 =	simm.s32 $0x300;
	s13 =	simm.s32 $0x10B00;
	s15 =	simm.s32 $0x280  }
0x157: {  	[tilespmem:s13], [sflag:$0x1] =	stream.indirect.gather [hbm4b:s3+s0], $0x1, s6, s0, $0xb8;
	[tilespmem:$0x10E10] =	vst v63  }
0x158: {  	s29 =	simm.s32 $0x10A80;
	v0 =	vld [tilespmem:s15+$0x0]  }
0x159: {  	s30 =	simm.s32 $0x10880;
	v8 =	vld [tilespmem:s29+$0x0]  }
0x15a: {  	v9 =	vld [tilespmem:s30+$0x0]  }
0x15b: {  	v1 =	vld [tilespmem:s0+$0x0]  }
0x15c: {  	v17 =	vld [tilespmem:$0x1FFF0]  }
0x15d: {  	v2 =	vmov s0  }
0x15e: {  	v2 =	vshll.u32 v2, $0x7;
	v3 =	vshrl.u32 v0, $0x9  }
0x15f: {  	v2 =	vor.u32 v63, v2;
	v8 =	vadd.f32 v8, v9;
	v3 =	vand.u32 $0x60, v3  }
0x160: {  	v0 =	vshra.s32 v0, $0xC;
	v5 =	vor.u32 v2, v3;
	v3 =	vshrl.u32 v1, $0xC  }
0x161: {  	v1 =	vshra.s32 v1, $0xF;
	v8 =	vadd.f32 v8, v17;
	v3 =	vand.u32 $0x60, v3  }
0x162: {  	v7 =	vor.u32 $0x2, v5;
	v13 =	vor.u32 $0x3, v5;
	v15 =	vor.u32 $0x5, v5  }
0x163: {  	v57 =	vor.u32 $0x6, v5;
	v58 =	vor.u32 $0x7, v5;
	v59 =	vor.u32 $0x8, v5  }
0x164: {  	v61 =	vor.u32 $0x9, v5;
	v20 =	vor.u32 $0xA, v5;
	v25 =	vor.u32 $0xD, v5  }
0x165: {  	v27 =	vor.u32 $0xE, v5;
	v32 =	vor.u32 $0x10, v5;
	v34 =	vor.u32 $0x11, v5  }
0x166: {  	v37 =	vor.u32 $0x13, v5;
	v39 =	vor.u32 $0x14, v5;
	v43 =	vor.u32 $0x16, v5  }
0x167: {  	v45 =	vor.u32 $0x17, v5;
	v49 =	vor.u32 $0x19, v5;
	v4 =	vor.u32 v2, v3  }
0x168: {  	v50 =	vor.u32 $0x1A, v5;
	v2 =	vor.u32 $0x1, v5;
	v3 =	vor.u32 $0x1, v4  }
0x169: {  	v10 =	vor.u32 $0x2, v4;
	v16 =	vor.u32 $0x4, v4;
	v52 =	vor.u32 $0x3, v4;
	v6 =	vld.idx.msk [tilespmem:v5+s18+$0x0], $0xffff  }
0x16a: {  	v55 =	vor.u32 $0x6, v4;
	v60 =	vor.u32 $0x7, v4;
	v62 =	vor.u32 $0x9, v4;
	v7 =	vld.idx.msk [tilespmem:v7+s18+$0x0], $0xffff  }
0x16b: {  	v21 =	vor.u32 $0xA, v4;
	v23 =	vor.u32 $0xB, v4;
	v24 =	vor.u32 $0xC, v4;
	v13 =	vld.idx.msk [tilespmem:v13+s18+$0x0], $0xffff  }
0x16c: {  	v26 =	vor.u32 $0xD, v4;
	v29 =	vor.u32 $0xE, v4;
	v30 =	vor.u32 $0xF, v4;
	v15 =	vld.idx.msk [tilespmem:v15+s18+$0x0], $0xffff  }
0x16d: {  	v33 =	vor.u32 $0x10, v4;
	v35 =	vor.u32 $0x11, v4;
	v36 =	vor.u32 $0x12, v4;
	v11 =	vld.idx.msk [tilespmem:v4+s16+$0x0], $0xffff  }
0x16e: {  	v38 =	vor.u32 $0x13, v4;
	v41 =	vor.u32 $0x14, v4;
	v42 =	vor.u32 $0x15, v4;
	v12 =	vld.idx.msk [tilespmem:v2+s18+$0x0], $0xffff  }
0x16f: {  	v44 =	vor.u32 $0x16, v4;
	v47 =	vor.u32 $0x17, v4;
	v48 =	vor.u32 $0x18, v4;
	v14 =	vld.idx.msk [tilespmem:v3+s16+$0x0], $0xffff  }
0x170: {  	v51 =	vor.u32 $0x19, v4;
	v2 =	vand.u32 $0xFFFFFFF0, v0;
	v0 =	vor.u32 $0x4, v5;
	v10 =	vld.idx.msk [tilespmem:v10+s16+$0x0], $0xffff  }
0x171: {  	v3 =	vand.u32 $0xFFFFFFF0, v1;
	v1 =	vor.u32 $0x5, v4;
	v9 =	vld.idx.msk [tilespmem:v52+s16+$0x0], $0xffff;
	v6 =	vshra.s32 v6, v2  }
0x172: {  	v56 =	vld.idx.msk [tilespmem:v16+s16+$0x0], $0xffff;
	v6 =	vshll.u32 v6, $0x10;
	v7 =	vshra.s32 v7, v2;
	v13 =	vshra.s32 v13, v2  }
0x173: {  	v16 =	vld.idx.msk [tilespmem:v60+s16+$0x0], $0xffff;
	v15 =	vshra.s32 v15, v2;
	v11 =	vshra.s32 v11, v3;
	v12 =	vshra.s32 v12, v2  }
0x174: {  	v7 =	vshll.u32 v7, $0x10;
	v13 =	vshll.u32 v13, $0x10;
	v11 =	vshll.u32 v11, $0x10  }
0x175: {  	v0 =	vld.idx.msk [tilespmem:v0+s18+$0x0], $0xffff;
	v19 =	vshll.u32 v15, $0x10;
	v14 =	vshra.s32 v14, v3;
	v6 =	vmul.f32 v6, v11  }
0x176: {  	v15 =	vld.idx.msk [tilespmem:v20+s18+$0x0], $0xffff;
	v12 =	vshll.u32 v12, $0x10;
	v10 =	vshra.s32 v10, v3;
	v53 =	vshll.u32 v14, $0x10  }
0x177: {  	v1 =	vld.idx.msk [tilespmem:v1+s16+$0x0], $0xffff;
	v9 =	vshra.s32 v9, v3;
	v54 =	vmul.f32 v12, v53;
	v6 =	vadd.f32 v6, v8  }
0x178: {  	v22 =	vshra.s32 v16, v3;
	v16 =	vld.idx.msk [tilespmem:v23+s16+$0x0], $0xffff;
	v10 =	vshll.u32 v10, $0x10;
	v9 =	vshll.u32 v9, $0x10  }
0x179: {  	v11 =	vld.idx.msk [tilespmem:v55+s16+$0x0], $0xffff;
	v55 =	vor.u32 $0x1C, v5;
	v7 =	vmul.f32 v7, v10;
	v6 =	vadd.f32 v54, v6  }
0x17a: {  	v14 =	vld.idx.msk [tilespmem:v57+s18+$0x0], $0xffff;
	v57 =	vor.u32 $0x1D, v5;
	v12 =	vshra.s32 v56, v3;
	v9 =	vmul.f32 v13, v9  }
0x17b: {  	v10 =	vld.idx.msk [tilespmem:v59+s18+$0x0], $0xffff;
	v53 =	vor.u32 $0x1B, v5;
	v6 =	vadd.f32 v7, v6;
	v7 =	vor.u32 $0x8, v4  }
0x17c: {  	v13 =	vld.idx.msk [tilespmem:v61+s18+$0x0], $0xffff;
	v12 =	vshll.u32 v12, $0x10;
	v0 =	vshra.s32 v0, v2;
	v28 =	vshra.s32 v15, v2  }
0x17d: {  	v8 =	vld.idx.msk [tilespmem:v58+s18+$0x0], $0xffff;
	v0 =	vshll.u32 v0, $0x10;
	v1 =	vshra.s32 v1, v3;
	v16 =	vshra.s32 v16, v3  }
0x17e: {  	v0 =	vmul.f32 v0, v12;
	v1 =	vshll.u32 v1, $0x10;
	v11 =	vshra.s32 v11, v3  }
0x17f: {  	v14 =	vshra.s32 v14, v2;
	v12 =	vld.idx.msk [tilespmem:v62+s16+$0x0], $0xffff;
	v31 =	vshll.u32 v16, $0x10;
	v6 =	vadd.f32 v9, v6  }
0x180: {  	v1 =	vmul.f32 v19, v1;
	v11 =	vshll.u32 v11, $0x10;
	v14 =	vshll.u32 v14, $0x10;
	v7 =	vld.idx.msk [tilespmem:v7+s16+$0x0], $0xffff  }
0x181: {  	v16 =	vld.idx.msk [tilespmem:v32+s18+$0x0], $0xffff;
	v10 =	vshra.s32 v10, v2;
	v0 =	vadd.f32 v0, v6;
	v6 =	vor.u32 $0xB, v5  }
0x182: {  	v13 =	vshra.s32 v13, v2;
	v11 =	vmul.f32 v14, v11;
	v8 =	vshra.s32 v8, v2  }
0x183: {  	v15 =	vld.idx.msk [tilespmem:v29+s16+$0x0], $0xffff;
	v14 =	vshll.u32 v22, $0x10;
	v0 =	vadd.f32 v1, v0;
	v1 =	vor.u32 $0xC, v5  }
0x184: {  	v10 =	vshll.u32 v10, $0x10;
	v13 =	vshll.u32 v13, $0x10;
	v8 =	vshll.u32 v8, $0x10;
	v9 =	vld.idx.msk [tilespmem:v21+s16+$0x0], $0xffff  }
0x185: {  	v8 =	vmul.f32 v8, v14;
	v14 =	vld.idx.msk [tilespmem:v24+s16+$0x0], $0xffff;
	v0 =	vadd.f32 v11, v0;
	v7 =	vshra.s32 v7, v3  }
0x186: {  	v12 =	vshra.s32 v12, v3;
	v40 =	vshra.s32 v16, v2;
	v6 =	vld.idx.msk [tilespmem:v6+s18+$0x0], $0xffff;
	v7 =	vshll.u32 v7, $0x10  }
0x187: {  	v16 =	vld.idx.msk [tilespmem:v41+s16+$0x0], $0xffff;
	v12 =	vshll.u32 v12, $0x10;
	v0 =	vadd.f32 v8, v0;
	v7 =	vmul.f32 v10, v7  }
0x188: {  	v56 =	vor.u32 $0x1C, v4;
	v54 =	vor.u32 $0x1B, v4;
	v12 =	vmul.f32 v13, v12;
	v1 =	vld.idx.msk [tilespmem:v1+s18+$0x0], $0xffff  }
0x189: {  	v9 =	vshra.s32 v9, v3;
	v11 =	vld.idx.msk [tilespmem:v25+s18+$0x0], $0xffff;
	v0 =	vadd.f32 v7, v0;
	v7 =	vor.u32 $0xF, v5  }
0x18a: {  	v13 =	vshll.u32 v28, $0x10;
	v9 =	vshll.u32 v9, $0x10;
	v14 =	vshra.s32 v14, v3;
	v10 =	vld.idx.msk [tilespmem:v26+s16+$0x0], $0xffff  }
0x18b: {  	v9 =	vmul.f32 v13, v9;
	v6 =	vshra.s32 v6, v2;
	v0 =	vadd.f32 v12, v0  }
0x18c: {  	v15 =	vshra.s32 v15, v3;
	v14 =	vshll.u32 v14, $0x10;
	v8 =	vld.idx.msk [tilespmem:v27+s18+$0x0], $0xffff;
	v6 =	vshll.u32 v6, $0x10  }
0x18d: {  	v13 =	vld.idx.msk [tilespmem:v30+s16+$0x0], $0xffff;
	v6 =	vmul.f32 v6, v31;
	v1 =	vshra.s32 v1, v2;
	v0 =	vadd.f32 v9, v0  }
0x18e: {  	v16 =	vshra.s32 v16, v3;
	v11 =	vshra.s32 v11, v2;
	v1 =	vshll.u32 v1, $0x10;
	v7 =	vld.idx.msk [tilespmem:v7+s18+$0x0], $0xffff  }
0x18f: {  	v12 =	vld.idx.msk [tilespmem:v33+s16+$0x0], $0xffff;
	v10 =	vshra.s32 v10, v3;
	v1 =	vmul.f32 v1, v14;
	v0 =	vadd.f32 v6, v0  }
0x190: {  	v11 =	vshll.u32 v11, $0x10;
	v10 =	vshll.u32 v10, $0x10;
	v9 =	vld.idx.msk [tilespmem:v34+s18+$0x0], $0xffff;
	v6 =	vor.u32 $0x12, v5  }
0x191: {  	v8 =	vshra.s32 v8, v2;
	v14 =	vld.idx.msk [tilespmem:v35+s16+$0x0], $0xffff;
	v10 =	vmul.f32 v11, v10;
	v0 =	vadd.f32 v1, v0  }
0x192: {  	v13 =	vshra.s32 v13, v3;
	v8 =	vshll.u32 v8, $0x10;
	v11 =	vld.idx.msk [tilespmem:v36+s16+$0x0], $0xffff;
	v1 =	vshll.u32 v15, $0x10  }
0x193: {  	v15 =	vld.idx.msk [tilespmem:v37+s18+$0x0], $0xffff;
	v1 =	vmul.f32 v8, v1;
	v7 =	vshra.s32 v7, v2;
	v0 =	vadd.f32 v10, v0  }
0x194: {  	v13 =	vshll.u32 v13, $0x10;
	v12 =	vshra.s32 v12, v3;
	v8 =	vld.idx.msk [tilespmem:v38+s16+$0x0], $0xffff;
	v7 =	vshll.u32 v7, $0x10  }
0x195: {  	v12 =	vshll.u32 v12, $0x10;
	v6 =	vld.idx.msk [tilespmem:v6+s18+$0x0], $0xffff;
	v7 =	vmul.f32 v7, v13;
	v0 =	vadd.f32 v1, v0  }
0x196: {  	v14 =	vshra.s32 v14, v3;
	v13 =	vshll.u32 v40, $0x10;
	v1 =	vor.u32 $0x15, v5  }
0x197: {  	v9 =	vshra.s32 v9, v2;
	v10 =	vld.idx.msk [tilespmem:v39+s18+$0x0], $0xffff;
	v12 =	vmul.f32 v13, v12;
	v0 =	vadd.f32 v7, v0  }
0x198: {  	v9 =	vshll.u32 v9, $0x10;
	v11 =	vshra.s32 v11, v3;
	v13 =	vld.idx.msk [tilespmem:v42+s16+$0x0], $0xffff;
	v7 =	vshll.u32 v14, $0x10  }
0x199: {  	v46 =	vshra.s32 v15, v2;
	v15 =	vld.idx.msk [tilespmem:v47+s16+$0x0], $0xffff;
	v7 =	vmul.f32 v9, v7;
	v0 =	vadd.f32 v12, v0  }
0x19a: {  	v11 =	vshll.u32 v11, $0x10;
	v8 =	vshra.s32 v8, v3;
	v9 =	vld.idx.msk [tilespmem:v44+s16+$0x0], $0xffff;
	v6 =	vshra.s32 v6, v2  }
0x19b: {  	v6 =	vshll.u32 v6, $0x10;
	v1 =	vld.idx.msk [tilespmem:v1+s18+$0x0], $0xffff;
	v0 =	vadd.f32 v7, v0;
	v7 =	vor.u32 $0x18, v5  }
0x19c: {  	v14 =	vld.idx.msk [tilespmem:v43+s18+$0x0], $0xffff;
	v8 =	vshll.u32 v8, $0x10;
	v10 =	vshra.s32 v10, v2;
	v6 =	vmul.f32 v6, v11  }
0x19d: {  	v10 =	vshll.u32 v10, $0x10;
	v12 =	vld.idx.msk [tilespmem:v45+s18+$0x0], $0xffff;
	v11 =	vshll.u32 v46, $0x10;
	v13 =	vshra.s32 v13, v3  }
0x19e: {  	v15 =	vshra.s32 v15, v3;
	v8 =	vmul.f32 v11, v8;
	v0 =	vadd.f32 v6, v0  }
0x19f: {  	v13 =	vshll.u32 v13, $0x10;
	v11 =	vld.idx.msk [tilespmem:v48+s16+$0x0], $0xffff;
	v6 =	vshll.u32 v16, $0x10;
	v9 =	vshra.s32 v9, v3  }
0x1a0: {  	v6 =	vmul.f32 v10, v6;
	v1 =	vshra.s32 v1, v2;
	v0 =	vadd.f32 v8, v0;
	v7 =	vld.idx.msk [tilespmem:v7+s18+$0x0], $0xffff  }
0x1a1: {  	v52 =	vshra.s32 v14, v2;
	v9 =	vshll.u32 v9, $0x10;
	v1 =	vshll.u32 v1, $0x10  }
0x1a2: {  	v12 =	vshra.s32 v12, v2;
	v1 =	vmul.f32 v1, v13;
	v0 =	vadd.f32 v6, v0  }
0x1a3: {  	v14 =	vld.idx.msk [tilespmem:v53+s18+$0x0], $0xffff;
	v12 =	vshll.u32 v12, $0x10;
	v13 =	vshll.u32 v52, $0x10;
	v6 =	vor.u32 $0x1A, v4  }
0x1a4: {  	v16 =	vld.idx.msk [tilespmem:v49+s18+$0x0], $0xffff;
	v11 =	vshra.s32 v11, v3;
	v9 =	vmul.f32 v13, v9;
	v0 =	vadd.f32 v1, v0  }
0x1a5: {  	v10 =	vld.idx.msk [tilespmem:v50+s18+$0x0], $0xffff;
	v11 =	vshll.u32 v11, $0x10;
	v1 =	vshll.u32 v15, $0x10;
	v7 =	vshra.s32 v7, v2  }
0x1a6: {  	v8 =	vld.idx.msk [tilespmem:v51+s16+$0x0], $0xffff;
	v1 =	vmul.f32 v12, v1;
	v0 =	vadd.f32 v9, v0;
	v7 =	vshll.u32 v7, $0x10  }
0x1a7: {  	v58 =	vor.u32 $0x1D, v4;
	v13 =	vld.idx.msk [tilespmem:v54+s16+$0x0], $0xffff;
	v7 =	vmul.f32 v7, v11  }
0x1a8: {  	v6 =	vld.idx.msk [tilespmem:v6+s16+$0x0], $0xffff;
	v0 =	vadd.f32 v1, v0;
	v1 =	vor.u32 $0x1F, v5;
	v5 =	vor.u32 $0x1E, v5  }
0x1a9: {  	v59 =	vshra.s32 v14, v2;
	v15 =	vld.idx.msk [tilespmem:v55+s18+$0x0], $0xffff  }
0x1aa: {  	v16 =	vshra.s32 v16, v2;
	v9 =	vld.idx.msk [tilespmem:v57+s18+$0x0], $0xffff;
	v0 =	vadd.f32 v7, v0;
	v7 =	vor.u32 $0x1E, v4  }
0x1ab: {  	v60 =	vshll.u32 v59, $0x10;
	v8 =	vshra.s32 v8, v3;
	v12 =	vld.idx.msk [tilespmem:v56+s16+$0x0], $0xffff;
	v4 =	vor.u32 $0x1F, v4  }
0x1ac: {  	v16 =	vshll.u32 v16, $0x10;
	v10 =	vshra.s32 v10, v2;
	v8 =	vshll.u32 v8, $0x10;
	v11 =	vld.idx.msk [tilespmem:v58+s16+$0x0], $0xffff  }
0x1ad: {  	v8 =	vmul.f32 v16, v8;
	v13 =	vshra.s32 v13, v3;
	v6 =	vshra.s32 v6, v3;
	v5 =	vld.idx.msk [tilespmem:v5+s18+$0x0], $0xffff  }
0x1ae: {  	v10 =	vshll.u32 v10, $0x10;
	v61 =	vshll.u32 v13, $0x10;
	v6 =	vshll.u32 v6, $0x10;
	v1 =	vld.idx.msk [tilespmem:v1+s18+$0x0], $0xffff  }
0x1af: {  	v9 =	vshra.s32 v9, v2;
	v0 =	vadd.f32 v8, v0;
	v6 =	vmul.f32 v10, v6;
	v7 =	vld.idx.msk [tilespmem:v7+s16+$0x0], $0xffff  }
0x1b0: {  	v62 =	vshra.s32 v12, v3;
	v8 =	vmul.f32 v60, v61;
	v9 =	vshll.u32 v9, $0x10;
	v4 =	vld.idx.msk [tilespmem:v4+s16+$0x0], $0xffff  }
0x1b1: {  	v11 =	vshra.s32 v11, v3;
	v0 =	vadd.f32 v6, v0;
	v6 =	vshra.s32 v15, v2  }
0x1b2: {  	v10 =	vshll.u32 v62, $0x10;
	v11 =	vshll.u32 v11, $0x10;
	v6 =	vshll.u32 v6, $0x10  }
0x1b3: {  	v6 =	vmul.f32 v6, v10;
	v0 =	vadd.f32 v8, v0;
	v1 =	vshra.s32 v1, v2  }
0x1b4: {  	v9 =	vmul.f32 v9, v11;
	v1 =	vshll.u32 v1, $0x10;
	v7 =	vshra.s32 v7, v3  }
0x1b5: {  	v3 =	vshra.s32 v4, v3;
	v4 =	vshra.s32 v5, v2;
	v0 =	vadd.f32 v6, v0  }
0x1b6: {  	s31 =	simm.s32 $0x10C80;
	s1 =	simm.s32 $0x290;
	v2 =	vshll.u32 v7, $0x10;
	v4 =	vshll.u32 v4, $0x10;
	v5 =	vshll.u32 v3, $0x10  }
0x1b7: {  	s13 =	simm.s32 $0x90;
	s6 =	simm.s32 $0x10C80;
	s0 =	simm.s32 $0x90;
	v3 =	vmul.f32 v4, v2;
	v2 =	vmul.f32 v1, v5;
	v4 =	vadd.f32 v9, v0  }
.LBB2_4:
0x1b8: {  	_ = 	snop  }
0x1b9: {  	v0 =	vadd.f32 v3, v4;
	_ =	sdelay $0x1  }
0x1ba: {  	v0 =	vadd.f32 v2, v0  }
0x1bb: {  	s15 =	smov.u32 s0  }
0x1bc: {  	v1 =	vmov s15;
	[tilespmem:s6+$0x0] =	vst v0  }
0x1bd: {  	v0 =	vshll.u32 v1, $0x7;
	v1 =	vld [tilespmem:s1+$0x0]  }
0x1be: {  	s29 =	sadd.s32 $0x10, s29;
	v9 =	vld [tilespmem:s13+$0x0]  }
0x1bf: {  	s30 =	sadd.s32 $0x10, s30;
	v34 =	vld [tilespmem:s29+$0x0]  }
0x1c0: {  	v29 =	vld [tilespmem:s30+$0x0];
	_ =	sdelay $0x2  }
0x1c1: {  	v0 =	vor.u32 v63, v0;
	v2 =	vshrl.u32 v1, $0x9;
	v1 =	vshra.s32 v1, $0xC  }
0x1c2: {  	v16 =	vshrl.u32 v9, $0xC;
	v20 =	vshra.s32 v9, $0xF;
	v2 =	vand.u32 $0x60, v2  }
0x1c3: {  	v58 =	vadd.f32 v34, v29;
	v31 =	vand.u32 $0x60, v16;
	v10 =	vor.u32 v0, v2  }
0x1c4: {  	v2 =	vand.u32 $0xFFFFFFF0, v1;
	v9 =	vor.u32 v0, v31;
	v25 =	vor.u32 $0x10, v10  }
0x1c5: {  	v23 =	vor.u32 $0x11, v10;
	v11 =	vor.u32 $0x18, v10;
	v22 =	vor.u32 $0x2, v10  }
0x1c6: {  	v18 =	vor.u32 $0x13, v10;
	v17 =	vor.u32 $0x14, v10;
	v24 =	vor.u32 $0x1, v10  }
0x1c7: {  	v15 =	vor.u32 $0x15, v10;
	v21 =	vor.u32 $0x12, v10;
	v26 =	vor.u32 $0x1, v9  }
0x1c8: {  	v14 =	vor.u32 $0x16, v10;
	v13 =	vor.u32 $0x17, v10;
	v31 =	vor.u32 $0x5, v9;
	v0 =	vld.idx.msk [tilespmem:v10+s18+$0x0], $0xffff  }
0x1c9: {  	v12 =	vor.u32 $0x19, v10;
	v8 =	vor.u32 $0x1A, v10;
	v50 =	vor.u32 $0x2, v9;
	v54 =	vld.idx.msk [tilespmem:v9+s16+$0x0], $0xffff  }
0x1ca: {  	v3 =	vor.u32 $0x1F, v10;
	v1 =	vor.u32 $0x4, v10;
	v49 =	vor.u32 $0x6, v9;
	v22 =	vld.idx.msk [tilespmem:v22+s18+$0x0], $0xffff  }
0x1cb: {  	v7 =	vor.u32 $0x1B, v10;
	v6 =	vor.u32 $0x1C, v10;
	v46 =	vor.u32 $0x3, v10;
	v24 =	vld.idx.msk [tilespmem:v24+s18+$0x0], $0xffff  }
0x1cc: {  	v5 =	vor.u32 $0x1D, v10;
	v4 =	vor.u32 $0x1E, v10;
	v35 =	vor.u32 $0xD, v10;
	v56 =	vld.idx.msk [tilespmem:v26+s16+$0x0], $0xffff  }
0x1cd: {  	v33 =	vor.u32 $0xE, v10;
	v32 =	vor.u32 $0xF, v10;
	v59 =	vor.u32 $0x3, v9;
	v60 =	vld.idx.msk [tilespmem:v31+s16+$0x0], $0xffff  }
0x1ce: {  	v42 =	vor.u32 $0xA, v10;
	v40 =	vor.u32 $0xB, v10;
	v48 =	vor.u32 $0x4, v9;
	v50 =	vld.idx.msk [tilespmem:v50+s16+$0x0], $0xffff  }
0x1cf: {  	v37 =	vor.u32 $0xC, v10;
	v28 =	vor.u32 $0x7, v10;
	v45 =	vor.u32 $0x6, v10;
	v49 =	vld.idx.msk [tilespmem:v49+s16+$0x0], $0xffff  }
0x1d0: {  	v30 =	vor.u32 $0x8, v10;
	v44 =	vor.u32 $0x9, v10;
	v47 =	vor.u32 $0x5, v10;
	v46 =	vld.idx.msk [tilespmem:v46+s18+$0x0], $0xffff  }
0x1d1: {  	v16 =	vor.u32 $0x19, v9;
	v19 =	vor.u32 $0x17, v9;
	v51 =	vor.u32 $0x8, v9;
	v1 =	vld.idx.msk [tilespmem:v1+s18+$0x0], $0xffff  }
0x1d2: {  	v27 =	vor.u32 $0x14, v9;
	v52 =	vor.u32 $0xA, v9;
	v53 =	vor.u32 $0xB, v9;
	v59 =	vld.idx.msk [tilespmem:v59+s16+$0x0], $0xffff  }
0x1d3: {  	v39 =	vor.u32 $0xF, v9;
	v55 =	vor.u32 $0xC, v9;
	v43 =	vor.u32 $0xD, v9;
	v48 =	vld.idx.msk [tilespmem:v48+s16+$0x0], $0xffff  }
0x1d4: {  	v41 =	vor.u32 $0xE, v9;
	v57 =	vor.u32 $0x9, v9;
	v38 =	vor.u32 $0x10, v9;
	v45 =	vld.idx.msk [tilespmem:v45+s18+$0x0], $0xffff  }
0x1d5: {  	v36 =	vor.u32 $0x11, v9;
	v34 =	vor.u32 $0x13, v9;
	v61 =	vor.u32 $0x7, v9;
	v44 =	vld.idx.msk [tilespmem:v44+s18+$0x0], $0xffff  }
0x1d6: {  	v29 =	vor.u32 $0x16, v9;
	v10 =	vand.u32 $0xFFFFFFF0, v20;
	v31 =	vor.u32 $0x15, v9;
	v42 =	vld.idx.msk [tilespmem:v42+s18+$0x0], $0xffff  }
0x1d7: {  	v26 =	vor.u32 $0x18, v9;
	v40 =	vld.idx.msk [tilespmem:v40+s18+$0x0], $0xffff;
	v0 =	vshra.s32 v0, v2;
	v54 =	vshra.s32 v54, v10  }
0x1d8: {  	v62 =	vshra.s32 v22, v2;
	v20 =	vshra.s32 v24, v2;
	v24 =	vor.u32 $0x1A, v9;
	v22 =	vld [tilespmem:$0x1FFF0]  }
0x1d9: {  	v37 =	vld.idx.msk [tilespmem:v37+s18+$0x0], $0xffff;
	v54 =	vshll.u32 v54, $0x10;
	v0 =	vshll.u32 v0, $0x10;
	v56 =	vshra.s32 v56, v10  }
0x1da: {  	v35 =	vld.idx.msk [tilespmem:v35+s18+$0x0], $0xffff;
	v60 =	vshra.s32 v60, v10;
	v50 =	vshra.s32 v50, v10;
	v49 =	vshra.s32 v49, v10  }
0x1db: {  	v47 =	vld.idx.msk [tilespmem:v47+s18+$0x0], $0xffff;
	v46 =	vshra.s32 v46, v2;
	v1 =	vshra.s32 v1, v2;
	v48 =	vshra.s32 v48, v10  }
0x1dc: {  	v33 =	vld.idx.msk [tilespmem:v33+s18+$0x0], $0xffff;
	v45 =	vshra.s32 v45, v2;
	v44 =	vshra.s32 v44, v2;
	v42 =	vshra.s32 v42, v2  }
0x1dd: {  	v32 =	vld.idx.msk [tilespmem:v32+s18+$0x0], $0xffff;
	v40 =	vshra.s32 v40, v2;
	v0 =	vmul.f32 v0, v54;
	v58 =	vadd.f32 v58, v22  }
0x1de: {  	v25 =	vld.idx.msk [tilespmem:v25+s18+$0x0], $0xffff;
	v37 =	vshra.s32 v37, v2;
	v54 =	vshll.u32 v56, $0x10;
	v20 =	vshll.u32 v20, $0x10  }
0x1df: {  	v23 =	vld.idx.msk [tilespmem:v23+s18+$0x0], $0xffff;
	v35 =	vshra.s32 v35, v2;
	v20 =	vmul.f32 v20, v54;
	v0 =	vadd.f32 v0, v58  }
0x1e0: {  	v21 =	vld.idx.msk [tilespmem:v21+s18+$0x0], $0xffff;
	v56 =	vshll.u32 v60, $0x10;
	v50 =	vshll.u32 v50, $0x10;
	v60 =	vshll.u32 v62, $0x10  }
0x1e1: {  	v18 =	vld.idx.msk [tilespmem:v18+s18+$0x0], $0xffff;
	v62 =	vshra.s32 v59, v10;
	v50 =	vmul.f32 v60, v50;
	v0 =	vadd.f32 v20, v0  }
0x1e2: {  	v33 =	vshra.s32 v33, v2;
	v46 =	vshll.u32 v46, $0x10;
	v59 =	vld.idx.msk [tilespmem:v61+s16+$0x0], $0xffff;
	v54 =	vshll.u32 v62, $0x10  }
0x1e3: {  	v32 =	vshra.s32 v32, v2;
	v58 =	vld.idx.msk [tilespmem:v28+s18+$0x0], $0xffff;
	v28 =	vmul.f32 v46, v54;
	v0 =	vadd.f32 v50, v0  }
0x1e4: {  	v25 =	vshra.s32 v25, v2;
	v1 =	vshll.u32 v1, $0x10;
	v60 =	vshll.u32 v48, $0x10  }
0x1e5: {  	v61 =	vshra.s32 v47, v2;
	v62 =	vld.idx.msk [tilespmem:v51+s16+$0x0], $0xffff;
	v1 =	vmul.f32 v1, v60;
	v0 =	vadd.f32 v28, v0  }
0x1e6: {  	v23 =	vshra.s32 v23, v2;
	v21 =	vshra.s32 v21, v2;
	v48 =	vld.idx.msk [tilespmem:v30+s18+$0x0], $0xffff;
	v46 =	vshll.u32 v61, $0x10  }
0x1e7: {  	v17 =	vld.idx.msk [tilespmem:v17+s18+$0x0], $0xffff;
	v18 =	vshra.s32 v18, v2;
	v46 =	vmul.f32 v46, v56;
	v0 =	vadd.f32 v1, v0  }
0x1e8: {  	v45 =	vshll.u32 v45, $0x10;
	v51 =	vld.idx.msk [tilespmem:v57+s16+$0x0], $0xffff;
	v56 =	vshra.s32 v59, v10;
	v1 =	vshll.u32 v49, $0x10  }
0x1e9: {  	v15 =	vld.idx.msk [tilespmem:v15+s18+$0x0], $0xffff;
	v57 =	vshra.s32 v58, v2;
	v1 =	vmul.f32 v45, v1;
	v0 =	vadd.f32 v46, v0  }
0x1ea: {  	v60 =	vshra.s32 v62, v10;
	v58 =	vld.idx.msk [tilespmem:v52+s16+$0x0], $0xffff;
	v59 =	vshll.u32 v57, $0x10;
	v45 =	vshll.u32 v56, $0x10  }
0x1eb: {  	v14 =	vld.idx.msk [tilespmem:v14+s18+$0x0], $0xffff;
	v61 =	vshra.s32 v48, v2;
	v45 =	vmul.f32 v59, v45;
	v0 =	vadd.f32 v1, v0  }
0x1ec: {  	v17 =	vshra.s32 v17, v2;
	v62 =	vld.idx.msk [tilespmem:v53+s16+$0x0], $0xffff;
	v52 =	vshll.u32 v61, $0x10;
	v1 =	vshll.u32 v60, $0x10  }
0x1ed: {  	v13 =	vld.idx.msk [tilespmem:v13+s18+$0x0], $0xffff;
	v53 =	vshra.s32 v51, v10;
	v1 =	vmul.f32 v52, v1;
	v0 =	vadd.f32 v45, v0  }
0x1ee: {  	v15 =	vshra.s32 v15, v2;
	v44 =	vshll.u32 v44, $0x10;
	v57 =	vshll.u32 v53, $0x10;
	v56 =	vld.idx.msk [tilespmem:v55+s16+$0x0], $0xffff  }
0x1ef: {  	v44 =	vmul.f32 v44, v57;
	v58 =	vshra.s32 v58, v10;
	v0 =	vadd.f32 v1, v0  }
0x1f0: {  	v43 =	vld.idx.msk [tilespmem:v43+s16+$0x0], $0xffff;
	v14 =	vshra.s32 v14, v2;
	v42 =	vshll.u32 v42, $0x10;
	v1 =	vshll.u32 v58, $0x10  }
0x1f1: {  	v11 =	vld.idx.msk [tilespmem:v11+s18+$0x0], $0xffff;
	v59 =	vshra.s32 v62, v10;
	v1 =	vmul.f32 v42, v1;
	v0 =	vadd.f32 v44, v0  }
0x1f2: {  	v41 =	vld.idx.msk [tilespmem:v41+s16+$0x0], $0xffff;
	v13 =	vshra.s32 v13, v2;
	v40 =	vshll.u32 v40, $0x10;
	v42 =	vshll.u32 v59, $0x10  }
0x1f3: {  	v12 =	vld.idx.msk [tilespmem:v12+s18+$0x0], $0xffff;
	v60 =	vshra.s32 v56, v10;
	v40 =	vmul.f32 v40, v42;
	v0 =	vadd.f32 v1, v0  }
0x1f4: {  	v39 =	vld.idx.msk [tilespmem:v39+s16+$0x0], $0xffff;
	v37 =	vshll.u32 v37, $0x10;
	v54 =	vor.u32 $0x12, v9;
	v1 =	vshll.u32 v60, $0x10  }
0x1f5: {  	v8 =	vld.idx.msk [tilespmem:v8+s18+$0x0], $0xffff;
	v61 =	vshra.s32 v43, v10;
	v1 =	vmul.f32 v37, v1;
	v0 =	vadd.f32 v40, v0  }
0x1f6: {  	v38 =	vld.idx.msk [tilespmem:v38+s16+$0x0], $0xffff;
	v11 =	vshra.s32 v11, v2;
	v35 =	vshll.u32 v35, $0x10;
	v37 =	vshll.u32 v61, $0x10  }
0x1f7: {  	v7 =	vld.idx.msk [tilespmem:v7+s18+$0x0], $0xffff;
	v62 =	vshra.s32 v41, v10;
	v35 =	vmul.f32 v35, v37;
	v0 =	vadd.f32 v1, v0  }
0x1f8: {  	v36 =	vld.idx.msk [tilespmem:v36+s16+$0x0], $0xffff;
	v12 =	vshra.s32 v12, v2;
	v33 =	vshll.u32 v33, $0x10;
	v1 =	vshll.u32 v62, $0x10  }
0x1f9: {  	v6 =	vld.idx.msk [tilespmem:v6+s18+$0x0], $0xffff;
	v40 =	vshra.s32 v39, v10;
	v1 =	vmul.f32 v33, v1;
	v0 =	vadd.f32 v35, v0  }
0x1fa: {  	v8 =	vshra.s32 v8, v2;
	v32 =	vshll.u32 v32, $0x10;
	v41 =	vld.idx.msk [tilespmem:v54+s16+$0x0], $0xffff;
	v33 =	vshll.u32 v40, $0x10  }
0x1fb: {  	v5 =	vld.idx.msk [tilespmem:v5+s18+$0x0], $0xffff;
	v42 =	vshra.s32 v38, v10;
	v32 =	vmul.f32 v32, v33;
	v0 =	vadd.f32 v1, v0  }
0x1fc: {  	v34 =	vld.idx.msk [tilespmem:v34+s16+$0x0], $0xffff;
	v7 =	vshra.s32 v7, v2;
	v25 =	vshll.u32 v25, $0x10;
	v1 =	vshll.u32 v42, $0x10  }
0x1fd: {  	v27 =	vld.idx.msk [tilespmem:v27+s16+$0x0], $0xffff;
	v43 =	vshra.s32 v36, v10;
	v1 =	vmul.f32 v25, v1;
	v0 =	vadd.f32 v32, v0  }
0x1fe: {  	v6 =	vshra.s32 v6, v2;
	v23 =	vshll.u32 v23, $0x10;
	v25 =	vshll.u32 v43, $0x10  }
0x1ff: {  	v44 =	vshra.s32 v41, v10;
	v23 =	vmul.f32 v23, v25;
	v0 =	vadd.f32 v1, v0  }
0x200: {  	v31 =	vld.idx.msk [tilespmem:v31+s16+$0x0], $0xffff;
	v5 =	vshra.s32 v5, v2;
	v21 =	vshll.u32 v21, $0x10;
	v1 =	vshll.u32 v44, $0x10  }
0x201: {  	v45 =	vshra.s32 v34, v10;
	v1 =	vmul.f32 v21, v1;
	v0 =	vadd.f32 v23, v0  }
0x202: {  	v18 =	vshll.u32 v18, $0x10;
	v47 =	vshra.s32 v27, v10;
	v46 =	vld.idx.msk [tilespmem:v29+s16+$0x0], $0xffff;
	v21 =	vshll.u32 v45, $0x10  }
0x203: {  	v19 =	vld.idx.msk [tilespmem:v19+s16+$0x0], $0xffff;
	v17 =	vshll.u32 v17, $0x10;
	v18 =	vmul.f32 v18, v21;
	v0 =	vadd.f32 v1, v0  }
0x204: {  	v15 =	vshll.u32 v15, $0x10;
	v22 =	vor.u32 $0x1B, v9;
	v1 =	vshll.u32 v47, $0x10  }
0x205: {  	v48 =	vshra.s32 v31, v10;
	v1 =	vmul.f32 v17, v1;
	v0 =	vadd.f32 v18, v0  }
0x206: {  	v14 =	vshll.u32 v14, $0x10;
	v30 =	vor.u32 $0x1C, v9;
	v49 =	vld.idx.msk [tilespmem:v26+s16+$0x0], $0xffff;
	v17 =	vshll.u32 v48, $0x10  }
0x207: {  	v50 =	vshra.s32 v46, v10;
	v15 =	vmul.f32 v15, v17;
	v0 =	vadd.f32 v1, v0  }
0x208: {  	v16 =	vld.idx.msk [tilespmem:v16+s16+$0x0], $0xffff;
	v13 =	vshll.u32 v13, $0x10;
	v51 =	vshra.s32 v19, v10;
	v1 =	vshll.u32 v50, $0x10  }
0x209: {  	v28 =	vor.u32 $0x1D, v9;
	v54 =	vld.idx.msk [tilespmem:v22+s16+$0x0], $0xffff;
	v1 =	vmul.f32 v14, v1;
	v0 =	vadd.f32 v15, v0  }
0x20a: {  	v11 =	vshll.u32 v11, $0x10;
	v20 =	vor.u32 $0x1E, v9;
	v52 =	vld.idx.msk [tilespmem:v24+s16+$0x0], $0xffff;
	v14 =	vshll.u32 v51, $0x10  }
0x20b: {  	v53 =	vshra.s32 v49, v10;
	v56 =	vld.idx.msk [tilespmem:v30+s16+$0x0], $0xffff;
	v13 =	vmul.f32 v13, v14;
	v0 =	vadd.f32 v1, v0  }
0x20c: {  	v12 =	vshll.u32 v12, $0x10;
	v9 =	vor.u32 $0x1F, v9;
	v1 =	vshll.u32 v53, $0x10  }
0x20d: {  	v4 =	vld.idx.msk [tilespmem:v4+s18+$0x0], $0xffff;
	v55 =	vshra.s32 v16, v10;
	v1 =	vmul.f32 v11, v1;
	v0 =	vadd.f32 v13, v0  }
0x20e: {  	v8 =	vshll.u32 v8, $0x10;
	v7 =	vshll.u32 v7, $0x10;
	v58 =	vld.idx.msk [tilespmem:v28+s16+$0x0], $0xffff;
	v11 =	vshll.u32 v55, $0x10  }
0x20f: {  	v59 =	vld.idx.msk [tilespmem:v20+s16+$0x0], $0xffff;
	v57 =	vshra.s32 v52, v10;
	v62 =	vmul.f32 v12, v11;
	v0 =	vadd.f32 v1, v0  }
0x210: {  	v61 =	vld.idx.msk [tilespmem:v3+s18+$0x0], $0xffff;
	v3 =	vshra.s32 v56, v10;
	v15 =	vshra.s32 v54, v10;
	v13 =	vshll.u32 v57, $0x10  }
0x211: {  	v60 =	vshll.u32 v15, $0x10;
	v8 =	vmul.f32 v8, v13;
	v0 =	vadd.f32 v62, v0  }
0x212: {  	v6 =	vshll.u32 v6, $0x10;
	v3 =	vshll.u32 v3, $0x10;
	v1 =	vmul.f32 v7, v60;
	v7 =	vld.idx.msk [tilespmem:v9+s16+$0x0], $0xffff  }
0x213: {  	v6 =	vmul.f32 v6, v3;
	v3 =	vshra.s32 v58, v10;
	v0 =	vadd.f32 v8, v0  }
0x214: {  	p0 =	sne.s32 s0, $0xF0;
	v4 =	vshra.s32 v4, v2;
	v5 =	vshll.u32 v5, $0x10;
	v3 =	vshll.u32 v3, $0x10  }
.Ltmp1:
0x215: {  	v5 =	vmul.f32 v5, v3;
	v3 =	vshra.s32 v59, v10;
	v0 =	vadd.f32 v1, v0;
	(pc) =	sbr.rel @p0 .LBB2_4-.Ltmp1, $4  }
0x216: {  	v4 =	vshll.u32 v4, $0x10;
	v3 =	vshll.u32 v3, $0x10;
	v2 =	vshra.s32 v61, v2  }
0x217: {  	v3 =	vmul.f32 v4, v3;
	v4 =	vshra.s32 v7, v10;
	v0 =	vadd.f32 v6, v0  }
0x218: {  	s31 =	sadd.s32 $0x10, s31;
	s0 =	sadd.s32 $0x10, s0;
	v2 =	vshll.u32 v2, $0x10;
	v1 =	vshll.u32 v4, $0x10  }
0x219: {  	s6 =	smov.u32 s31;
	s1 =	sadd.s32 $0x10, s1;
	s13 =	sadd.s32 $0x10, s13;
	v2 =	vmul.f32 v2, v1;
	v4 =	vadd.f32 v5, v0  }
0x21a: {  	_ = 	snop  }
0x21b: {  	v0 =	vadd.f32 v3, v4;
	_ =	sdelay $0x1  }
0x21c: {  	v0 =	vadd.f32 v2, v0;
	_ =	sdelay $0x1  }
0x21d: {  	[tilespmem:s6+$0x0] =	vst v0  }
0x21e: {  	_ =	swait.ge [sflag:s19], $0x4000  }
0x21f: {  	[sflag:s19] =	ssyncset.done $0x0  }
0x220: {  	[sflag:s19] =	ssyncadd.s32 $0xFFFFC000  }
0x221: {  	_ =	swait.ge [sflag:s19], $0x4000  }
0x222: {  	[sflag:s19] =	ssyncset.done $0x0  }
0x223: {  	[sflag:s19] =	ssyncadd.s32 $0xFFFFC000  }
0x224: {  	_ =	swait.ge [sflag:s19], $0x80  }
0x225: {  	[sflag:s19] =	ssyncset.done $0x0  }
0x226: {  	[sflag:s19] =	ssyncadd.s32 $0xFFFFFF80  }
0x227: {  	_ =	swait.ge [sflag:s19], $0x80  }
0x228: {  	[sflag:s19] =	ssyncset.done $0x0  }
0x229: {  	s0 =	simm.s32 $0x580;
	[sflag:s19] =	ssyncadd.s32 $0xFFFFFF80  }
0x22a: {  	[tilespmem:s21], [sflag:$0x2] =	stream.indirect.gather [hbm4b:s4+s14], $0x80, s0, s14, $0xb8;
	[tilespmem:$0x10E10] =	vst v63  }
0x22b: {  	s6 =	simm.s32 $0x780  }
0x22c: {  	[tilespmem:s23], [sflag:$0x2] =	stream.indirect.gather [hbm4b:s5+s14], $0x80, s6, s14, $0xb8;
	[tilespmem:$0x10E10] =	vst v63  }
0x22d: {  	_ = 	snop  }
0x22e: {  	[tilespmem:s20], [sflag:$0x2] =	stream.indirect.gather [hbm4b:s2+s14], $0x1, s17, s14, $0xb8;
	[tilespmem:$0x10E10] =	vst v63  }
0x22f: {  	s13 =	simm.s32 $0x300  }
0x230: {  	[tilespmem:s24], [sflag:$0x2] =	stream.indirect.gather [hbm4b:s3+s14], $0x1, s22, s14, $0xb8;
	[tilespmem:$0x10E10] =	vst v63  }
0x231: {  	s29 =	simm.s32 $0x10B00;
	v0 =	vld [tilespmem:s13+$0x0]  }
0x232: {  	s30 =	simm.s32 $0x10900;
	v8 =	vld [tilespmem:s29+$0x0]  }
0x233: {  	s15 =	simm.s32 $0x100;
	v9 =	vld [tilespmem:s30+$0x0]  }
0x234: {  	v1 =	vld [tilespmem:s15+$0x0]  }
0x235: {  	s1 =	simm.s32 $0x0;
	v17 =	vld [tilespmem:$0x1FFF0]  }
0x236: {  	v2 =	vmov s1  }
0x237: {  	v2 =	vshll.u32 v2, $0x7;
	v3 =	vshrl.u32 v0, $0x9  }
0x238: {  	v2 =	vor.u32 v63, v2;
	v8 =	vadd.f32 v8, v9;
	v3 =	vand.u32 $0x60, v3  }
0x239: {  	v0 =	vshra.s32 v0, $0xC;
	v5 =	vor.u32 v2, v3;
	v3 =	vshrl.u32 v1, $0xC  }
0x23a: {  	v1 =	vshra.s32 v1, $0xF;
	v8 =	vadd.f32 v8, v17;
	v3 =	vand.u32 $0x60, v3  }
0x23b: {  	v7 =	vor.u32 $0x2, v5;
	v13 =	vor.u32 $0x3, v5;
	v15 =	vor.u32 $0x5, v5  }
0x23c: {  	v57 =	vor.u32 $0x6, v5;
	v58 =	vor.u32 $0x7, v5;
	v59 =	vor.u32 $0x8, v5  }
0x23d: {  	v61 =	vor.u32 $0x9, v5;
	v20 =	vor.u32 $0xA, v5;
	v25 =	vor.u32 $0xD, v5  }
0x23e: {  	v27 =	vor.u32 $0xE, v5;
	v32 =	vor.u32 $0x10, v5;
	v34 =	vor.u32 $0x11, v5  }
0x23f: {  	v37 =	vor.u32 $0x13, v5;
	v39 =	vor.u32 $0x14, v5;
	v43 =	vor.u32 $0x16, v5  }
0x240: {  	v45 =	vor.u32 $0x17, v5;
	v49 =	vor.u32 $0x19, v5;
	v4 =	vor.u32 v2, v3  }
0x241: {  	v50 =	vor.u32 $0x1A, v5;
	v2 =	vor.u32 $0x1, v5;
	v3 =	vor.u32 $0x1, v4  }
0x242: {  	v10 =	vor.u32 $0x2, v4;
	v16 =	vor.u32 $0x4, v4;
	v52 =	vor.u32 $0x3, v4;
	v6 =	vld.idx.msk [tilespmem:v5+s18+$0x0], $0xffff  }
0x243: {  	v55 =	vor.u32 $0x6, v4;
	v60 =	vor.u32 $0x7, v4;
	v62 =	vor.u32 $0x9, v4;
	v7 =	vld.idx.msk [tilespmem:v7+s18+$0x0], $0xffff  }
0x244: {  	v21 =	vor.u32 $0xA, v4;
	v23 =	vor.u32 $0xB, v4;
	v24 =	vor.u32 $0xC, v4;
	v13 =	vld.idx.msk [tilespmem:v13+s18+$0x0], $0xffff  }
0x245: {  	v26 =	vor.u32 $0xD, v4;
	v29 =	vor.u32 $0xE, v4;
	v30 =	vor.u32 $0xF, v4;
	v15 =	vld.idx.msk [tilespmem:v15+s18+$0x0], $0xffff  }
0x246: {  	v33 =	vor.u32 $0x10, v4;
	v35 =	vor.u32 $0x11, v4;
	v36 =	vor.u32 $0x12, v4;
	v11 =	vld.idx.msk [tilespmem:v4+s16+$0x0], $0xffff  }
0x247: {  	v38 =	vor.u32 $0x13, v4;
	v41 =	vor.u32 $0x14, v4;
	v42 =	vor.u32 $0x15, v4;
	v12 =	vld.idx.msk [tilespmem:v2+s18+$0x0], $0xffff  }
0x248: {  	v44 =	vor.u32 $0x16, v4;
	v47 =	vor.u32 $0x17, v4;
	v48 =	vor.u32 $0x18, v4;
	v14 =	vld.idx.msk [tilespmem:v3+s16+$0x0], $0xffff  }
0x249: {  	v51 =	vor.u32 $0x19, v4;
	v2 =	vand.u32 $0xFFFFFFF0, v0;
	v0 =	vor.u32 $0x4, v5;
	v10 =	vld.idx.msk [tilespmem:v10+s16+$0x0], $0xffff  }
0x24a: {  	v3 =	vand.u32 $0xFFFFFFF0, v1;
	v1 =	vor.u32 $0x5, v4;
	v9 =	vld.idx.msk [tilespmem:v52+s16+$0x0], $0xffff;
	v6 =	vshra.s32 v6, v2  }
0x24b: {  	v56 =	vld.idx.msk [tilespmem:v16+s16+$0x0], $0xffff;
	v6 =	vshll.u32 v6, $0x10;
	v7 =	vshra.s32 v7, v2;
	v13 =	vshra.s32 v13, v2  }
0x24c: {  	v16 =	vld.idx.msk [tilespmem:v60+s16+$0x0], $0xffff;
	v15 =	vshra.s32 v15, v2;
	v11 =	vshra.s32 v11, v3;
	v12 =	vshra.s32 v12, v2  }
0x24d: {  	v7 =	vshll.u32 v7, $0x10;
	v13 =	vshll.u32 v13, $0x10;
	v11 =	vshll.u32 v11, $0x10  }
0x24e: {  	v0 =	vld.idx.msk [tilespmem:v0+s18+$0x0], $0xffff;
	v19 =	vshll.u32 v15, $0x10;
	v14 =	vshra.s32 v14, v3;
	v6 =	vmul.f32 v6, v11  }
0x24f: {  	v15 =	vld.idx.msk [tilespmem:v20+s18+$0x0], $0xffff;
	v12 =	vshll.u32 v12, $0x10;
	v10 =	vshra.s32 v10, v3;
	v53 =	vshll.u32 v14, $0x10  }
0x250: {  	v1 =	vld.idx.msk [tilespmem:v1+s16+$0x0], $0xffff;
	v9 =	vshra.s32 v9, v3;
	v54 =	vmul.f32 v12, v53;
	v6 =	vadd.f32 v6, v8  }
0x251: {  	v22 =	vshra.s32 v16, v3;
	v16 =	vld.idx.msk [tilespmem:v23+s16+$0x0], $0xffff;
	v10 =	vshll.u32 v10, $0x10;
	v9 =	vshll.u32 v9, $0x10  }
0x252: {  	v11 =	vld.idx.msk [tilespmem:v55+s16+$0x0], $0xffff;
	v55 =	vor.u32 $0x1C, v5;
	v7 =	vmul.f32 v7, v10;
	v6 =	vadd.f32 v54, v6  }
0x253: {  	v14 =	vld.idx.msk [tilespmem:v57+s18+$0x0], $0xffff;
	v57 =	vor.u32 $0x1D, v5;
	v12 =	vshra.s32 v56, v3;
	v9 =	vmul.f32 v13, v9  }
0x254: {  	v10 =	vld.idx.msk [tilespmem:v59+s18+$0x0], $0xffff;
	v53 =	vor.u32 $0x1B, v5;
	v6 =	vadd.f32 v7, v6;
	v7 =	vor.u32 $0x8, v4  }
0x255: {  	v13 =	vld.idx.msk [tilespmem:v61+s18+$0x0], $0xffff;
	v12 =	vshll.u32 v12, $0x10;
	v0 =	vshra.s32 v0, v2;
	v28 =	vshra.s32 v15, v2  }
0x256: {  	v8 =	vld.idx.msk [tilespmem:v58+s18+$0x0], $0xffff;
	v0 =	vshll.u32 v0, $0x10;
	v1 =	vshra.s32 v1, v3;
	v16 =	vshra.s32 v16, v3  }
0x257: {  	v0 =	vmul.f32 v0, v12;
	v1 =	vshll.u32 v1, $0x10;
	v11 =	vshra.s32 v11, v3  }
0x258: {  	v14 =	vshra.s32 v14, v2;
	v12 =	vld.idx.msk [tilespmem:v62+s16+$0x0], $0xffff;
	v31 =	vshll.u32 v16, $0x10;
	v6 =	vadd.f32 v9, v6  }
0x259: {  	v1 =	vmul.f32 v19, v1;
	v11 =	vshll.u32 v11, $0x10;
	v14 =	vshll.u32 v14, $0x10;
	v7 =	vld.idx.msk [tilespmem:v7+s16+$0x0], $0xffff  }
0x25a: {  	v16 =	vld.idx.msk [tilespmem:v32+s18+$0x0], $0xffff;
	v10 =	vshra.s32 v10, v2;
	v0 =	vadd.f32 v0, v6;
	v6 =	vor.u32 $0xB, v5  }
0x25b: {  	v13 =	vshra.s32 v13, v2;
	v11 =	vmul.f32 v14, v11;
	v8 =	vshra.s32 v8, v2  }
0x25c: {  	v15 =	vld.idx.msk [tilespmem:v29+s16+$0x0], $0xffff;
	v14 =	vshll.u32 v22, $0x10;
	v0 =	vadd.f32 v1, v0;
	v1 =	vor.u32 $0xC, v5  }
0x25d: {  	v10 =	vshll.u32 v10, $0x10;
	v13 =	vshll.u32 v13, $0x10;
	v8 =	vshll.u32 v8, $0x10;
	v9 =	vld.idx.msk [tilespmem:v21+s16+$0x0], $0xffff  }
0x25e: {  	v8 =	vmul.f32 v8, v14;
	v14 =	vld.idx.msk [tilespmem:v24+s16+$0x0], $0xffff;
	v0 =	vadd.f32 v11, v0;
	v7 =	vshra.s32 v7, v3  }
0x25f: {  	v12 =	vshra.s32 v12, v3;
	v40 =	vshra.s32 v16, v2;
	v6 =	vld.idx.msk [tilespmem:v6+s18+$0x0], $0xffff;
	v7 =	vshll.u32 v7, $0x10  }
0x260: {  	v16 =	vld.idx.msk [tilespmem:v41+s16+$0x0], $0xffff;
	v12 =	vshll.u32 v12, $0x10;
	v0 =	vadd.f32 v8, v0;
	v7 =	vmul.f32 v10, v7  }
0x261: {  	v56 =	vor.u32 $0x1C, v4;
	v54 =	vor.u32 $0x1B, v4;
	v12 =	vmul.f32 v13, v12;
	v1 =	vld.idx.msk [tilespmem:v1+s18+$0x0], $0xffff  }
0x262: {  	v9 =	vshra.s32 v9, v3;
	v11 =	vld.idx.msk [tilespmem:v25+s18+$0x0], $0xffff;
	v0 =	vadd.f32 v7, v0;
	v7 =	vor.u32 $0xF, v5  }
0x263: {  	v13 =	vshll.u32 v28, $0x10;
	v9 =	vshll.u32 v9, $0x10;
	v14 =	vshra.s32 v14, v3;
	v10 =	vld.idx.msk [tilespmem:v26+s16+$0x0], $0xffff  }
0x264: {  	v9 =	vmul.f32 v13, v9;
	v6 =	vshra.s32 v6, v2;
	v0 =	vadd.f32 v12, v0  }
0x265: {  	v15 =	vshra.s32 v15, v3;
	v14 =	vshll.u32 v14, $0x10;
	v8 =	vld.idx.msk [tilespmem:v27+s18+$0x0], $0xffff;
	v6 =	vshll.u32 v6, $0x10  }
0x266: {  	v13 =	vld.idx.msk [tilespmem:v30+s16+$0x0], $0xffff;
	v6 =	vmul.f32 v6, v31;
	v1 =	vshra.s32 v1, v2;
	v0 =	vadd.f32 v9, v0  }
0x267: {  	v16 =	vshra.s32 v16, v3;
	v11 =	vshra.s32 v11, v2;
	v1 =	vshll.u32 v1, $0x10;
	v7 =	vld.idx.msk [tilespmem:v7+s18+$0x0], $0xffff  }
0x268: {  	v12 =	vld.idx.msk [tilespmem:v33+s16+$0x0], $0xffff;
	v10 =	vshra.s32 v10, v3;
	v1 =	vmul.f32 v1, v14;
	v0 =	vadd.f32 v6, v0  }
0x269: {  	v11 =	vshll.u32 v11, $0x10;
	v10 =	vshll.u32 v10, $0x10;
	v9 =	vld.idx.msk [tilespmem:v34+s18+$0x0], $0xffff;
	v6 =	vor.u32 $0x12, v5  }
0x26a: {  	v8 =	vshra.s32 v8, v2;
	v14 =	vld.idx.msk [tilespmem:v35+s16+$0x0], $0xffff;
	v10 =	vmul.f32 v11, v10;
	v0 =	vadd.f32 v1, v0  }
0x26b: {  	v13 =	vshra.s32 v13, v3;
	v8 =	vshll.u32 v8, $0x10;
	v11 =	vld.idx.msk [tilespmem:v36+s16+$0x0], $0xffff;
	v1 =	vshll.u32 v15, $0x10  }
0x26c: {  	v15 =	vld.idx.msk [tilespmem:v37+s18+$0x0], $0xffff;
	v1 =	vmul.f32 v8, v1;
	v7 =	vshra.s32 v7, v2;
	v0 =	vadd.f32 v10, v0  }
0x26d: {  	v13 =	vshll.u32 v13, $0x10;
	v12 =	vshra.s32 v12, v3;
	v8 =	vld.idx.msk [tilespmem:v38+s16+$0x0], $0xffff;
	v7 =	vshll.u32 v7, $0x10  }
0x26e: {  	v12 =	vshll.u32 v12, $0x10;
	v6 =	vld.idx.msk [tilespmem:v6+s18+$0x0], $0xffff;
	v7 =	vmul.f32 v7, v13;
	v0 =	vadd.f32 v1, v0  }
0x26f: {  	v14 =	vshra.s32 v14, v3;
	v13 =	vshll.u32 v40, $0x10;
	v1 =	vor.u32 $0x15, v5  }
0x270: {  	v9 =	vshra.s32 v9, v2;
	v10 =	vld.idx.msk [tilespmem:v39+s18+$0x0], $0xffff;
	v12 =	vmul.f32 v13, v12;
	v0 =	vadd.f32 v7, v0  }
0x271: {  	v9 =	vshll.u32 v9, $0x10;
	v11 =	vshra.s32 v11, v3;
	v13 =	vld.idx.msk [tilespmem:v42+s16+$0x0], $0xffff;
	v7 =	vshll.u32 v14, $0x10  }
0x272: {  	v46 =	vshra.s32 v15, v2;
	v15 =	vld.idx.msk [tilespmem:v47+s16+$0x0], $0xffff;
	v7 =	vmul.f32 v9, v7;
	v0 =	vadd.f32 v12, v0  }
0x273: {  	v11 =	vshll.u32 v11, $0x10;
	v8 =	vshra.s32 v8, v3;
	v9 =	vld.idx.msk [tilespmem:v44+s16+$0x0], $0xffff;
	v6 =	vshra.s32 v6, v2  }
0x274: {  	v6 =	vshll.u32 v6, $0x10;
	v1 =	vld.idx.msk [tilespmem:v1+s18+$0x0], $0xffff;
	v0 =	vadd.f32 v7, v0;
	v7 =	vor.u32 $0x18, v5  }
0x275: {  	v14 =	vld.idx.msk [tilespmem:v43+s18+$0x0], $0xffff;
	v8 =	vshll.u32 v8, $0x10;
	v10 =	vshra.s32 v10, v2;
	v6 =	vmul.f32 v6, v11  }
0x276: {  	v10 =	vshll.u32 v10, $0x10;
	v12 =	vld.idx.msk [tilespmem:v45+s18+$0x0], $0xffff;
	v11 =	vshll.u32 v46, $0x10;
	v13 =	vshra.s32 v13, v3  }
0x277: {  	v15 =	vshra.s32 v15, v3;
	v8 =	vmul.f32 v11, v8;
	v0 =	vadd.f32 v6, v0  }
0x278: {  	v13 =	vshll.u32 v13, $0x10;
	v11 =	vld.idx.msk [tilespmem:v48+s16+$0x0], $0xffff;
	v6 =	vshll.u32 v16, $0x10;
	v9 =	vshra.s32 v9, v3  }
0x279: {  	v6 =	vmul.f32 v10, v6;
	v1 =	vshra.s32 v1, v2;
	v0 =	vadd.f32 v8, v0;
	v7 =	vld.idx.msk [tilespmem:v7+s18+$0x0], $0xffff  }
0x27a: {  	v52 =	vshra.s32 v14, v2;
	v9 =	vshll.u32 v9, $0x10;
	v1 =	vshll.u32 v1, $0x10  }
0x27b: {  	v12 =	vshra.s32 v12, v2;
	v1 =	vmul.f32 v1, v13;
	v0 =	vadd.f32 v6, v0  }
0x27c: {  	v14 =	vld.idx.msk [tilespmem:v53+s18+$0x0], $0xffff;
	v12 =	vshll.u32 v12, $0x10;
	v13 =	vshll.u32 v52, $0x10;
	v6 =	vor.u32 $0x1A, v4  }
0x27d: {  	v16 =	vld.idx.msk [tilespmem:v49+s18+$0x0], $0xffff;
	v11 =	vshra.s32 v11, v3;
	v9 =	vmul.f32 v13, v9;
	v0 =	vadd.f32 v1, v0  }
0x27e: {  	v10 =	vld.idx.msk [tilespmem:v50+s18+$0x0], $0xffff;
	v11 =	vshll.u32 v11, $0x10;
	v1 =	vshll.u32 v15, $0x10;
	v7 =	vshra.s32 v7, v2  }
0x27f: {  	v8 =	vld.idx.msk [tilespmem:v51+s16+$0x0], $0xffff;
	v1 =	vmul.f32 v12, v1;
	v0 =	vadd.f32 v9, v0;
	v7 =	vshll.u32 v7, $0x10  }
0x280: {  	v58 =	vor.u32 $0x1D, v4;
	v13 =	vld.idx.msk [tilespmem:v54+s16+$0x0], $0xffff;
	v7 =	vmul.f32 v7, v11  }
0x281: {  	v6 =	vld.idx.msk [tilespmem:v6+s16+$0x0], $0xffff;
	v0 =	vadd.f32 v1, v0;
	v1 =	vor.u32 $0x1F, v5;
	v5 =	vor.u32 $0x1E, v5  }
0x282: {  	v59 =	vshra.s32 v14, v2;
	v15 =	vld.idx.msk [tilespmem:v55+s18+$0x0], $0xffff  }
0x283: {  	v16 =	vshra.s32 v16, v2;
	v9 =	vld.idx.msk [tilespmem:v57+s18+$0x0], $0xffff;
	v0 =	vadd.f32 v7, v0;
	v7 =	vor.u32 $0x1E, v4  }
0x284: {  	v60 =	vshll.u32 v59, $0x10;
	v8 =	vshra.s32 v8, v3;
	v12 =	vld.idx.msk [tilespmem:v56+s16+$0x0], $0xffff;
	v4 =	vor.u32 $0x1F, v4  }
0x285: {  	v16 =	vshll.u32 v16, $0x10;
	v10 =	vshra.s32 v10, v2;
	v8 =	vshll.u32 v8, $0x10;
	v11 =	vld.idx.msk [tilespmem:v58+s16+$0x0], $0xffff  }
0x286: {  	v8 =	vmul.f32 v16, v8;
	v13 =	vshra.s32 v13, v3;
	v6 =	vshra.s32 v6, v3;
	v5 =	vld.idx.msk [tilespmem:v5+s18+$0x0], $0xffff  }
0x287: {  	v10 =	vshll.u32 v10, $0x10;
	v61 =	vshll.u32 v13, $0x10;
	v6 =	vshll.u32 v6, $0x10;
	v1 =	vld.idx.msk [tilespmem:v1+s18+$0x0], $0xffff  }
0x288: {  	v9 =	vshra.s32 v9, v2;
	v0 =	vadd.f32 v8, v0;
	v6 =	vmul.f32 v10, v6;
	v7 =	vld.idx.msk [tilespmem:v7+s16+$0x0], $0xffff  }
0x289: {  	v62 =	vshra.s32 v12, v3;
	v8 =	vmul.f32 v60, v61;
	v9 =	vshll.u32 v9, $0x10;
	v4 =	vld.idx.msk [tilespmem:v4+s16+$0x0], $0xffff  }
0x28a: {  	v11 =	vshra.s32 v11, v3;
	v0 =	vadd.f32 v6, v0;
	v6 =	vshra.s32 v15, v2  }
0x28b: {  	v10 =	vshll.u32 v62, $0x10;
	v11 =	vshll.u32 v11, $0x10;
	v6 =	vshll.u32 v6, $0x10  }
0x28c: {  	v6 =	vmul.f32 v6, v10;
	v0 =	vadd.f32 v8, v0;
	v1 =	vshra.s32 v1, v2  }
0x28d: {  	v9 =	vmul.f32 v9, v11;
	v1 =	vshll.u32 v1, $0x10;
	v7 =	vshra.s32 v7, v3  }
0x28e: {  	v3 =	vshra.s32 v4, v3;
	v4 =	vshra.s32 v5, v2;
	v0 =	vadd.f32 v6, v0  }
0x28f: {  	s31 =	simm.s32 $0x10D00;
	s1 =	simm.s32 $0x310;
	v2 =	vshll.u32 v7, $0x10;
	v4 =	vshll.u32 v4, $0x10;
	v5 =	vshll.u32 v3, $0x10  }
0x290: {  	s0 =	simm.s32 $0x10;
	s6 =	simm.s32 $0x10D00;
	s13 =	simm.s32 $0x110;
	v3 =	vmul.f32 v4, v2;
	v2 =	vmul.f32 v1, v5;
	v4 =	vadd.f32 v9, v0  }
.LBB2_6:
0x291: {  	_ = 	snop  }
0x292: {  	v0 =	vadd.f32 v3, v4;
	_ =	sdelay $0x1  }
0x293: {  	v0 =	vadd.f32 v2, v0  }
0x294: {  	s15 =	smov.u32 s0  }
0x295: {  	v1 =	vmov s15;
	[tilespmem:s6+$0x0] =	vst v0  }
0x296: {  	v0 =	vshll.u32 v1, $0x7;
	v1 =	vld [tilespmem:s1+$0x0]  }
0x297: {  	s29 =	sadd.s32 $0x10, s29;
	v9 =	vld [tilespmem:s13+$0x0]  }
0x298: {  	s30 =	sadd.s32 $0x10, s30;
	v34 =	vld [tilespmem:s29+$0x0]  }
0x299: {  	v29 =	vld [tilespmem:s30+$0x0];
	_ =	sdelay $0x2  }
0x29a: {  	v0 =	vor.u32 v63, v0;
	v2 =	vshrl.u32 v1, $0x9;
	v1 =	vshra.s32 v1, $0xC  }
0x29b: {  	v16 =	vshrl.u32 v9, $0xC;
	v20 =	vshra.s32 v9, $0xF;
	v2 =	vand.u32 $0x60, v2  }
0x29c: {  	v58 =	vadd.f32 v34, v29;
	v31 =	vand.u32 $0x60, v16;
	v10 =	vor.u32 v0, v2  }
0x29d: {  	v2 =	vand.u32 $0xFFFFFFF0, v1;
	v9 =	vor.u32 v0, v31;
	v25 =	vor.u32 $0x10, v10  }
0x29e: {  	v23 =	vor.u32 $0x11, v10;
	v11 =	vor.u32 $0x18, v10;
	v22 =	vor.u32 $0x2, v10  }
0x29f: {  	v18 =	vor.u32 $0x13, v10;
	v17 =	vor.u32 $0x14, v10;
	v24 =	vor.u32 $0x1, v10  }
0x2a0: {  	v15 =	vor.u32 $0x15, v10;
	v21 =	vor.u32 $0x12, v10;
	v26 =	vor.u32 $0x1, v9  }
0x2a1: {  	v14 =	vor.u32 $0x16, v10;
	v13 =	vor.u32 $0x17, v10;
	v31 =	vor.u32 $0x5, v9;
	v0 =	vld.idx.msk [tilespmem:v10+s18+$0x0], $0xffff  }
0x2a2: {  	v12 =	vor.u32 $0x19, v10;
	v8 =	vor.u32 $0x1A, v10;
	v50 =	vor.u32 $0x2, v9;
	v54 =	vld.idx.msk [tilespmem:v9+s16+$0x0], $0xffff  }
0x2a3: {  	v3 =	vor.u32 $0x1F, v10;
	v1 =	vor.u32 $0x4, v10;
	v49 =	vor.u32 $0x6, v9;
	v22 =	vld.idx.msk [tilespmem:v22+s18+$0x0], $0xffff  }
0x2a4: {  	v7 =	vor.u32 $0x1B, v10;
	v6 =	vor.u32 $0x1C, v10;
	v46 =	vor.u32 $0x3, v10;
	v24 =	vld.idx.msk [tilespmem:v24+s18+$0x0], $0xffff  }
0x2a5: {  	v5 =	vor.u32 $0x1D, v10;
	v4 =	vor.u32 $0x1E, v10;
	v35 =	vor.u32 $0xD, v10;
	v56 =	vld.idx.msk [tilespmem:v26+s16+$0x0], $0xffff  }
0x2a6: {  	v33 =	vor.u32 $0xE, v10;
	v32 =	vor.u32 $0xF, v10;
	v59 =	vor.u32 $0x3, v9;
	v60 =	vld.idx.msk [tilespmem:v31+s16+$0x0], $0xffff  }
0x2a7: {  	v42 =	vor.u32 $0xA, v10;
	v40 =	vor.u32 $0xB, v10;
	v48 =	vor.u32 $0x4, v9;
	v50 =	vld.idx.msk [tilespmem:v50+s16+$0x0], $0xffff  }
0x2a8: {  	v37 =	vor.u32 $0xC, v10;
	v28 =	vor.u32 $0x7, v10;
	v45 =	vor.u32 $0x6, v10;
	v49 =	vld.idx.msk [tilespmem:v49+s16+$0x0], $0xffff  }
0x2a9: {  	v30 =	vor.u32 $0x8, v10;
	v44 =	vor.u32 $0x9, v10;
	v47 =	vor.u32 $0x5, v10;
	v46 =	vld.idx.msk [tilespmem:v46+s18+$0x0], $0xffff  }
0x2aa: {  	v16 =	vor.u32 $0x19, v9;
	v19 =	vor.u32 $0x17, v9;
	v51 =	vor.u32 $0x8, v9;
	v1 =	vld.idx.msk [tilespmem:v1+s18+$0x0], $0xffff  }
0x2ab: {  	v27 =	vor.u32 $0x14, v9;
	v52 =	vor.u32 $0xA, v9;
	v53 =	vor.u32 $0xB, v9;
	v59 =	vld.idx.msk [tilespmem:v59+s16+$0x0], $0xffff  }
0x2ac: {  	v39 =	vor.u32 $0xF, v9;
	v55 =	vor.u32 $0xC, v9;
	v43 =	vor.u32 $0xD, v9;
	v48 =	vld.idx.msk [tilespmem:v48+s16+$0x0], $0xffff  }
0x2ad: {  	v41 =	vor.u32 $0xE, v9;
	v57 =	vor.u32 $0x9, v9;
	v38 =	vor.u32 $0x10, v9;
	v45 =	vld.idx.msk [tilespmem:v45+s18+$0x0], $0xffff  }
0x2ae: {  	v36 =	vor.u32 $0x11, v9;
	v34 =	vor.u32 $0x13, v9;
	v61 =	vor.u32 $0x7, v9;
	v44 =	vld.idx.msk [tilespmem:v44+s18+$0x0], $0xffff  }
0x2af: {  	v29 =	vor.u32 $0x16, v9;
	v10 =	vand.u32 $0xFFFFFFF0, v20;
	v31 =	vor.u32 $0x15, v9;
	v42 =	vld.idx.msk [tilespmem:v42+s18+$0x0], $0xffff  }
0x2b0: {  	v26 =	vor.u32 $0x18, v9;
	v40 =	vld.idx.msk [tilespmem:v40+s18+$0x0], $0xffff;
	v0 =	vshra.s32 v0, v2;
	v54 =	vshra.s32 v54, v10  }
0x2b1: {  	v62 =	vshra.s32 v22, v2;
	v20 =	vshra.s32 v24, v2;
	v24 =	vor.u32 $0x1A, v9;
	v22 =	vld [tilespmem:$0x1FFF0]  }
0x2b2: {  	v37 =	vld.idx.msk [tilespmem:v37+s18+$0x0], $0xffff;
	v54 =	vshll.u32 v54, $0x10;
	v0 =	vshll.u32 v0, $0x10;
	v56 =	vshra.s32 v56, v10  }
0x2b3: {  	v35 =	vld.idx.msk [tilespmem:v35+s18+$0x0], $0xffff;
	v60 =	vshra.s32 v60, v10;
	v50 =	vshra.s32 v50, v10;
	v49 =	vshra.s32 v49, v10  }
0x2b4: {  	v47 =	vld.idx.msk [tilespmem:v47+s18+$0x0], $0xffff;
	v46 =	vshra.s32 v46, v2;
	v1 =	vshra.s32 v1, v2;
	v48 =	vshra.s32 v48, v10  }
0x2b5: {  	v33 =	vld.idx.msk [tilespmem:v33+s18+$0x0], $0xffff;
	v45 =	vshra.s32 v45, v2;
	v44 =	vshra.s32 v44, v2;
	v42 =	vshra.s32 v42, v2  }
0x2b6: {  	v32 =	vld.idx.msk [tilespmem:v32+s18+$0x0], $0xffff;
	v40 =	vshra.s32 v40, v2;
	v0 =	vmul.f32 v0, v54;
	v58 =	vadd.f32 v58, v22  }
0x2b7: {  	v25 =	vld.idx.msk [tilespmem:v25+s18+$0x0], $0xffff;
	v37 =	vshra.s32 v37, v2;
	v54 =	vshll.u32 v56, $0x10;
	v20 =	vshll.u32 v20, $0x10  }
0x2b8: {  	v23 =	vld.idx.msk [tilespmem:v23+s18+$0x0], $0xffff;
	v35 =	vshra.s32 v35, v2;
	v20 =	vmul.f32 v20, v54;
	v0 =	vadd.f32 v0, v58  }
0x2b9: {  	v21 =	vld.idx.msk [tilespmem:v21+s18+$0x0], $0xffff;
	v56 =	vshll.u32 v60, $0x10;
	v50 =	vshll.u32 v50, $0x10;
	v60 =	vshll.u32 v62, $0x10  }
0x2ba: {  	v18 =	vld.idx.msk [tilespmem:v18+s18+$0x0], $0xffff;
	v62 =	vshra.s32 v59, v10;
	v50 =	vmul.f32 v60, v50;
	v0 =	vadd.f32 v20, v0  }
0x2bb: {  	v33 =	vshra.s32 v33, v2;
	v46 =	vshll.u32 v46, $0x10;
	v59 =	vld.idx.msk [tilespmem:v61+s16+$0x0], $0xffff;
	v54 =	vshll.u32 v62, $0x10  }
0x2bc: {  	v32 =	vshra.s32 v32, v2;
	v58 =	vld.idx.msk [tilespmem:v28+s18+$0x0], $0xffff;
	v28 =	vmul.f32 v46, v54;
	v0 =	vadd.f32 v50, v0  }
0x2bd: {  	v25 =	vshra.s32 v25, v2;
	v1 =	vshll.u32 v1, $0x10;
	v60 =	vshll.u32 v48, $0x10  }
0x2be: {  	v61 =	vshra.s32 v47, v2;
	v62 =	vld.idx.msk [tilespmem:v51+s16+$0x0], $0xffff;
	v1 =	vmul.f32 v1, v60;
	v0 =	vadd.f32 v28, v0  }
0x2bf: {  	v23 =	vshra.s32 v23, v2;
	v21 =	vshra.s32 v21, v2;
	v48 =	vld.idx.msk [tilespmem:v30+s18+$0x0], $0xffff;
	v46 =	vshll.u32 v61, $0x10  }
0x2c0: {  	v17 =	vld.idx.msk [tilespmem:v17+s18+$0x0], $0xffff;
	v18 =	vshra.s32 v18, v2;
	v46 =	vmul.f32 v46, v56;
	v0 =	vadd.f32 v1, v0  }
0x2c1: {  	v45 =	vshll.u32 v45, $0x10;
	v51 =	vld.idx.msk [tilespmem:v57+s16+$0x0], $0xffff;
	v56 =	vshra.s32 v59, v10;
	v1 =	vshll.u32 v49, $0x10  }
0x2c2: {  	v15 =	vld.idx.msk [tilespmem:v15+s18+$0x0], $0xffff;
	v57 =	vshra.s32 v58, v2;
	v1 =	vmul.f32 v45, v1;
	v0 =	vadd.f32 v46, v0  }
0x2c3: {  	v60 =	vshra.s32 v62, v10;
	v58 =	vld.idx.msk [tilespmem:v52+s16+$0x0], $0xffff;
	v59 =	vshll.u32 v57, $0x10;
	v45 =	vshll.u32 v56, $0x10  }
0x2c4: {  	v14 =	vld.idx.msk [tilespmem:v14+s18+$0x0], $0xffff;
	v61 =	vshra.s32 v48, v2;
	v45 =	vmul.f32 v59, v45;
	v0 =	vadd.f32 v1, v0  }
0x2c5: {  	v17 =	vshra.s32 v17, v2;
	v62 =	vld.idx.msk [tilespmem:v53+s16+$0x0], $0xffff;
	v52 =	vshll.u32 v61, $0x10;
	v1 =	vshll.u32 v60, $0x10  }
0x2c6: {  	v13 =	vld.idx.msk [tilespmem:v13+s18+$0x0], $0xffff;
	v53 =	vshra.s32 v51, v10;
	v1 =	vmul.f32 v52, v1;
	v0 =	vadd.f32 v45, v0  }
0x2c7: {  	v15 =	vshra.s32 v15, v2;
	v44 =	vshll.u32 v44, $0x10;
	v57 =	vshll.u32 v53, $0x10;
	v56 =	vld.idx.msk [tilespmem:v55+s16+$0x0], $0xffff  }
0x2c8: {  	v44 =	vmul.f32 v44, v57;
	v58 =	vshra.s32 v58, v10;
	v0 =	vadd.f32 v1, v0  }
0x2c9: {  	v43 =	vld.idx.msk [tilespmem:v43+s16+$0x0], $0xffff;
	v14 =	vshra.s32 v14, v2;
	v42 =	vshll.u32 v42, $0x10;
	v1 =	vshll.u32 v58, $0x10  }
0x2ca: {  	v11 =	vld.idx.msk [tilespmem:v11+s18+$0x0], $0xffff;
	v59 =	vshra.s32 v62, v10;
	v1 =	vmul.f32 v42, v1;
	v0 =	vadd.f32 v44, v0  }
0x2cb: {  	v41 =	vld.idx.msk [tilespmem:v41+s16+$0x0], $0xffff;
	v13 =	vshra.s32 v13, v2;
	v40 =	vshll.u32 v40, $0x10;
	v42 =	vshll.u32 v59, $0x10  }
0x2cc: {  	v12 =	vld.idx.msk [tilespmem:v12+s18+$0x0], $0xffff;
	v60 =	vshra.s32 v56, v10;
	v40 =	vmul.f32 v40, v42;
	v0 =	vadd.f32 v1, v0  }
0x2cd: {  	v39 =	vld.idx.msk [tilespmem:v39+s16+$0x0], $0xffff;
	v37 =	vshll.u32 v37, $0x10;
	v54 =	vor.u32 $0x12, v9;
	v1 =	vshll.u32 v60, $0x10  }
0x2ce: {  	v8 =	vld.idx.msk [tilespmem:v8+s18+$0x0], $0xffff;
	v61 =	vshra.s32 v43, v10;
	v1 =	vmul.f32 v37, v1;
	v0 =	vadd.f32 v40, v0  }
0x2cf: {  	v38 =	vld.idx.msk [tilespmem:v38+s16+$0x0], $0xffff;
	v11 =	vshra.s32 v11, v2;
	v35 =	vshll.u32 v35, $0x10;
	v37 =	vshll.u32 v61, $0x10  }
0x2d0: {  	v7 =	vld.idx.msk [tilespmem:v7+s18+$0x0], $0xffff;
	v62 =	vshra.s32 v41, v10;
	v35 =	vmul.f32 v35, v37;
	v0 =	vadd.f32 v1, v0  }
0x2d1: {  	v36 =	vld.idx.msk [tilespmem:v36+s16+$0x0], $0xffff;
	v12 =	vshra.s32 v12, v2;
	v33 =	vshll.u32 v33, $0x10;
	v1 =	vshll.u32 v62, $0x10  }
0x2d2: {  	v6 =	vld.idx.msk [tilespmem:v6+s18+$0x0], $0xffff;
	v40 =	vshra.s32 v39, v10;
	v1 =	vmul.f32 v33, v1;
	v0 =	vadd.f32 v35, v0  }
0x2d3: {  	v8 =	vshra.s32 v8, v2;
	v32 =	vshll.u32 v32, $0x10;
	v41 =	vld.idx.msk [tilespmem:v54+s16+$0x0], $0xffff;
	v33 =	vshll.u32 v40, $0x10  }
0x2d4: {  	v5 =	vld.idx.msk [tilespmem:v5+s18+$0x0], $0xffff;
	v42 =	vshra.s32 v38, v10;
	v32 =	vmul.f32 v32, v33;
	v0 =	vadd.f32 v1, v0  }
0x2d5: {  	v34 =	vld.idx.msk [tilespmem:v34+s16+$0x0], $0xffff;
	v7 =	vshra.s32 v7, v2;
	v25 =	vshll.u32 v25, $0x10;
	v1 =	vshll.u32 v42, $0x10  }
0x2d6: {  	v27 =	vld.idx.msk [tilespmem:v27+s16+$0x0], $0xffff;
	v43 =	vshra.s32 v36, v10;
	v1 =	vmul.f32 v25, v1;
	v0 =	vadd.f32 v32, v0  }
0x2d7: {  	v6 =	vshra.s32 v6, v2;
	v23 =	vshll.u32 v23, $0x10;
	v25 =	vshll.u32 v43, $0x10  }
0x2d8: {  	v44 =	vshra.s32 v41, v10;
	v23 =	vmul.f32 v23, v25;
	v0 =	vadd.f32 v1, v0  }
0x2d9: {  	v31 =	vld.idx.msk [tilespmem:v31+s16+$0x0], $0xffff;
	v5 =	vshra.s32 v5, v2;
	v21 =	vshll.u32 v21, $0x10;
	v1 =	vshll.u32 v44, $0x10  }
0x2da: {  	v45 =	vshra.s32 v34, v10;
	v1 =	vmul.f32 v21, v1;
	v0 =	vadd.f32 v23, v0  }
0x2db: {  	v18 =	vshll.u32 v18, $0x10;
	v47 =	vshra.s32 v27, v10;
	v46 =	vld.idx.msk [tilespmem:v29+s16+$0x0], $0xffff;
	v21 =	vshll.u32 v45, $0x10  }
0x2dc: {  	v19 =	vld.idx.msk [tilespmem:v19+s16+$0x0], $0xffff;
	v17 =	vshll.u32 v17, $0x10;
	v18 =	vmul.f32 v18, v21;
	v0 =	vadd.f32 v1, v0  }
0x2dd: {  	v15 =	vshll.u32 v15, $0x10;
	v22 =	vor.u32 $0x1B, v9;
	v1 =	vshll.u32 v47, $0x10  }
0x2de: {  	v48 =	vshra.s32 v31, v10;
	v1 =	vmul.f32 v17, v1;
	v0 =	vadd.f32 v18, v0  }
0x2df: {  	v14 =	vshll.u32 v14, $0x10;
	v30 =	vor.u32 $0x1C, v9;
	v49 =	vld.idx.msk [tilespmem:v26+s16+$0x0], $0xffff;
	v17 =	vshll.u32 v48, $0x10  }
0x2e0: {  	v50 =	vshra.s32 v46, v10;
	v15 =	vmul.f32 v15, v17;
	v0 =	vadd.f32 v1, v0  }
0x2e1: {  	v16 =	vld.idx.msk [tilespmem:v16+s16+$0x0], $0xffff;
	v13 =	vshll.u32 v13, $0x10;
	v51 =	vshra.s32 v19, v10;
	v1 =	vshll.u32 v50, $0x10  }
0x2e2: {  	v28 =	vor.u32 $0x1D, v9;
	v54 =	vld.idx.msk [tilespmem:v22+s16+$0x0], $0xffff;
	v1 =	vmul.f32 v14, v1;
	v0 =	vadd.f32 v15, v0  }
0x2e3: {  	v11 =	vshll.u32 v11, $0x10;
	v20 =	vor.u32 $0x1E, v9;
	v52 =	vld.idx.msk [tilespmem:v24+s16+$0x0], $0xffff;
	v14 =	vshll.u32 v51, $0x10  }
0x2e4: {  	v53 =	vshra.s32 v49, v10;
	v56 =	vld.idx.msk [tilespmem:v30+s16+$0x0], $0xffff;
	v13 =	vmul.f32 v13, v14;
	v0 =	vadd.f32 v1, v0  }
0x2e5: {  	v12 =	vshll.u32 v12, $0x10;
	v9 =	vor.u32 $0x1F, v9;
	v1 =	vshll.u32 v53, $0x10  }
0x2e6: {  	v4 =	vld.idx.msk [tilespmem:v4+s18+$0x0], $0xffff;
	v55 =	vshra.s32 v16, v10;
	v1 =	vmul.f32 v11, v1;
	v0 =	vadd.f32 v13, v0  }
0x2e7: {  	v8 =	vshll.u32 v8, $0x10;
	v7 =	vshll.u32 v7, $0x10;
	v58 =	vld.idx.msk [tilespmem:v28+s16+$0x0], $0xffff;
	v11 =	vshll.u32 v55, $0x10  }
0x2e8: {  	v59 =	vld.idx.msk [tilespmem:v20+s16+$0x0], $0xffff;
	v57 =	vshra.s32 v52, v10;
	v62 =	vmul.f32 v12, v11;
	v0 =	vadd.f32 v1, v0  }
0x2e9: {  	v61 =	vld.idx.msk [tilespmem:v3+s18+$0x0], $0xffff;
	v3 =	vshra.s32 v56, v10;
	v15 =	vshra.s32 v54, v10;
	v13 =	vshll.u32 v57, $0x10  }
0x2ea: {  	v60 =	vshll.u32 v15, $0x10;
	v8 =	vmul.f32 v8, v13;
	v0 =	vadd.f32 v62, v0  }
0x2eb: {  	v6 =	vshll.u32 v6, $0x10;
	v3 =	vshll.u32 v3, $0x10;
	v1 =	vmul.f32 v7, v60;
	v7 =	vld.idx.msk [tilespmem:v9+s16+$0x0], $0xffff  }
0x2ec: {  	v6 =	vmul.f32 v6, v3;
	v3 =	vshra.s32 v58, v10;
	v0 =	vadd.f32 v8, v0  }
0x2ed: {  	p0 =	sne.s32 s0, $0x70;
	v4 =	vshra.s32 v4, v2;
	v5 =	vshll.u32 v5, $0x10;
	v3 =	vshll.u32 v3, $0x10  }
.Ltmp2:
0x2ee: {  	v5 =	vmul.f32 v5, v3;
	v3 =	vshra.s32 v59, v10;
	v0 =	vadd.f32 v1, v0;
	(pc) =	sbr.rel @p0 .LBB2_6-.Ltmp2, $4  }
0x2ef: {  	v4 =	vshll.u32 v4, $0x10;
	v3 =	vshll.u32 v3, $0x10;
	v2 =	vshra.s32 v61, v2  }
0x2f0: {  	v3 =	vmul.f32 v4, v3;
	v4 =	vshra.s32 v7, v10;
	v0 =	vadd.f32 v6, v0  }
0x2f1: {  	s31 =	sadd.s32 $0x10, s31;
	s0 =	sadd.s32 $0x10, s0;
	v2 =	vshll.u32 v2, $0x10;
	v1 =	vshll.u32 v4, $0x10  }
0x2f2: {  	s6 =	smov.u32 s31;
	s1 =	sadd.s32 $0x10, s1;
	s13 =	sadd.s32 $0x10, s13;
	v2 =	vmul.f32 v2, v1;
	v4 =	vadd.f32 v5, v0  }
0x2f3: {  	_ = 	snop  }
0x2f4: {  	v0 =	vadd.f32 v3, v4;
	_ =	sdelay $0x1  }
0x2f5: {  	v0 =	vadd.f32 v2, v0;
	_ =	sdelay $0x1  }
0x2f6: {  	[tilespmem:s6+$0x0] =	vst v0  }
0x2f7: {  	_ =	swait.ge [sflag:s28], $0x4000  }
0x2f8: {  	[sflag:s28] =	ssyncset.done $0x0  }
0x2f9: {  	[sflag:s28] =	ssyncadd.s32 $0xFFFFC000  }
0x2fa: {  	_ =	swait.ge [sflag:s28], $0x4000  }
0x2fb: {  	[sflag:s28] =	ssyncset.done $0x0  }
0x2fc: {  	[sflag:s28] =	ssyncadd.s32 $0xFFFFC000  }
0x2fd: {  	_ =	swait.ge [sflag:s28], $0x80  }
0x2fe: {  	[sflag:s28] =	ssyncset.done $0x0  }
0x2ff: {  	[sflag:s28] =	ssyncadd.s32 $0xFFFFFF80  }
0x300: {  	_ =	swait.ge [sflag:s28], $0x80  }
0x301: {  	[sflag:s28] =	ssyncset.done $0x0  }
0x302: {  	s0 =	simm.s32 $0x380;
	[sflag:s28] =	ssyncadd.s32 $0xFFFFFF80  }
0x303: {  	s29 =	simm.s32 $0x10B80;
	v0 =	vld [tilespmem:s0+$0x0]  }
0x304: {  	s30 =	simm.s32 $0x10980;
	v8 =	vld [tilespmem:s29+$0x0]  }
0x305: {  	s15 =	simm.s32 $0x180;
	v9 =	vld [tilespmem:s30+$0x0]  }
0x306: {  	v1 =	vld [tilespmem:s15+$0x0]  }
0x307: {  	s1 =	simm.s32 $0x80;
	v17 =	vld [tilespmem:$0x1FFF0]  }
0x308: {  	v2 =	vmov s1  }
0x309: {  	v2 =	vshll.u32 v2, $0x7;
	v3 =	vshrl.u32 v0, $0x9  }
0x30a: {  	v2 =	vor.u32 v63, v2;
	v8 =	vadd.f32 v8, v9;
	v3 =	vand.u32 $0x60, v3  }
0x30b: {  	v0 =	vshra.s32 v0, $0xC;
	v5 =	vor.u32 v2, v3;
	v3 =	vshrl.u32 v1, $0xC  }
0x30c: {  	v1 =	vshra.s32 v1, $0xF;
	v8 =	vadd.f32 v8, v17;
	v3 =	vand.u32 $0x60, v3  }
0x30d: {  	v7 =	vor.u32 $0x2, v5;
	v13 =	vor.u32 $0x3, v5;
	v15 =	vor.u32 $0x5, v5  }
0x30e: {  	v57 =	vor.u32 $0x6, v5;
	v58 =	vor.u32 $0x7, v5;
	v59 =	vor.u32 $0x8, v5  }
0x30f: {  	v61 =	vor.u32 $0x9, v5;
	v20 =	vor.u32 $0xA, v5;
	v25 =	vor.u32 $0xD, v5  }
0x310: {  	v27 =	vor.u32 $0xE, v5;
	v32 =	vor.u32 $0x10, v5;
	v34 =	vor.u32 $0x11, v5  }
0x311: {  	v37 =	vor.u32 $0x13, v5;
	v39 =	vor.u32 $0x14, v5;
	v43 =	vor.u32 $0x16, v5  }
0x312: {  	v45 =	vor.u32 $0x17, v5;
	v49 =	vor.u32 $0x19, v5;
	v4 =	vor.u32 v2, v3  }
0x313: {  	v50 =	vor.u32 $0x1A, v5;
	v2 =	vor.u32 $0x1, v5;
	v3 =	vor.u32 $0x1, v4  }
0x314: {  	v10 =	vor.u32 $0x2, v4;
	v16 =	vor.u32 $0x4, v4;
	v52 =	vor.u32 $0x3, v4;
	v6 =	vld.idx.msk [tilespmem:v5+s18+$0x0], $0xffff  }
0x315: {  	v55 =	vor.u32 $0x6, v4;
	v60 =	vor.u32 $0x7, v4;
	v62 =	vor.u32 $0x9, v4;
	v7 =	vld.idx.msk [tilespmem:v7+s18+$0x0], $0xffff  }
0x316: {  	v21 =	vor.u32 $0xA, v4;
	v23 =	vor.u32 $0xB, v4;
	v24 =	vor.u32 $0xC, v4;
	v13 =	vld.idx.msk [tilespmem:v13+s18+$0x0], $0xffff  }
0x317: {  	v26 =	vor.u32 $0xD, v4;
	v29 =	vor.u32 $0xE, v4;
	v30 =	vor.u32 $0xF, v4;
	v15 =	vld.idx.msk [tilespmem:v15+s18+$0x0], $0xffff  }
0x318: {  	v33 =	vor.u32 $0x10, v4;
	v35 =	vor.u32 $0x11, v4;
	v36 =	vor.u32 $0x12, v4;
	v11 =	vld.idx.msk [tilespmem:v4+s16+$0x0], $0xffff  }
0x319: {  	v38 =	vor.u32 $0x13, v4;
	v41 =	vor.u32 $0x14, v4;
	v42 =	vor.u32 $0x15, v4;
	v12 =	vld.idx.msk [tilespmem:v2+s18+$0x0], $0xffff  }
0x31a: {  	v44 =	vor.u32 $0x16, v4;
	v47 =	vor.u32 $0x17, v4;
	v48 =	vor.u32 $0x18, v4;
	v14 =	vld.idx.msk [tilespmem:v3+s16+$0x0], $0xffff  }
0x31b: {  	v51 =	vor.u32 $0x19, v4;
	v2 =	vand.u32 $0xFFFFFFF0, v0;
	v0 =	vor.u32 $0x4, v5;
	v10 =	vld.idx.msk [tilespmem:v10+s16+$0x0], $0xffff  }
0x31c: {  	v3 =	vand.u32 $0xFFFFFFF0, v1;
	v1 =	vor.u32 $0x5, v4;
	v9 =	vld.idx.msk [tilespmem:v52+s16+$0x0], $0xffff;
	v6 =	vshra.s32 v6, v2  }
0x31d: {  	v56 =	vld.idx.msk [tilespmem:v16+s16+$0x0], $0xffff;
	v6 =	vshll.u32 v6, $0x10;
	v7 =	vshra.s32 v7, v2;
	v13 =	vshra.s32 v13, v2  }
0x31e: {  	v16 =	vld.idx.msk [tilespmem:v60+s16+$0x0], $0xffff;
	v15 =	vshra.s32 v15, v2;
	v11 =	vshra.s32 v11, v3;
	v12 =	vshra.s32 v12, v2  }
0x31f: {  	v7 =	vshll.u32 v7, $0x10;
	v13 =	vshll.u32 v13, $0x10;
	v11 =	vshll.u32 v11, $0x10  }
0x320: {  	v0 =	vld.idx.msk [tilespmem:v0+s18+$0x0], $0xffff;
	v19 =	vshll.u32 v15, $0x10;
	v14 =	vshra.s32 v14, v3;
	v6 =	vmul.f32 v6, v11  }
0x321: {  	v15 =	vld.idx.msk [tilespmem:v20+s18+$0x0], $0xffff;
	v12 =	vshll.u32 v12, $0x10;
	v10 =	vshra.s32 v10, v3;
	v53 =	vshll.u32 v14, $0x10  }
0x322: {  	v1 =	vld.idx.msk [tilespmem:v1+s16+$0x0], $0xffff;
	v9 =	vshra.s32 v9, v3;
	v54 =	vmul.f32 v12, v53;
	v6 =	vadd.f32 v6, v8  }
0x323: {  	v22 =	vshra.s32 v16, v3;
	v16 =	vld.idx.msk [tilespmem:v23+s16+$0x0], $0xffff;
	v10 =	vshll.u32 v10, $0x10;
	v9 =	vshll.u32 v9, $0x10  }
0x324: {  	v11 =	vld.idx.msk [tilespmem:v55+s16+$0x0], $0xffff;
	v55 =	vor.u32 $0x1C, v5;
	v7 =	vmul.f32 v7, v10;
	v6 =	vadd.f32 v54, v6  }
0x325: {  	v14 =	vld.idx.msk [tilespmem:v57+s18+$0x0], $0xffff;
	v57 =	vor.u32 $0x1D, v5;
	v12 =	vshra.s32 v56, v3;
	v9 =	vmul.f32 v13, v9  }
0x326: {  	v10 =	vld.idx.msk [tilespmem:v59+s18+$0x0], $0xffff;
	v53 =	vor.u32 $0x1B, v5;
	v6 =	vadd.f32 v7, v6;
	v7 =	vor.u32 $0x8, v4  }
0x327: {  	v13 =	vld.idx.msk [tilespmem:v61+s18+$0x0], $0xffff;
	v12 =	vshll.u32 v12, $0x10;
	v0 =	vshra.s32 v0, v2;
	v28 =	vshra.s32 v15, v2  }
0x328: {  	v8 =	vld.idx.msk [tilespmem:v58+s18+$0x0], $0xffff;
	v0 =	vshll.u32 v0, $0x10;
	v1 =	vshra.s32 v1, v3;
	v16 =	vshra.s32 v16, v3  }
0x329: {  	v0 =	vmul.f32 v0, v12;
	v1 =	vshll.u32 v1, $0x10;
	v11 =	vshra.s32 v11, v3  }
0x32a: {  	v14 =	vshra.s32 v14, v2;
	v12 =	vld.idx.msk [tilespmem:v62+s16+$0x0], $0xffff;
	v31 =	vshll.u32 v16, $0x10;
	v6 =	vadd.f32 v9, v6  }
0x32b: {  	v1 =	vmul.f32 v19, v1;
	v11 =	vshll.u32 v11, $0x10;
	v14 =	vshll.u32 v14, $0x10;
	v7 =	vld.idx.msk [tilespmem:v7+s16+$0x0], $0xffff  }
0x32c: {  	v16 =	vld.idx.msk [tilespmem:v32+s18+$0x0], $0xffff;
	v10 =	vshra.s32 v10, v2;
	v0 =	vadd.f32 v0, v6;
	v6 =	vor.u32 $0xB, v5  }
0x32d: {  	v13 =	vshra.s32 v13, v2;
	v11 =	vmul.f32 v14, v11;
	v8 =	vshra.s32 v8, v2  }
0x32e: {  	v15 =	vld.idx.msk [tilespmem:v29+s16+$0x0], $0xffff;
	v14 =	vshll.u32 v22, $0x10;
	v0 =	vadd.f32 v1, v0;
	v1 =	vor.u32 $0xC, v5  }
0x32f: {  	v10 =	vshll.u32 v10, $0x10;
	v13 =	vshll.u32 v13, $0x10;
	v8 =	vshll.u32 v8, $0x10;
	v9 =	vld.idx.msk [tilespmem:v21+s16+$0x0], $0xffff  }
0x330: {  	v8 =	vmul.f32 v8, v14;
	v14 =	vld.idx.msk [tilespmem:v24+s16+$0x0], $0xffff;
	v0 =	vadd.f32 v11, v0;
	v7 =	vshra.s32 v7, v3  }
0x331: {  	v12 =	vshra.s32 v12, v3;
	v40 =	vshra.s32 v16, v2;
	v6 =	vld.idx.msk [tilespmem:v6+s18+$0x0], $0xffff;
	v7 =	vshll.u32 v7, $0x10  }
0x332: {  	v16 =	vld.idx.msk [tilespmem:v41+s16+$0x0], $0xffff;
	v12 =	vshll.u32 v12, $0x10;
	v0 =	vadd.f32 v8, v0;
	v7 =	vmul.f32 v10, v7  }
0x333: {  	v56 =	vor.u32 $0x1C, v4;
	v54 =	vor.u32 $0x1B, v4;
	v12 =	vmul.f32 v13, v12;
	v1 =	vld.idx.msk [tilespmem:v1+s18+$0x0], $0xffff  }
0x334: {  	v9 =	vshra.s32 v9, v3;
	v11 =	vld.idx.msk [tilespmem:v25+s18+$0x0], $0xffff;
	v0 =	vadd.f32 v7, v0;
	v7 =	vor.u32 $0xF, v5  }
0x335: {  	v13 =	vshll.u32 v28, $0x10;
	v9 =	vshll.u32 v9, $0x10;
	v14 =	vshra.s32 v14, v3;
	v10 =	vld.idx.msk [tilespmem:v26+s16+$0x0], $0xffff  }
0x336: {  	v9 =	vmul.f32 v13, v9;
	v6 =	vshra.s32 v6, v2;
	v0 =	vadd.f32 v12, v0  }
0x337: {  	v15 =	vshra.s32 v15, v3;
	v14 =	vshll.u32 v14, $0x10;
	v8 =	vld.idx.msk [tilespmem:v27+s18+$0x0], $0xffff;
	v6 =	vshll.u32 v6, $0x10  }
0x338: {  	v13 =	vld.idx.msk [tilespmem:v30+s16+$0x0], $0xffff;
	v6 =	vmul.f32 v6, v31;
	v1 =	vshra.s32 v1, v2;
	v0 =	vadd.f32 v9, v0  }
0x339: {  	v16 =	vshra.s32 v16, v3;
	v11 =	vshra.s32 v11, v2;
	v1 =	vshll.u32 v1, $0x10;
	v7 =	vld.idx.msk [tilespmem:v7+s18+$0x0], $0xffff  }
0x33a: {  	v12 =	vld.idx.msk [tilespmem:v33+s16+$0x0], $0xffff;
	v10 =	vshra.s32 v10, v3;
	v1 =	vmul.f32 v1, v14;
	v0 =	vadd.f32 v6, v0  }
0x33b: {  	v11 =	vshll.u32 v11, $0x10;
	v10 =	vshll.u32 v10, $0x10;
	v9 =	vld.idx.msk [tilespmem:v34+s18+$0x0], $0xffff;
	v6 =	vor.u32 $0x12, v5  }
0x33c: {  	v8 =	vshra.s32 v8, v2;
	v14 =	vld.idx.msk [tilespmem:v35+s16+$0x0], $0xffff;
	v10 =	vmul.f32 v11, v10;
	v0 =	vadd.f32 v1, v0  }
0x33d: {  	v13 =	vshra.s32 v13, v3;
	v8 =	vshll.u32 v8, $0x10;
	v11 =	vld.idx.msk [tilespmem:v36+s16+$0x0], $0xffff;
	v1 =	vshll.u32 v15, $0x10  }
0x33e: {  	v15 =	vld.idx.msk [tilespmem:v37+s18+$0x0], $0xffff;
	v1 =	vmul.f32 v8, v1;
	v7 =	vshra.s32 v7, v2;
	v0 =	vadd.f32 v10, v0  }
0x33f: {  	v13 =	vshll.u32 v13, $0x10;
	v12 =	vshra.s32 v12, v3;
	v8 =	vld.idx.msk [tilespmem:v38+s16+$0x0], $0xffff;
	v7 =	vshll.u32 v7, $0x10  }
0x340: {  	v12 =	vshll.u32 v12, $0x10;
	v6 =	vld.idx.msk [tilespmem:v6+s18+$0x0], $0xffff;
	v7 =	vmul.f32 v7, v13;
	v0 =	vadd.f32 v1, v0  }
0x341: {  	v14 =	vshra.s32 v14, v3;
	v13 =	vshll.u32 v40, $0x10;
	v1 =	vor.u32 $0x15, v5  }
0x342: {  	v9 =	vshra.s32 v9, v2;
	v10 =	vld.idx.msk [tilespmem:v39+s18+$0x0], $0xffff;
	v12 =	vmul.f32 v13, v12;
	v0 =	vadd.f32 v7, v0  }
0x343: {  	v9 =	vshll.u32 v9, $0x10;
	v11 =	vshra.s32 v11, v3;
	v13 =	vld.idx.msk [tilespmem:v42+s16+$0x0], $0xffff;
	v7 =	vshll.u32 v14, $0x10  }
0x344: {  	v46 =	vshra.s32 v15, v2;
	v15 =	vld.idx.msk [tilespmem:v47+s16+$0x0], $0xffff;
	v7 =	vmul.f32 v9, v7;
	v0 =	vadd.f32 v12, v0  }
0x345: {  	v11 =	vshll.u32 v11, $0x10;
	v8 =	vshra.s32 v8, v3;
	v9 =	vld.idx.msk [tilespmem:v44+s16+$0x0], $0xffff;
	v6 =	vshra.s32 v6, v2  }
0x346: {  	v6 =	vshll.u32 v6, $0x10;
	v1 =	vld.idx.msk [tilespmem:v1+s18+$0x0], $0xffff;
	v0 =	vadd.f32 v7, v0;
	v7 =	vor.u32 $0x18, v5  }
0x347: {  	v14 =	vld.idx.msk [tilespmem:v43+s18+$0x0], $0xffff;
	v8 =	vshll.u32 v8, $0x10;
	v10 =	vshra.s32 v10, v2;
	v6 =	vmul.f32 v6, v11  }
0x348: {  	v10 =	vshll.u32 v10, $0x10;
	v12 =	vld.idx.msk [tilespmem:v45+s18+$0x0], $0xffff;
	v11 =	vshll.u32 v46, $0x10;
	v13 =	vshra.s32 v13, v3  }
0x349: {  	v15 =	vshra.s32 v15, v3;
	v8 =	vmul.f32 v11, v8;
	v0 =	vadd.f32 v6, v0  }
0x34a: {  	v13 =	vshll.u32 v13, $0x10;
	v11 =	vld.idx.msk [tilespmem:v48+s16+$0x0], $0xffff;
	v6 =	vshll.u32 v16, $0x10;
	v9 =	vshra.s32 v9, v3  }
0x34b: {  	v6 =	vmul.f32 v10, v6;
	v1 =	vshra.s32 v1, v2;
	v0 =	vadd.f32 v8, v0;
	v7 =	vld.idx.msk [tilespmem:v7+s18+$0x0], $0xffff  }
0x34c: {  	v52 =	vshra.s32 v14, v2;
	v9 =	vshll.u32 v9, $0x10;
	v1 =	vshll.u32 v1, $0x10  }
0x34d: {  	v12 =	vshra.s32 v12, v2;
	v1 =	vmul.f32 v1, v13;
	v0 =	vadd.f32 v6, v0  }
0x34e: {  	v14 =	vld.idx.msk [tilespmem:v53+s18+$0x0], $0xffff;
	v12 =	vshll.u32 v12, $0x10;
	v13 =	vshll.u32 v52, $0x10;
	v6 =	vor.u32 $0x1A, v4  }
0x34f: {  	v16 =	vld.idx.msk [tilespmem:v49+s18+$0x0], $0xffff;
	v11 =	vshra.s32 v11, v3;
	v9 =	vmul.f32 v13, v9;
	v0 =	vadd.f32 v1, v0  }
0x350: {  	v10 =	vld.idx.msk [tilespmem:v50+s18+$0x0], $0xffff;
	v11 =	vshll.u32 v11, $0x10;
	v1 =	vshll.u32 v15, $0x10;
	v7 =	vshra.s32 v7, v2  }
0x351: {  	v8 =	vld.idx.msk [tilespmem:v51+s16+$0x0], $0xffff;
	v1 =	vmul.f32 v12, v1;
	v0 =	vadd.f32 v9, v0;
	v7 =	vshll.u32 v7, $0x10  }
0x352: {  	v58 =	vor.u32 $0x1D, v4;
	v13 =	vld.idx.msk [tilespmem:v54+s16+$0x0], $0xffff;
	v7 =	vmul.f32 v7, v11  }
0x353: {  	v6 =	vld.idx.msk [tilespmem:v6+s16+$0x0], $0xffff;
	v0 =	vadd.f32 v1, v0;
	v1 =	vor.u32 $0x1F, v5;
	v5 =	vor.u32 $0x1E, v5  }
0x354: {  	v59 =	vshra.s32 v14, v2;
	v15 =	vld.idx.msk [tilespmem:v55+s18+$0x0], $0xffff  }
0x355: {  	v16 =	vshra.s32 v16, v2;
	v9 =	vld.idx.msk [tilespmem:v57+s18+$0x0], $0xffff;
	v0 =	vadd.f32 v7, v0;
	v7 =	vor.u32 $0x1E, v4  }
0x356: {  	v60 =	vshll.u32 v59, $0x10;
	v8 =	vshra.s32 v8, v3;
	v12 =	vld.idx.msk [tilespmem:v56+s16+$0x0], $0xffff;
	v4 =	vor.u32 $0x1F, v4  }
0x357: {  	v16 =	vshll.u32 v16, $0x10;
	v10 =	vshra.s32 v10, v2;
	v8 =	vshll.u32 v8, $0x10;
	v11 =	vld.idx.msk [tilespmem:v58+s16+$0x0], $0xffff  }
0x358: {  	v8 =	vmul.f32 v16, v8;
	v13 =	vshra.s32 v13, v3;
	v6 =	vshra.s32 v6, v3;
	v5 =	vld.idx.msk [tilespmem:v5+s18+$0x0], $0xffff  }
0x359: {  	v10 =	vshll.u32 v10, $0x10;
	v61 =	vshll.u32 v13, $0x10;
	v6 =	vshll.u32 v6, $0x10;
	v1 =	vld.idx.msk [tilespmem:v1+s18+$0x0], $0xffff  }
0x35a: {  	v9 =	vshra.s32 v9, v2;
	v0 =	vadd.f32 v8, v0;
	v6 =	vmul.f32 v10, v6;
	v7 =	vld.idx.msk [tilespmem:v7+s16+$0x0], $0xffff  }
0x35b: {  	v62 =	vshra.s32 v12, v3;
	v8 =	vmul.f32 v60, v61;
	v9 =	vshll.u32 v9, $0x10;
	v4 =	vld.idx.msk [tilespmem:v4+s16+$0x0], $0xffff  }
0x35c: {  	v11 =	vshra.s32 v11, v3;
	v0 =	vadd.f32 v6, v0;
	v6 =	vshra.s32 v15, v2  }
0x35d: {  	v10 =	vshll.u32 v62, $0x10;
	v11 =	vshll.u32 v11, $0x10;
	v6 =	vshll.u32 v6, $0x10  }
0x35e: {  	v6 =	vmul.f32 v6, v10;
	v0 =	vadd.f32 v8, v0;
	v1 =	vshra.s32 v1, v2  }
0x35f: {  	v9 =	vmul.f32 v9, v11;
	v1 =	vshll.u32 v1, $0x10;
	v7 =	vshra.s32 v7, v3  }
0x360: {  	v3 =	vshra.s32 v4, v3;
	v4 =	vshra.s32 v5, v2;
	v0 =	vadd.f32 v6, v0  }
0x361: {  	s31 =	simm.s32 $0x10D80;
	s13 =	simm.s32 $0x190;
	v2 =	vshll.u32 v7, $0x10;
	v4 =	vshll.u32 v4, $0x10;
	v5 =	vshll.u32 v3, $0x10  }
0x362: {  	s1 =	simm.s32 $0x390;
	s6 =	simm.s32 $0x10D80;
	s0 =	simm.s32 $0x90;
	v3 =	vmul.f32 v4, v2;
	v2 =	vmul.f32 v1, v5;
	v4 =	vadd.f32 v9, v0  }
.LBB2_8:
0x363: {  	_ = 	snop  }
0x364: {  	v0 =	vadd.f32 v3, v4;
	_ =	sdelay $0x1  }
0x365: {  	v0 =	vadd.f32 v2, v0  }
0x366: {  	s15 =	smov.u32 s0  }
0x367: {  	v1 =	vmov s15;
	[tilespmem:s6+$0x0] =	vst v0  }
0x368: {  	v0 =	vshll.u32 v1, $0x7;
	v1 =	vld [tilespmem:s1+$0x0]  }
0x369: {  	s29 =	sadd.s32 $0x10, s29;
	v9 =	vld [tilespmem:s13+$0x0]  }
0x36a: {  	s30 =	sadd.s32 $0x10, s30;
	v34 =	vld [tilespmem:s29+$0x0]  }
0x36b: {  	v29 =	vld [tilespmem:s30+$0x0];
	_ =	sdelay $0x2  }
0x36c: {  	v0 =	vor.u32 v63, v0;
	v2 =	vshrl.u32 v1, $0x9;
	v1 =	vshra.s32 v1, $0xC  }
0x36d: {  	v16 =	vshrl.u32 v9, $0xC;
	v20 =	vshra.s32 v9, $0xF;
	v2 =	vand.u32 $0x60, v2  }
0x36e: {  	v58 =	vadd.f32 v34, v29;
	v31 =	vand.u32 $0x60, v16;
	v10 =	vor.u32 v0, v2  }
0x36f: {  	v2 =	vand.u32 $0xFFFFFFF0, v1;
	v9 =	vor.u32 v0, v31;
	v25 =	vor.u32 $0x10, v10  }
0x370: {  	v23 =	vor.u32 $0x11, v10;
	v11 =	vor.u32 $0x18, v10;
	v22 =	vor.u32 $0x2, v10  }
0x371: {  	v18 =	vor.u32 $0x13, v10;
	v17 =	vor.u32 $0x14, v10;
	v24 =	vor.u32 $0x1, v10  }
0x372: {  	v15 =	vor.u32 $0x15, v10;
	v21 =	vor.u32 $0x12, v10;
	v26 =	vor.u32 $0x1, v9  }
0x373: {  	v14 =	vor.u32 $0x16, v10;
	v13 =	vor.u32 $0x17, v10;
	v31 =	vor.u32 $0x5, v9;
	v0 =	vld.idx.msk [tilespmem:v10+s18+$0x0], $0xffff  }
0x374: {  	v12 =	vor.u32 $0x19, v10;
	v8 =	vor.u32 $0x1A, v10;
	v50 =	vor.u32 $0x2, v9;
	v54 =	vld.idx.msk [tilespmem:v9+s16+$0x0], $0xffff  }
0x375: {  	v3 =	vor.u32 $0x1F, v10;
	v1 =	vor.u32 $0x4, v10;
	v49 =	vor.u32 $0x6, v9;
	v22 =	vld.idx.msk [tilespmem:v22+s18+$0x0], $0xffff  }
0x376: {  	v7 =	vor.u32 $0x1B, v10;
	v6 =	vor.u32 $0x1C, v10;
	v46 =	vor.u32 $0x3, v10;
	v24 =	vld.idx.msk [tilespmem:v24+s18+$0x0], $0xffff  }
0x377: {  	v5 =	vor.u32 $0x1D, v10;
	v4 =	vor.u32 $0x1E, v10;
	v35 =	vor.u32 $0xD, v10;
	v56 =	vld.idx.msk [tilespmem:v26+s16+$0x0], $0xffff  }
0x378: {  	v33 =	vor.u32 $0xE, v10;
	v32 =	vor.u32 $0xF, v10;
	v59 =	vor.u32 $0x3, v9;
	v60 =	vld.idx.msk [tilespmem:v31+s16+$0x0], $0xffff  }
0x379: {  	v42 =	vor.u32 $0xA, v10;
	v40 =	vor.u32 $0xB, v10;
	v48 =	vor.u32 $0x4, v9;
	v50 =	vld.idx.msk [tilespmem:v50+s16+$0x0], $0xffff  }
0x37a: {  	v37 =	vor.u32 $0xC, v10;
	v28 =	vor.u32 $0x7, v10;
	v45 =	vor.u32 $0x6, v10;
	v49 =	vld.idx.msk [tilespmem:v49+s16+$0x0], $0xffff  }
0x37b: {  	v30 =	vor.u32 $0x8, v10;
	v44 =	vor.u32 $0x9, v10;
	v47 =	vor.u32 $0x5, v10;
	v46 =	vld.idx.msk [tilespmem:v46+s18+$0x0], $0xffff  }
0x37c: {  	v16 =	vor.u32 $0x19, v9;
	v19 =	vor.u32 $0x17, v9;
	v51 =	vor.u32 $0x8, v9;
	v1 =	vld.idx.msk [tilespmem:v1+s18+$0x0], $0xffff  }
0x37d: {  	v27 =	vor.u32 $0x14, v9;
	v52 =	vor.u32 $0xA, v9;
	v53 =	vor.u32 $0xB, v9;
	v59 =	vld.idx.msk [tilespmem:v59+s16+$0x0], $0xffff  }
0x37e: {  	v39 =	vor.u32 $0xF, v9;
	v55 =	vor.u32 $0xC, v9;
	v43 =	vor.u32 $0xD, v9;
	v48 =	vld.idx.msk [tilespmem:v48+s16+$0x0], $0xffff  }
0x37f: {  	v41 =	vor.u32 $0xE, v9;
	v57 =	vor.u32 $0x9, v9;
	v38 =	vor.u32 $0x10, v9;
	v45 =	vld.idx.msk [tilespmem:v45+s18+$0x0], $0xffff  }
0x380: {  	v36 =	vor.u32 $0x11, v9;
	v34 =	vor.u32 $0x13, v9;
	v61 =	vor.u32 $0x7, v9;
	v44 =	vld.idx.msk [tilespmem:v44+s18+$0x0], $0xffff  }
0x381: {  	v29 =	vor.u32 $0x16, v9;
	v10 =	vand.u32 $0xFFFFFFF0, v20;
	v31 =	vor.u32 $0x15, v9;
	v42 =	vld.idx.msk [tilespmem:v42+s18+$0x0], $0xffff  }
0x382: {  	v26 =	vor.u32 $0x18, v9;
	v40 =	vld.idx.msk [tilespmem:v40+s18+$0x0], $0xffff;
	v0 =	vshra.s32 v0, v2;
	v54 =	vshra.s32 v54, v10  }
0x383: {  	v62 =	vshra.s32 v22, v2;
	v20 =	vshra.s32 v24, v2;
	v24 =	vor.u32 $0x1A, v9;
	v22 =	vld [tilespmem:$0x1FFF0]  }
0x384: {  	v37 =	vld.idx.msk [tilespmem:v37+s18+$0x0], $0xffff;
	v54 =	vshll.u32 v54, $0x10;
	v0 =	vshll.u32 v0, $0x10;
	v56 =	vshra.s32 v56, v10  }
0x385: {  	v35 =	vld.idx.msk [tilespmem:v35+s18+$0x0], $0xffff;
	v60 =	vshra.s32 v60, v10;
	v50 =	vshra.s32 v50, v10;
	v49 =	vshra.s32 v49, v10  }
0x386: {  	v47 =	vld.idx.msk [tilespmem:v47+s18+$0x0], $0xffff;
	v46 =	vshra.s32 v46, v2;
	v1 =	vshra.s32 v1, v2;
	v48 =	vshra.s32 v48, v10  }
0x387: {  	v33 =	vld.idx.msk [tilespmem:v33+s18+$0x0], $0xffff;
	v45 =	vshra.s32 v45, v2;
	v44 =	vshra.s32 v44, v2;
	v42 =	vshra.s32 v42, v2  }
0x388: {  	v32 =	vld.idx.msk [tilespmem:v32+s18+$0x0], $0xffff;
	v40 =	vshra.s32 v40, v2;
	v0 =	vmul.f32 v0, v54;
	v58 =	vadd.f32 v58, v22  }
0x389: {  	v25 =	vld.idx.msk [tilespmem:v25+s18+$0x0], $0xffff;
	v37 =	vshra.s32 v37, v2;
	v54 =	vshll.u32 v56, $0x10;
	v20 =	vshll.u32 v20, $0x10  }
0x38a: {  	v23 =	vld.idx.msk [tilespmem:v23+s18+$0x0], $0xffff;
	v35 =	vshra.s32 v35, v2;
	v20 =	vmul.f32 v20, v54;
	v0 =	vadd.f32 v0, v58  }
0x38b: {  	v21 =	vld.idx.msk [tilespmem:v21+s18+$0x0], $0xffff;
	v56 =	vshll.u32 v60, $0x10;
	v50 =	vshll.u32 v50, $0x10;
	v60 =	vshll.u32 v62, $0x10  }
0x38c: {  	v18 =	vld.idx.msk [tilespmem:v18+s18+$0x0], $0xffff;
	v62 =	vshra.s32 v59, v10;
	v50 =	vmul.f32 v60, v50;
	v0 =	vadd.f32 v20, v0  }
0x38d: {  	v33 =	vshra.s32 v33, v2;
	v46 =	vshll.u32 v46, $0x10;
	v59 =	vld.idx.msk [tilespmem:v61+s16+$0x0], $0xffff;
	v54 =	vshll.u32 v62, $0x10  }
0x38e: {  	v32 =	vshra.s32 v32, v2;
	v58 =	vld.idx.msk [tilespmem:v28+s18+$0x0], $0xffff;
	v28 =	vmul.f32 v46, v54;
	v0 =	vadd.f32 v50, v0  }
0x38f: {  	v25 =	vshra.s32 v25, v2;
	v1 =	vshll.u32 v1, $0x10;
	v60 =	vshll.u32 v48, $0x10  }
0x390: {  	v61 =	vshra.s32 v47, v2;
	v62 =	vld.idx.msk [tilespmem:v51+s16+$0x0], $0xffff;
	v1 =	vmul.f32 v1, v60;
	v0 =	vadd.f32 v28, v0  }
0x391: {  	v23 =	vshra.s32 v23, v2;
	v21 =	vshra.s32 v21, v2;
	v48 =	vld.idx.msk [tilespmem:v30+s18+$0x0], $0xffff;
	v46 =	vshll.u32 v61, $0x10  }
0x392: {  	v17 =	vld.idx.msk [tilespmem:v17+s18+$0x0], $0xffff;
	v18 =	vshra.s32 v18, v2;
	v46 =	vmul.f32 v46, v56;
	v0 =	vadd.f32 v1, v0  }
0x393: {  	v45 =	vshll.u32 v45, $0x10;
	v51 =	vld.idx.msk [tilespmem:v57+s16+$0x0], $0xffff;
	v56 =	vshra.s32 v59, v10;
	v1 =	vshll.u32 v49, $0x10  }
0x394: {  	v15 =	vld.idx.msk [tilespmem:v15+s18+$0x0], $0xffff;
	v57 =	vshra.s32 v58, v2;
	v1 =	vmul.f32 v45, v1;
	v0 =	vadd.f32 v46, v0  }
0x395: {  	v60 =	vshra.s32 v62, v10;
	v58 =	vld.idx.msk [tilespmem:v52+s16+$0x0], $0xffff;
	v59 =	vshll.u32 v57, $0x10;
	v45 =	vshll.u32 v56, $0x10  }
0x396: {  	v14 =	vld.idx.msk [tilespmem:v14+s18+$0x0], $0xffff;
	v61 =	vshra.s32 v48, v2;
	v45 =	vmul.f32 v59, v45;
	v0 =	vadd.f32 v1, v0  }
0x397: {  	v17 =	vshra.s32 v17, v2;
	v62 =	vld.idx.msk [tilespmem:v53+s16+$0x0], $0xffff;
	v52 =	vshll.u32 v61, $0x10;
	v1 =	vshll.u32 v60, $0x10  }
0x398: {  	v13 =	vld.idx.msk [tilespmem:v13+s18+$0x0], $0xffff;
	v53 =	vshra.s32 v51, v10;
	v1 =	vmul.f32 v52, v1;
	v0 =	vadd.f32 v45, v0  }
0x399: {  	v15 =	vshra.s32 v15, v2;
	v44 =	vshll.u32 v44, $0x10;
	v57 =	vshll.u32 v53, $0x10;
	v56 =	vld.idx.msk [tilespmem:v55+s16+$0x0], $0xffff  }
0x39a: {  	v44 =	vmul.f32 v44, v57;
	v58 =	vshra.s32 v58, v10;
	v0 =	vadd.f32 v1, v0  }
0x39b: {  	v43 =	vld.idx.msk [tilespmem:v43+s16+$0x0], $0xffff;
	v14 =	vshra.s32 v14, v2;
	v42 =	vshll.u32 v42, $0x10;
	v1 =	vshll.u32 v58, $0x10  }
0x39c: {  	v11 =	vld.idx.msk [tilespmem:v11+s18+$0x0], $0xffff;
	v59 =	vshra.s32 v62, v10;
	v1 =	vmul.f32 v42, v1;
	v0 =	vadd.f32 v44, v0  }
0x39d: {  	v41 =	vld.idx.msk [tilespmem:v41+s16+$0x0], $0xffff;
	v13 =	vshra.s32 v13, v2;
	v40 =	vshll.u32 v40, $0x10;
	v42 =	vshll.u32 v59, $0x10  }
0x39e: {  	v12 =	vld.idx.msk [tilespmem:v12+s18+$0x0], $0xffff;
	v60 =	vshra.s32 v56, v10;
	v40 =	vmul.f32 v40, v42;
	v0 =	vadd.f32 v1, v0  }
0x39f: {  	v39 =	vld.idx.msk [tilespmem:v39+s16+$0x0], $0xffff;
	v37 =	vshll.u32 v37, $0x10;
	v54 =	vor.u32 $0x12, v9;
	v1 =	vshll.u32 v60, $0x10  }
0x3a0: {  	v8 =	vld.idx.msk [tilespmem:v8+s18+$0x0], $0xffff;
	v61 =	vshra.s32 v43, v10;
	v1 =	vmul.f32 v37, v1;
	v0 =	vadd.f32 v40, v0  }
0x3a1: {  	v38 =	vld.idx.msk [tilespmem:v38+s16+$0x0], $0xffff;
	v11 =	vshra.s32 v11, v2;
	v35 =	vshll.u32 v35, $0x10;
	v37 =	vshll.u32 v61, $0x10  }
0x3a2: {  	v7 =	vld.idx.msk [tilespmem:v7+s18+$0x0], $0xffff;
	v62 =	vshra.s32 v41, v10;
	v35 =	vmul.f32 v35, v37;
	v0 =	vadd.f32 v1, v0  }
0x3a3: {  	v36 =	vld.idx.msk [tilespmem:v36+s16+$0x0], $0xffff;
	v12 =	vshra.s32 v12, v2;
	v33 =	vshll.u32 v33, $0x10;
	v1 =	vshll.u32 v62, $0x10  }
0x3a4: {  	v6 =	vld.idx.msk [tilespmem:v6+s18+$0x0], $0xffff;
	v40 =	vshra.s32 v39, v10;
	v1 =	vmul.f32 v33, v1;
	v0 =	vadd.f32 v35, v0  }
0x3a5: {  	v8 =	vshra.s32 v8, v2;
	v32 =	vshll.u32 v32, $0x10;
	v41 =	vld.idx.msk [tilespmem:v54+s16+$0x0], $0xffff;
	v33 =	vshll.u32 v40, $0x10  }
0x3a6: {  	v5 =	vld.idx.msk [tilespmem:v5+s18+$0x0], $0xffff;
	v42 =	vshra.s32 v38, v10;
	v32 =	vmul.f32 v32, v33;
	v0 =	vadd.f32 v1, v0  }
0x3a7: {  	v34 =	vld.idx.msk [tilespmem:v34+s16+$0x0], $0xffff;
	v7 =	vshra.s32 v7, v2;
	v25 =	vshll.u32 v25, $0x10;
	v1 =	vshll.u32 v42, $0x10  }
0x3a8: {  	v27 =	vld.idx.msk [tilespmem:v27+s16+$0x0], $0xffff;
	v43 =	vshra.s32 v36, v10;
	v1 =	vmul.f32 v25, v1;
	v0 =	vadd.f32 v32, v0  }
0x3a9: {  	v6 =	vshra.s32 v6, v2;
	v23 =	vshll.u32 v23, $0x10;
	v25 =	vshll.u32 v43, $0x10  }
0x3aa: {  	v44 =	vshra.s32 v41, v10;
	v23 =	vmul.f32 v23, v25;
	v0 =	vadd.f32 v1, v0  }
0x3ab: {  	v31 =	vld.idx.msk [tilespmem:v31+s16+$0x0], $0xffff;
	v5 =	vshra.s32 v5, v2;
	v21 =	vshll.u32 v21, $0x10;
	v1 =	vshll.u32 v44, $0x10  }
0x3ac: {  	v45 =	vshra.s32 v34, v10;
	v1 =	vmul.f32 v21, v1;
	v0 =	vadd.f32 v23, v0  }
0x3ad: {  	v18 =	vshll.u32 v18, $0x10;
	v47 =	vshra.s32 v27, v10;
	v46 =	vld.idx.msk [tilespmem:v29+s16+$0x0], $0xffff;
	v21 =	vshll.u32 v45, $0x10  }
0x3ae: {  	v19 =	vld.idx.msk [tilespmem:v19+s16+$0x0], $0xffff;
	v17 =	vshll.u32 v17, $0x10;
	v18 =	vmul.f32 v18, v21;
	v0 =	vadd.f32 v1, v0  }
0x3af: {  	v15 =	vshll.u32 v15, $0x10;
	v22 =	vor.u32 $0x1B, v9;
	v1 =	vshll.u32 v47, $0x10  }
0x3b0: {  	v48 =	vshra.s32 v31, v10;
	v1 =	vmul.f32 v17, v1;
	v0 =	vadd.f32 v18, v0  }
0x3b1: {  	v14 =	vshll.u32 v14, $0x10;
	v30 =	vor.u32 $0x1C, v9;
	v49 =	vld.idx.msk [tilespmem:v26+s16+$0x0], $0xffff;
	v17 =	vshll.u32 v48, $0x10  }
0x3b2: {  	v50 =	vshra.s32 v46, v10;
	v15 =	vmul.f32 v15, v17;
	v0 =	vadd.f32 v1, v0  }
0x3b3: {  	v16 =	vld.idx.msk [tilespmem:v16+s16+$0x0], $0xffff;
	v13 =	vshll.u32 v13, $0x10;
	v51 =	vshra.s32 v19, v10;
	v1 =	vshll.u32 v50, $0x10  }
0x3b4: {  	v28 =	vor.u32 $0x1D, v9;
	v54 =	vld.idx.msk [tilespmem:v22+s16+$0x0], $0xffff;
	v1 =	vmul.f32 v14, v1;
	v0 =	vadd.f32 v15, v0  }
0x3b5: {  	v11 =	vshll.u32 v11, $0x10;
	v20 =	vor.u32 $0x1E, v9;
	v52 =	vld.idx.msk [tilespmem:v24+s16+$0x0], $0xffff;
	v14 =	vshll.u32 v51, $0x10  }
0x3b6: {  	v53 =	vshra.s32 v49, v10;
	v56 =	vld.idx.msk [tilespmem:v30+s16+$0x0], $0xffff;
	v13 =	vmul.f32 v13, v14;
	v0 =	vadd.f32 v1, v0  }
0x3b7: {  	v12 =	vshll.u32 v12, $0x10;
	v9 =	vor.u32 $0x1F, v9;
	v1 =	vshll.u32 v53, $0x10  }
0x3b8: {  	v4 =	vld.idx.msk [tilespmem:v4+s18+$0x0], $0xffff;
	v55 =	vshra.s32 v16, v10;
	v1 =	vmul.f32 v11, v1;
	v0 =	vadd.f32 v13, v0  }
0x3b9: {  	v8 =	vshll.u32 v8, $0x10;
	v7 =	vshll.u32 v7, $0x10;
	v58 =	vld.idx.msk [tilespmem:v28+s16+$0x0], $0xffff;
	v11 =	vshll.u32 v55, $0x10  }
0x3ba: {  	v59 =	vld.idx.msk [tilespmem:v20+s16+$0x0], $0xffff;
	v57 =	vshra.s32 v52, v10;
	v62 =	vmul.f32 v12, v11;
	v0 =	vadd.f32 v1, v0  }
0x3bb: {  	v61 =	vld.idx.msk [tilespmem:v3+s18+$0x0], $0xffff;
	v3 =	vshra.s32 v56, v10;
	v15 =	vshra.s32 v54, v10;
	v13 =	vshll.u32 v57, $0x10  }
0x3bc: {  	v60 =	vshll.u32 v15, $0x10;
	v8 =	vmul.f32 v8, v13;
	v0 =	vadd.f32 v62, v0  }
0x3bd: {  	v6 =	vshll.u32 v6, $0x10;
	v3 =	vshll.u32 v3, $0x10;
	v1 =	vmul.f32 v7, v60;
	v7 =	vld.idx.msk [tilespmem:v9+s16+$0x0], $0xffff  }
0x3be: {  	v6 =	vmul.f32 v6, v3;
	v3 =	vshra.s32 v58, v10;
	v0 =	vadd.f32 v8, v0  }
0x3bf: {  	p0 =	sne.s32 s0, $0xF0;
	v4 =	vshra.s32 v4, v2;
	v5 =	vshll.u32 v5, $0x10;
	v3 =	vshll.u32 v3, $0x10  }
.Ltmp3:
0x3c0: {  	v5 =	vmul.f32 v5, v3;
	v3 =	vshra.s32 v59, v10;
	v0 =	vadd.f32 v1, v0;
	(pc) =	sbr.rel @p0 .LBB2_8-.Ltmp3, $4  }
0x3c1: {  	v4 =	vshll.u32 v4, $0x10;
	v3 =	vshll.u32 v3, $0x10;
	v2 =	vshra.s32 v61, v2  }
0x3c2: {  	v3 =	vmul.f32 v4, v3;
	v4 =	vshra.s32 v7, v10;
	v0 =	vadd.f32 v6, v0  }
0x3c3: {  	s31 =	sadd.s32 $0x10, s31;
	s0 =	sadd.s32 $0x10, s0;
	v2 =	vshll.u32 v2, $0x10;
	v1 =	vshll.u32 v4, $0x10  }
0x3c4: {  	s6 =	smov.u32 s31;
	s1 =	sadd.s32 $0x10, s1;
	s13 =	sadd.s32 $0x10, s13;
	v2 =	vmul.f32 v2, v1;
	v4 =	vadd.f32 v5, v0  }
0x3c5: {  	_ = 	snop  }
0x3c6: {  	v0 =	vadd.f32 v3, v4;
	_ =	sdelay $0x1  }
0x3c7: {  	s26 =	sadd.s32 $0x1, s26;
	v0 =	vadd.f32 v2, v0  }
0x3c8: {  	p0 =	sne.s32 s26, s11  }
.Ltmp4:
0x3c9: {  	[tilespmem:s6+$0x0] =	vst v0;
	(pc) =	sbr.rel @p0 .LBB2_1-.Ltmp4, $4  }
0x3ca: {  	[hbm4b:s10+s7] =	stream.linear.scatter [tilespmem:s25], [sflag:$0x3], $0x200, $0x38;
	[tilespmem:$0x10E10] =	vst v63  }
0x3cb: {  	_ =	swait.ge [sflag:s12], $0x200  }
0x3cc: {  	[sflag:s12] =	ssyncset.done $0x0  }
0x3cd: {  	[sflag:s12] =	ssyncadd.s32 $0xFFFFFE00  }
0x3ce: {  	_ =	sfence.sel $0x180000  }
0x3cf: {  	[bflag:$0x0] =	sbarrier.arrive $0xFFFF  }
0x3d0: {  	_ =	strace $0x90000047  }
0x3d1: {  	s0 =	stileid.u32;
	[bflag:$0x2] =	sbarrier.arrive $0xFFFF  }
0x3d2: {  	p0 =	sne.s32 s0, $0x0;
	s0 =	rddreg [dreg:$0x8]  }
0x3d3: {  	s0 =	sadd.s32 @!p0 $0x100000, s0  }
0x3d4: {  	[sflag:s0] =	ssyncadd.tile.s32 @!p0 $0x1;
	_ =	shalt  }
.Lfunc_end2:
_tile_overlayer_lowered:
.L_overlay_start_2:
0x3d5: {  	(tag) =	ssettag $0x2  }
0x3d6: {  	s0 =	rddreg [dreg:$0x0];
	s2 =	stileid.u32  }
0x3d7: {  	s1 =	rddreg [dreg:$0x1];
	p0 =	sne.s32 s2, $0x0  }
0x3d8: {  	s3 =	rddreg [dreg:$0x2];
	[bflag:$0x3] =	sbarrier.arrive $0xFFFF;
	s2 =	simm.s32 @!p0 $0x1C03  }
0x3d9: {  	[timem:s3], [sflag:s2] =	dma.local @!p0 [hbm:s0], s1  }
0x3da: {  	s0 =	simm.s32 @!p0 $0x3  }
0x3db: {  	_ =	swait.ge @!p0 [sflag:s0], s1  }
0x3dc: {  	s1 =	ssub.s32 @!p0 $0x0, s1;
	[sflag:s0] =	ssyncset.done @!p0 $0x0  }
0x3dd: {  	[sflag:s0] =	ssyncadd.s32 @!p0 s1  }
0x3de: {  	[bflag:$0x3] =	sbarrier.arrive $0xFFFF  }
0x3df: {  	_ =	shalt  }

</sc_bundles>
